<compile_context>
chip_gen: v7x
topology: tpu7x:2x2x1
jax: 0.10.2.dev20260603
libtpu: 0.0.44.dev20260713+nightly
codegen_flags: <defaults>
</compile_context>

<pallas_src>
import functools

import jax
import jax.numpy as jnp
from jax import lax
from jax.experimental import pallas as pl
from jax.experimental.pallas import tpu as pltpu
from jax.experimental.pallas import tpu_sc as plsc

N = 10000
E = 320000
D = 128
H = 128
C = 64

NS = 16
EPT = E // NS
KE = 128
NCH = 160
EPTP = NCH * KE
PAD = EPTP - EPT
SUB = 16
NBB = NCH // SUB
CB = 80
NCB = N // CB
LANES = 16

def _spmm_body(s2_hbm, src_hbm, dst_hbm, w_hbm, out_hbm,
               src_v, dst_v, w_v, rows_v, cp_v, acc, sem):
    c = lax.axis_index("c")
    t = lax.axis_index("s")
    zero = jnp.zeros((LANES,), jnp.float32)

    def zrow(r, carry):
        for j in range(H // LANES):
            cp_v[r, pl.ds(j * LANES, LANES)] = zero
        return carry
    lax.fori_loop(0, CB, zrow, 0)
    nblk = (NCB - t + NS - 1) // NS

    def zblk(kk, carry):
        pltpu.sync_copy(cp_v, acc.at[pl.ds((t + kk * NS) * CB, CB)])
        return carry
    lax.fori_loop(0, nblk, zblk, 0)
    plsc.subcore_barrier()

    def big(bb, carry):
        pltpu.sync_copy(src_hbm.at[c, t, pl.ds(bb * SUB, SUB)], src_v)
        pltpu.sync_copy(dst_hbm.at[c, t, pl.ds(bb * SUB, SUB)], dst_v)
        pltpu.sync_copy(w_hbm.at[c, t, pl.ds(bb * SUB, SUB)], w_v)

        def sub(i, carry2):
            pltpu.async_copy(s2_hbm.at[src_v.at[i]], rows_v, sem).wait()

            def mul(g, carry3):
                wvec = w_v[i, pl.ds(g * LANES, LANES)]
                for l in range(LANES):
                    w = wvec[l]
                    e = g * LANES + l
                    for j in range(H // LANES):
                        sl = pl.ds(j * LANES, LANES)
                        rows_v[e, sl] = rows_v[e, sl] * w
                return carry3
            lax.fori_loop(0, KE // LANES, mul, 0)
            pltpu.sync_copy(rows_v, acc.at[dst_v.at[i]], add=True)
            return carry2
        lax.fori_loop(0, SUB, sub, 0)
        return carry
    lax.fori_loop(0, NBB, big, 0)
    plsc.subcore_barrier()

    def cblk(kk, carry):
        r0 = (t + kk * NS) * CB
        pltpu.sync_copy(acc.at[pl.ds(r0, CB)], cp_v)
        pltpu.sync_copy(cp_v, out_hbm.at[c, pl.ds(r0, CB)])
        return carry
    lax.fori_loop(0, nblk, cblk, 0)


@functools.cache
def _spmm_pair_fn():
    mesh = plsc.VectorSubcoreMesh(core_axis_name="c", subcore_axis_name="s")
    return pl.kernel(
        _spmm_body,
        out_type=jax.ShapeDtypeStruct((2, N, H), jnp.float32),
        mesh=mesh,
        scratch_types=[
            pltpu.VMEM((SUB, KE), jnp.int32),
            pltpu.VMEM((SUB, KE), jnp.int32),
            pltpu.VMEM((SUB, KE), jnp.float32),
            pltpu.VMEM((KE, H), jnp.float32),
            pltpu.VMEM((CB, H), jnp.float32),
            pltpu.VMEM_SHARED((N, H), jnp.float32),
            pltpu.SemaphoreType.DMA,
        ],
    )


def _spmm_pair(s2, src, dst, w):
    return _spmm_pair_fn()(s2, src, dst, w)


BM = 1000


def _mm_body(x_ref, w_ref, o_ref):
    o_ref[...] = jnp.dot(x_ref[0], w_ref[0],
                         preferred_element_type=jnp.float32)[None]


def _mm(xs, ws):
    return pl.pallas_call(
        _mm_body,
        grid=(2, N // BM),
        in_specs=[
            pl.BlockSpec((1, BM, D), lambda b, m: (b, m, 0)),
            pl.BlockSpec((1, D, H), lambda b, m: (b, 0, 0)),
        ],
        out_specs=pl.BlockSpec((1, BM, H), lambda b, m: (b, m, 0)),
        out_shape=jax.ShapeDtypeStruct((2, N, H), jnp.float32),
    )(xs, ws)


def _relu_mm_body(a_ref, b_ref, w_ref, o_ref):
    h = jnp.maximum(a_ref[0] + b_ref[0], 0.0)
    o_ref[...] = jnp.dot(h, w_ref[0], preferred_element_type=jnp.float32)[None]


def _relu_mm(aggs, biases, ws):
    return pl.pallas_call(
        _relu_mm_body,
        grid=(2, N // BM),
        in_specs=[
            pl.BlockSpec((1, BM, H), lambda b, m: (b, m, 0)),
            pl.BlockSpec((1, 1, H), lambda b, m: (b, 0, 0)),
            pl.BlockSpec((1, H, H), lambda b, m: (b, 0, 0)),
        ],
        out_specs=pl.BlockSpec((1, BM, H), lambda b, m: (b, m, 0)),
        out_shape=jax.ShapeDtypeStruct((2, N, H), jnp.float32),
    )(aggs, biases, ws)


def _log_softmax(t):
    mx = jnp.max(t, axis=1, keepdims=True)
    return t - mx - jnp.log(jnp.sum(jnp.exp(t - mx), axis=1, keepdims=True))


def _head_body(agg_ref, b2_ref, lw_ref, lb_ref, mw_ref, mb_ref, o_ref):
    lsm = []
    for b in range(2):
        t = agg_ref[b] + b2_ref[b]
        t = jnp.dot(t, lw_ref[b], preferred_element_type=jnp.float32) + lb_ref[b]
        lsm.append(_log_softmax(t))
    h = (jnp.dot(lsm[0], mw_ref[:H], preferred_element_type=jnp.float32)
         + jnp.dot(lsm[1], mw_ref[H:], preferred_element_type=jnp.float32)
         + mb_ref[...])
    o_ref[...] = _log_softmax(h)


def _head(agg2, b2s, lws, lbs, mw, mb):
    return pl.pallas_call(
        _head_body,
        grid=(N // BM,),
        in_specs=[
            pl.BlockSpec((2, BM, H), lambda m: (0, m, 0)),
            pl.BlockSpec((2, 1, H), lambda m: (0, 0, 0)),
            pl.BlockSpec((2, H, H), lambda m: (0, 0, 0)),
            pl.BlockSpec((2, 1, H), lambda m: (0, 0, 0)),
            pl.BlockSpec((2 * H, C), lambda m: (0, 0)),
            pl.BlockSpec((1, C), lambda m: (0, 0)),
        ],
        out_specs=pl.BlockSpec((BM, C), lambda m: (m, 0)),
        out_shape=jax.ShapeDtypeStruct((N, C), jnp.float32),
    )(agg2, b2s, lws, lbs, mw, mb)


def kernel(x0, x1, edge_index0, edge_weight0, edge_index1, edge_weight1,
           gcn_W1, gcn_b1, gcn_W2, gcn_b2, gcn_Lw, gcn_Lb,
           gin_W1, gin_b1, gin_W2, gin_b2, gin_Lw, gin_Lb,
           mix_Lw, mix_Lb):
    xs = jnp.stack([x0, x1])
    w1s = jnp.stack([gcn_W1, gin_W1])
    b1s = jnp.stack([gcn_b1, gin_b1]).reshape(2, 1, H)
    w2s = jnp.stack([gcn_W2, gin_W2])
    b2s = jnp.stack([gcn_b2, gin_b2]).reshape(2, 1, H)
    lws = jnp.stack([gcn_Lw, gin_Lw])
    lbs = jnp.stack([gcn_Lb, gin_Lb]).reshape(2, 1, H)
    mb = mix_Lb.reshape(1, C)

    def lay(a):
        a = a.reshape(2, NS, EPT)
        return jnp.pad(a, ((0, 0), (0, 0), (0, PAD))).reshape(2, NS, NCH, KE)

    src = lay(jnp.stack([edge_index0[0], edge_index1[0] + N]))
    dst = lay(jnp.stack([edge_index0[1], edge_index1[1]]))
    ws = lay(jnp.stack([edge_weight0, edge_weight1]))

    sup1 = _mm(xs, w1s)
    agg1 = _spmm_pair(sup1.reshape(2 * N, H), src, dst, ws)
    sup2 = _relu_mm(agg1, b1s, w2s)
    agg2 = _spmm_pair(sup2.reshape(2 * N, H), src, dst, ws)
    return _head(agg2, b2s, lws, lbs, mix_Lw, mb)

# --- scband reference (transcript-rebuilt; emitter-appended) ---
"""Pipeline reference for scband-mix-2834678415610 (READ-ONLY COPY).

The authoritative reference and input builder live on the scoring server;
editing this copy changes nothing except your own understanding.
"""

import jax, jax.numpy as jnp
import numpy as np

N = 10000
E = 320000
D = 128
H = 128
C = 64


def setup_inputs(seed: int = 0) -> dict:
    key = jax.random.key(seed)
    ks = jax.random.split(key, 24)
    inp = {}
    inp['x0'] = jax.random.normal(ks[0], (N, D), dtype=jnp.float32)
    inp['x1'] = jax.random.normal(ks[1], (N, D), dtype=jnp.float32)
    inp['edge_index0'] = jax.random.randint(ks[2], (2, E), 0, N, dtype=jnp.int32)
    inp['edge_weight0'] = jax.random.uniform(ks[3], (E,), dtype=jnp.float32)
    inp['edge_index1'] = jax.random.randint(ks[4], (2, E), 0, N, dtype=jnp.int32)
    inp['edge_weight1'] = jax.random.uniform(ks[5], (E,), dtype=jnp.float32)
    # Branch A (self.GCN): gc1 (D->H), gc2 (H->H since Mix passes nclass=nhid), inner L (H->H)
    inp['gcn_W1'] = jax.random.normal(ks[6], (D, H), dtype=jnp.float32) * 0.05
    inp['gcn_b1'] = jnp.zeros((H,), dtype=jnp.float32)
    inp['gcn_W2'] = jax.random.normal(ks[7], (H, H), dtype=jnp.float32) * 0.05
    inp['gcn_b2'] = jnp.zeros((H,), dtype=jnp.float32)
    inp['gcn_Lw'] = jax.random.normal(ks[8], (H, H), dtype=jnp.float32) * 0.05
    inp['gcn_Lb'] = jnp.zeros((H,), dtype=jnp.float32)
    # Branch B (self.GIN, structurally identical GCN)
    inp['gin_W1'] = jax.random.normal(ks[9], (D, H), dtype=jnp.float32) * 0.05
    inp['gin_b1'] = jnp.zeros((H,), dtype=jnp.float32)
    inp['gin_W2'] = jax.random.normal(ks[10], (H, H), dtype=jnp.float32) * 0.05
    inp['gin_b2'] = jnp.zeros((H,), dtype=jnp.float32)
    inp['gin_Lw'] = jax.random.normal(ks[11], (H, H), dtype=jnp.float32) * 0.05
    inp['gin_Lb'] = jnp.zeros((H,), dtype=jnp.float32)
    # Mix head: Linear(2H -> C)
    inp['mix_Lw'] = jax.random.normal(ks[12], (2 * H, C), dtype=jnp.float32) * 0.05
    inp['mix_Lb'] = jnp.zeros((C,), dtype=jnp.float32)
    return inp


def _spmm(edge_index, edge_weight, support):
    # sparse adj @ support : gather src rows, weight, scatter-add to dst
    src = edge_index[0]
    dst = edge_index[1]
    msgs = jnp.take(support, src, axis=0) * edge_weight[:, None]
    return jax.ops.segment_sum(msgs, dst, num_segments=N)


def _gcn_branch(x, ei, ew, W1, b1, W2, b2, Lw, Lb):
    # GraphConvolution: spmm(adj, x @ W) + b; same adj used for both layers
    h = jax.nn.relu(_spmm(ei, ew, x @ W1) + b1)
    # dropout inactive in eval mode
    h = _spmm(ei, ew, h @ W2) + b2
    h = h @ Lw + Lb
    return jax.nn.log_softmax(h, axis=1)


def reference(x0, x1, edge_index0, edge_weight0, edge_index1, edge_weight1,
              gcn_W1, gcn_b1, gcn_W2, gcn_b2, gcn_Lw, gcn_Lb,
              gin_W1, gin_b1, gin_W2, gin_b2, gin_Lw, gin_Lb,
              mix_Lw, mix_Lb):
    h1 = _gcn_branch(x0, edge_index0, edge_weight0, gcn_W1, gcn_b1, gcn_W2, gcn_b2, gcn_Lw, gcn_Lb)
    h2 = _gcn_branch(x1, edge_index1, edge_weight1, gin_W1, gin_b1, gin_W2, gin_b2, gin_Lw, gin_Lb)
    h = jnp.concatenate((h1, h2), axis=1) @ mix_Lw + mix_Lb
    return jax.nn.log_softmax(h, axis=1)

if __name__ == "__main__":
    import jax
    _d = setup_inputs()
    print(jax.jit(kernel)(*tuple(_d.values())))

</pallas_src>

<mosaic_0001>
#map = affine_map<(d0, d1) -> (0, 0)>
#map1 = affine_map<(d0, d1) -> (0, 0, 0, 0)>
#map2 = affine_map<(d0, d1) -> (0, 0, 0)>
module attributes {stable_mosaic.version = 14 : i64} {
  func.func @_spmm_body(%arg0: i32, %arg1: i32, %arg2: memref<20000x128xf32, #tpu.memory_space<hbm>>, %arg3: memref<2x16x160x128xi32, #tpu.memory_space<hbm>>, %arg4: memref<2x16x160x128xi32, #tpu.memory_space<hbm>>, %arg5: memref<2x16x160x128xf32, #tpu.memory_space<hbm>>, %arg6: memref<2x10000x128xf32, #tpu.memory_space<hbm>>, %arg7: memref<16x128xi32, #tpu.memory_space<vmem>>, %arg8: memref<16x128xi32, #tpu.memory_space<vmem>>, %arg9: memref<16x128xf32, #tpu.memory_space<vmem>>, %arg10: memref<128x128xf32, #tpu.memory_space<vmem>>, %arg11: memref<80x128xf32, #tpu.memory_space<vmem>>, %arg12: memref<10000x128xf32, #tpu.memory_space<vmem_shared>>, %arg13: memref<!tpu.dma_semaphore, #tpu.memory_space<semaphore_mem>>) attributes {dimension_semantics = [#tpu.dimension_semantics<core_parallel>, #tpu.dimension_semantics<subcore_parallel>], iteration_bounds = array<i64: 2, 16>, scalar_prefetch = 0 : i64, scratch_operands = 7 : i64, tpu.core_type = #tpu.core_type<sc_vector_subcore>, window_params = [{transform_indices = #map}, {transform_indices = #map1}, {transform_indices = #map1}, {transform_indices = #map1}, {transform_indices = #map2}]} {
    %broadcast_in_dim3A = arith.constant 0.000000e+00 : f32
    %broadcast_in_dim3A_0 = vector.broadcast %broadcast_in_dim3A : f32 to vector<16xf32>
    %scan3A = arith.constant 0 : i32
    %scan3A_1 = arith.constant 0 : i32
    %scan3A_2 = arith.constant 80 : i32
    %scan3A_3 = arith.addi %scan3A_1, %scan3A_2 : i32
    %scan3A_4 = arith.constant 1 : i32
    scf.for %scan3A_53 = %scan3A_1 to %scan3A_3 step %scan3A_4  : i32 {
      %swap3A = arith.index_cast %scan3A_53 : i32 to index
      %swap3A_54 = arith.constant 0 : index
      %swap3A_55 = tpu.vector_load %arg11[%swap3A, %swap3A_54] {strides = array<i32>} : memref<80x128xf32, #tpu.memory_space<vmem>>, vector<1x16xf32>,
      %swap3A_56 = vector.shape_cast %swap3A_55 : vector<1x16xf32> to vector<16xf32>
      %swap3A_57 = vector.shape_cast %broadcast_in_dim3A_0 : vector<16xf32> to vector<1x16xf32>
      tpu.vector_store %arg11[%swap3A, %swap3A_54], %swap3A_57 {strides = array<i32>} : memref<80x128xf32, #tpu.memory_space<vmem>>, vector<1x16xf32>,
      %swap3A_58 = arith.index_cast %scan3A_53 : i32 to index
      %swap3A_59 = arith.constant 16 : index
      %swap3A_60 = tpu.vector_load %arg11[%swap3A_58, %swap3A_59] {strides = array<i32>} : memref<80x128xf32, #tpu.memory_space<vmem>>, vector<1x16xf32>,
      %swap3A_61 = vector.shape_cast %swap3A_60 : vector<1x16xf32> to vector<16xf32>
      %swap3A_62 = vector.shape_cast %broadcast_in_dim3A_0 : vector<16xf32> to vector<1x16xf32>
      tpu.vector_store %arg11[%swap3A_58, %swap3A_59], %swap3A_62 {strides = array<i32>} : memref<80x128xf32, #tpu.memory_space<vmem>>, vector<1x16xf32>,
      %swap3A_63 = arith.index_cast %scan3A_53 : i32 to index
      %swap3A_64 = arith.constant 32 : index
      %swap3A_65 = tpu.vector_load %arg11[%swap3A_63, %swap3A_64] {strides = array<i32>} : memref<80x128xf32, #tpu.memory_space<vmem>>, vector<1x16xf32>,
      %swap3A_66 = vector.shape_cast %swap3A_65 : vector<1x16xf32> to vector<16xf32>
      %swap3A_67 = vector.shape_cast %broadcast_in_dim3A_0 : vector<16xf32> to vector<1x16xf32>
      tpu.vector_store %arg11[%swap3A_63, %swap3A_64], %swap3A_67 {strides = array<i32>} : memref<80x128xf32, #tpu.memory_space<vmem>>, vector<1x16xf32>,
      %swap3A_68 = arith.index_cast %scan3A_53 : i32 to index
      %swap3A_69 = arith.constant 48 : index
      %swap3A_70 = tpu.vector_load %arg11[%swap3A_68, %swap3A_69] {strides = array<i32>} : memref<80x128xf32, #tpu.memory_space<vmem>>, vector<1x16xf32>,
      %swap3A_71 = vector.shape_cast %swap3A_70 : vector<1x16xf32> to vector<16xf32>
      %swap3A_72 = vector.shape_cast %broadcast_in_dim3A_0 : vector<16xf32> to vector<1x16xf32>
      tpu.vector_store %arg11[%swap3A_68, %swap3A_69], %swap3A_72 {strides = array<i32>} : memref<80x128xf32, #tpu.memory_space<vmem>>, vector<1x16xf32>,
      %swap3A_73 = arith.index_cast %scan3A_53 : i32 to index
      %swap3A_74 = arith.constant 64 : index
      %swap3A_75 = tpu.vector_load %arg11[%swap3A_73, %swap3A_74] {strides = array<i32>} : memref<80x128xf32, #tpu.memory_space<vmem>>, vector<1x16xf32>,
      %swap3A_76 = vector.shape_cast %swap3A_75 : vector<1x16xf32> to vector<16xf32>
      %swap3A_77 = vector.shape_cast %broadcast_in_dim3A_0 : vector<16xf32> to vector<1x16xf32>
      tpu.vector_store %arg11[%swap3A_73, %swap3A_74], %swap3A_77 {strides = array<i32>} : memref<80x128xf32, #tpu.memory_space<vmem>>, vector<1x16xf32>,
      %swap3A_78 = arith.index_cast %scan3A_53 : i32 to index
      %swap3A_79 = arith.constant 80 : index
      %swap3A_80 = tpu.vector_load %arg11[%swap3A_78, %swap3A_79] {strides = array<i32>} : memref<80x128xf32, #tpu.memory_space<vmem>>, vector<1x16xf32>,
      %swap3A_81 = vector.shape_cast %swap3A_80 : vector<1x16xf32> to vector<16xf32>
      %swap3A_82 = vector.shape_cast %broadcast_in_dim3A_0 : vector<16xf32> to vector<1x16xf32>
      tpu.vector_store %arg11[%swap3A_78, %swap3A_79], %swap3A_82 {strides = array<i32>} : memref<80x128xf32, #tpu.memory_space<vmem>>, vector<1x16xf32>,
      %swap3A_83 = arith.index_cast %scan3A_53 : i32 to index
      %swap3A_84 = arith.constant 96 : index
      %swap3A_85 = tpu.vector_load %arg11[%swap3A_83, %swap3A_84] {strides = array<i32>} : memref<80x128xf32, #tpu.memory_space<vmem>>, vector<1x16xf32>,
      %swap3A_86 = vector.shape_cast %swap3A_85 : vector<1x16xf32> to vector<16xf32>
      %swap3A_87 = vector.shape_cast %broadcast_in_dim3A_0 : vector<16xf32> to vector<1x16xf32>
      tpu.vector_store %arg11[%swap3A_83, %swap3A_84], %swap3A_87 {strides = array<i32>} : memref<80x128xf32, #tpu.memory_space<vmem>>, vector<1x16xf32>,
      %swap3A_88 = arith.index_cast %scan3A_53 : i32 to index
      %swap3A_89 = arith.constant 112 : index
      %swap3A_90 = tpu.vector_load %arg11[%swap3A_88, %swap3A_89] {strides = array<i32>} : memref<80x128xf32, #tpu.memory_space<vmem>>, vector<1x16xf32>,
      %swap3A_91 = vector.shape_cast %swap3A_90 : vector<1x16xf32> to vector<16xf32>
      %swap3A_92 = vector.shape_cast %broadcast_in_dim3A_0 : vector<16xf32> to vector<1x16xf32>
      tpu.vector_store %arg11[%swap3A_88, %swap3A_89], %swap3A_92 {strides = array<i32>} : memref<80x128xf32, #tpu.memory_space<vmem>>, vector<1x16xf32>,
    }
    %scan3A_5 = arith.constant 80 : i32
    %sub3A = arith.constant 125 : i32
    %sub3A_6 = arith.subi %sub3A, %arg1 : i32
    %add3A = arith.constant 16 : i32
    %add3A_7 = arith.addi %sub3A_6, %add3A : i32
    %sub3A_8 = arith.constant 1 : i32
    %sub3A_9 = arith.subi %add3A_7, %sub3A_8 : i32
    %jit3A = arith.constant 16 : i32
    %div3A = arith.divsi %sub3A_9, %jit3A : i32
    %sign3A = arith.constant 0 : i32
    %sign3A_10 = arith.cmpi sgt, %sub3A_9, %sign3A : i32
    %sign3A_11 = arith.extui %sign3A_10 : i1 to i32
    %sign3A_12 = arith.constant 0 : i32
    %sign3A_13 = arith.cmpi slt, %sub3A_9, %sign3A_12 : i32
    %sign3A_14 = arith.extui %sign3A_13 : i1 to i32
    %sign3A_15 = arith.subi %sign3A_11, %sign3A_14 : i32
    %sign3A_16 = arith.constant 0 : i32
    %sign3A_17 = arith.cmpi sgt, %jit3A, %sign3A_16 : i32
    %sign3A_18 = arith.extui %sign3A_17 : i1 to i32
    %sign3A_19 = arith.constant 0 : i32
    %sign3A_20 = arith.cmpi slt, %jit3A, %sign3A_19 : i32
    %sign3A_21 = arith.extui %sign3A_20 : i1 to i32
    %sign3A_22 = arith.subi %sign3A_18, %sign3A_21 : i32
    %ne3A = arith.cmpi ne, %sign3A_15, %sign3A_22 : i32
    %rem3A = arith.remsi %sub3A_9, %jit3A : i32
    %ne3A_23 = arith.constant 0 : i32
    %ne3A_24 = arith.cmpi ne, %rem3A, %ne3A_23 : i32
    %and3A = arith.andi %ne3A, %ne3A_24 : i1
    %sub3A_25 = arith.constant 1 : i32
    %sub3A_26 = arith.subi %div3A, %sub3A_25 : i32
    %select_n3A = arith.select %and3A, %sub3A_26, %div3A : i32
    %while3A = arith.constant 0 : i32
    %while3A_27 = arith.constant 0 : i32
    %while3A_28 = arith.subi %select_n3A, %while3A_27 : i32
    %while3A_29 = arith.addi %while3A_27, %while3A_28 : i32
    %while3A_30 = arith.constant 1 : i32
    %while3A_31 = arith.divsi %while3A_28, %while3A_30 : i32
    %while3A_32 = arith.muli %while3A_31, %while3A_30 : i32
    %while3A_33 = arith.addi %while3A_27, %while3A_32 : i32
    %while3A_34 = arith.constant 1 : i32
    scf.for %while3A_53 = %while3A_27 to %while3A_33 step %while3A_34  : i32 {
      %mul3A = arith.constant 16 : i32
      %mul3A_54 = arith.muli %while3A_53, %mul3A : i32
      %add3A_55 = arith.addi %arg1, %mul3A_54 : i32
      %mul3A_56 = arith.constant 80 : i32
      %mul3A_57 = arith.muli %add3A_55, %mul3A_56 : i32
      "tpu.region"() ({
        %run_scoped3A = tpu.sem_alloc : memref<!tpu.dma_semaphore, #tpu.memory_space<semaphore_mem>>
        %dma_start3A = arith.constant 0 : i32
        %dma_start3A_58 = tpu.memref_slice %arg12[%mul3A_57, %dma_start3A] : memref<10000x128xf32, #tpu.memory_space<vmem_shared>> -> memref<80x128xf32, #tpu.memory_space<vmem_shared>>
        %dma_start3A_59 = arith.constant 0 : i32
        %dma_start3A_60 = tpu.memref_slice %arg12[%mul3A_57, %dma_start3A_59] : memref<10000x128xf32, #tpu.memory_space<vmem_shared>> -> memref<80x128xf32, #tpu.memory_space<vmem_shared>>
        tpu.enqueue_dma source(%arg11 : memref<80x128xf32, #tpu.memory_space<vmem>>) target(%dma_start3A_60 : memref<80x128xf32, #tpu.memory_space<vmem_shared>>) target_semaphore(%run_scoped3A : memref<!tpu.dma_semaphore, #tpu.memory_space<semaphore_mem>>)
        %dma_wait3A = arith.constant 0 : i32
        %dma_wait3A_61 = tpu.memref_slice %arg12[%mul3A_57, %dma_wait3A] : memref<10000x128xf32, #tpu.memory_space<vmem_shared>> -> memref<80x128xf32, #tpu.memory_space<vmem_shared>>
        %dma_wait3A_62 = arith.constant 0 : i32
        %dma_wait3A_63 = tpu.memref_slice %arg12[%mul3A_57, %dma_wait3A_62] : memref<10000x128xf32, #tpu.memory_space<vmem_shared>> -> memref<80x128xf32, #tpu.memory_space<vmem_shared>>
        tpu.wait_dma2 semaphore(%run_scoped3A : memref<!tpu.dma_semaphore, #tpu.memory_space<semaphore_mem>>) src(%arg11 : memref<80x128xf32, #tpu.memory_space<vmem>>) dst(%dma_wait3A_63 : memref<80x128xf32, #tpu.memory_space<vmem_shared>>)
        tpu.yield
      }) : () -> ()
    }
    %while3A_35 = arith.constant 1 : i32
    scf.for %while3A_53 = %while3A_33 to %while3A_29 step %while3A_35  : i32 {
      %mul3A = arith.constant 16 : i32
      %mul3A_54 = arith.muli %while3A_53, %mul3A : i32
      %add3A_55 = arith.addi %arg1, %mul3A_54 : i32
      %mul3A_56 = arith.constant 80 : i32
      %mul3A_57 = arith.muli %add3A_55, %mul3A_56 : i32
      "tpu.region"() ({
        %run_scoped3A = tpu.sem_alloc : memref<!tpu.dma_semaphore, #tpu.memory_space<semaphore_mem>>
        %dma_start3A = arith.constant 0 : i32
        %dma_start3A_58 = tpu.memref_slice %arg12[%mul3A_57, %dma_start3A] : memref<10000x128xf32, #tpu.memory_space<vmem_shared>> -> memref<80x128xf32, #tpu.memory_space<vmem_shared>>
        %dma_start3A_59 = arith.constant 0 : i32
        %dma_start3A_60 = tpu.memref_slice %arg12[%mul3A_57, %dma_start3A_59] : memref<10000x128xf32, #tpu.memory_space<vmem_shared>> -> memref<80x128xf32, #tpu.memory_space<vmem_shared>>
        tpu.enqueue_dma source(%arg11 : memref<80x128xf32, #tpu.memory_space<vmem>>) target(%dma_start3A_60 : memref<80x128xf32, #tpu.memory_space<vmem_shared>>) target_semaphore(%run_scoped3A : memref<!tpu.dma_semaphore, #tpu.memory_space<semaphore_mem>>)
        %dma_wait3A = arith.constant 0 : i32
        %dma_wait3A_61 = tpu.memref_slice %arg12[%mul3A_57, %dma_wait3A] : memref<10000x128xf32, #tpu.memory_space<vmem_shared>> -> memref<80x128xf32, #tpu.memory_space<vmem_shared>>
        %dma_wait3A_62 = arith.constant 0 : i32
        %dma_wait3A_63 = tpu.memref_slice %arg12[%mul3A_57, %dma_wait3A_62] : memref<10000x128xf32, #tpu.memory_space<vmem_shared>> -> memref<80x128xf32, #tpu.memory_space<vmem_shared>>
        tpu.wait_dma2 semaphore(%run_scoped3A : memref<!tpu.dma_semaphore, #tpu.memory_space<semaphore_mem>>) src(%arg11 : memref<80x128xf32, #tpu.memory_space<vmem>>) dst(%dma_wait3A_63 : memref<80x128xf32, #tpu.memory_space<vmem_shared>>)
        tpu.yield
      }) : () -> ()
    }
    %barrier3A = arith.constant 0 : index
    tpu.barrier barrier_id(%barrier3A)
    %scan3A_36 = arith.constant 0 : i32
    %scan3A_37 = arith.constant 0 : i32
    %scan3A_38 = arith.constant 10 : i32
    %scan3A_39 = arith.addi %scan3A_37, %scan3A_38 : i32
    %scan3A_40 = arith.constant 1 : i32
    scf.for %scan3A_53 = %scan3A_37 to %scan3A_39 step %scan3A_40  : i32 {
      %mul3A = arith.constant 16 : i32
      %mul3A_54 = arith.muli %scan3A_53, %mul3A : i32
      "tpu.region"() ({
        %run_scoped3A = tpu.sem_alloc : memref<!tpu.dma_semaphore, #tpu.memory_space<semaphore_mem>>
        %dma_start3A = arith.constant 0 : i32
        %dma_start3A_65 = tpu.memref_slice %arg3[%arg0, %arg1, %mul3A_54, %dma_start3A] : memref<2x16x160x128xi32, #tpu.memory_space<hbm>> -> memref<1x1x16x128xi32, #tpu.memory_space<hbm>>
        %dma_start3A_66 = tpu.memref_squeeze %dma_start3A_65 : memref<1x1x16x128xi32, #tpu.memory_space<hbm>> -> memref<16x128xi32, #tpu.memory_space<hbm>>
        %dma_start3A_67 = arith.constant 0 : i32
        %dma_start3A_68 = tpu.memref_slice %arg3[%arg0, %arg1, %mul3A_54, %dma_start3A_67] : memref<2x16x160x128xi32, #tpu.memory_space<hbm>> -> memref<1x1x16x128xi32, #tpu.memory_space<hbm>>
        %dma_start3A_69 = tpu.memref_squeeze %dma_start3A_68 : memref<1x1x16x128xi32, #tpu.memory_space<hbm>> -> memref<16x128xi32, #tpu.memory_space<hbm>>
        tpu.enqueue_dma source(%dma_start3A_69 : memref<16x128xi32, #tpu.memory_space<hbm>>) target(%arg7 : memref<16x128xi32, #tpu.memory_space<vmem>>) target_semaphore(%run_scoped3A : memref<!tpu.dma_semaphore, #tpu.memory_space<semaphore_mem>>)
        %dma_wait3A = arith.constant 0 : i32
        %dma_wait3A_70 = tpu.memref_slice %arg3[%arg0, %arg1, %mul3A_54, %dma_wait3A] : memref<2x16x160x128xi32, #tpu.memory_space<hbm>> -> memref<1x1x16x128xi32, #tpu.memory_space<hbm>>
        %dma_wait3A_71 = tpu.memref_squeeze %dma_wait3A_70 : memref<1x1x16x128xi32, #tpu.memory_space<hbm>> -> memref<16x128xi32, #tpu.memory_space<hbm>>
        %dma_wait3A_72 = arith.constant 0 : i32
        %dma_wait3A_73 = tpu.memref_slice %arg3[%arg0, %arg1, %mul3A_54, %dma_wait3A_72] : memref<2x16x160x128xi32, #tpu.memory_space<hbm>> -> memref<1x1x16x128xi32, #tpu.memory_space<hbm>>
        %dma_wait3A_74 = tpu.memref_squeeze %dma_wait3A_73 : memref<1x1x16x128xi32, #tpu.memory_space<hbm>> -> memref<16x128xi32, #tpu.memory_space<hbm>>
        tpu.wait_dma2 semaphore(%run_scoped3A : memref<!tpu.dma_semaphore, #tpu.memory_space<semaphore_mem>>) src(%dma_wait3A_74 : memref<16x128xi32, #tpu.memory_space<hbm>>) dst(%arg7 : memref<16x128xi32, #tpu.memory_space<vmem>>)
        tpu.yield
      }) : () -> ()
      %mul3A_55 = arith.constant 16 : i32
      %mul3A_56 = arith.muli %scan3A_53, %mul3A_55 : i32
      "tpu.region"() ({
        %run_scoped3A = tpu.sem_alloc : memref<!tpu.dma_semaphore, #tpu.memory_space<semaphore_mem>>
        %dma_start3A = arith.constant 0 : i32
        %dma_start3A_65 = tpu.memref_slice %arg4[%arg0, %arg1, %mul3A_56, %dma_start3A] : memref<2x16x160x128xi32, #tpu.memory_space<hbm>> -> memref<1x1x16x128xi32, #tpu.memory_space<hbm>>
        %dma_start3A_66 = tpu.memref_squeeze %dma_start3A_65 : memref<1x1x16x128xi32, #tpu.memory_space<hbm>> -> memref<16x128xi32, #tpu.memory_space<hbm>>
        %dma_start3A_67 = arith.constant 0 : i32
        %dma_start3A_68 = tpu.memref_slice %arg4[%arg0, %arg1, %mul3A_56, %dma_start3A_67] : memref<2x16x160x128xi32, #tpu.memory_space<hbm>> -> memref<1x1x16x128xi32, #tpu.memory_space<hbm>>
        %dma_start3A_69 = tpu.memref_squeeze %dma_start3A_68 : memref<1x1x16x128xi32, #tpu.memory_space<hbm>> -> memref<16x128xi32, #tpu.memory_space<hbm>>
        tpu.enqueue_dma source(%dma_start3A_69 : memref<16x128xi32, #tpu.memory_space<hbm>>) target(%arg8 : memref<16x128xi32, #tpu.memory_space<vmem>>) target_semaphore(%run_scoped3A : memref<!tpu.dma_semaphore, #tpu.memory_space<semaphore_mem>>)
        %dma_wait3A = arith.constant 0 : i32
        %dma_wait3A_70 = tpu.memref_slice %arg4[%arg0, %arg1, %mul3A_56, %dma_wait3A] : memref<2x16x160x128xi32, #tpu.memory_space<hbm>> -> memref<1x1x16x128xi32, #tpu.memory_space<hbm>>
        %dma_wait3A_71 = tpu.memref_squeeze %dma_wait3A_70 : memref<1x1x16x128xi32, #tpu.memory_space<hbm>> -> memref<16x128xi32, #tpu.memory_space<hbm>>
        %dma_wait3A_72 = arith.constant 0 : i32
        %dma_wait3A_73 = tpu.memref_slice %arg4[%arg0, %arg1, %mul3A_56, %dma_wait3A_72] : memref<2x16x160x128xi32, #tpu.memory_space<hbm>> -> memref<1x1x16x128xi32, #tpu.memory_space<hbm>>
        %dma_wait3A_74 = tpu.memref_squeeze %dma_wait3A_73 : memref<1x1x16x128xi32, #tpu.memory_space<hbm>> -> memref<16x128xi32, #tpu.memory_space<hbm>>
        tpu.wait_dma2 semaphore(%run_scoped3A : memref<!tpu.dma_semaphore, #tpu.memory_space<semaphore_mem>>) src(%dma_wait3A_74 : memref<16x128xi32, #tpu.memory_space<hbm>>) dst(%arg8 : memref<16x128xi32, #tpu.memory_space<vmem>>)
        tpu.yield
      }) : () -> ()
      %mul3A_57 = arith.constant 16 : i32
      %mul3A_58 = arith.muli %scan3A_53, %mul3A_57 : i32
      "tpu.region"() ({
        %run_scoped3A = tpu.sem_alloc : memref<!tpu.dma_semaphore, #tpu.memory_space<semaphore_mem>>
        %dma_start3A = arith.constant 0 : i32
        %dma_start3A_65 = tpu.memref_slice %arg5[%arg0, %arg1, %mul3A_58, %dma_start3A] : memref<2x16x160x128xf32, #tpu.memory_space<hbm>> -> memref<1x1x16x128xf32, #tpu.memory_space<hbm>>
        %dma_start3A_66 = tpu.memref_squeeze %dma_start3A_65 : memref<1x1x16x128xf32, #tpu.memory_space<hbm>> -> memref<16x128xf32, #tpu.memory_space<hbm>>
        %dma_start3A_67 = arith.constant 0 : i32
        %dma_start3A_68 = tpu.memref_slice %arg5[%arg0, %arg1, %mul3A_58, %dma_start3A_67] : memref<2x16x160x128xf32, #tpu.memory_space<hbm>> -> memref<1x1x16x128xf32, #tpu.memory_space<hbm>>
        %dma_start3A_69 = tpu.memref_squeeze %dma_start3A_68 : memref<1x1x16x128xf32, #tpu.memory_space<hbm>> -> memref<16x128xf32, #tpu.memory_space<hbm>>
        tpu.enqueue_dma source(%dma_start3A_69 : memref<16x128xf32, #tpu.memory_space<hbm>>) target(%arg9 : memref<16x128xf32, #tpu.memory_space<vmem>>) target_semaphore(%run_scoped3A : memref<!tpu.dma_semaphore, #tpu.memory_space<semaphore_mem>>)
        %dma_wait3A = arith.constant 0 : i32
        %dma_wait3A_70 = tpu.memref_slice %arg5[%arg0, %arg1, %mul3A_58, %dma_wait3A] : memref<2x16x160x128xf32, #tpu.memory_space<hbm>> -> memref<1x1x16x128xf32, #tpu.memory_space<hbm>>
        %dma_wait3A_71 = tpu.memref_squeeze %dma_wait3A_70 : memref<1x1x16x128xf32, #tpu.memory_space<hbm>> -> memref<16x128xf32, #tpu.memory_space<hbm>>
        %dma_wait3A_72 = arith.constant 0 : i32
        %dma_wait3A_73 = tpu.memref_slice %arg5[%arg0, %arg1, %mul3A_58, %dma_wait3A_72] : memref<2x16x160x128xf32, #tpu.memory_space<hbm>> -> memref<1x1x16x128xf32, #tpu.memory_space<hbm>>
        %dma_wait3A_74 = tpu.memref_squeeze %dma_wait3A_73 : memref<1x1x16x128xf32, #tpu.memory_space<hbm>> -> memref<16x128xf32, #tpu.memory_space<hbm>>
        tpu.wait_dma2 semaphore(%run_scoped3A : memref<!tpu.dma_semaphore, #tpu.memory_space<semaphore_mem>>) src(%dma_wait3A_74 : memref<16x128xf32, #tpu.memory_space<hbm>>) dst(%arg9 : memref<16x128xf32, #tpu.memory_space<vmem>>)
        tpu.yield
      }) : () -> ()
      %scan3A_59 = arith.constant 0 : i32
      %scan3A_60 = arith.constant 0 : i32
      %scan3A_61 = arith.constant 16 : i32
      %scan3A_62 = arith.addi %scan3A_60, %scan3A_61 : i32
      %scan3A_63 = arith.constant 1 : i32
      scf.for %scan3A_65 = %scan3A_60 to %scan3A_62 step %scan3A_63  : i32 {
        %dma_start3A = arith.constant 0 : i32
        %dma_start3A_66 = tpu.memref_slice %arg7[%scan3A_65, %dma_start3A] : memref<16x128xi32, #tpu.memory_space<vmem>> -> memref<1x128xi32, #tpu.memory_space<vmem>>
        %dma_start3A_67 = tpu.memref_squeeze %dma_start3A_66 : memref<1x128xi32, #tpu.memory_space<vmem>> -> memref<128xi32, #tpu.memory_space<vmem>>
        %dma_start3A_68 = arith.constant 0 : i32
        %dma_start3A_69 = arith.constant 0 : i32
        %dma_start3A_70 = tpu.memref_slice %arg2[%dma_start3A_68, %dma_start3A_69] : memref<20000x128xf32, #tpu.memory_space<hbm>> -> memref<20000x128xf32, #tpu.memory_space<hbm>>
        tpu.enqueue_indirect_dma source(%dma_start3A_70 : memref<20000x128xf32, #tpu.memory_space<hbm>>) target(%arg10 : memref<128x128xf32, #tpu.memory_space<vmem>>) offsets(%dma_start3A_67 : memref<128xi32, #tpu.memory_space<vmem>>) semaphore(%arg13 : memref<!tpu.dma_semaphore, #tpu.memory_space<semaphore_mem>>)
        %dma_wait3A = arith.constant 0 : i32
        %dma_wait3A_71 = tpu.memref_slice %arg7[%scan3A_65, %dma_wait3A] : memref<16x128xi32, #tpu.memory_space<vmem>> -> memref<1x128xi32, #tpu.memory_space<vmem>>
        %dma_wait3A_72 = tpu.memref_squeeze %dma_wait3A_71 : memref<1x128xi32, #tpu.memory_space<vmem>> -> memref<128xi32, #tpu.memory_space<vmem>>
        %dma_wait3A_73 = arith.constant 0 : i32
        %dma_wait3A_74 = arith.constant 0 : i32
        %dma_wait3A_75 = tpu.memref_slice %arg2[%dma_wait3A_73, %dma_wait3A_74] : memref<20000x128xf32, #tpu.memory_space<hbm>> -> memref<20000x128xf32, #tpu.memory_space<hbm>>
        tpu.wait_indirect_dma semaphore(%arg13 : memref<!tpu.dma_semaphore, #tpu.memory_space<semaphore_mem>>) src(%dma_wait3A_75 : memref<20000x128xf32, #tpu.memory_space<hbm>>) dst(%arg10 : memref<128x128xf32, #tpu.memory_space<vmem>>)
        %scan3A_76 = arith.constant 0 : i32
        %scan3A_77 = arith.constant 0 : i32
        %scan3A_78 = arith.constant 8 : i32
        %scan3A_79 = arith.addi %scan3A_77, %scan3A_78 : i32
        %scan3A_80 = arith.constant 1 : i32
        scf.for %scan3A_82 = %scan3A_77 to %scan3A_79 step %scan3A_80  : i32 {
          %mul3A_83 = arith.constant 16 : i32
          %mul3A_84 = arith.muli %scan3A_82, %mul3A_83 : i32
          %get3A = arith.index_cast %scan3A_65 : i32 to index
          %get3A_85 = arith.index_cast %mul3A_84 : i32 to index
          %get3A_86 = tpu.vector_load %arg9[%get3A, %get3A_85] {strides = array<i32>} : memref<16x128xf32, #tpu.memory_space<vmem>>, vector<1x16xf32>,
          %get3A_87 = vector.shape_cast %get3A_86 : vector<1x16xf32> to vector<16xf32>
          %slice3A = vector.extract_strided_slice %get3A_87 {offsets = [0], sizes = [1], strides = [1]} : vector<16xf32> to vector<1xf32>
          %squeeze3A = vector.extract %slice3A[0] : f32 from vector<1xf32>
          %mul3A_88 = arith.constant 16 : i32
          %mul3A_89 = arith.muli %scan3A_82, %mul3A_88 : i32
          %add3A_90 = arith.constant 0 : i32
          %add3A_91 = arith.addi %mul3A_89, %add3A_90 : i32
          %get3A_92 = arith.index_cast %add3A_91 : i32 to index
          %get3A_93 = arith.constant 0 : index
          %get3A_94 = tpu.vector_load %arg10[%get3A_92, %get3A_93] {strides = array<i32>} : memref<128x128xf32, #tpu.memory_space<vmem>>, vector<1x16xf32>,
          %get3A_95 = vector.shape_cast %get3A_94 : vector<1x16xf32> to vector<16xf32>
          %mul3A_96 = vector.broadcast %squeeze3A : f32 to vector<16xf32>
          %mul3A_97 = arith.mulf %get3A_95, %mul3A_96 : vector<16xf32>
          %swap3A = arith.index_cast %add3A_91 : i32 to index
          %swap3A_98 = arith.constant 0 : index
          %swap3A_99 = tpu.vector_load %arg10[%swap3A, %swap3A_98] {strides = array<i32>} : memref<128x128xf32, #tpu.memory_space<vmem>>, vector<1x16xf32>,
          %swap3A_100 = vector.shape_cast %swap3A_99 : vector<1x16xf32> to vector<16xf32>
          %swap3A_101 = vector.shape_cast %mul3A_97 : vector<16xf32> to vector<1x16xf32>
          tpu.vector_store %arg10[%swap3A, %swap3A_98], %swap3A_101 {strides = array<i32>} : memref<128x128xf32, #tpu.memory_space<vmem>>, vector<1x16xf32>,
          %get3A_102 = arith.index_cast %add3A_91 : i32 to index
          %get3A_103 = arith.constant 16 : index
          %get3A_104 = tpu.vector_load %arg10[%get3A_102, %get3A_103] {strides = array<i32>} : memref<128x128xf32, #tpu.memory_space<vmem>>, vector<1x16xf32>,
          %get3A_105 = vector.shape_cast %get3A_104 : vector<1x16xf32> to vector<16xf32>
          %mul3A_106 = vector.broadcast %squeeze3A : f32 to vector<16xf32>
          %mul3A_107 = arith.mulf %get3A_105, %mul3A_106 : vector<16xf32>
          %swap3A_108 = arith.index_cast %add3A_91 : i32 to index
          %swap3A_109 = arith.constant 16 : index
          %swap3A_110 = tpu.vector_load %arg10[%swap3A_108, %swap3A_109] {strides = array<i32>} : memref<128x128xf32, #tpu.memory_space<vmem>>, vector<1x16xf32>,
          %swap3A_111 = vector.shape_cast %swap3A_110 : vector<1x16xf32> to vector<16xf32>
          %swap3A_112 = vector.shape_cast %mul3A_107 : vector<16xf32> to vector<1x16xf32>
          tpu.vector_store %arg10[%swap3A_108, %swap3A_109], %swap3A_112 {strides = array<i32>} : memref<128x128xf32, #tpu.memory_space<vmem>>, vector<1x16xf32>,
          %get3A_113 = arith.index_cast %add3A_91 : i32 to index
          %get3A_114 = arith.constant 32 : index
          %get3A_115 = tpu.vector_load %arg10[%get3A_113, %get3A_114] {strides = array<i32>} : memref<128x128xf32, #tpu.memory_space<vmem>>, vector<1x16xf32>,
          %get3A_116 = vector.shape_cast %get3A_115 : vector<1x16xf32> to vector<16xf32>
          %mul3A_117 = vector.broadcast %squeeze3A : f32 to vector<16xf32>
          %mul3A_118 = arith.mulf %get3A_116, %mul3A_117 : vector<16xf32>
          %swap3A_119 = arith.index_cast %add3A_91 : i32 to index
          %swap3A_120 = arith.constant 32 : index
          %swap3A_121 = tpu.vector_load %arg10[%swap3A_119, %swap3A_120] {strides = array<i32>} : memref<128x128xf32, #tpu.memory_space<vmem>>, vector<1x16xf32>,
          %swap3A_122 = vector.shape_cast %swap3A_121 : vector<1x16xf32> to vector<16xf32>
          %swap3A_123 = vector.shape_cast %mul3A_118 : vector<16xf32> to vector<1x16xf32>
          tpu.vector_store %arg10[%swap3A_119, %swap3A_120], %swap3A_123 {strides = array<i32>} : memref<128x128xf32, #tpu.memory_space<vmem>>, vector<1x16xf32>,
          %get3A_124 = arith.index_cast %add3A_91 : i32 to index
          %get3A_125 = arith.constant 48 : index
          %get3A_126 = tpu.vector_load %arg10[%get3A_124, %get3A_125] {strides = array<i32>} : memref<128x128xf32, #tpu.memory_space<vmem>>, vector<1x16xf32>,
          %get3A_127 = vector.shape_cast %get3A_126 : vector<1x16xf32> to vector<16xf32>
          %mul3A_128 = vector.broadcast %squeeze3A : f32 to vector<16xf32>
          %mul3A_129 = arith.mulf %get3A_127, %mul3A_128 : vector<16xf32>
          %swap3A_130 = arith.index_cast %add3A_91 : i32 to index
          %swap3A_131 = arith.constant 48 : index
          %swap3A_132 = tpu.vector_load %arg10[%swap3A_130, %swap3A_131] {strides = array<i32>} : memref<128x128xf32, #tpu.memory_space<vmem>>, vector<1x16xf32>,
          %swap3A_133 = vector.shape_cast %swap3A_132 : vector<1x16xf32> to vector<16xf32>
          %swap3A_134 = vector.shape_cast %mul3A_129 : vector<16xf32> to vector<1x16xf32>
          tpu.vector_store %arg10[%swap3A_130, %swap3A_131], %swap3A_134 {strides = array<i32>} : memref<128x128xf32, #tpu.memory_space<vmem>>, vector<1x16xf32>,
          %get3A_135 = arith.index_cast %add3A_91 : i32 to index
          %get3A_136 = arith.constant 64 : index
          %get3A_137 = tpu.vector_load %arg10[%get3A_135, %get3A_136] {strides = array<i32>} : memref<128x128xf32, #tpu.memory_space<vmem>>, vector<1x16xf32>,
          %get3A_138 = vector.shape_cast %get3A_137 : vector<1x16xf32> to vector<16xf32>
          %mul3A_139 = vector.broadcast %squeeze3A : f32 to vector<16xf32>
          %mul3A_140 = arith.mulf %get3A_138, %mul3A_139 : vector<16xf32>
          %swap3A_141 = arith.index_cast %add3A_91 : i32 to index
          %swap3A_142 = arith.constant 64 : index
          %swap3A_143 = tpu.vector_load %arg10[%swap3A_141, %swap3A_142] {strides = array<i32>} : memref<128x128xf32, #tpu.memory_space<vmem>>, vector<1x16xf32>,
          %swap3A_144 = vector.shape_cast %swap3A_143 : vector<1x16xf32> to vector<16xf32>
          %swap3A_145 = vector.shape_cast %mul3A_140 : vector<16xf32> to vector<1x16xf32>
          tpu.vector_store %arg10[%swap3A_141, %swap3A_142], %swap3A_145 {strides = array<i32>} : memref<128x128xf32, #tpu.memory_space<vmem>>, vector<1x16xf32>,
          %get3A_146 = arith.index_cast %add3A_91 : i32 to index
          %get3A_147 = arith.constant 80 : index
          %get3A_148 = tpu.vector_load %arg10[%get3A_146, %get3A_147] {strides = array<i32>} : memref<128x128xf32, #tpu.memory_space<vmem>>, vector<1x16xf32>,
          %get3A_149 = vector.shape_cast %get3A_148 : vector<1x16xf32> to vector<16xf32>
          %mul3A_150 = vector.broadcast %squeeze3A : f32 to vector<16xf32>
          %mul3A_151 = arith.mulf %get3A_149, %mul3A_150 : vector<16xf32>
          %swap3A_152 = arith.index_cast %add3A_91 : i32 to index
          %swap3A_153 = arith.constant 80 : index
          %swap3A_154 = tpu.vector_load %arg10[%swap3A_152, %swap3A_153] {strides = array<i32>} : memref<128x128xf32, #tpu.memory_space<vmem>>, vector<1x16xf32>,
          %swap3A_155 = vector.shape_cast %swap3A_154 : vector<1x16xf32> to vector<16xf32>
          %swap3A_156 = vector.shape_cast %mul3A_151 : vector<16xf32> to vector<1x16xf32>
          tpu.vector_store %arg10[%swap3A_152, %swap3A_153], %swap3A_156 {strides = array<i32>} : memref<128x128xf32, #tpu.memory_space<vmem>>, vector<1x16xf32>,
          %get3A_157 = arith.index_cast %add3A_91 : i32 to index
          %get3A_158 = arith.constant 96 : index
          %get3A_159 = tpu.vector_load %arg10[%get3A_157, %get3A_158] {strides = array<i32>} : memref<128x128xf32, #tpu.memory_space<vmem>>, vector<1x16xf32>,
          %get3A_160 = vector.shape_cast %get3A_159 : vector<1x16xf32> to vector<16xf32>
          %mul3A_161 = vector.broadcast %squeeze3A : f32 to vector<16xf32>
          %mul3A_162 = arith.mulf %get3A_160, %mul3A_161 : vector<16xf32>
          %swap3A_163 = arith.index_cast %add3A_91 : i32 to index
          %swap3A_164 = arith.constant 96 : index
          %swap3A_165 = tpu.vector_load %arg10[%swap3A_163, %swap3A_164] {strides = array<i32>} : memref<128x128xf32, #tpu.memory_space<vmem>>, vector<1x16xf32>,
          %swap3A_166 = vector.shape_cast %swap3A_165 : vector<1x16xf32> to vector<16xf32>
          %swap3A_167 = vector.shape_cast %mul3A_162 : vector<16xf32> to vector<1x16xf32>
          tpu.vector_store %arg10[%swap3A_163, %swap3A_164], %swap3A_167 {strides = array<i32>} : memref<128x128xf32, #tpu.memory_space<vmem>>, vector<1x16xf32>,
          %get3A_168 = arith.index_cast %add3A_91 : i32 to index
          %get3A_169 = arith.constant 112 : index
          %get3A_170 = tpu.vector_load %arg10[%get3A_168, %get3A_169] {strides = array<i32>} : memref<128x128xf32, #tpu.memory_space<vmem>>, vector<1x16xf32>,
          %get3A_171 = vector.shape_cast %get3A_170 : vector<1x16xf32> to vector<16xf32>
          %mul3A_172 = vector.broadcast %squeeze3A : f32 to vector<16xf32>
          %mul3A_173 = arith.mulf %get3A_171, %mul3A_172 : vector<16xf32>
          %swap3A_174 = arith.index_cast %add3A_91 : i32 to index
          %swap3A_175 = arith.constant 112 : index
          %swap3A_176 = tpu.vector_load %arg10[%swap3A_174, %swap3A_175] {strides = array<i32>} : memref<128x128xf32, #tpu.memory_space<vmem>>, vector<1x16xf32>,
          %swap3A_177 = vector.shape_cast %swap3A_176 : vector<1x16xf32> to vector<16xf32>
          %swap3A_178 = vector.shape_cast %mul3A_173 : vector<16xf32> to vector<1x16xf32>
          tpu.vector_store %arg10[%swap3A_174, %swap3A_175], %swap3A_178 {strides = array<i32>} : memref<128x128xf32, #tpu.memory_space<vmem>>, vector<1x16xf32>,
          %slice3A_179 = vector.extract_strided_slice %get3A_87 {offsets = [1], sizes = [1], strides = [1]} : vector<16xf32> to vector<1xf32>
          %squeeze3A_180 = vector.extract %slice3A_179[0] : f32 from vector<1xf32>
          %mul3A_181 = arith.constant 16 : i32
          %mul3A_182 = arith.muli %scan3A_82, %mul3A_181 : i32
          %add3A_183 = arith.constant 1 : i32
          %add3A_184 = arith.addi %mul3A_182, %add3A_183 : i32
          %get3A_185 = arith.index_cast %add3A_184 : i32 to index
          %get3A_186 = arith.constant 0 : index
          %get3A_187 = tpu.vector_load %arg10[%get3A_185, %get3A_186] {strides = array<i32>} : memref<128x128xf32, #tpu.memory_space<vmem>>, vector<1x16xf32>,
          %get3A_188 = vector.shape_cast %get3A_187 : vector<1x16xf32> to vector<16xf32>
          %mul3A_189 = vector.broadcast %squeeze3A_180 : f32 to vector<16xf32>
          %mul3A_190 = arith.mulf %get3A_188, %mul3A_189 : vector<16xf32>
          %swap3A_191 = arith.index_cast %add3A_184 : i32 to index
          %swap3A_192 = arith.constant 0 : index
          %swap3A_193 = tpu.vector_load %arg10[%swap3A_191, %swap3A_192] {strides = array<i32>} : memref<128x128xf32, #tpu.memory_space<vmem>>, vector<1x16xf32>,
          %swap3A_194 = vector.shape_cast %swap3A_193 : vector<1x16xf32> to vector<16xf32>
          %swap3A_195 = vector.shape_cast %mul3A_190 : vector<16xf32> to vector<1x16xf32>
          tpu.vector_store %arg10[%swap3A_191, %swap3A_192], %swap3A_195 {strides = array<i32>} : memref<128x128xf32, #tpu.memory_space<vmem>>, vector<1x16xf32>,
          %get3A_196 = arith.index_cast %add3A_184 : i32 to index
          %get3A_197 = arith.constant 16 : index
          %get3A_198 = tpu.vector_load %arg10[%get3A_196, %get3A_197] {strides = array<i32>} : memref<128x128xf32, #tpu.memory_space<vmem>>, vector<1x16xf32>,
          %get3A_199 = vector.shape_cast %get3A_198 : vector<1x16xf32> to vector<16xf32>
          %mul3A_200 = vector.broadcast %squeeze3A_180 : f32 to vector<16xf32>
          %mul3A_201 = arith.mulf %get3A_199, %mul3A_200 : vector<16xf32>
          %swap3A_202 = arith.index_cast %add3A_184 : i32 to index
          %swap3A_203 = arith.constant 16 : index
          %swap3A_204 = tpu.vector_load %arg10[%swap3A_202, %swap3A_203] {strides = array<i32>} : memref<128x128xf32, #tpu.memory_space<vmem>>, vector<1x16xf32>,
          %swap3A_205 = vector.shape_cast %swap3A_204 : vector<1x16xf32> to vector<16xf32>
          %swap3A_206 = vector.shape_cast %mul3A_201 : vector<16xf32> to vector<1x16xf32>
          tpu.vector_store %arg10[%swap3A_202, %swap3A_203], %swap3A_206 {strides = array<i32>} : memref<128x128xf32, #tpu.memory_space<vmem>>, vector<1x16xf32>,
          %get3A_207 = arith.index_cast %add3A_184 : i32 to index
          %get3A_208 = arith.constant 32 : index
          %get3A_209 = tpu.vector_load %arg10[%get3A_207, %get3A_208] {strides = array<i32>} : memref<128x128xf32, #tpu.memory_space<vmem>>, vector<1x16xf32>,
          %get3A_210 = vector.shape_cast %get3A_209 : vector<1x16xf32> to vector<16xf32>
          %mul3A_211 = vector.broadcast %squeeze3A_180 : f32 to vector<16xf32>
          %mul3A_212 = arith.mulf %get3A_210, %mul3A_211 : vector<16xf32>
          %swap3A_213 = arith.index_cast %add3A_184 : i32 to index
          %swap3A_214 = arith.constant 32 : index
          %swap3A_215 = tpu.vector_load %arg10[%swap3A_213, %swap3A_214] {strides = array<i32>} : memref<128x128xf32, #tpu.memory_space<vmem>>, vector<1x16xf32>,
          %swap3A_216 = vector.shape_cast %swap3A_215 : vector<1x16xf32> to vector<16xf32>
          %swap3A_217 = vector.shape_cast %mul3A_212 : vector<16xf32> to vector<1x16xf32>
          tpu.vector_store %arg10[%swap3A_213, %swap3A_214], %swap3A_217 {strides = array<i32>} : memref<128x128xf32, #tpu.memory_space<vmem>>, vector<1x16xf32>,
          %get3A_218 = arith.index_cast %add3A_184 : i32 to index
          %get3A_219 = arith.constant 48 : index
          %get3A_220 = tpu.vector_load %arg10[%get3A_218, %get3A_219] {strides = array<i32>} : memref<128x128xf32, #tpu.memory_space<vmem>>, vector<1x16xf32>,
          %get3A_221 = vector.shape_cast %get3A_220 : vector<1x16xf32> to vector<16xf32>
          %mul3A_222 = vector.broadcast %squeeze3A_180 : f32 to vector<16xf32>
          %mul3A_223 = arith.mulf %get3A_221, %mul3A_222 : vector<16xf32>
          %swap3A_224 = arith.index_cast %add3A_184 : i32 to index
          %swap3A_225 = arith.constant 48 : index
          %swap3A_226 = tpu.vector_load %arg10[%swap3A_224, %swap3A_225] {strides = array<i32>} : memref<128x128xf32, #tpu.memory_space<vmem>>, vector<1x16xf32>,
          %swap3A_227 = vector.shape_cast %swap3A_226 : vector<1x16xf32> to vector<16xf32>
          %swap3A_228 = vector.shape_cast %mul3A_223 : vector<16xf32> to vector<1x16xf32>
          tpu.vector_store %arg10[%swap3A_224, %swap3A_225], %swap3A_228 {strides = array<i32>} : memref<128x128xf32, #tpu.memory_space<vmem>>, vector<1x16xf32>,
          %get3A_229 = arith.index_cast %add3A_184 : i32 to index
          %get3A_230 = arith.constant 64 : index
          %get3A_231 = tpu.vector_load %arg10[%get3A_229, %get3A_230] {strides = array<i32>} : memref<128x128xf32, #tpu.memory_space<vmem>>, vector<1x16xf32>,
          %get3A_232 = vector.shape_cast %get3A_231 : vector<1x16xf32> to vector<16xf32>
          %mul3A_233 = vector.broadcast %squeeze3A_180 : f32 to vector<16xf32>
          %mul3A_234 = arith.mulf %get3A_232, %mul3A_233 : vector<16xf32>
          %swap3A_235 = arith.index_cast %add3A_184 : i32 to index
          %swap3A_236 = arith.constant 64 : index
          %swap3A_237 = tpu.vector_load %arg10[%swap3A_235, %swap3A_236] {strides = array<i32>} : memref<128x128xf32, #tpu.memory_space<vmem>>, vector<1x16xf32>,
          %swap3A_238 = vector.shape_cast %swap3A_237 : vector<1x16xf32> to vector<16xf32>
          %swap3A_239 = vector.shape_cast %mul3A_234 : vector<16xf32> to vector<1x16xf32>
          tpu.vector_store %arg10[%swap3A_235, %swap3A_236], %swap3A_239 {strides = array<i32>} : memref<128x128xf32, #tpu.memory_space<vmem>>, vector<1x16xf32>,
          %get3A_240 = arith.index_cast %add3A_184 : i32 to index
          %get3A_241 = arith.constant 80 : index
          %get3A_242 = tpu.vector_load %arg10[%get3A_240, %get3A_241] {strides = array<i32>} : memref<128x128xf32, #tpu.memory_space<vmem>>, vector<1x16xf32>,
          %get3A_243 = vector.shape_cast %get3A_242 : vector<1x16xf32> to vector<16xf32>
          %mul3A_244 = vector.broadcast %squeeze3A_180 : f32 to vector<16xf32>
          %mul3A_245 = arith.mulf %get3A_243, %mul3A_244 : vector<16xf32>
          %swap3A_246 = arith.index_cast %add3A_184 : i32 to index
          %swap3A_247 = arith.constant 80 : index
          %swap3A_248 = tpu.vector_load %arg10[%swap3A_246, %swap3A_247] {strides = array<i32>} : memref<128x128xf32, #tpu.memory_space<vmem>>, vector<1x16xf32>,
          %swap3A_249 = vector.shape_cast %swap3A_248 : vector<1x16xf32> to vector<16xf32>
          %swap3A_250 = vector.shape_cast %mul3A_245 : vector<16xf32> to vector<1x16xf32>
          tpu.vector_store %arg10[%swap3A_246, %swap3A_247], %swap3A_250 {strides = array<i32>} : memref<128x128xf32, #tpu.memory_space<vmem>>, vector<1x16xf32>,
          %get3A_251 = arith.index_cast %add3A_184 : i32 to index
          %get3A_252 = arith.constant 96 : index
          %get3A_253 = tpu.vector_load %arg10[%get3A_251, %get3A_252] {strides = array<i32>} : memref<128x128xf32, #tpu.memory_space<vmem>>, vector<1x16xf32>,
          %get3A_254 = vector.shape_cast %get3A_253 : vector<1x16xf32> to vector<16xf32>
          %mul3A_255 = vector.broadcast %squeeze3A_180 : f32 to vector<16xf32>
          %mul3A_256 = arith.mulf %get3A_254, %mul3A_255 : vector<16xf32>
          %swap3A_257 = arith.index_cast %add3A_184 : i32 to index
          %swap3A_258 = arith.constant 96 : index
          %swap3A_259 = tpu.vector_load %arg10[%swap3A_257, %swap3A_258] {strides = array<i32>} : memref<128x128xf32, #tpu.memory_space<vmem>>, vector<1x16xf32>,
          %swap3A_260 = vector.shape_cast %swap3A_259 : vector<1x16xf32> to vector<16xf32>
          %swap3A_261 = vector.shape_cast %mul3A_256 : vector<16xf32> to vector<1x16xf32>
          tpu.vector_store %arg10[%swap3A_257, %swap3A_258], %swap3A_261 {strides = array<i32>} : memref<128x128xf32, #tpu.memory_space<vmem>>, vector<1x16xf32>,
          %get3A_262 = arith.index_cast %add3A_184 : i32 to index
          %get3A_263 = arith.constant 112 : index
          %get3A_264 = tpu.vector_load %arg10[%get3A_262, %get3A_263] {strides = array<i32>} : memref<128x128xf32, #tpu.memory_space<vmem>>, vector<1x16xf32>,
          %get3A_265 = vector.shape_cast %get3A_264 : vector<1x16xf32> to vector<16xf32>
          %mul3A_266 = vector.broadcast %squeeze3A_180 : f32 to vector<16xf32>
          %mul3A_267 = arith.mulf %get3A_265, %mul3A_266 : vector<16xf32>
          %swap3A_268 = arith.index_cast %add3A_184 : i32 to index
          %swap3A_269 = arith.constant 112 : index
          %swap3A_270 = tpu.vector_load %arg10[%swap3A_268, %swap3A_269] {strides = array<i32>} : memref<128x128xf32, #tpu.memory_space<vmem>>, vector<1x16xf32>,
          %swap3A_271 = vector.shape_cast %swap3A_270 : vector<1x16xf32> to vector<16xf32>
          %swap3A_272 = vector.shape_cast %mul3A_267 : vector<16xf32> to vector<1x16xf32>
          tpu.vector_store %arg10[%swap3A_268, %swap3A_269], %swap3A_272 {strides = array<i32>} : memref<128x128xf32, #tpu.memory_space<vmem>>, vector<1x16xf32>,
          %slice3A_273 = vector.extract_strided_slice %get3A_87 {offsets = [2], sizes = [1], strides = [1]} : vector<16xf32> to vector<1xf32>
          %squeeze3A_274 = vector.extract %slice3A_273[0] : f32 from vector<1xf32>
          %mul3A_275 = arith.constant 16 : i32
          %mul3A_276 = arith.muli %scan3A_82, %mul3A_275 : i32
          %add3A_277 = arith.constant 2 : i32
          %add3A_278 = arith.addi %mul3A_276, %add3A_277 : i32
          %get3A_279 = arith.index_cast %add3A_278 : i32 to index
          %get3A_280 = arith.constant 0 : index
          %get3A_281 = tpu.vector_load %arg10[%get3A_279, %get3A_280] {strides = array<i32>} : memref<128x128xf32, #tpu.memory_space<vmem>>, vector<1x16xf32>,
          %get3A_282 = vector.shape_cast %get3A_281 : vector<1x16xf32> to vector<16xf32>
          %mul3A_283 = vector.broadcast %squeeze3A_274 : f32 to vector<16xf32>
          %mul3A_284 = arith.mulf %get3A_282, %mul3A_283 : vector<16xf32>
          %swap3A_285 = arith.index_cast %add3A_278 : i32 to index
          %swap3A_286 = arith.constant 0 : index
          %swap3A_287 = tpu.vector_load %arg10[%swap3A_285, %swap3A_286] {strides = array<i32>} : memref<128x128xf32, #tpu.memory_space<vmem>>, vector<1x16xf32>,
          %swap3A_288 = vector.shape_cast %swap3A_287 : vector<1x16xf32> to vector<16xf32>
          %swap3A_289 = vector.shape_cast %mul3A_284 : vector<16xf32> to vector<1x16xf32>
          tpu.vector_store %arg10[%swap3A_285, %swap3A_286], %swap3A_289 {strides = array<i32>} : memref<128x128xf32, #tpu.memory_space<vmem>>, vector<1x16xf32>,
          %get3A_290 = arith.index_cast %add3A_278 : i32 to index
          %get3A_291 = arith.constant 16 : index
          %get3A_292 = tpu.vector_load %arg10[%get3A_290, %get3A_291] {strides = array<i32>} : memref<128x128xf32, #tpu.memory_space<vmem>>, vector<1x16xf32>,
          %get3A_293 = vector.shape_cast %get3A_292 : vector<1x16xf32> to vector<16xf32>
          %mul3A_294 = vector.broadcast %squeeze3A_274 : f32 to vector<16xf32>
          %mul3A_295 = arith.mulf %get3A_293, %mul3A_294 : vector<16xf32>
          %swap3A_296 = arith.index_cast %add3A_278 : i32 to index
          %swap3A_297 = arith.constant 16 : index
          %swap3A_298 = tpu.vector_load %arg10[%swap3A_296, %swap3A_297] {strides = array<i32>} : memref<128x128xf32, #tpu.memory_space<vmem>>, vector<1x16xf32>,
          %swap3A_299 = vector.shape_cast %swap3A_298 : vector<1x16xf32> to vector<16xf32>
          %swap3A_300 = vector.shape_cast %mul3A_295 : vector<16xf32> to vector<1x16xf32>
          tpu.vector_store %arg10[%swap3A_296, %swap3A_297], %swap3A_300 {strides = array<i32>} : memref<128x128xf32, #tpu.memory_space<vmem>>, vector<1x16xf32>,
          %get3A_301 = arith.index_cast %add3A_278 : i32 to index
          %get3A_302 = arith.constant 32 : index
          %get3A_303 = tpu.vector_load %arg10[%get3A_301, %get3A_302] {strides = array<i32>} : memref<128x128xf32, #tpu.memory_space<vmem>>, vector<1x16xf32>,
          %get3A_304 = vector.shape_cast %get3A_303 : vector<1x16xf32> to vector<16xf32>
          %mul3A_305 = vector.broadcast %squeeze3A_274 : f32 to vector<16xf32>
          %mul3A_306 = arith.mulf %get3A_304, %mul3A_305 : vector<16xf32>
          %swap3A_307 = arith.index_cast %add3A_278 : i32 to index
          %swap3A_308 = arith.constant 32 : index
          %swap3A_309 = tpu.vector_load %arg10[%swap3A_307, %swap3A_308] {strides = array<i32>} : memref<128x128xf32, #tpu.memory_space<vmem>>, vector<1x16xf32>,
          %swap3A_310 = vector.shape_cast %swap3A_309 : vector<1x16xf32> to vector<16xf32>
          %swap3A_311 = vector.shape_cast %mul3A_306 : vector<16xf32> to vector<1x16xf32>
          tpu.vector_store %arg10[%swap3A_307, %swap3A_308], %swap3A_311 {strides = array<i32>} : memref<128x128xf32, #tpu.memory_space<vmem>>, vector<1x16xf32>,
          %get3A_312 = arith.index_cast %add3A_278 : i32 to index
          %get3A_313 = arith.constant 48 : index
          %get3A_314 = tpu.vector_load %arg10[%get3A_312, %get3A_313] {strides = array<i32>} : memref<128x128xf32, #tpu.memory_space<vmem>>, vector<1x16xf32>,
          %get3A_315 = vector.shape_cast %get3A_314 : vector<1x16xf32> to vector<16xf32>
          %mul3A_316 = vector.broadcast %squeeze3A_274 : f32 to vector<16xf32>
          %mul3A_317 = arith.mulf %get3A_315, %mul3A_316 : vector<16xf32>
          %swap3A_318 = arith.index_cast %add3A_278 : i32 to index
          %swap3A_319 = arith.constant 48 : index
          %swap3A_320 = tpu.vector_load %arg10[%swap3A_318, %swap3A_319] {strides = array<i32>} : memref<128x128xf32, #tpu.memory_space<vmem>>, vector<1x16xf32>,
          %swap3A_321 = vector.shape_cast %swap3A_320 : vector<1x16xf32> to vector<16xf32>
          %swap3A_322 = vector.shape_cast %mul3A_317 : vector<16xf32> to vector<1x16xf32>
          tpu.vector_store %arg10[%swap3A_318, %swap3A_319], %swap3A_322 {strides = array<i32>} : memref<128x128xf32, #tpu.memory_space<vmem>>, vector<1x16xf32>,
          %get3A_323 = arith.index_cast %add3A_278 : i32 to index
          %get3A_324 = arith.constant 64 : index
          %get3A_325 = tpu.vector_load %arg10[%get3A_323, %get3A_324] {strides = array<i32>} : memref<128x128xf32, #tpu.memory_space<vmem>>, vector<1x16xf32>,
          %get3A_326 = vector.shape_cast %get3A_325 : vector<1x16xf32> to vector<16xf32>
          %mul3A_327 = vector.broadcast %squeeze3A_274 : f32 to vector<16xf32>
          %mul3A_328 = arith.mulf %get3A_326, %mul3A_327 : vector<16xf32>
          %swap3A_329 = arith.index_cast %add3A_278 : i32 to index
          %swap3A_330 = arith.constant 64 : index
          %swap3A_331 = tpu.vector_load %arg10[%swap3A_329, %swap3A_330] {strides = array<i32>} : memref<128x128xf32, #tpu.memory_space<vmem>>, vector<1x16xf32>,
          %swap3A_332 = vector.shape_cast %swap3A_331 : vector<1x16xf32> to vector<16xf32>
          %swap3A_333 = vector.shape_cast %mul3A_328 : vector<16xf32> to vector<1x16xf32>
          tpu.vector_store %arg10[%swap3A_329, %swap3A_330], %swap3A_333 {strides = array<i32>} : memref<128x128xf32, #tpu.memory_space<vmem>>, vector<1x16xf32>,
          %get3A_334 = arith.index_cast %add3A_278 : i32 to index
          %get3A_335 = arith.constant 80 : index
          %get3A_336 = tpu.vector_load %arg10[%get3A_334, %get3A_335] {strides = array<i32>} : memref<128x128xf32, #tpu.memory_space<vmem>>, vector<1x16xf32>,
          %get3A_337 = vector.shape_cast %get3A_336 : vector<1x16xf32> to vector<16xf32>
          %mul3A_338 = vector.broadcast %squeeze3A_274 : f32 to vector<16xf32>
          %mul3A_339 = arith.mulf %get3A_337, %mul3A_338 : vector<16xf32>
          %swap3A_340 = arith.index_cast %add3A_278 : i32 to index
          %swap3A_341 = arith.constant 80 : index
          %swap3A_342 = tpu.vector_load %arg10[%swap3A_340, %swap3A_341] {strides = array<i32>} : memref<128x128xf32, #tpu.memory_space<vmem>>, vector<1x16xf32>,
          %swap3A_343 = vector.shape_cast %swap3A_342 : vector<1x16xf32> to vector<16xf32>
          %swap3A_344 = vector.shape_cast %mul3A_339 : vector<16xf32> to vector<1x16xf32>
          tpu.vector_store %arg10[%swap3A_340, %swap3A_341], %swap3A_344 {strides = array<i32>} : memref<128x128xf32, #tpu.memory_space<vmem>>, vector<1x16xf32>,
          %get3A_345 = arith.index_cast %add3A_278 : i32 to index
          %get3A_346 = arith.constant 96 : index
          %get3A_347 = tpu.vector_load %arg10[%get3A_345, %get3A_346] {strides = array<i32>} : memref<128x128xf32, #tpu.memory_space<vmem>>, vector<1x16xf32>,
          %get3A_348 = vector.shape_cast %get3A_347 : vector<1x16xf32> to vector<16xf32>
          %mul3A_349 = vector.broadcast %squeeze3A_274 : f32 to vector<16xf32>
          %mul3A_350 = arith.mulf %get3A_348, %mul3A_349 : vector<16xf32>
          %swap3A_351 = arith.index_cast %add3A_278 : i32 to index
          %swap3A_352 = arith.constant 96 : index
          %swap3A_353 = tpu.vector_load %arg10[%swap3A_351, %swap3A_352] {strides = array<i32>} : memref<128x128xf32, #tpu.memory_space<vmem>>, vector<1x16xf32>,
          %swap3A_354 = vector.shape_cast %swap3A_353 : vector<1x16xf32> to vector<16xf32>
          %swap3A_355 = vector.shape_cast %mul3A_350 : vector<16xf32> to vector<1x16xf32>
          tpu.vector_store %arg10[%swap3A_351, %swap3A_352], %swap3A_355 {strides = array<i32>} : memref<128x128xf32, #tpu.memory_space<vmem>>, vector<1x16xf32>,
          %get3A_356 = arith.index_cast %add3A_278 : i32 to index
          %get3A_357 = arith.constant 112 : index
          %get3A_358 = tpu.vector_load %arg10[%get3A_356, %get3A_357] {strides = array<i32>} : memref<128x128xf32, #tpu.memory_space<vmem>>, vector<1x16xf32>,
          %get3A_359 = vector.shape_cast %get3A_358 : vector<1x16xf32> to vector<16xf32>
          %mul3A_360 = vector.broadcast %squeeze3A_274 : f32 to vector<16xf32>
          %mul3A_361 = arith.mulf %get3A_359, %mul3A_360 : vector<16xf32>
          %swap3A_362 = arith.index_cast %add3A_278 : i32 to index
          %swap3A_363 = arith.constant 112 : index
          %swap3A_364 = tpu.vector_load %arg10[%swap3A_362, %swap3A_363] {strides = array<i32>} : memref<128x128xf32, #tpu.memory_space<vmem>>, vector<1x16xf32>,
          %swap3A_365 = vector.shape_cast %swap3A_364 : vector<1x16xf32> to vector<16xf32>
          %swap3A_366 = vector.shape_cast %mul3A_361 : vector<16xf32> to vector<1x16xf32>
          tpu.vector_store %arg10[%swap3A_362, %swap3A_363], %swap3A_366 {strides = array<i32>} : memref<128x128xf32, #tpu.memory_space<vmem>>, vector<1x16xf32>,
          %slice3A_367 = vector.extract_strided_slice %get3A_87 {offsets = [3], sizes = [1], strides = [1]} : vector<16xf32> to vector<1xf32>
          %squeeze3A_368 = vector.extract %slice3A_367[0] : f32 from vector<1xf32>
          %mul3A_369 = arith.constant 16 : i32
          %mul3A_370 = arith.muli %scan3A_82, %mul3A_369 : i32
          %add3A_371 = arith.constant 3 : i32
          %add3A_372 = arith.addi %mul3A_370, %add3A_371 : i32
          %get3A_373 = arith.index_cast %add3A_372 : i32 to index
          %get3A_374 = arith.constant 0 : index
          %get3A_375 = tpu.vector_load %arg10[%get3A_373, %get3A_374] {strides = array<i32>} : memref<128x128xf32, #tpu.memory_space<vmem>>, vector<1x16xf32>,
          %get3A_376 = vector.shape_cast %get3A_375 : vector<1x16xf32> to vector<16xf32>
          %mul3A_377 = vector.broadcast %squeeze3A_368 : f32 to vector<16xf32>
          %mul3A_378 = arith.mulf %get3A_376, %mul3A_377 : vector<16xf32>
          %swap3A_379 = arith.index_cast %add3A_372 : i32 to index
          %swap3A_380 = arith.constant 0 : index
          %swap3A_381 = tpu.vector_load %arg10[%swap3A_379, %swap3A_380] {strides = array<i32>} : memref<128x128xf32, #tpu.memory_space<vmem>>, vector<1x16xf32>,
          %swap3A_382 = vector.shape_cast %swap3A_381 : vector<1x16xf32> to vector<16xf32>
          %swap3A_383 = vector.shape_cast %mul3A_378 : vector<16xf32> to vector<1x16xf32>
          tpu.vector_store %arg10[%swap3A_379, %swap3A_380], %swap3A_383 {strides = array<i32>} : memref<128x128xf32, #tpu.memory_space<vmem>>, vector<1x16xf32>,
          %get3A_384 = arith.index_cast %add3A_372 : i32 to index
          %get3A_385 = arith.constant 16 : index
          %get3A_386 = tpu.vector_load %arg10[%get3A_384, %get3A_385] {strides = array<i32>} : memref<128x128xf32, #tpu.memory_space<vmem>>, vector<1x16xf32>,
          %get3A_387 = vector.shape_cast %get3A_386 : vector<1x16xf32> to vector<16xf32>
          %mul3A_388 = vector.broadcast %squeeze3A_368 : f32 to vector<16xf32>
          %mul3A_389 = arith.mulf %get3A_387, %mul3A_388 : vector<16xf32>
          %swap3A_390 = arith.index_cast %add3A_372 : i32 to index
          %swap3A_391 = arith.constant 16 : index
          %swap3A_392 = tpu.vector_load %arg10[%swap3A_390, %swap3A_391] {strides = array<i32>} : memref<128x128xf32, #tpu.memory_space<vmem>>, vector<1x16xf32>,
          %swap3A_393 = vector.shape_cast %swap3A_392 : vector<1x16xf32> to vector<16xf32>
          %swap3A_394 = vector.shape_cast %mul3A_389 : vector<16xf32> to vector<1x16xf32>
          tpu.vector_store %arg10[%swap3A_390, %swap3A_391], %swap3A_394 {strides = array<i32>} : memref<128x128xf32, #tpu.memory_space<vmem>>, vector<1x16xf32>,
          %get3A_395 = arith.index_cast %add3A_372 : i32 to index
          %get3A_396 = arith.constant 32 : index
          %get3A_397 = tpu.vector_load %arg10[%get3A_395, %get3A_396] {strides = array<i32>} : memref<128x128xf32, #tpu.memory_space<vmem>>, vector<1x16xf32>,
          %get3A_398 = vector.shape_cast %get3A_397 : vector<1x16xf32> to vector<16xf32>
          %mul3A_399 = vector.broadcast %squeeze3A_368 : f32 to vector<16xf32>
          %mul3A_400 = arith.mulf %get3A_398, %mul3A_399 : vector<16xf32>
          %swap3A_401 = arith.index_cast %add3A_372 : i32 to index
          %swap3A_402 = arith.constant 32 : index
          %swap3A_403 = tpu.vector_load %arg10[%swap3A_401, %swap3A_402] {strides = array<i32>} : memref<128x128xf32, #tpu.memory_space<vmem>>, vector<1x16xf32>,
          %swap3A_404 = vector.shape_cast %swap3A_403 : vector<1x16xf32> to vector<16xf32>
          %swap3A_405 = vector.shape_cast %mul3A_400 : vector<16xf32> to vector<1x16xf32>
          tpu.vector_store %arg10[%swap3A_401, %swap3A_402], %swap3A_405 {strides = array<i32>} : memref<128x128xf32, #tpu.memory_space<vmem>>, vector<1x16xf32>,
          %get3A_406 = arith.index_cast %add3A_372 : i32 to index
          %get3A_407 = arith.constant 48 : index
          %get3A_408 = tpu.vector_load %arg10[%get3A_406, %get3A_407] {strides = array<i32>} : memref<128x128xf32, #tpu.memory_space<vmem>>, vector<1x16xf32>,
          %get3A_409 = vector.shape_cast %get3A_408 : vector<1x16xf32> to vector<16xf32>
          %mul3A_410 = vector.broadcast %squeeze3A_368 : f32 to vector<16xf32>
          %mul3A_411 = arith.mulf %get3A_409, %mul3A_410 : vector<16xf32>
          %swap3A_412 = arith.index_cast %add3A_372 : i32 to index
          %swap3A_413 = arith.constant 48 : index
          %swap3A_414 = tpu.vector_load %arg10[%swap3A_412, %swap3A_413] {strides = array<i32>} : memref<128x128xf32, #tpu.memory_space<vmem>>, vector<1x16xf32>,
          %swap3A_415 = vector.shape_cast %swap3A_414 : vector<1x16xf32> to vector<16xf32>
          %swap3A_416 = vector.shape_cast %mul3A_411 : vector<16xf32> to vector<1x16xf32>
          tpu.vector_store %arg10[%swap3A_412, %swap3A_413], %swap3A_416 {strides = array<i32>} : memref<128x128xf32, #tpu.memory_space<vmem>>, vector<1x16xf32>,
          %get3A_417 = arith.index_cast %add3A_372 : i32 to index
          %get3A_418 = arith.constant 64 : index
          %get3A_419 = tpu.vector_load %arg10[%get3A_417, %get3A_418] {strides = array<i32>} : memref<128x128xf32, #tpu.memory_space<vmem>>, vector<1x16xf32>,
          %get3A_420 = vector.shape_cast %get3A_419 : vector<1x16xf32> to vector<16xf32>
          %mul3A_421 = vector.broadcast %squeeze3A_368 : f32 to vector<16xf32>
          %mul3A_422 = arith.mulf %get3A_420, %mul3A_421 : vector<16xf32>
          %swap3A_423 = arith.index_cast %add3A_372 : i32 to index
          %swap3A_424 = arith.constant 64 : index
          %swap3A_425 = tpu.vector_load %arg10[%swap3A_423, %swap3A_424] {strides = array<i32>} : memref<128x128xf32, #tpu.memory_space<vmem>>, vector<1x16xf32>,
          %swap3A_426 = vector.shape_cast %swap3A_425 : vector<1x16xf32> to vector<16xf32>
          %swap3A_427 = vector.shape_cast %mul3A_422 : vector<16xf32> to vector<1x16xf32>
          tpu.vector_store %arg10[%swap3A_423, %swap3A_424], %swap3A_427 {strides = array<i32>} : memref<128x128xf32, #tpu.memory_space<vmem>>, vector<1x16xf32>,
          %get3A_428 = arith.index_cast %add3A_372 : i32 to index
          %get3A_429 = arith.constant 80 : index
          %get3A_430 = tpu.vector_load %arg10[%get3A_428, %get3A_429] {strides = array<i32>} : memref<128x128xf32, #tpu.memory_space<vmem>>, vector<1x16xf32>,
          %get3A_431 = vector.shape_cast %get3A_430 : vector<1x16xf32> to vector<16xf32>
          %mul3A_432 = vector.broadcast %squeeze3A_368 : f32 to vector<16xf32>
          %mul3A_433 = arith.mulf %get3A_431, %mul3A_432 : vector<16xf32>
          %swap3A_434 = arith.index_cast %add3A_372 : i32 to index
          %swap3A_435 = arith.constant 80 : index
          %swap3A_436 = tpu.vector_load %arg10[%swap3A_434, %swap3A_435] {strides = array<i32>} : memref<128x128xf32, #tpu.memory_space<vmem>>, vector<1x16xf32>,
          %swap3A_437 = vector.shape_cast %swap3A_436 : vector<1x16xf32> to vector<16xf32>
          %swap3A_438 = vector.shape_cast %mul3A_433 : vector<16xf32> to vector<1x16xf32>
          tpu.vector_store %arg10[%swap3A_434, %swap3A_435], %swap3A_438 {strides = array<i32>} : memref<128x128xf32, #tpu.memory_space<vmem>>, vector<1x16xf32>,
          %get3A_439 = arith.index_cast %add3A_372 : i32 to index
          %get3A_440 = arith.constant 96 : index
          %get3A_441 = tpu.vector_load %arg10[%get3A_439, %get3A_440] {strides = array<i32>} : memref<128x128xf32, #tpu.memory_space<vmem>>, vector<1x16xf32>,
          %get3A_442 = vector.shape_cast %get3A_441 : vector<1x16xf32> to vector<16xf32>
          %mul3A_443 = vector.broadcast %squeeze3A_368 : f32 to vector<16xf32>
          %mul3A_444 = arith.mulf %get3A_442, %mul3A_443 : vector<16xf32>
          %swap3A_445 = arith.index_cast %add3A_372 : i32 to index
          %swap3A_446 = arith.constant 96 : index
          %swap3A_447 = tpu.vector_load %arg10[%swap3A_445, %swap3A_446] {strides = array<i32>} : memref<128x128xf32, #tpu.memory_space<vmem>>, vector<1x16xf32>,
          %swap3A_448 = vector.shape_cast %swap3A_447 : vector<1x16xf32> to vector<16xf32>
          %swap3A_449 = vector.shape_cast %mul3A_444 : vector<16xf32> to vector<1x16xf32>
          tpu.vector_store %arg10[%swap3A_445, %swap3A_446], %swap3A_449 {strides = array<i32>} : memref<128x128xf32, #tpu.memory_space<vmem>>, vector<1x16xf32>,
          %get3A_450 = arith.index_cast %add3A_372 : i32 to index
          %get3A_451 = arith.constant 112 : index
          %get3A_452 = tpu.vector_load %arg10[%get3A_450, %get3A_451] {strides = array<i32>} : memref<128x128xf32, #tpu.memory_space<vmem>>, vector<1x16xf32>,
          %get3A_453 = vector.shape_cast %get3A_452 : vector<1x16xf32> to vector<16xf32>
          %mul3A_454 = vector.broadcast %squeeze3A_368 : f32 to vector<16xf32>
          %mul3A_455 = arith.mulf %get3A_453, %mul3A_454 : vector<16xf32>
          %swap3A_456 = arith.index_cast %add3A_372 : i32 to index
          %swap3A_457 = arith.constant 112 : index
          %swap3A_458 = tpu.vector_load %arg10[%swap3A_456, %swap3A_457] {strides = array<i32>} : memref<128x128xf32, #tpu.memory_space<vmem>>, vector<1x16xf32>,
          %swap3A_459 = vector.shape_cast %swap3A_458 : vector<1x16xf32> to vector<16xf32>
          %swap3A_460 = vector.shape_cast %mul3A_455 : vector<16xf32> to vector<1x16xf32>
          tpu.vector_store %arg10[%swap3A_456, %swap3A_457], %swap3A_460 {strides = array<i32>} : memref<128x128xf32, #tpu.memory_space<vmem>>, vector<1x16xf32>,
          %slice3A_461 = vector.extract_strided_slice %get3A_87 {offsets = [4], sizes = [1], strides = [1]} : vector<16xf32> to vector<1xf32>
          %squeeze3A_462 = vector.extract %slice3A_461[0] : f32 from vector<1xf32>
          %mul3A_463 = arith.constant 16 : i32
          %mul3A_464 = arith.muli %scan3A_82, %mul3A_463 : i32
          %add3A_465 = arith.constant 4 : i32
          %add3A_466 = arith.addi %mul3A_464, %add3A_465 : i32
          %get3A_467 = arith.index_cast %add3A_466 : i32 to index
          %get3A_468 = arith.constant 0 : index
          %get3A_469 = tpu.vector_load %arg10[%get3A_467, %get3A_468] {strides = array<i32>} : memref<128x128xf32, #tpu.memory_space<vmem>>, vector<1x16xf32>,
          %get3A_470 = vector.shape_cast %get3A_469 : vector<1x16xf32> to vector<16xf32>
          %mul3A_471 = vector.broadcast %squeeze3A_462 : f32 to vector<16xf32>
          %mul3A_472 = arith.mulf %get3A_470, %mul3A_471 : vector<16xf32>
          %swap3A_473 = arith.index_cast %add3A_466 : i32 to index
          %swap3A_474 = arith.constant 0 : index
          %swap3A_475 = tpu.vector_load %arg10[%swap3A_473, %swap3A_474] {strides = array<i32>} : memref<128x128xf32, #tpu.memory_space<vmem>>, vector<1x16xf32>,
          %swap3A_476 = vector.shape_cast %swap3A_475 : vector<1x16xf32> to vector<16xf32>
          %swap3A_477 = vector.shape_cast %mul3A_472 : vector<16xf32> to vector<1x16xf32>
          tpu.vector_store %arg10[%swap3A_473, %swap3A_474], %swap3A_477 {strides = array<i32>} : memref<128x128xf32, #tpu.memory_space<vmem>>, vector<1x16xf32>,
          %get3A_478 = arith.index_cast %add3A_466 : i32 to index
          %get3A_479 = arith.constant 16 : index
          %get3A_480 = tpu.vector_load %arg10[%get3A_478, %get3A_479] {strides = array<i32>} : memref<128x128xf32, #tpu.memory_space<vmem>>, vector<1x16xf32>,
          %get3A_481 = vector.shape_cast %get3A_480 : vector<1x16xf32> to vector<16xf32>
          %mul3A_482 = vector.broadcast %squeeze3A_462 : f32 to vector<16xf32>
          %mul3A_483 = arith.mulf %get3A_481, %mul3A_482 : vector<16xf32>
          %swap3A_484 = arith.index_cast %add3A_466 : i32 to index
          %swap3A_485 = arith.constant 16 : index
          %swap3A_486 = tpu.vector_load %arg10[%swap3A_484, %swap3A_485] {strides = array<i32>} : memref<128x128xf32, #tpu.memory_space<vmem>>, vector<1x16xf32>,
          %swap3A_487 = vector.shape_cast %swap3A_486 : vector<1x16xf32> to vector<16xf32>
          %swap3A_488 = vector.shape_cast %mul3A_483 : vector<16xf32> to vector<1x16xf32>
          tpu.vector_store %arg10[%swap3A_484, %swap3A_485], %swap3A_488 {strides = array<i32>} : memref<128x128xf32, #tpu.memory_space<vmem>>, vector<1x16xf32>,
          %get3A_489 = arith.index_cast %add3A_466 : i32 to index
          %get3A_490 = arith.constant 32 : index
          %get3A_491 = tpu.vector_load %arg10[%get3A_489, %get3A_490] {strides = array<i32>} : memref<128x128xf32, #tpu.memory_space<vmem>>, vector<1x16xf32>,
          %get3A_492 = vector.shape_cast %get3A_491 : vector<1x16xf32> to vector<16xf32>
          %mul3A_493 = vector.broadcast %squeeze3A_462 : f32 to vector<16xf32>
          %mul3A_494 = arith.mulf %get3A_492, %mul3A_493 : vector<16xf32>
          %swap3A_495 = arith.index_cast %add3A_466 : i32 to index
          %swap3A_496 = arith.constant 32 : index
          %swap3A_497 = tpu.vector_load %arg10[%swap3A_495, %swap3A_496] {strides = array<i32>} : memref<128x128xf32, #tpu.memory_space<vmem>>, vector<1x16xf32>,
          %swap3A_498 = vector.shape_cast %swap3A_497 : vector<1x16xf32> to vector<16xf32>
          %swap3A_499 = vector.shape_cast %mul3A_494 : vector<16xf32> to vector<1x16xf32>
          tpu.vector_store %arg10[%swap3A_495, %swap3A_496], %swap3A_499 {strides = array<i32>} : memref<128x128xf32, #tpu.memory_space<vmem>>, vector<1x16xf32>,
          %get3A_500 = arith.index_cast %add3A_466 : i32 to index
          %get3A_501 = arith.constant 48 : index
          %get3A_502 = tpu.vector_load %arg10[%get3A_500, %get3A_501] {strides = array<i32>} : memref<128x128xf32, #tpu.memory_space<vmem>>, vector<1x16xf32>,
          %get3A_503 = vector.shape_cast %get3A_502 : vector<1x16xf32> to vector<16xf32>
          %mul3A_504 = vector.broadcast %squeeze3A_462 : f32 to vector<16xf32>
          %mul3A_505 = arith.mulf %get3A_503, %mul3A_504 : vector<16xf32>
          %swap3A_506 = arith.index_cast %add3A_466 : i32 to index
          %swap3A_507 = arith.constant 48 : index
          %swap3A_508 = tpu.vector_load %arg10[%swap3A_506, %swap3A_507] {strides = array<i32>} : memref<128x128xf32, #tpu.memory_space<vmem>>, vector<1x16xf32>,
          %swap3A_509 = vector.shape_cast %swap3A_508 : vector<1x16xf32> to vector<16xf32>
          %swap3A_510 = vector.shape_cast %mul3A_505 : vector<16xf32> to vector<1x16xf32>
          tpu.vector_store %arg10[%swap3A_506, %swap3A_507], %swap3A_510 {strides = array<i32>} : memref<128x128xf32, #tpu.memory_space<vmem>>, vector<1x16xf32>,
          %get3A_511 = arith.index_cast %add3A_466 : i32 to index
          %get3A_512 = arith.constant 64 : index
          %get3A_513 = tpu.vector_load %arg10[%get3A_511, %get3A_512] {strides = array<i32>} : memref<128x128xf32, #tpu.memory_space<vmem>>, vector<1x16xf32>,
          %get3A_514 = vector.shape_cast %get3A_513 : vector<1x16xf32> to vector<16xf32>
          %mul3A_515 = vector.broadcast %squeeze3A_462 : f32 to vector<16xf32>
          %mul3A_516 = arith.mulf %get3A_514, %mul3A_515 : vector<16xf32>
          %swap3A_517 = arith.index_cast %add3A_466 : i32 to index
          %swap3A_518 = arith.constant 64 : index
          %swap3A_519 = tpu.vector_load %arg10[%swap3A_517, %swap3A_518] {strides = array<i32>} : memref<128x128xf32, #tpu.memory_space<vmem>>, vector<1x16xf32>,
          %swap3A_520 = vector.shape_cast %swap3A_519 : vector<1x16xf32> to vector<16xf32>
          %swap3A_521 = vector.shape_cast %mul3A_516 : vector<16xf32> to vector<1x16xf32>
          tpu.vector_store %arg10[%swap3A_517, %swap3A_518], %swap3A_521 {strides = array<i32>} : memref<128x128xf32, #tpu.memory_space<vmem>>, vector<1x16xf32>,
          %get3A_522 = arith.index_cast %add3A_466 : i32 to index
          %get3A_523 = arith.constant 80 : index
          %get3A_524 = tpu.vector_load %arg10[%get3A_522, %get3A_523] {strides = array<i32>} : memref<128x128xf32, #tpu.memory_space<vmem>>, vector<1x16xf32>,
          %get3A_525 = vector.shape_cast %get3A_524 : vector<1x16xf32> to vector<16xf32>
          %mul3A_526 = vector.broadcast %squeeze3A_462 : f32 to vector<16xf32>
          %mul3A_527 = arith.mulf %get3A_525, %mul3A_526 : vector<16xf32>
          %swap3A_528 = arith.index_cast %add3A_466 : i32 to index
          %swap3A_529 = arith.constant 80 : index
          %swap3A_530 = tpu.vector_load %arg10[%swap3A_528, %swap3A_529] {strides = array<i32>} : memref<128x128xf32, #tpu.memory_space<vmem>>, vector<1x16xf32>,
          %swap3A_531 = vector.shape_cast %swap3A_530 : vector<1x16xf32> to vector<16xf32>
          %swap3A_532 = vector.shape_cast %mul3A_527 : vector<16xf32> to vector<1x16xf32>
          tpu.vector_store %arg10[%swap3A_528, %swap3A_529], %swap3A_532 {strides = array<i32>} : memref<128x128xf32, #tpu.memory_space<vmem>>, vector<1x16xf32>,
          %get3A_533 = arith.index_cast %add3A_466 : i32 to index
          %get3A_534 = arith.constant 96 : index
          %get3A_535 = tpu.vector_load %arg10[%get3A_533, %get3A_534] {strides = array<i32>} : memref<128x128xf32, #tpu.memory_space<vmem>>, vector<1x16xf32>,
          %get3A_536 = vector.shape_cast %get3A_535 : vector<1x16xf32> to vector<16xf32>
          %mul3A_537 = vector.broadcast %squeeze3A_462 : f32 to vector<16xf32>
          %mul3A_538 = arith.mulf %get3A_536, %mul3A_537 : vector<16xf32>
          %swap3A_539 = arith.index_cast %add3A_466 : i32 to index
          %swap3A_540 = arith.constant 96 : index
          %swap3A_541 = tpu.vector_load %arg10[%swap3A_539, %swap3A_540] {strides = array<i32>} : memref<128x128xf32, #tpu.memory_space<vmem>>, vector<1x16xf32>,
          %swap3A_542 = vector.shape_cast %swap3A_541 : vector<1x16xf32> to vector<16xf32>
          %swap3A_543 = vector.shape_cast %mul3A_538 : vector<16xf32> to vector<1x16xf32>
          tpu.vector_store %arg10[%swap3A_539, %swap3A_540], %swap3A_543 {strides = array<i32>} : memref<128x128xf32, #tpu.memory_space<vmem>>, vector<1x16xf32>,
          %get3A_544 = arith.index_cast %add3A_466 : i32 to index
          %get3A_545 = arith.constant 112 : index
          %get3A_546 = tpu.vector_load %arg10[%get3A_544, %get3A_545] {strides = array<i32>} : memref<128x128xf32, #tpu.memory_space<vmem>>, vector<1x16xf32>,
          %get3A_547 = vector.shape_cast %get3A_546 : vector<1x16xf32> to vector<16xf32>
          %mul3A_548 = vector.broadcast %squeeze3A_462 : f32 to vector<16xf32>
          %mul3A_549 = arith.mulf %get3A_547, %mul3A_548 : vector<16xf32>
          %swap3A_550 = arith.index_cast %add3A_466 : i32 to index
          %swap3A_551 = arith.constant 112 : index
          %swap3A_552 = tpu.vector_load %arg10[%swap3A_550, %swap3A_551] {strides = array<i32>} : memref<128x128xf32, #tpu.memory_space<vmem>>, vector<1x16xf32>,
          %swap3A_553 = vector.shape_cast %swap3A_552 : vector<1x16xf32> to vector<16xf32>
          %swap3A_554 = vector.shape_cast %mul3A_549 : vector<16xf32> to vector<1x16xf32>
          tpu.vector_store %arg10[%swap3A_550, %swap3A_551], %swap3A_554 {strides = array<i32>} : memref<128x128xf32, #tpu.memory_space<vmem>>, vector<1x16xf32>,
          %slice3A_555 = vector.extract_strided_slice %get3A_87 {offsets = [5], sizes = [1], strides = [1]} : vector<16xf32> to vector<1xf32>
          %squeeze3A_556 = vector.extract %slice3A_555[0] : f32 from vector<1xf32>
          %mul3A_557 = arith.constant 16 : i32
          %mul3A_558 = arith.muli %scan3A_82, %mul3A_557 : i32
          %add3A_559 = arith.constant 5 : i32
          %add3A_560 = arith.addi %mul3A_558, %add3A_559 : i32
          %get3A_561 = arith.index_cast %add3A_560 : i32 to index
          %get3A_562 = arith.constant 0 : index
          %get3A_563 = tpu.vector_load %arg10[%get3A_561, %get3A_562] {strides = array<i32>} : memref<128x128xf32, #tpu.memory_space<vmem>>, vector<1x16xf32>,
          %get3A_564 = vector.shape_cast %get3A_563 : vector<1x16xf32> to vector<16xf32>
          %mul3A_565 = vector.broadcast %squeeze3A_556 : f32 to vector<16xf32>
          %mul3A_566 = arith.mulf %get3A_564, %mul3A_565 : vector<16xf32>
          %swap3A_567 = arith.index_cast %add3A_560 : i32 to index
          %swap3A_568 = arith.constant 0 : index
          %swap3A_569 = tpu.vector_load %arg10[%swap3A_567, %swap3A_568] {strides = array<i32>} : memref<128x128xf32, #tpu.memory_space<vmem>>, vector<1x16xf32>,
          %swap3A_570 = vector.shape_cast %swap3A_569 : vector<1x16xf32> to vector<16xf32>
          %swap3A_571 = vector.shape_cast %mul3A_566 : vector<16xf32> to vector<1x16xf32>
          tpu.vector_store %arg10[%swap3A_567, %swap3A_568], %swap3A_571 {strides = array<i32>} : memref<128x128xf32, #tpu.memory_space<vmem>>, vector<1x16xf32>,
          %get3A_572 = arith.index_cast %add3A_560 : i32 to index
          %get3A_573 = arith.constant 16 : index
          %get3A_574 = tpu.vector_load %arg10[%get3A_572, %get3A_573] {strides = array<i32>} : memref<128x128xf32, #tpu.memory_space<vmem>>, vector<1x16xf32>,
          %get3A_575 = vector.shape_cast %get3A_574 : vector<1x16xf32> to vector<16xf32>
          %mul3A_576 = vector.broadcast %squeeze3A_556 : f32 to vector<16xf32>
          %mul3A_577 = arith.mulf %get3A_575, %mul3A_576 : vector<16xf32>
          %swap3A_578 = arith.index_cast %add3A_560 : i32 to index
          %swap3A_579 = arith.constant 16 : index
          %swap3A_580 = tpu.vector_load %arg10[%swap3A_578, %swap3A_579] {strides = array<i32>} : memref<128x128xf32, #tpu.memory_space<vmem>>, vector<1x16xf32>,
          %swap3A_581 = vector.shape_cast %swap3A_580 : vector<1x16xf32> to vector<16xf32>
          %swap3A_582 = vector.shape_cast %mul3A_577 : vector<16xf32> to vector<1x16xf32>
          tpu.vector_store %arg10[%swap3A_578, %swap3A_579], %swap3A_582 {strides = array<i32>} : memref<128x128xf32, #tpu.memory_space<vmem>>, vector<1x16xf32>,
          %get3A_583 = arith.index_cast %add3A_560 : i32 to index
          %get3A_584 = arith.constant 32 : index
          %get3A_585 = tpu.vector_load %arg10[%get3A_583, %get3A_584] {strides = array<i32>} : memref<128x128xf32, #tpu.memory_space<vmem>>, vector<1x16xf32>,
          %get3A_586 = vector.shape_cast %get3A_585 : vector<1x16xf32> to vector<16xf32>
          %mul3A_587 = vector.broadcast %squeeze3A_556 : f32 to vector<16xf32>
          %mul3A_588 = arith.mulf %get3A_586, %mul3A_587 : vector<16xf32>
          %swap3A_589 = arith.index_cast %add3A_560 : i32 to index
          %swap3A_590 = arith.constant 32 : index
          %swap3A_591 = tpu.vector_load %arg10[%swap3A_589, %swap3A_590] {strides = array<i32>} : memref<128x128xf32, #tpu.memory_space<vmem>>, vector<1x16xf32>,
          %swap3A_592 = vector.shape_cast %swap3A_591 : vector<1x16xf32> to vector<16xf32>
          %swap3A_593 = vector.shape_cast %mul3A_588 : vector<16xf32> to vector<1x16xf32>
          tpu.vector_store %arg10[%swap3A_589, %swap3A_590], %swap3A_593 {strides = array<i32>} : memref<128x128xf32, #tpu.memory_space<vmem>>, vector<1x16xf32>,
          %get3A_594 = arith.index_cast %add3A_560 : i32 to index
          %get3A_595 = arith.constant 48 : index
          %get3A_596 = tpu.vector_load %arg10[%get3A_594, %get3A_595] {strides = array<i32>} : memref<128x128xf32, #tpu.memory_space<vmem>>, vector<1x16xf32>,
          %get3A_597 = vector.shape_cast %get3A_596 : vector<1x16xf32> to vector<16xf32>
          %mul3A_598 = vector.broadcast %squeeze3A_556 : f32 to vector<16xf32>
          %mul3A_599 = arith.mulf %get3A_597, %mul3A_598 : vector<16xf32>
          %swap3A_600 = arith.index_cast %add3A_560 : i32 to index
          %swap3A_601 = arith.constant 48 : index
          %swap3A_602 = tpu.vector_load %arg10[%swap3A_600, %swap3A_601] {strides = array<i32>} : memref<128x128xf32, #tpu.memory_space<vmem>>, vector<1x16xf32>,
          %swap3A_603 = vector.shape_cast %swap3A_602 : vector<1x16xf32> to vector<16xf32>
          %swap3A_604 = vector.shape_cast %mul3A_599 : vector<16xf32> to vector<1x16xf32>
          tpu.vector_store %arg10[%swap3A_600, %swap3A_601], %swap3A_604 {strides = array<i32>} : memref<128x128xf32, #tpu.memory_space<vmem>>, vector<1x16xf32>,
          %get3A_605 = arith.index_cast %add3A_560 : i32 to index
          %get3A_606 = arith.constant 64 : index
          %get3A_607 = tpu.vector_load %arg10[%get3A_605, %get3A_606] {strides = array<i32>} : memref<128x128xf32, #tpu.memory_space<vmem>>, vector<1x16xf32>,
          %get3A_608 = vector.shape_cast %get3A_607 : vector<1x16xf32> to vector<16xf32>
          %mul3A_609 = vector.broadcast %squeeze3A_556 : f32 to vector<16xf32>
          %mul3A_610 = arith.mulf %get3A_608, %mul3A_609 : vector<16xf32>
          %swap3A_611 = arith.index_cast %add3A_560 : i32 to index
          %swap3A_612 = arith.constant 64 : index
          %swap3A_613 = tpu.vector_load %arg10[%swap3A_611, %swap3A_612] {strides = array<i32>} : memref<128x128xf32, #tpu.memory_space<vmem>>, vector<1x16xf32>,
          %swap3A_614 = vector.shape_cast %swap3A_613 : vector<1x16xf32> to vector<16xf32>
          %swap3A_615 = vector.shape_cast %mul3A_610 : vector<16xf32> to vector<1x16xf32>
          tpu.vector_store %arg10[%swap3A_611, %swap3A_612], %swap3A_615 {strides = array<i32>} : memref<128x128xf32, #tpu.memory_space<vmem>>, vector<1x16xf32>,
          %get3A_616 = arith.index_cast %add3A_560 : i32 to index
          %get3A_617 = arith.constant 80 : index
          %get3A_618 = tpu.vector_load %arg10[%get3A_616, %get3A_617] {strides = array<i32>} : memref<128x128xf32, #tpu.memory_space<vmem>>, vector<1x16xf32>,
          %get3A_619 = vector.shape_cast %get3A_618 : vector<1x16xf32> to vector<16xf32>
          %mul3A_620 = vector.broadcast %squeeze3A_556 : f32 to vector<16xf32>
          %mul3A_621 = arith.mulf %get3A_619, %mul3A_620 : vector<16xf32>
          %swap3A_622 = arith.index_cast %add3A_560 : i32 to index
          %swap3A_623 = arith.constant 80 : index
          %swap3A_624 = tpu.vector_load %arg10[%swap3A_622, %swap3A_623] {strides = array<i32>} : memref<128x128xf32, #tpu.memory_space<vmem>>, vector<1x16xf32>,
          %swap3A_625 = vector.shape_cast %swap3A_624 : vector<1x16xf32> to vector<16xf32>
          %swap3A_626 = vector.shape_cast %mul3A_621 : vector<16xf32> to vector<1x16xf32>
          tpu.vector_store %arg10[%swap3A_622, %swap3A_623], %swap3A_626 {strides = array<i32>} : memref<128x128xf32, #tpu.memory_space<vmem>>, vector<1x16xf32>,
          %get3A_627 = arith.index_cast %add3A_560 : i32 to index
          %get3A_628 = arith.constant 96 : index
          %get3A_629 = tpu.vector_load %arg10[%get3A_627, %get3A_628] {strides = array<i32>} : memref<128x128xf32, #tpu.memory_space<vmem>>, vector<1x16xf32>,
          %get3A_630 = vector.shape_cast %get3A_629 : vector<1x16xf32> to vector<16xf32>
          %mul3A_631 = vector.broadcast %squeeze3A_556 : f32 to vector<16xf32>
          %mul3A_632 = arith.mulf %get3A_630, %mul3A_631 : vector<16xf32>
          %swap3A_633 = arith.index_cast %add3A_560 : i32 to index
          %swap3A_634 = arith.constant 96 : index
          %swap3A_635 = tpu.vector_load %arg10[%swap3A_633, %swap3A_634] {strides = array<i32>} : memref<128x128xf32, #tpu.memory_space<vmem>>, vector<1x16xf32>,
          %swap3A_636 = vector.shape_cast %swap3A_635 : vector<1x16xf32> to vector<16xf32>
          %swap3A_637 = vector.shape_cast %mul3A_632 : vector<16xf32> to vector<1x16xf32>
          tpu.vector_store %arg10[%swap3A_633, %swap3A_634], %swap3A_637 {strides = array<i32>} : memref<128x128xf32, #tpu.memory_space<vmem>>, vector<1x16xf32>,
          %get3A_638 = arith.index_cast %add3A_560 : i32 to index
          %get3A_639 = arith.constant 112 : index
          %get3A_640 = tpu.vector_load %arg10[%get3A_638, %get3A_639] {strides = array<i32>} : memref<128x128xf32, #tpu.memory_space<vmem>>, vector<1x16xf32>,
          %get3A_641 = vector.shape_cast %get3A_640 : vector<1x16xf32> to vector<16xf32>
          %mul3A_642 = vector.broadcast %squeeze3A_556 : f32 to vector<16xf32>
          %mul3A_643 = arith.mulf %get3A_641, %mul3A_642 : vector<16xf32>
          %swap3A_644 = arith.index_cast %add3A_560 : i32 to index
          %swap3A_645 = arith.constant 112 : index
          %swap3A_646 = tpu.vector_load %arg10[%swap3A_644, %swap3A_645] {strides = array<i32>} : memref<128x128xf32, #tpu.memory_space<vmem>>, vector<1x16xf32>,
          %swap3A_647 = vector.shape_cast %swap3A_646 : vector<1x16xf32> to vector<16xf32>
          %swap3A_648 = vector.shape_cast %mul3A_643 : vector<16xf32> to vector<1x16xf32>
          tpu.vector_store %arg10[%swap3A_644, %swap3A_645], %swap3A_648 {strides = array<i32>} : memref<128x128xf32, #tpu.memory_space<vmem>>, vector<1x16xf32>,
          %slice3A_649 = vector.extract_strided_slice %get3A_87 {offsets = [6], sizes = [1], strides = [1]} : vector<16xf32> to vector<1xf32>
          %squeeze3A_650 = vector.extract %slice3A_649[0] : f32 from vector<1xf32>
          %mul3A_651 = arith.constant 16 : i32
          %mul3A_652 = arith.muli %scan3A_82, %mul3A_651 : i32
          %add3A_653 = arith.constant 6 : i32
          %add3A_654 = arith.addi %mul3A_652, %add3A_653 : i32
          %get3A_655 = arith.index_cast %add3A_654 : i32 to index
          %get3A_656 = arith.constant 0 : index
          %get3A_657 = tpu.vector_load %arg10[%get3A_655, %get3A_656] {strides = array<i32>} : memref<128x128xf32, #tpu.memory_space<vmem>>, vector<1x16xf32>,
          %get3A_658 = vector.shape_cast %get3A_657 : vector<1x16xf32> to vector<16xf32>
          %mul3A_659 = vector.broadcast %squeeze3A_650 : f32 to vector<16xf32>
          %mul3A_660 = arith.mulf %get3A_658, %mul3A_659 : vector<16xf32>
          %swap3A_661 = arith.index_cast %add3A_654 : i32 to index
          %swap3A_662 = arith.constant 0 : index
          %swap3A_663 = tpu.vector_load %arg10[%swap3A_661, %swap3A_662] {strides = array<i32>} : memref<128x128xf32, #tpu.memory_space<vmem>>, vector<1x16xf32>,
          %swap3A_664 = vector.shape_cast %swap3A_663 : vector<1x16xf32> to vector<16xf32>
          %swap3A_665 = vector.shape_cast %mul3A_660 : vector<16xf32> to vector<1x16xf32>
          tpu.vector_store %arg10[%swap3A_661, %swap3A_662], %swap3A_665 {strides = array<i32>} : memref<128x128xf32, #tpu.memory_space<vmem>>, vector<1x16xf32>,
          %get3A_666 = arith.index_cast %add3A_654 : i32 to index
          %get3A_667 = arith.constant 16 : index
          %get3A_668 = tpu.vector_load %arg10[%get3A_666, %get3A_667] {strides = array<i32>} : memref<128x128xf32, #tpu.memory_space<vmem>>, vector<1x16xf32>,
          %get3A_669 = vector.shape_cast %get3A_668 : vector<1x16xf32> to vector<16xf32>
          %mul3A_670 = vector.broadcast %squeeze3A_650 : f32 to vector<16xf32>
          %mul3A_671 = arith.mulf %get3A_669, %mul3A_670 : vector<16xf32>
          %swap3A_672 = arith.index_cast %add3A_654 : i32 to index
          %swap3A_673 = arith.constant 16 : index
          %swap3A_674 = tpu.vector_load %arg10[%swap3A_672, %swap3A_673] {strides = array<i32>} : memref<128x128xf32, #tpu.memory_space<vmem>>, vector<1x16xf32>,
          %swap3A_675 = vector.shape_cast %swap3A_674 : vector<1x16xf32> to vector<16xf32>
          %swap3A_676 = vector.shape_cast %mul3A_671 : vector<16xf32> to vector<1x16xf32>
          tpu.vector_store %arg10[%swap3A_672, %swap3A_673], %swap3A_676 {strides = array<i32>} : memref<128x128xf32, #tpu.memory_space<vmem>>, vector<1x16xf32>,
          %get3A_677 = arith.index_cast %add3A_654 : i32 to index
          %get3A_678 = arith.constant 32 : index
          %get3A_679 = tpu.vector_load %arg10[%get3A_677, %get3A_678] {strides = array<i32>} : memref<128x128xf32, #tpu.memory_space<vmem>>, vector<1x16xf32>,
          %get3A_680 = vector.shape_cast %get3A_679 : vector<1x16xf32> to vector<16xf32>
          %mul3A_681 = vector.broadcast %squeeze3A_650 : f32 to vector<16xf32>
          %mul3A_682 = arith.mulf %get3A_680, %mul3A_681 : vector<16xf32>
          %swap3A_683 = arith.index_cast %add3A_654 : i32 to index
          %swap3A_684 = arith.constant 32 : index
          %swap3A_685 = tpu.vector_load %arg10[%swap3A_683, %swap3A_684] {strides = array<i32>} : memref<128x128xf32, #tpu.memory_space<vmem>>, vector<1x16xf32>,
          %swap3A_686 = vector.shape_cast %swap3A_685 : vector<1x16xf32> to vector<16xf32>
          %swap3A_687 = vector.shape_cast %mul3A_682 : vector<16xf32> to vector<1x16xf32>
          tpu.vector_store %arg10[%swap3A_683, %swap3A_684], %swap3A_687 {strides = array<i32>} : memref<128x128xf32, #tpu.memory_space<vmem>>, vector<1x16xf32>,
          %get3A_688 = arith.index_cast %add3A_654 : i32 to index
          %get3A_689 = arith.constant 48 : index
          %get3A_690 = tpu.vector_load %arg10[%get3A_688, %get3A_689] {strides = array<i32>} : memref<128x128xf32, #tpu.memory_space<vmem>>, vector<1x16xf32>,
          %get3A_691 = vector.shape_cast %get3A_690 : vector<1x16xf32> to vector<16xf32>
          %mul3A_692 = vector.broadcast %squeeze3A_650 : f32 to vector<16xf32>
          %mul3A_693 = arith.mulf %get3A_691, %mul3A_692 : vector<16xf32>
          %swap3A_694 = arith.index_cast %add3A_654 : i32 to index
          %swap3A_695 = arith.constant 48 : index
          %swap3A_696 = tpu.vector_load %arg10[%swap3A_694, %swap3A_695] {strides = array<i32>} : memref<128x128xf32, #tpu.memory_space<vmem>>, vector<1x16xf32>,
          %swap3A_697 = vector.shape_cast %swap3A_696 : vector<1x16xf32> to vector<16xf32>
          %swap3A_698 = vector.shape_cast %mul3A_693 : vector<16xf32> to vector<1x16xf32>
          tpu.vector_store %arg10[%swap3A_694, %swap3A_695], %swap3A_698 {strides = array<i32>} : memref<128x128xf32, #tpu.memory_space<vmem>>, vector<1x16xf32>,
          %get3A_699 = arith.index_cast %add3A_654 : i32 to index
          %get3A_700 = arith.constant 64 : index
          %get3A_701 = tpu.vector_load %arg10[%get3A_699, %get3A_700] {strides = array<i32>} : memref<128x128xf32, #tpu.memory_space<vmem>>, vector<1x16xf32>,
          %get3A_702 = vector.shape_cast %get3A_701 : vector<1x16xf32> to vector<16xf32>
          %mul3A_703 = vector.broadcast %squeeze3A_650 : f32 to vector<16xf32>
          %mul3A_704 = arith.mulf %get3A_702, %mul3A_703 : vector<16xf32>
          %swap3A_705 = arith.index_cast %add3A_654 : i32 to index
          %swap3A_706 = arith.constant 64 : index
          %swap3A_707 = tpu.vector_load %arg10[%swap3A_705, %swap3A_706] {strides = array<i32>} : memref<128x128xf32, #tpu.memory_space<vmem>>, vector<1x16xf32>,
          %swap3A_708 = vector.shape_cast %swap3A_707 : vector<1x16xf32> to vector<16xf32>
          %swap3A_709 = vector.shape_cast %mul3A_704 : vector<16xf32> to vector<1x16xf32>
          tpu.vector_store %arg10[%swap3A_705, %swap3A_706], %swap3A_709 {strides = array<i32>} : memref<128x128xf32, #tpu.memory_space<vmem>>, vector<1x16xf32>,
          %get3A_710 = arith.index_cast %add3A_654 : i32 to index
          %get3A_711 = arith.constant 80 : index
          %get3A_712 = tpu.vector_load %arg10[%get3A_710, %get3A_711] {strides = array<i32>} : memref<128x128xf32, #tpu.memory_space<vmem>>, vector<1x16xf32>,
          %get3A_713 = vector.shape_cast %get3A_712 : vector<1x16xf32> to vector<16xf32>
          %mul3A_714 = vector.broadcast %squeeze3A_650 : f32 to vector<16xf32>
          %mul3A_715 = arith.mulf %get3A_713, %mul3A_714 : vector<16xf32>
          %swap3A_716 = arith.index_cast %add3A_654 : i32 to index
          %swap3A_717 = arith.constant 80 : index
          %swap3A_718 = tpu.vector_load %arg10[%swap3A_716, %swap3A_717] {strides = array<i32>} : memref<128x128xf32, #tpu.memory_space<vmem>>, vector<1x16xf32>,
          %swap3A_719 = vector.shape_cast %swap3A_718 : vector<1x16xf32> to vector<16xf32>
          %swap3A_720 = vector.shape_cast %mul3A_715 : vector<16xf32> to vector<1x16xf32>
          tpu.vector_store %arg10[%swap3A_716, %swap3A_717], %swap3A_720 {strides = array<i32>} : memref<128x128xf32, #tpu.memory_space<vmem>>, vector<1x16xf32>,
          %get3A_721 = arith.index_cast %add3A_654 : i32 to index
          %get3A_722 = arith.constant 96 : index
          %get3A_723 = tpu.vector_load %arg10[%get3A_721, %get3A_722] {strides = array<i32>} : memref<128x128xf32, #tpu.memory_space<vmem>>, vector<1x16xf32>,
          %get3A_724 = vector.shape_cast %get3A_723 : vector<1x16xf32> to vector<16xf32>
          %mul3A_725 = vector.broadcast %squeeze3A_650 : f32 to vector<16xf32>
          %mul3A_726 = arith.mulf %get3A_724, %mul3A_725 : vector<16xf32>
          %swap3A_727 = arith.index_cast %add3A_654 : i32 to index
          %swap3A_728 = arith.constant 96 : index
          %swap3A_729 = tpu.vector_load %arg10[%swap3A_727, %swap3A_728] {strides = array<i32>} : memref<128x128xf32, #tpu.memory_space<vmem>>, vector<1x16xf32>,
          %swap3A_730 = vector.shape_cast %swap3A_729 : vector<1x16xf32> to vector<16xf32>
          %swap3A_731 = vector.shape_cast %mul3A_726 : vector<16xf32> to vector<1x16xf32>
          tpu.vector_store %arg10[%swap3A_727, %swap3A_728], %swap3A_731 {strides = array<i32>} : memref<128x128xf32, #tpu.memory_space<vmem>>, vector<1x16xf32>,
          %get3A_732 = arith.index_cast %add3A_654 : i32 to index
          %get3A_733 = arith.constant 112 : index
          %get3A_734 = tpu.vector_load %arg10[%get3A_732, %get3A_733] {strides = array<i32>} : memref<128x128xf32, #tpu.memory_space<vmem>>, vector<1x16xf32>,
          %get3A_735 = vector.shape_cast %get3A_734 : vector<1x16xf32> to vector<16xf32>
          %mul3A_736 = vector.broadcast %squeeze3A_650 : f32 to vector<16xf32>
          %mul3A_737 = arith.mulf %get3A_735, %mul3A_736 : vector<16xf32>
          %swap3A_738 = arith.index_cast %add3A_654 : i32 to index
          %swap3A_739 = arith.constant 112 : index
          %swap3A_740 = tpu.vector_load %arg10[%swap3A_738, %swap3A_739] {strides = array<i32>} : memref<128x128xf32, #tpu.memory_space<vmem>>, vector<1x16xf32>,
          %swap3A_741 = vector.shape_cast %swap3A_740 : vector<1x16xf32> to vector<16xf32>
          %swap3A_742 = vector.shape_cast %mul3A_737 : vector<16xf32> to vector<1x16xf32>
          tpu.vector_store %arg10[%swap3A_738, %swap3A_739], %swap3A_742 {strides = array<i32>} : memref<128x128xf32, #tpu.memory_space<vmem>>, vector<1x16xf32>,
          %slice3A_743 = vector.extract_strided_slice %get3A_87 {offsets = [7], sizes = [1], strides = [1]} : vector<16xf32> to vector<1xf32>
          %squeeze3A_744 = vector.extract %slice3A_743[0] : f32 from vector<1xf32>
          %mul3A_745 = arith.constant 16 : i32
          %mul3A_746 = arith.muli %scan3A_82, %mul3A_745 : i32
          %add3A_747 = arith.constant 7 : i32
          %add3A_748 = arith.addi %mul3A_746, %add3A_747 : i32
          %get3A_749 = arith.index_cast %add3A_748 : i32 to index
          %get3A_750 = arith.constant 0 : index
          %get3A_751 = tpu.vector_load %arg10[%get3A_749, %get3A_750] {strides = array<i32>} : memref<128x128xf32, #tpu.memory_space<vmem>>, vector<1x16xf32>,
          %get3A_752 = vector.shape_cast %get3A_751 : vector<1x16xf32> to vector<16xf32>
          %mul3A_753 = vector.broadcast %squeeze3A_744 : f32 to vector<16xf32>
          %mul3A_754 = arith.mulf %get3A_752, %mul3A_753 : vector<16xf32>
          %swap3A_755 = arith.index_cast %add3A_748 : i32 to index
          %swap3A_756 = arith.constant 0 : index
          %swap3A_757 = tpu.vector_load %arg10[%swap3A_755, %swap3A_756] {strides = array<i32>} : memref<128x128xf32, #tpu.memory_space<vmem>>, vector<1x16xf32>,
          %swap3A_758 = vector.shape_cast %swap3A_757 : vector<1x16xf32> to vector<16xf32>
          %swap3A_759 = vector.shape_cast %mul3A_754 : vector<16xf32> to vector<1x16xf32>
          tpu.vector_store %arg10[%swap3A_755, %swap3A_756], %swap3A_759 {strides = array<i32>} : memref<128x128xf32, #tpu.memory_space<vmem>>, vector<1x16xf32>,
          %get3A_760 = arith.index_cast %add3A_748 : i32 to index
          %get3A_761 = arith.constant 16 : index
          %get3A_762 = tpu.vector_load %arg10[%get3A_760, %get3A_761] {strides = array<i32>} : memref<128x128xf32, #tpu.memory_space<vmem>>, vector<1x16xf32>,
          %get3A_763 = vector.shape_cast %get3A_762 : vector<1x16xf32> to vector<16xf32>
          %mul3A_764 = vector.broadcast %squeeze3A_744 : f32 to vector<16xf32>
          %mul3A_765 = arith.mulf %get3A_763, %mul3A_764 : vector<16xf32>
          %swap3A_766 = arith.index_cast %add3A_748 : i32 to index
          %swap3A_767 = arith.constant 16 : index
          %swap3A_768 = tpu.vector_load %arg10[%swap3A_766, %swap3A_767] {strides = array<i32>} : memref<128x128xf32, #tpu.memory_space<vmem>>, vector<1x16xf32>,
          %swap3A_769 = vector.shape_cast %swap3A_768 : vector<1x16xf32> to vector<16xf32>
          %swap3A_770 = vector.shape_cast %mul3A_765 : vector<16xf32> to vector<1x16xf32>
          tpu.vector_store %arg10[%swap3A_766, %swap3A_767], %swap3A_770 {strides = array<i32>} : memref<128x128xf32, #tpu.memory_space<vmem>>, vector<1x16xf32>,
          %get3A_771 = arith.index_cast %add3A_748 : i32 to index
          %get3A_772 = arith.constant 32 : index
          %get3A_773 = tpu.vector_load %arg10[%get3A_771, %get3A_772] {strides = array<i32>} : memref<128x128xf32, #tpu.memory_space<vmem>>, vector<1x16xf32>,
          %get3A_774 = vector.shape_cast %get3A_773 : vector<1x16xf32> to vector<16xf32>
          %mul3A_775 = vector.broadcast %squeeze3A_744 : f32 to vector<16xf32>
          %mul3A_776 = arith.mulf %get3A_774, %mul3A_775 : vector<16xf32>
          %swap3A_777 = arith.index_cast %add3A_748 : i32 to index
          %swap3A_778 = arith.constant 32 : index
          %swap3A_779 = tpu.vector_load %arg10[%swap3A_777, %swap3A_778] {strides = array<i32>} : memref<128x128xf32, #tpu.memory_space<vmem>>, vector<1x16xf32>,
          %swap3A_780 = vector.shape_cast %swap3A_779 : vector<1x16xf32> to vector<16xf32>
          %swap3A_781 = vector.shape_cast %mul3A_776 : vector<16xf32> to vector<1x16xf32>
          tpu.vector_store %arg10[%swap3A_777, %swap3A_778], %swap3A_781 {strides = array<i32>} : memref<128x128xf32, #tpu.memory_space<vmem>>, vector<1x16xf32>,
          %get3A_782 = arith.index_cast %add3A_748 : i32 to index
          %get3A_783 = arith.constant 48 : index
          %get3A_784 = tpu.vector_load %arg10[%get3A_782, %get3A_783] {strides = array<i32>} : memref<128x128xf32, #tpu.memory_space<vmem>>, vector<1x16xf32>,
          %get3A_785 = vector.shape_cast %get3A_784 : vector<1x16xf32> to vector<16xf32>
          %mul3A_786 = vector.broadcast %squeeze3A_744 : f32 to vector<16xf32>
          %mul3A_787 = arith.mulf %get3A_785, %mul3A_786 : vector<16xf32>
          %swap3A_788 = arith.index_cast %add3A_748 : i32 to index
          %swap3A_789 = arith.constant 48 : index
          %swap3A_790 = tpu.vector_load %arg10[%swap3A_788, %swap3A_789] {strides = array<i32>} : memref<128x128xf32, #tpu.memory_space<vmem>>, vector<1x16xf32>,
          %swap3A_791 = vector.shape_cast %swap3A_790 : vector<1x16xf32> to vector<16xf32>
          %swap3A_792 = vector.shape_cast %mul3A_787 : vector<16xf32> to vector<1x16xf32>
          tpu.vector_store %arg10[%swap3A_788, %swap3A_789], %swap3A_792 {strides = array<i32>} : memref<128x128xf32, #tpu.memory_space<vmem>>, vector<1x16xf32>,
          %get3A_793 = arith.index_cast %add3A_748 : i32 to index
          %get3A_794 = arith.constant 64 : index
          %get3A_795 = tpu.vector_load %arg10[%get3A_793, %get3A_794] {strides = array<i32>} : memref<128x128xf32, #tpu.memory_space<vmem>>, vector<1x16xf32>,
          %get3A_796 = vector.shape_cast %get3A_795 : vector<1x16xf32> to vector<16xf32>
          %mul3A_797 = vector.broadcast %squeeze3A_744 : f32 to vector<16xf32>
          %mul3A_798 = arith.mulf %get3A_796, %mul3A_797 : vector<16xf32>
          %swap3A_799 = arith.index_cast %add3A_748 : i32 to index
          %swap3A_800 = arith.constant 64 : index
          %swap3A_801 = tpu.vector_load %arg10[%swap3A_799, %swap3A_800] {strides = array<i32>} : memref<128x128xf32, #tpu.memory_space<vmem>>, vector<1x16xf32>,
          %swap3A_802 = vector.shape_cast %swap3A_801 : vector<1x16xf32> to vector<16xf32>
          %swap3A_803 = vector.shape_cast %mul3A_798 : vector<16xf32> to vector<1x16xf32>
          tpu.vector_store %arg10[%swap3A_799, %swap3A_800], %swap3A_803 {strides = array<i32>} : memref<128x128xf32, #tpu.memory_space<vmem>>, vector<1x16xf32>,
          %get3A_804 = arith.index_cast %add3A_748 : i32 to index
          %get3A_805 = arith.constant 80 : index
          %get3A_806 = tpu.vector_load %arg10[%get3A_804, %get3A_805] {strides = array<i32>} : memref<128x128xf32, #tpu.memory_space<vmem>>, vector<1x16xf32>,
          %get3A_807 = vector.shape_cast %get3A_806 : vector<1x16xf32> to vector<16xf32>
          %mul3A_808 = vector.broadcast %squeeze3A_744 : f32 to vector<16xf32>
          %mul3A_809 = arith.mulf %get3A_807, %mul3A_808 : vector<16xf32>
          %swap3A_810 = arith.index_cast %add3A_748 : i32 to index
          %swap3A_811 = arith.constant 80 : index
          %swap3A_812 = tpu.vector_load %arg10[%swap3A_810, %swap3A_811] {strides = array<i32>} : memref<128x128xf32, #tpu.memory_space<vmem>>, vector<1x16xf32>,
          %swap3A_813 = vector.shape_cast %swap3A_812 : vector<1x16xf32> to vector<16xf32>
          %swap3A_814 = vector.shape_cast %mul3A_809 : vector<16xf32> to vector<1x16xf32>
          tpu.vector_store %arg10[%swap3A_810, %swap3A_811], %swap3A_814 {strides = array<i32>} : memref<128x128xf32, #tpu.memory_space<vmem>>, vector<1x16xf32>,
          %get3A_815 = arith.index_cast %add3A_748 : i32 to index
          %get3A_816 = arith.constant 96 : index
          %get3A_817 = tpu.vector_load %arg10[%get3A_815, %get3A_816] {strides = array<i32>} : memref<128x128xf32, #tpu.memory_space<vmem>>, vector<1x16xf32>,
          %get3A_818 = vector.shape_cast %get3A_817 : vector<1x16xf32> to vector<16xf32>
          %mul3A_819 = vector.broadcast %squeeze3A_744 : f32 to vector<16xf32>
          %mul3A_820 = arith.mulf %get3A_818, %mul3A_819 : vector<16xf32>
          %swap3A_821 = arith.index_cast %add3A_748 : i32 to index
          %swap3A_822 = arith.constant 96 : index
          %swap3A_823 = tpu.vector_load %arg10[%swap3A_821, %swap3A_822] {strides = array<i32>} : memref<128x128xf32, #tpu.memory_space<vmem>>, vector<1x16xf32>,
          %swap3A_824 = vector.shape_cast %swap3A_823 : vector<1x16xf32> to vector<16xf32>
          %swap3A_825 = vector.shape_cast %mul3A_820 : vector<16xf32> to vector<1x16xf32>
          tpu.vector_store %arg10[%swap3A_821, %swap3A_822], %swap3A_825 {strides = array<i32>} : memref<128x128xf32, #tpu.memory_space<vmem>>, vector<1x16xf32>,
          %get3A_826 = arith.index_cast %add3A_748 : i32 to index
          %get3A_827 = arith.constant 112 : index
          %get3A_828 = tpu.vector_load %arg10[%get3A_826, %get3A_827] {strides = array<i32>} : memref<128x128xf32, #tpu.memory_space<vmem>>, vector<1x16xf32>,
          %get3A_829 = vector.shape_cast %get3A_828 : vector<1x16xf32> to vector<16xf32>
          %mul3A_830 = vector.broadcast %squeeze3A_744 : f32 to vector<16xf32>
          %mul3A_831 = arith.mulf %get3A_829, %mul3A_830 : vector<16xf32>
          %swap3A_832 = arith.index_cast %add3A_748 : i32 to index
          %swap3A_833 = arith.constant 112 : index
          %swap3A_834 = tpu.vector_load %arg10[%swap3A_832, %swap3A_833] {strides = array<i32>} : memref<128x128xf32, #tpu.memory_space<vmem>>, vector<1x16xf32>,
          %swap3A_835 = vector.shape_cast %swap3A_834 : vector<1x16xf32> to vector<16xf32>
          %swap3A_836 = vector.shape_cast %mul3A_831 : vector<16xf32> to vector<1x16xf32>
          tpu.vector_store %arg10[%swap3A_832, %swap3A_833], %swap3A_836 {strides = array<i32>} : memref<128x128xf32, #tpu.memory_space<vmem>>, vector<1x16xf32>,
          %slice3A_837 = vector.extract_strided_slice %get3A_87 {offsets = [8], sizes = [1], strides = [1]} : vector<16xf32> to vector<1xf32>
          %squeeze3A_838 = vector.extract %slice3A_837[0] : f32 from vector<1xf32>
          %mul3A_839 = arith.constant 16 : i32
          %mul3A_840 = arith.muli %scan3A_82, %mul3A_839 : i32
          %add3A_841 = arith.constant 8 : i32
          %add3A_842 = arith.addi %mul3A_840, %add3A_841 : i32
          %get3A_843 = arith.index_cast %add3A_842 : i32 to index
          %get3A_844 = arith.constant 0 : index
          %get3A_845 = tpu.vector_load %arg10[%get3A_843, %get3A_844] {strides = array<i32>} : memref<128x128xf32, #tpu.memory_space<vmem>>, vector<1x16xf32>,
          %get3A_846 = vector.shape_cast %get3A_845 : vector<1x16xf32> to vector<16xf32>
          %mul3A_847 = vector.broadcast %squeeze3A_838 : f32 to vector<16xf32>
          %mul3A_848 = arith.mulf %get3A_846, %mul3A_847 : vector<16xf32>
          %swap3A_849 = arith.index_cast %add3A_842 : i32 to index
          %swap3A_850 = arith.constant 0 : index
          %swap3A_851 = tpu.vector_load %arg10[%swap3A_849, %swap3A_850] {strides = array<i32>} : memref<128x128xf32, #tpu.memory_space<vmem>>, vector<1x16xf32>,
          %swap3A_852 = vector.shape_cast %swap3A_851 : vector<1x16xf32> to vector<16xf32>
          %swap3A_853 = vector.shape_cast %mul3A_848 : vector<16xf32> to vector<1x16xf32>
          tpu.vector_store %arg10[%swap3A_849, %swap3A_850], %swap3A_853 {strides = array<i32>} : memref<128x128xf32, #tpu.memory_space<vmem>>, vector<1x16xf32>,
          %get3A_854 = arith.index_cast %add3A_842 : i32 to index
          %get3A_855 = arith.constant 16 : index
          %get3A_856 = tpu.vector_load %arg10[%get3A_854, %get3A_855] {strides = array<i32>} : memref<128x128xf32, #tpu.memory_space<vmem>>, vector<1x16xf32>,
          %get3A_857 = vector.shape_cast %get3A_856 : vector<1x16xf32> to vector<16xf32>
          %mul3A_858 = vector.broadcast %squeeze3A_838 : f32 to vector<16xf32>
          %mul3A_859 = arith.mulf %get3A_857, %mul3A_858 : vector<16xf32>
          %swap3A_860 = arith.index_cast %add3A_842 : i32 to index
          %swap3A_861 = arith.constant 16 : index
          %swap3A_862 = tpu.vector_load %arg10[%swap3A_860, %swap3A_861] {strides = array<i32>} : memref<128x128xf32, #tpu.memory_space<vmem>>, vector<1x16xf32>,
          %swap3A_863 = vector.shape_cast %swap3A_862 : vector<1x16xf32> to vector<16xf32>
          %swap3A_864 = vector.shape_cast %mul3A_859 : vector<16xf32> to vector<1x16xf32>
          tpu.vector_store %arg10[%swap3A_860, %swap3A_861], %swap3A_864 {strides = array<i32>} : memref<128x128xf32, #tpu.memory_space<vmem>>, vector<1x16xf32>,
          %get3A_865 = arith.index_cast %add3A_842 : i32 to index
          %get3A_866 = arith.constant 32 : index
          %get3A_867 = tpu.vector_load %arg10[%get3A_865, %get3A_866] {strides = array<i32>} : memref<128x128xf32, #tpu.memory_space<vmem>>, vector<1x16xf32>,
          %get3A_868 = vector.shape_cast %get3A_867 : vector<1x16xf32> to vector<16xf32>
          %mul3A_869 = vector.broadcast %squeeze3A_838 : f32 to vector<16xf32>
          %mul3A_870 = arith.mulf %get3A_868, %mul3A_869 : vector<16xf32>
          %swap3A_871 = arith.index_cast %add3A_842 : i32 to index
          %swap3A_872 = arith.constant 32 : index
          %swap3A_873 = tpu.vector_load %arg10[%swap3A_871, %swap3A_872] {strides = array<i32>} : memref<128x128xf32, #tpu.memory_space<vmem>>, vector<1x16xf32>,
          %swap3A_874 = vector.shape_cast %swap3A_873 : vector<1x16xf32> to vector<16xf32>
          %swap3A_875 = vector.shape_cast %mul3A_870 : vector<16xf32> to vector<1x16xf32>
          tpu.vector_store %arg10[%swap3A_871, %swap3A_872], %swap3A_875 {strides = array<i32>} : memref<128x128xf32, #tpu.memory_space<vmem>>, vector<1x16xf32>,
          %get3A_876 = arith.index_cast %add3A_842 : i32 to index
          %get3A_877 = arith.constant 48 : index
          %get3A_878 = tpu.vector_load %arg10[%get3A_876, %get3A_877] {strides = array<i32>} : memref<128x128xf32, #tpu.memory_space<vmem>>, vector<1x16xf32>,
          %get3A_879 = vector.shape_cast %get3A_878 : vector<1x16xf32> to vector<16xf32>
          %mul3A_880 = vector.broadcast %squeeze3A_838 : f32 to vector<16xf32>
          %mul3A_881 = arith.mulf %get3A_879, %mul3A_880 : vector<16xf32>
          %swap3A_882 = arith.index_cast %add3A_842 : i32 to index
          %swap3A_883 = arith.constant 48 : index
          %swap3A_884 = tpu.vector_load %arg10[%swap3A_882, %swap3A_883] {strides = array<i32>} : memref<128x128xf32, #tpu.memory_space<vmem>>, vector<1x16xf32>,
          %swap3A_885 = vector.shape_cast %swap3A_884 : vector<1x16xf32> to vector<16xf32>
          %swap3A_886 = vector.shape_cast %mul3A_881 : vector<16xf32> to vector<1x16xf32>
          tpu.vector_store %arg10[%swap3A_882, %swap3A_883], %swap3A_886 {strides = array<i32>} : memref<128x128xf32, #tpu.memory_space<vmem>>, vector<1x16xf32>,
          %get3A_887 = arith.index_cast %add3A_842 : i32 to index
          %get3A_888 = arith.constant 64 : index
          %get3A_889 = tpu.vector_load %arg10[%get3A_887, %get3A_888] {strides = array<i32>} : memref<128x128xf32, #tpu.memory_space<vmem>>, vector<1x16xf32>,
          %get3A_890 = vector.shape_cast %get3A_889 : vector<1x16xf32> to vector<16xf32>
          %mul3A_891 = vector.broadcast %squeeze3A_838 : f32 to vector<16xf32>
          %mul3A_892 = arith.mulf %get3A_890, %mul3A_891 : vector<16xf32>
          %swap3A_893 = arith.index_cast %add3A_842 : i32 to index
          %swap3A_894 = arith.constant 64 : index
          %swap3A_895 = tpu.vector_load %arg10[%swap3A_893, %swap3A_894] {strides = array<i32>} : memref<128x128xf32, #tpu.memory_space<vmem>>, vector<1x16xf32>,
          %swap3A_896 = vector.shape_cast %swap3A_895 : vector<1x16xf32> to vector<16xf32>
          %swap3A_897 = vector.shape_cast %mul3A_892 : vector<16xf32> to vector<1x16xf32>
          tpu.vector_store %arg10[%swap3A_893, %swap3A_894], %swap3A_897 {strides = array<i32>} : memref<128x128xf32, #tpu.memory_space<vmem>>, vector<1x16xf32>,
          %get3A_898 = arith.index_cast %add3A_842 : i32 to index
          %get3A_899 = arith.constant 80 : index
          %get3A_900 = tpu.vector_load %arg10[%get3A_898, %get3A_899] {strides = array<i32>} : memref<128x128xf32, #tpu.memory_space<vmem>>, vector<1x16xf32>,
          %get3A_901 = vector.shape_cast %get3A_900 : vector<1x16xf32> to vector<16xf32>
          %mul3A_902 = vector.broadcast %squeeze3A_838 : f32 to vector<16xf32>
          %mul3A_903 = arith.mulf %get3A_901, %mul3A_902 : vector<16xf32>
          %swap3A_904 = arith.index_cast %add3A_842 : i32 to index
          %swap3A_905 = arith.constant 80 : index
          %swap3A_906 = tpu.vector_load %arg10[%swap3A_904, %swap3A_905] {strides = array<i32>} : memref<128x128xf32, #tpu.memory_space<vmem>>, vector<1x16xf32>,
          %swap3A_907 = vector.shape_cast %swap3A_906 : vector<1x16xf32> to vector<16xf32>
          %swap3A_908 = vector.shape_cast %mul3A_903 : vector<16xf32> to vector<1x16xf32>
          tpu.vector_store %arg10[%swap3A_904, %swap3A_905], %swap3A_908 {strides = array<i32>} : memref<128x128xf32, #tpu.memory_space<vmem>>, vector<1x16xf32>,
          %get3A_909 = arith.index_cast %add3A_842 : i32 to index
          %get3A_910 = arith.constant 96 : index
          %get3A_911 = tpu.vector_load %arg10[%get3A_909, %get3A_910] {strides = array<i32>} : memref<128x128xf32, #tpu.memory_space<vmem>>, vector<1x16xf32>,
          %get3A_912 = vector.shape_cast %get3A_911 : vector<1x16xf32> to vector<16xf32>
          %mul3A_913 = vector.broadcast %squeeze3A_838 : f32 to vector<16xf32>
          %mul3A_914 = arith.mulf %get3A_912, %mul3A_913 : vector<16xf32>
          %swap3A_915 = arith.index_cast %add3A_842 : i32 to index
          %swap3A_916 = arith.constant 96 : index
          %swap3A_917 = tpu.vector_load %arg10[%swap3A_915, %swap3A_916] {strides = array<i32>} : memref<128x128xf32, #tpu.memory_space<vmem>>, vector<1x16xf32>,
          %swap3A_918 = vector.shape_cast %swap3A_917 : vector<1x16xf32> to vector<16xf32>
          %swap3A_919 = vector.shape_cast %mul3A_914 : vector<16xf32> to vector<1x16xf32>
          tpu.vector_store %arg10[%swap3A_915, %swap3A_916], %swap3A_919 {strides = array<i32>} : memref<128x128xf32, #tpu.memory_space<vmem>>, vector<1x16xf32>,
          %get3A_920 = arith.index_cast %add3A_842 : i32 to index
          %get3A_921 = arith.constant 112 : index
          %get3A_922 = tpu.vector_load %arg10[%get3A_920, %get3A_921] {strides = array<i32>} : memref<128x128xf32, #tpu.memory_space<vmem>>, vector<1x16xf32>,
          %get3A_923 = vector.shape_cast %get3A_922 : vector<1x16xf32> to vector<16xf32>
          %mul3A_924 = vector.broadcast %squeeze3A_838 : f32 to vector<16xf32>
          %mul3A_925 = arith.mulf %get3A_923, %mul3A_924 : vector<16xf32>
          %swap3A_926 = arith.index_cast %add3A_842 : i32 to index
          %swap3A_927 = arith.constant 112 : index
          %swap3A_928 = tpu.vector_load %arg10[%swap3A_926, %swap3A_927] {strides = array<i32>} : memref<128x128xf32, #tpu.memory_space<vmem>>, vector<1x16xf32>,
          %swap3A_929 = vector.shape_cast %swap3A_928 : vector<1x16xf32> to vector<16xf32>
          %swap3A_930 = vector.shape_cast %mul3A_925 : vector<16xf32> to vector<1x16xf32>
          tpu.vector_store %arg10[%swap3A_926, %swap3A_927], %swap3A_930 {strides = array<i32>} : memref<128x128xf32, #tpu.memory_space<vmem>>, vector<1x16xf32>,
          %slice3A_931 = vector.extract_strided_slice %get3A_87 {offsets = [9], sizes = [1], strides = [1]} : vector<16xf32> to vector<1xf32>
          %squeeze3A_932 = vector.extract %slice3A_931[0] : f32 from vector<1xf32>
          %mul3A_933 = arith.constant 16 : i32
          %mul3A_934 = arith.muli %scan3A_82, %mul3A_933 : i32
          %add3A_935 = arith.constant 9 : i32
          %add3A_936 = arith.addi %mul3A_934, %add3A_935 : i32
          %get3A_937 = arith.index_cast %add3A_936 : i32 to index
          %get3A_938 = arith.constant 0 : index
          %get3A_939 = tpu.vector_load %arg10[%get3A_937, %get3A_938] {strides = array<i32>} : memref<128x128xf32, #tpu.memory_space<vmem>>, vector<1x16xf32>,
          %get3A_940 = vector.shape_cast %get3A_939 : vector<1x16xf32> to vector<16xf32>
          %mul3A_941 = vector.broadcast %squeeze3A_932 : f32 to vector<16xf32>
          %mul3A_942 = arith.mulf %get3A_940, %mul3A_941 : vector<16xf32>
          %swap3A_943 = arith.index_cast %add3A_936 : i32 to index
          %swap3A_944 = arith.constant 0 : index
          %swap3A_945 = tpu.vector_load %arg10[%swap3A_943, %swap3A_944] {strides = array<i32>} : memref<128x128xf32, #tpu.memory_space<vmem>>, vector<1x16xf32>,
          %swap3A_946 = vector.shape_cast %swap3A_945 : vector<1x16xf32> to vector<16xf32>
          %swap3A_947 = vector.shape_cast %mul3A_942 : vector<16xf32> to vector<1x16xf32>
          tpu.vector_store %arg10[%swap3A_943, %swap3A_944], %swap3A_947 {strides = array<i32>} : memref<128x128xf32, #tpu.memory_space<vmem>>, vector<1x16xf32>,
          %get3A_948 = arith.index_cast %add3A_936 : i32 to index
          %get3A_949 = arith.constant 16 : index
          %get3A_950 = tpu.vector_load %arg10[%get3A_948, %get3A_949] {strides = array<i32>} : memref<128x128xf32, #tpu.memory_space<vmem>>, vector<1x16xf32>,
          %get3A_951 = vector.shape_cast %get3A_950 : vector<1x16xf32> to vector<16xf32>
          %mul3A_952 = vector.broadcast %squeeze3A_932 : f32 to vector<16xf32>
          %mul3A_953 = arith.mulf %get3A_951, %mul3A_952 : vector<16xf32>
          %swap3A_954 = arith.index_cast %add3A_936 : i32 to index
          %swap3A_955 = arith.constant 16 : index
          %swap3A_956 = tpu.vector_load %arg10[%swap3A_954, %swap3A_955] {strides = array<i32>} : memref<128x128xf32, #tpu.memory_space<vmem>>, vector<1x16xf32>,
          %swap3A_957 = vector.shape_cast %swap3A_956 : vector<1x16xf32> to vector<16xf32>
          %swap3A_958 = vector.shape_cast %mul3A_953 : vector<16xf32> to vector<1x16xf32>
          tpu.vector_store %arg10[%swap3A_954, %swap3A_955], %swap3A_958 {strides = array<i32>} : memref<128x128xf32, #tpu.memory_space<vmem>>, vector<1x16xf32>,
          %get3A_959 = arith.index_cast %add3A_936 : i32 to index
          %get3A_960 = arith.constant 32 : index
          %get3A_961 = tpu.vector_load %arg10[%get3A_959, %get3A_960] {strides = array<i32>} : memref<128x128xf32, #tpu.memory_space<vmem>>, vector<1x16xf32>,
          %get3A_962 = vector.shape_cast %get3A_961 : vector<1x16xf32> to vector<16xf32>
          %mul3A_963 = vector.broadcast %squeeze3A_932 : f32 to vector<16xf32>
          %mul3A_964 = arith.mulf %get3A_962, %mul3A_963 : vector<16xf32>
          %swap3A_965 = arith.index_cast %add3A_936 : i32 to index
          %swap3A_966 = arith.constant 32 : index
          %swap3A_967 = tpu.vector_load %arg10[%swap3A_965, %swap3A_966] {strides = array<i32>} : memref<128x128xf32, #tpu.memory_space<vmem>>, vector<1x16xf32>,
          %swap3A_968 = vector.shape_cast %swap3A_967 : vector<1x16xf32> to vector<16xf32>
          %swap3A_969 = vector.shape_cast %mul3A_964 : vector<16xf32> to vector<1x16xf32>
          tpu.vector_store %arg10[%swap3A_965, %swap3A_966], %swap3A_969 {strides = array<i32>} : memref<128x128xf32, #tpu.memory_space<vmem>>, vector<1x16xf32>,
          %get3A_970 = arith.index_cast %add3A_936 : i32 to index
          %get3A_971 = arith.constant 48 : index
          %get3A_972 = tpu.vector_load %arg10[%get3A_970, %get3A_971] {strides = array<i32>} : memref<128x128xf32, #tpu.memory_space<vmem>>, vector<1x16xf32>,
          %get3A_973 = vector.shape_cast %get3A_972 : vector<1x16xf32> to vector<16xf32>
          %mul3A_974 = vector.broadcast %squeeze3A_932 : f32 to vector<16xf32>
          %mul3A_975 = arith.mulf %get3A_973, %mul3A_974 : vector<16xf32>
          %swap3A_976 = arith.index_cast %add3A_936 : i32 to index
          %swap3A_977 = arith.constant 48 : index
          %swap3A_978 = tpu.vector_load %arg10[%swap3A_976, %swap3A_977] {strides = array<i32>} : memref<128x128xf32, #tpu.memory_space<vmem>>, vector<1x16xf32>,
          %swap3A_979 = vector.shape_cast %swap3A_978 : vector<1x16xf32> to vector<16xf32>
          %swap3A_980 = vector.shape_cast %mul3A_975 : vector<16xf32> to vector<1x16xf32>
          tpu.vector_store %arg10[%swap3A_976, %swap3A_977], %swap3A_980 {strides = array<i32>} : memref<128x128xf32, #tpu.memory_space<vmem>>, vector<1x16xf32>,
          %get3A_981 = arith.index_cast %add3A_936 : i32 to index
          %get3A_982 = arith.constant 64 : index
          %get3A_983 = tpu.vector_load %arg10[%get3A_981, %get3A_982] {strides = array<i32>} : memref<128x128xf32, #tpu.memory_space<vmem>>, vector<1x16xf32>,
          %get3A_984 = vector.shape_cast %get3A_983 : vector<1x16xf32> to vector<16xf32>
          %mul3A_985 = vector.broadcast %squeeze3A_932 : f32 to vector<16xf32>
          %mul3A_986 = arith.mulf %get3A_984, %mul3A_985 : vector<16xf32>
          %swap3A_987 = arith.index_cast %add3A_936 : i32 to index
          %swap3A_988 = arith.constant 64 : index
          %swap3A_989 = tpu.vector_load %arg10[%swap3A_987, %swap3A_988] {strides = array<i32>} : memref<128x128xf32, #tpu.memory_space<vmem>>, vector<1x16xf32>,
          %swap3A_990 = vector.shape_cast %swap3A_989 : vector<1x16xf32> to vector<16xf32>
          %swap3A_991 = vector.shape_cast %mul3A_986 : vector<16xf32> to vector<1x16xf32>
          tpu.vector_store %arg10[%swap3A_987, %swap3A_988], %swap3A_991 {strides = array<i32>} : memref<128x128xf32, #tpu.memory_space<vmem>>, vector<1x16xf32>,
          %get3A_992 = arith.index_cast %add3A_936 : i32 to index
          %get3A_993 = arith.constant 80 : index
          %get3A_994 = tpu.vector_load %arg10[%get3A_992, %get3A_993] {strides = array<i32>} : memref<128x128xf32, #tpu.memory_space<vmem>>, vector<1x16xf32>,
          %get3A_995 = vector.shape_cast %get3A_994 : vector<1x16xf32> to vector<16xf32>
          %mul3A_996 = vector.broadcast %squeeze3A_932 : f32 to vector<16xf32>
          %mul3A_997 = arith.mulf %get3A_995, %mul3A_996 : vector<16xf32>
          %swap3A_998 = arith.index_cast %add3A_936 : i32 to index
          %swap3A_999 = arith.constant 80 : index
          %swap3A_1000 = tpu.vector_load %arg10[%swap3A_998, %swap3A_999] {strides = array<i32>} : memref<128x128xf32, #tpu.memory_space<vmem>>, vector<1x16xf32>,
          %swap3A_1001 = vector.shape_cast %swap3A_1000 : vector<1x16xf32> to vector<16xf32>
          %swap3A_1002 = vector.shape_cast %mul3A_997 : vector<16xf32> to vector<1x16xf32>
          tpu.vector_store %arg10[%swap3A_998, %swap3A_999], %swap3A_1002 {strides = array<i32>} : memref<128x128xf32, #tpu.memory_space<vmem>>, vector<1x16xf32>,
          %get3A_1003 = arith.index_cast %add3A_936 : i32 to index
          %get3A_1004 = arith.constant 96 : index
          %get3A_1005 = tpu.vector_load %arg10[%get3A_1003, %get3A_1004] {strides = array<i32>} : memref<128x128xf32, #tpu.memory_space<vmem>>, vector<1x16xf32>,
          %get3A_1006 = vector.shape_cast %get3A_1005 : vector<1x16xf32> to vector<16xf32>
          %mul3A_1007 = vector.broadcast %squeeze3A_932 : f32 to vector<16xf32>
          %mul3A_1008 = arith.mulf %get3A_1006, %mul3A_1007 : vector<16xf32>
          %swap3A_1009 = arith.index_cast %add3A_936 : i32 to index
          %swap3A_1010 = arith.constant 96 : index
          %swap3A_1011 = tpu.vector_load %arg10[%swap3A_1009, %swap3A_1010] {strides = array<i32>} : memref<128x128xf32, #tpu.memory_space<vmem>>, vector<1x16xf32>,
          %swap3A_1012 = vector.shape_cast %swap3A_1011 : vector<1x16xf32> to vector<16xf32>
          %swap3A_1013 = vector.shape_cast %mul3A_1008 : vector<16xf32> to vector<1x16xf32>
          tpu.vector_store %arg10[%swap3A_1009, %swap3A_1010], %swap3A_1013 {strides = array<i32>} : memref<128x128xf32, #tpu.memory_space<vmem>>, vector<1x16xf32>,
          %get3A_1014 = arith.index_cast %add3A_936 : i32 to index
          %get3A_1015 = arith.constant 112 : index
          %get3A_1016 = tpu.vector_load %arg10[%get3A_1014, %get3A_1015] {strides = array<i32>} : memref<128x128xf32, #tpu.memory_space<vmem>>, vector<1x16xf32>,
          %get3A_1017 = vector.shape_cast %get3A_1016 : vector<1x16xf32> to vector<16xf32>
          %mul3A_1018 = vector.broadcast %squeeze3A_932 : f32 to vector<16xf32>
          %mul3A_1019 = arith.mulf %get3A_1017, %mul3A_1018 : vector<16xf32>
          %swap3A_1020 = arith.index_cast %add3A_936 : i32 to index
          %swap3A_1021 = arith.constant 112 : index
          %swap3A_1022 = tpu.vector_load %arg10[%swap3A_1020, %swap3A_1021] {strides = array<i32>} : memref<128x128xf32, #tpu.memory_space<vmem>>, vector<1x16xf32>,
          %swap3A_1023 = vector.shape_cast %swap3A_1022 : vector<1x16xf32> to vector<16xf32>
          %swap3A_1024 = vector.shape_cast %mul3A_1019 : vector<16xf32> to vector<1x16xf32>
          tpu.vector_store %arg10[%swap3A_1020, %swap3A_1021], %swap3A_1024 {strides = array<i32>} : memref<128x128xf32, #tpu.memory_space<vmem>>, vector<1x16xf32>,
          %slice3A_1025 = vector.extract_strided_slice %get3A_87 {offsets = [10], sizes = [1], strides = [1]} : vector<16xf32> to vector<1xf32>
          %squeeze3A_1026 = vector.extract %slice3A_1025[0] : f32 from vector<1xf32>
          %mul3A_1027 = arith.constant 16 : i32
          %mul3A_1028 = arith.muli %scan3A_82, %mul3A_1027 : i32
          %add3A_1029 = arith.constant 10 : i32
          %add3A_1030 = arith.addi %mul3A_1028, %add3A_1029 : i32
          %get3A_1031 = arith.index_cast %add3A_1030 : i32 to index
          %get3A_1032 = arith.constant 0 : index
          %get3A_1033 = tpu.vector_load %arg10[%get3A_1031, %get3A_1032] {strides = array<i32>} : memref<128x128xf32, #tpu.memory_space<vmem>>, vector<1x16xf32>,
          %get3A_1034 = vector.shape_cast %get3A_1033 : vector<1x16xf32> to vector<16xf32>
          %mul3A_1035 = vector.broadcast %squeeze3A_1026 : f32 to vector<16xf32>
          %mul3A_1036 = arith.mulf %get3A_1034, %mul3A_1035 : vector<16xf32>
          %swap3A_1037 = arith.index_cast %add3A_1030 : i32 to index
          %swap3A_1038 = arith.constant 0 : index
          %swap3A_1039 = tpu.vector_load %arg10[%swap3A_1037, %swap3A_1038] {strides = array<i32>} : memref<128x128xf32, #tpu.memory_space<vmem>>, vector<1x16xf32>,
          %swap3A_1040 = vector.shape_cast %swap3A_1039 : vector<1x16xf32> to vector<16xf32>
          %swap3A_1041 = vector.shape_cast %mul3A_1036 : vector<16xf32> to vector<1x16xf32>
          tpu.vector_store %arg10[%swap3A_1037, %swap3A_1038], %swap3A_1041 {strides = array<i32>} : memref<128x128xf32, #tpu.memory_space<vmem>>, vector<1x16xf32>,
          %get3A_1042 = arith.index_cast %add3A_1030 : i32 to index
          %get3A_1043 = arith.constant 16 : index
          %get3A_1044 = tpu.vector_load %arg10[%get3A_1042, %get3A_1043] {strides = array<i32>} : memref<128x128xf32, #tpu.memory_space<vmem>>, vector<1x16xf32>,
          %get3A_1045 = vector.shape_cast %get3A_1044 : vector<1x16xf32> to vector<16xf32>
          %mul3A_1046 = vector.broadcast %squeeze3A_1026 : f32 to vector<16xf32>
          %mul3A_1047 = arith.mulf %get3A_1045, %mul3A_1046 : vector<16xf32>
          %swap3A_1048 = arith.index_cast %add3A_1030 : i32 to index
          %swap3A_1049 = arith.constant 16 : index
          %swap3A_1050 = tpu.vector_load %arg10[%swap3A_1048, %swap3A_1049] {strides = array<i32>} : memref<128x128xf32, #tpu.memory_space<vmem>>, vector<1x16xf32>,
          %swap3A_1051 = vector.shape_cast %swap3A_1050 : vector<1x16xf32> to vector<16xf32>
          %swap3A_1052 = vector.shape_cast %mul3A_1047 : vector<16xf32> to vector<1x16xf32>
          tpu.vector_store %arg10[%swap3A_1048, %swap3A_1049], %swap3A_1052 {strides = array<i32>} : memref<128x128xf32, #tpu.memory_space<vmem>>, vector<1x16xf32>,
          %get3A_1053 = arith.index_cast %add3A_1030 : i32 to index
          %get3A_1054 = arith.constant 32 : index
          %get3A_1055 = tpu.vector_load %arg10[%get3A_1053, %get3A_1054] {strides = array<i32>} : memref<128x128xf32, #tpu.memory_space<vmem>>, vector<1x16xf32>,
          %get3A_1056 = vector.shape_cast %get3A_1055 : vector<1x16xf32> to vector<16xf32>
          %mul3A_1057 = vector.broadcast %squeeze3A_1026 : f32 to vector<16xf32>
          %mul3A_1058 = arith.mulf %get3A_1056, %mul3A_1057 : vector<16xf32>
          %swap3A_1059 = arith.index_cast %add3A_1030 : i32 to index
          %swap3A_1060 = arith.constant 32 : index
          %swap3A_1061 = tpu.vector_load %arg10[%swap3A_1059, %swap3A_1060] {strides = array<i32>} : memref<128x128xf32, #tpu.memory_space<vmem>>, vector<1x16xf32>,
          %swap3A_1062 = vector.shape_cast %swap3A_1061 : vector<1x16xf32> to vector<16xf32>
          %swap3A_1063 = vector.shape_cast %mul3A_1058 : vector<16xf32> to vector<1x16xf32>
          tpu.vector_store %arg10[%swap3A_1059, %swap3A_1060], %swap3A_1063 {strides = array<i32>} : memref<128x128xf32, #tpu.memory_space<vmem>>, vector<1x16xf32>,
          %get3A_1064 = arith.index_cast %add3A_1030 : i32 to index
          %get3A_1065 = arith.constant 48 : index
          %get3A_1066 = tpu.vector_load %arg10[%get3A_1064, %get3A_1065] {strides = array<i32>} : memref<128x128xf32, #tpu.memory_space<vmem>>, vector<1x16xf32>,
          %get3A_1067 = vector.shape_cast %get3A_1066 : vector<1x16xf32> to vector<16xf32>
          %mul3A_1068 = vector.broadcast %squeeze3A_1026 : f32 to vector<16xf32>
          %mul3A_1069 = arith.mulf %get3A_1067, %mul3A_1068 : vector<16xf32>
          %swap3A_1070 = arith.index_cast %add3A_1030 : i32 to index
          %swap3A_1071 = arith.constant 48 : index
          %swap3A_1072 = tpu.vector_load %arg10[%swap3A_1070, %swap3A_1071] {strides = array<i32>} : memref<128x128xf32, #tpu.memory_space<vmem>>, vector<1x16xf32>,
          %swap3A_1073 = vector.shape_cast %swap3A_1072 : vector<1x16xf32> to vector<16xf32>
          %swap3A_1074 = vector.shape_cast %mul3A_1069 : vector<16xf32> to vector<1x16xf32>
          tpu.vector_store %arg10[%swap3A_1070, %swap3A_1071], %swap3A_1074 {strides = array<i32>} : memref<128x128xf32, #tpu.memory_space<vmem>>, vector<1x16xf32>,
          %get3A_1075 = arith.index_cast %add3A_1030 : i32 to index
          %get3A_1076 = arith.constant 64 : index
          %get3A_1077 = tpu.vector_load %arg10[%get3A_1075, %get3A_1076] {strides = array<i32>} : memref<128x128xf32, #tpu.memory_space<vmem>>, vector<1x16xf32>,
          %get3A_1078 = vector.shape_cast %get3A_1077 : vector<1x16xf32> to vector<16xf32>
          %mul3A_1079 = vector.broadcast %squeeze3A_1026 : f32 to vector<16xf32>
          %mul3A_1080 = arith.mulf %get3A_1078, %mul3A_1079 : vector<16xf32>
          %swap3A_1081 = arith.index_cast %add3A_1030 : i32 to index
          %swap3A_1082 = arith.constant 64 : index
          %swap3A_1083 = tpu.vector_load %arg10[%swap3A_1081, %swap3A_1082] {strides = array<i32>} : memref<128x128xf32, #tpu.memory_space<vmem>>, vector<1x16xf32>,
          %swap3A_1084 = vector.shape_cast %swap3A_1083 : vector<1x16xf32> to vector<16xf32>
          %swap3A_1085 = vector.shape_cast %mul3A_1080 : vector<16xf32> to vector<1x16xf32>
          tpu.vector_store %arg10[%swap3A_1081, %swap3A_1082], %swap3A_1085 {strides = array<i32>} : memref<128x128xf32, #tpu.memory_space<vmem>>, vector<1x16xf32>,
          %get3A_1086 = arith.index_cast %add3A_1030 : i32 to index
          %get3A_1087 = arith.constant 80 : index
          %get3A_1088 = tpu.vector_load %arg10[%get3A_1086, %get3A_1087] {strides = array<i32>} : memref<128x128xf32, #tpu.memory_space<vmem>>, vector<1x16xf32>,
          %get3A_1089 = vector.shape_cast %get3A_1088 : vector<1x16xf32> to vector<16xf32>
          %mul3A_1090 = vector.broadcast %squeeze3A_1026 : f32 to vector<16xf32>
          %mul3A_1091 = arith.mulf %get3A_1089, %mul3A_1090 : vector<16xf32>
          %swap3A_1092 = arith.index_cast %add3A_1030 : i32 to index
          %swap3A_1093 = arith.constant 80 : index
          %swap3A_1094 = tpu.vector_load %arg10[%swap3A_1092, %swap3A_1093] {strides = array<i32>} : memref<128x128xf32, #tpu.memory_space<vmem>>, vector<1x16xf32>,
          %swap3A_1095 = vector.shape_cast %swap3A_1094 : vector<1x16xf32> to vector<16xf32>
          %swap3A_1096 = vector.shape_cast %mul3A_1091 : vector<16xf32> to vector<1x16xf32>
          tpu.vector_store %arg10[%swap3A_1092, %swap3A_1093], %swap3A_1096 {strides = array<i32>} : memref<128x128xf32, #tpu.memory_space<vmem>>, vector<1x16xf32>,
          %get3A_1097 = arith.index_cast %add3A_1030 : i32 to index
          %get3A_1098 = arith.constant 96 : index
          %get3A_1099 = tpu.vector_load %arg10[%get3A_1097, %get3A_1098] {strides = array<i32>} : memref<128x128xf32, #tpu.memory_space<vmem>>, vector<1x16xf32>,
          %get3A_1100 = vector.shape_cast %get3A_1099 : vector<1x16xf32> to vector<16xf32>
          %mul3A_1101 = vector.broadcast %squeeze3A_1026 : f32 to vector<16xf32>
          %mul3A_1102 = arith.mulf %get3A_1100, %mul3A_1101 : vector<16xf32>
          %swap3A_1103 = arith.index_cast %add3A_1030 : i32 to index
          %swap3A_1104 = arith.constant 96 : index
          %swap3A_1105 = tpu.vector_load %arg10[%swap3A_1103, %swap3A_1104] {strides = array<i32>} : memref<128x128xf32, #tpu.memory_space<vmem>>, vector<1x16xf32>,
          %swap3A_1106 = vector.shape_cast %swap3A_1105 : vector<1x16xf32> to vector<16xf32>
          %swap3A_1107 = vector.shape_cast %mul3A_1102 : vector<16xf32> to vector<1x16xf32>
          tpu.vector_store %arg10[%swap3A_1103, %swap3A_1104], %swap3A_1107 {strides = array<i32>} : memref<128x128xf32, #tpu.memory_space<vmem>>, vector<1x16xf32>,
          %get3A_1108 = arith.index_cast %add3A_1030 : i32 to index
          %get3A_1109 = arith.constant 112 : index
          %get3A_1110 = tpu.vector_load %arg10[%get3A_1108, %get3A_1109] {strides = array<i32>} : memref<128x128xf32, #tpu.memory_space<vmem>>, vector<1x16xf32>,
          %get3A_1111 = vector.shape_cast %get3A_1110 : vector<1x16xf32> to vector<16xf32>
          %mul3A_1112 = vector.broadcast %squeeze3A_1026 : f32 to vector<16xf32>
          %mul3A_1113 = arith.mulf %get3A_1111, %mul3A_1112 : vector<16xf32>
          %swap3A_1114 = arith.index_cast %add3A_1030 : i32 to index
          %swap3A_1115 = arith.constant 112 : index
          %swap3A_1116 = tpu.vector_load %arg10[%swap3A_1114, %swap3A_1115] {strides = array<i32>} : memref<128x128xf32, #tpu.memory_space<vmem>>, vector<1x16xf32>,
          %swap3A_1117 = vector.shape_cast %swap3A_1116 : vector<1x16xf32> to vector<16xf32>
          %swap3A_1118 = vector.shape_cast %mul3A_1113 : vector<16xf32> to vector<1x16xf32>
          tpu.vector_store %arg10[%swap3A_1114, %swap3A_1115], %swap3A_1118 {strides = array<i32>} : memref<128x128xf32, #tpu.memory_space<vmem>>, vector<1x16xf32>,
          %slice3A_1119 = vector.extract_strided_slice %get3A_87 {offsets = [11], sizes = [1], strides = [1]} : vector<16xf32> to vector<1xf32>
          %squeeze3A_1120 = vector.extract %slice3A_1119[0] : f32 from vector<1xf32>
          %mul3A_1121 = arith.constant 16 : i32
          %mul3A_1122 = arith.muli %scan3A_82, %mul3A_1121 : i32
          %add3A_1123 = arith.constant 11 : i32
          %add3A_1124 = arith.addi %mul3A_1122, %add3A_1123 : i32
          %get3A_1125 = arith.index_cast %add3A_1124 : i32 to index
          %get3A_1126 = arith.constant 0 : index
          %get3A_1127 = tpu.vector_load %arg10[%get3A_1125, %get3A_1126] {strides = array<i32>} : memref<128x128xf32, #tpu.memory_space<vmem>>, vector<1x16xf32>,
          %get3A_1128 = vector.shape_cast %get3A_1127 : vector<1x16xf32> to vector<16xf32>
          %mul3A_1129 = vector.broadcast %squeeze3A_1120 : f32 to vector<16xf32>
          %mul3A_1130 = arith.mulf %get3A_1128, %mul3A_1129 : vector<16xf32>
          %swap3A_1131 = arith.index_cast %add3A_1124 : i32 to index
          %swap3A_1132 = arith.constant 0 : index
          %swap3A_1133 = tpu.vector_load %arg10[%swap3A_1131, %swap3A_1132] {strides = array<i32>} : memref<128x128xf32, #tpu.memory_space<vmem>>, vector<1x16xf32>,
          %swap3A_1134 = vector.shape_cast %swap3A_1133 : vector<1x16xf32> to vector<16xf32>
          %swap3A_1135 = vector.shape_cast %mul3A_1130 : vector<16xf32> to vector<1x16xf32>
          tpu.vector_store %arg10[%swap3A_1131, %swap3A_1132], %swap3A_1135 {strides = array<i32>} : memref<128x128xf32, #tpu.memory_space<vmem>>, vector<1x16xf32>,
          %get3A_1136 = arith.index_cast %add3A_1124 : i32 to index
          %get3A_1137 = arith.constant 16 : index
          %get3A_1138 = tpu.vector_load %arg10[%get3A_1136, %get3A_1137] {strides = array<i32>} : memref<128x128xf32, #tpu.memory_space<vmem>>, vector<1x16xf32>,
          %get3A_1139 = vector.shape_cast %get3A_1138 : vector<1x16xf32> to vector<16xf32>
          %mul3A_1140 = vector.broadcast %squeeze3A_1120 : f32 to vector<16xf32>
          %mul3A_1141 = arith.mulf %get3A_1139, %mul3A_1140 : vector<16xf32>
          %swap3A_1142 = arith.index_cast %add3A_1124 : i32 to index
          %swap3A_1143 = arith.constant 16 : index
          %swap3A_1144 = tpu.vector_load %arg10[%swap3A_1142, %swap3A_1143] {strides = array<i32>} : memref<128x128xf32, #tpu.memory_space<vmem>>, vector<1x16xf32>,
          %swap3A_1145 = vector.shape_cast %swap3A_1144 : vector<1x16xf32> to vector<16xf32>
          %swap3A_1146 = vector.shape_cast %mul3A_1141 : vector<16xf32> to vector<1x16xf32>
          tpu.vector_store %arg10[%swap3A_1142, %swap3A_1143], %swap3A_1146 {strides = array<i32>} : memref<128x128xf32, #tpu.memory_space<vmem>>, vector<1x16xf32>,
          %get3A_1147 = arith.index_cast %add3A_1124 : i32 to index
          %get3A_1148 = arith.constant 32 : index
          %get3A_1149 = tpu.vector_load %arg10[%get3A_1147, %get3A_1148] {strides = array<i32>} : memref<128x128xf32, #tpu.memory_space<vmem>>, vector<1x16xf32>,
          %get3A_1150 = vector.shape_cast %get3A_1149 : vector<1x16xf32> to vector<16xf32>
          %mul3A_1151 = vector.broadcast %squeeze3A_1120 : f32 to vector<16xf32>
          %mul3A_1152 = arith.mulf %get3A_1150, %mul3A_1151 : vector<16xf32>
          %swap3A_1153 = arith.index_cast %add3A_1124 : i32 to index
          %swap3A_1154 = arith.constant 32 : index
          %swap3A_1155 = tpu.vector_load %arg10[%swap3A_1153, %swap3A_1154] {strides = array<i32>} : memref<128x128xf32, #tpu.memory_space<vmem>>, vector<1x16xf32>,
          %swap3A_1156 = vector.shape_cast %swap3A_1155 : vector<1x16xf32> to vector<16xf32>
          %swap3A_1157 = vector.shape_cast %mul3A_1152 : vector<16xf32> to vector<1x16xf32>
          tpu.vector_store %arg10[%swap3A_1153, %swap3A_1154], %swap3A_1157 {strides = array<i32>} : memref<128x128xf32, #tpu.memory_space<vmem>>, vector<1x16xf32>,
          %get3A_1158 = arith.index_cast %add3A_1124 : i32 to index
          %get3A_1159 = arith.constant 48 : index
          %get3A_1160 = tpu.vector_load %arg10[%get3A_1158, %get3A_1159] {strides = array<i32>} : memref<128x128xf32, #tpu.memory_space<vmem>>, vector<1x16xf32>,
          %get3A_1161 = vector.shape_cast %get3A_1160 : vector<1x16xf32> to vector<16xf32>
          %mul3A_1162 = vector.broadcast %squeeze3A_1120 : f32 to vector<16xf32>
          %mul3A_1163 = arith.mulf %get3A_1161, %mul3A_1162 : vector<16xf32>
          %swap3A_1164 = arith.index_cast %add3A_1124 : i32 to index
          %swap3A_1165 = arith.constant 48 : index
          %swap3A_1166 = tpu.vector_load %arg10[%swap3A_1164, %swap3A_1165] {strides = array<i32>} : memref<128x128xf32, #tpu.memory_space<vmem>>, vector<1x16xf32>,
          %swap3A_1167 = vector.shape_cast %swap3A_1166 : vector<1x16xf32> to vector<16xf32>
          %swap3A_1168 = vector.shape_cast %mul3A_1163 : vector<16xf32> to vector<1x16xf32>
          tpu.vector_store %arg10[%swap3A_1164, %swap3A_1165], %swap3A_1168 {strides = array<i32>} : memref<128x128xf32, #tpu.memory_space<vmem>>, vector<1x16xf32>,
          %get3A_1169 = arith.index_cast %add3A_1124 : i32 to index
          %get3A_1170 = arith.constant 64 : index
          %get3A_1171 = tpu.vector_load %arg10[%get3A_1169, %get3A_1170] {strides = array<i32>} : memref<128x128xf32, #tpu.memory_space<vmem>>, vector<1x16xf32>,
          %get3A_1172 = vector.shape_cast %get3A_1171 : vector<1x16xf32> to vector<16xf32>
          %mul3A_1173 = vector.broadcast %squeeze3A_1120 : f32 to vector<16xf32>
          %mul3A_1174 = arith.mulf %get3A_1172, %mul3A_1173 : vector<16xf32>
          %swap3A_1175 = arith.index_cast %add3A_1124 : i32 to index
          %swap3A_1176 = arith.constant 64 : index
          %swap3A_1177 = tpu.vector_load %arg10[%swap3A_1175, %swap3A_1176] {strides = array<i32>} : memref<128x128xf32, #tpu.memory_space<vmem>>, vector<1x16xf32>,
          %swap3A_1178 = vector.shape_cast %swap3A_1177 : vector<1x16xf32> to vector<16xf32>
          %swap3A_1179 = vector.shape_cast %mul3A_1174 : vector<16xf32> to vector<1x16xf32>
          tpu.vector_store %arg10[%swap3A_1175, %swap3A_1176], %swap3A_1179 {strides = array<i32>} : memref<128x128xf32, #tpu.memory_space<vmem>>, vector<1x16xf32>,
          %get3A_1180 = arith.index_cast %add3A_1124 : i32 to index
          %get3A_1181 = arith.constant 80 : index
          %get3A_1182 = tpu.vector_load %arg10[%get3A_1180, %get3A_1181] {strides = array<i32>} : memref<128x128xf32, #tpu.memory_space<vmem>>, vector<1x16xf32>,
          %get3A_1183 = vector.shape_cast %get3A_1182 : vector<1x16xf32> to vector<16xf32>
          %mul3A_1184 = vector.broadcast %squeeze3A_1120 : f32 to vector<16xf32>
          %mul3A_1185 = arith.mulf %get3A_1183, %mul3A_1184 : vector<16xf32>
          %swap3A_1186 = arith.index_cast %add3A_1124 : i32 to index
          %swap3A_1187 = arith.constant 80 : index
          %swap3A_1188 = tpu.vector_load %arg10[%swap3A_1186, %swap3A_1187] {strides = array<i32>} : memref<128x128xf32, #tpu.memory_space<vmem>>, vector<1x16xf32>,
          %swap3A_1189 = vector.shape_cast %swap3A_1188 : vector<1x16xf32> to vector<16xf32>
          %swap3A_1190 = vector.shape_cast %mul3A_1185 : vector<16xf32> to vector<1x16xf32>
          tpu.vector_store %arg10[%swap3A_1186, %swap3A_1187], %swap3A_1190 {strides = array<i32>} : memref<128x128xf32, #tpu.memory_space<vmem>>, vector<1x16xf32>,
          %get3A_1191 = arith.index_cast %add3A_1124 : i32 to index
          %get3A_1192 = arith.constant 96 : index
          %get3A_1193 = tpu.vector_load %arg10[%get3A_1191, %get3A_1192] {strides = array<i32>} : memref<128x128xf32, #tpu.memory_space<vmem>>, vector<1x16xf32>,
          %get3A_1194 = vector.shape_cast %get3A_1193 : vector<1x16xf32> to vector<16xf32>
          %mul3A_1195 = vector.broadcast %squeeze3A_1120 : f32 to vector<16xf32>
          %mul3A_1196 = arith.mulf %get3A_1194, %mul3A_1195 : vector<16xf32>
          %swap3A_1197 = arith.index_cast %add3A_1124 : i32 to index
          %swap3A_1198 = arith.constant 96 : index
          %swap3A_1199 = tpu.vector_load %arg10[%swap3A_1197, %swap3A_1198] {strides = array<i32>} : memref<128x128xf32, #tpu.memory_space<vmem>>, vector<1x16xf32>,
          %swap3A_1200 = vector.shape_cast %swap3A_1199 : vector<1x16xf32> to vector<16xf32>
          %swap3A_1201 = vector.shape_cast %mul3A_1196 : vector<16xf32> to vector<1x16xf32>
          tpu.vector_store %arg10[%swap3A_1197, %swap3A_1198], %swap3A_1201 {strides = array<i32>} : memref<128x128xf32, #tpu.memory_space<vmem>>, vector<1x16xf32>,
          %get3A_1202 = arith.index_cast %add3A_1124 : i32 to index
          %get3A_1203 = arith.constant 112 : index
          %get3A_1204 = tpu.vector_load %arg10[%get3A_1202, %get3A_1203] {strides = array<i32>} : memref<128x128xf32, #tpu.memory_space<vmem>>, vector<1x16xf32>,
          %get3A_1205 = vector.shape_cast %get3A_1204 : vector<1x16xf32> to vector<16xf32>
          %mul3A_1206 = vector.broadcast %squeeze3A_1120 : f32 to vector<16xf32>
          %mul3A_1207 = arith.mulf %get3A_1205, %mul3A_1206 : vector<16xf32>
          %swap3A_1208 = arith.index_cast %add3A_1124 : i32 to index
          %swap3A_1209 = arith.constant 112 : index
          %swap3A_1210 = tpu.vector_load %arg10[%swap3A_1208, %swap3A_1209] {strides = array<i32>} : memref<128x128xf32, #tpu.memory_space<vmem>>, vector<1x16xf32>,
          %swap3A_1211 = vector.shape_cast %swap3A_1210 : vector<1x16xf32> to vector<16xf32>
          %swap3A_1212 = vector.shape_cast %mul3A_1207 : vector<16xf32> to vector<1x16xf32>
          tpu.vector_store %arg10[%swap3A_1208, %swap3A_1209], %swap3A_1212 {strides = array<i32>} : memref<128x128xf32, #tpu.memory_space<vmem>>, vector<1x16xf32>,
          %slice3A_1213 = vector.extract_strided_slice %get3A_87 {offsets = [12], sizes = [1], strides = [1]} : vector<16xf32> to vector<1xf32>
          %squeeze3A_1214 = vector.extract %slice3A_1213[0] : f32 from vector<1xf32>
          %mul3A_1215 = arith.constant 16 : i32
          %mul3A_1216 = arith.muli %scan3A_82, %mul3A_1215 : i32
          %add3A_1217 = arith.constant 12 : i32
          %add3A_1218 = arith.addi %mul3A_1216, %add3A_1217 : i32
          %get3A_1219 = arith.index_cast %add3A_1218 : i32 to index
          %get3A_1220 = arith.constant 0 : index
          %get3A_1221 = tpu.vector_load %arg10[%get3A_1219, %get3A_1220] {strides = array<i32>} : memref<128x128xf32, #tpu.memory_space<vmem>>, vector<1x16xf32>,
          %get3A_1222 = vector.shape_cast %get3A_1221 : vector<1x16xf32> to vector<16xf32>
          %mul3A_1223 = vector.broadcast %squeeze3A_1214 : f32 to vector<16xf32>
          %mul3A_1224 = arith.mulf %get3A_1222, %mul3A_1223 : vector<16xf32>
          %swap3A_1225 = arith.index_cast %add3A_1218 : i32 to index
          %swap3A_1226 = arith.constant 0 : index
          %swap3A_1227 = tpu.vector_load %arg10[%swap3A_1225, %swap3A_1226] {strides = array<i32>} : memref<128x128xf32, #tpu.memory_space<vmem>>, vector<1x16xf32>,
          %swap3A_1228 = vector.shape_cast %swap3A_1227 : vector<1x16xf32> to vector<16xf32>
          %swap3A_1229 = vector.shape_cast %mul3A_1224 : vector<16xf32> to vector<1x16xf32>
          tpu.vector_store %arg10[%swap3A_1225, %swap3A_1226], %swap3A_1229 {strides = array<i32>} : memref<128x128xf32, #tpu.memory_space<vmem>>, vector<1x16xf32>,
          %get3A_1230 = arith.index_cast %add3A_1218 : i32 to index
          %get3A_1231 = arith.constant 16 : index
          %get3A_1232 = tpu.vector_load %arg10[%get3A_1230, %get3A_1231] {strides = array<i32>} : memref<128x128xf32, #tpu.memory_space<vmem>>, vector<1x16xf32>,
          %get3A_1233 = vector.shape_cast %get3A_1232 : vector<1x16xf32> to vector<16xf32>
          %mul3A_1234 = vector.broadcast %squeeze3A_1214 : f32 to vector<16xf32>
          %mul3A_1235 = arith.mulf %get3A_1233, %mul3A_1234 : vector<16xf32>
          %swap3A_1236 = arith.index_cast %add3A_1218 : i32 to index
          %swap3A_1237 = arith.constant 16 : index
          %swap3A_1238 = tpu.vector_load %arg10[%swap3A_1236, %swap3A_1237] {strides = array<i32>} : memref<128x128xf32, #tpu.memory_space<vmem>>, vector<1x16xf32>,
          %swap3A_1239 = vector.shape_cast %swap3A_1238 : vector<1x16xf32> to vector<16xf32>
          %swap3A_1240 = vector.shape_cast %mul3A_1235 : vector<16xf32> to vector<1x16xf32>
          tpu.vector_store %arg10[%swap3A_1236, %swap3A_1237], %swap3A_1240 {strides = array<i32>} : memref<128x128xf32, #tpu.memory_space<vmem>>, vector<1x16xf32>,
          %get3A_1241 = arith.index_cast %add3A_1218 : i32 to index
          %get3A_1242 = arith.constant 32 : index
          %get3A_1243 = tpu.vector_load %arg10[%get3A_1241, %get3A_1242] {strides = array<i32>} : memref<128x128xf32, #tpu.memory_space<vmem>>, vector<1x16xf32>,
          %get3A_1244 = vector.shape_cast %get3A_1243 : vector<1x16xf32> to vector<16xf32>
          %mul3A_1245 = vector.broadcast %squeeze3A_1214 : f32 to vector<16xf32>
          %mul3A_1246 = arith.mulf %get3A_1244, %mul3A_1245 : vector<16xf32>
          %swap3A_1247 = arith.index_cast %add3A_1218 : i32 to index
          %swap3A_1248 = arith.constant 32 : index
          %swap3A_1249 = tpu.vector_load %arg10[%swap3A_1247, %swap3A_1248] {strides = array<i32>} : memref<128x128xf32, #tpu.memory_space<vmem>>, vector<1x16xf32>,
          %swap3A_1250 = vector.shape_cast %swap3A_1249 : vector<1x16xf32> to vector<16xf32>
          %swap3A_1251 = vector.shape_cast %mul3A_1246 : vector<16xf32> to vector<1x16xf32>
          tpu.vector_store %arg10[%swap3A_1247, %swap3A_1248], %swap3A_1251 {strides = array<i32>} : memref<128x128xf32, #tpu.memory_space<vmem>>, vector<1x16xf32>,
          %get3A_1252 = arith.index_cast %add3A_1218 : i32 to index
          %get3A_1253 = arith.constant 48 : index
          %get3A_1254 = tpu.vector_load %arg10[%get3A_1252, %get3A_1253] {strides = array<i32>} : memref<128x128xf32, #tpu.memory_space<vmem>>, vector<1x16xf32>,
          %get3A_1255 = vector.shape_cast %get3A_1254 : vector<1x16xf32> to vector<16xf32>
          %mul3A_1256 = vector.broadcast %squeeze3A_1214 : f32 to vector<16xf32>
          %mul3A_1257 = arith.mulf %get3A_1255, %mul3A_1256 : vector<16xf32>
          %swap3A_1258 = arith.index_cast %add3A_1218 : i32 to index
          %swap3A_1259 = arith.constant 48 : index
          %swap3A_1260 = tpu.vector_load %arg10[%swap3A_1258, %swap3A_1259] {strides = array<i32>} : memref<128x128xf32, #tpu.memory_space<vmem>>, vector<1x16xf32>,
          %swap3A_1261 = vector.shape_cast %swap3A_1260 : vector<1x16xf32> to vector<16xf32>
          %swap3A_1262 = vector.shape_cast %mul3A_1257 : vector<16xf32> to vector<1x16xf32>
          tpu.vector_store %arg10[%swap3A_1258, %swap3A_1259], %swap3A_1262 {strides = array<i32>} : memref<128x128xf32, #tpu.memory_space<vmem>>, vector<1x16xf32>,
          %get3A_1263 = arith.index_cast %add3A_1218 : i32 to index
          %get3A_1264 = arith.constant 64 : index
          %get3A_1265 = tpu.vector_load %arg10[%get3A_1263, %get3A_1264] {strides = array<i32>} : memref<128x128xf32, #tpu.memory_space<vmem>>, vector<1x16xf32>,
          %get3A_1266 = vector.shape_cast %get3A_1265 : vector<1x16xf32> to vector<16xf32>
          %mul3A_1267 = vector.broadcast %squeeze3A_1214 : f32 to vector<16xf32>
          %mul3A_1268 = arith.mulf %get3A_1266, %mul3A_1267 : vector<16xf32>
          %swap3A_1269 = arith.index_cast %add3A_1218 : i32 to index
          %swap3A_1270 = arith.constant 64 : index
          %swap3A_1271 = tpu.vector_load %arg10[%swap3A_1269, %swap3A_1270] {strides = array<i32>} : memref<128x128xf32, #tpu.memory_space<vmem>>, vector<1x16xf32>,
          %swap3A_1272 = vector.shape_cast %swap3A_1271 : vector<1x16xf32> to vector<16xf32>
          %swap3A_1273 = vector.shape_cast %mul3A_1268 : vector<16xf32> to vector<1x16xf32>
          tpu.vector_store %arg10[%swap3A_1269, %swap3A_1270], %swap3A_1273 {strides = array<i32>} : memref<128x128xf32, #tpu.memory_space<vmem>>, vector<1x16xf32>,
          %get3A_1274 = arith.index_cast %add3A_1218 : i32 to index
          %get3A_1275 = arith.constant 80 : index
          %get3A_1276 = tpu.vector_load %arg10[%get3A_1274, %get3A_1275] {strides = array<i32>} : memref<128x128xf32, #tpu.memory_space<vmem>>, vector<1x16xf32>,
          %get3A_1277 = vector.shape_cast %get3A_1276 : vector<1x16xf32> to vector<16xf32>
          %mul3A_1278 = vector.broadcast %squeeze3A_1214 : f32 to vector<16xf32>
          %mul3A_1279 = arith.mulf %get3A_1277, %mul3A_1278 : vector<16xf32>
          %swap3A_1280 = arith.index_cast %add3A_1218 : i32 to index
          %swap3A_1281 = arith.constant 80 : index
          %swap3A_1282 = tpu.vector_load %arg10[%swap3A_1280, %swap3A_1281] {strides = array<i32>} : memref<128x128xf32, #tpu.memory_space<vmem>>, vector<1x16xf32>,
          %swap3A_1283 = vector.shape_cast %swap3A_1282 : vector<1x16xf32> to vector<16xf32>
          %swap3A_1284 = vector.shape_cast %mul3A_1279 : vector<16xf32> to vector<1x16xf32>
          tpu.vector_store %arg10[%swap3A_1280, %swap3A_1281], %swap3A_1284 {strides = array<i32>} : memref<128x128xf32, #tpu.memory_space<vmem>>, vector<1x16xf32>,
          %get3A_1285 = arith.index_cast %add3A_1218 : i32 to index
          %get3A_1286 = arith.constant 96 : index
          %get3A_1287 = tpu.vector_load %arg10[%get3A_1285, %get3A_1286] {strides = array<i32>} : memref<128x128xf32, #tpu.memory_space<vmem>>, vector<1x16xf32>,
          %get3A_1288 = vector.shape_cast %get3A_1287 : vector<1x16xf32> to vector<16xf32>
          %mul3A_1289 = vector.broadcast %squeeze3A_1214 : f32 to vector<16xf32>
          %mul3A_1290 = arith.mulf %get3A_1288, %mul3A_1289 : vector<16xf32>
          %swap3A_1291 = arith.index_cast %add3A_1218 : i32 to index
          %swap3A_1292 = arith.constant 96 : index
          %swap3A_1293 = tpu.vector_load %arg10[%swap3A_1291, %swap3A_1292] {strides = array<i32>} : memref<128x128xf32, #tpu.memory_space<vmem>>, vector<1x16xf32>,
          %swap3A_1294 = vector.shape_cast %swap3A_1293 : vector<1x16xf32> to vector<16xf32>
          %swap3A_1295 = vector.shape_cast %mul3A_1290 : vector<16xf32> to vector<1x16xf32>
          tpu.vector_store %arg10[%swap3A_1291, %swap3A_1292], %swap3A_1295 {strides = array<i32>} : memref<128x128xf32, #tpu.memory_space<vmem>>, vector<1x16xf32>,
          %get3A_1296 = arith.index_cast %add3A_1218 : i32 to index
          %get3A_1297 = arith.constant 112 : index
          %get3A_1298 = tpu.vector_load %arg10[%get3A_1296, %get3A_1297] {strides = array<i32>} : memref<128x128xf32, #tpu.memory_space<vmem>>, vector<1x16xf32>,
          %get3A_1299 = vector.shape_cast %get3A_1298 : vector<1x16xf32> to vector<16xf32>
          %mul3A_1300 = vector.broadcast %squeeze3A_1214 : f32 to vector<16xf32>
          %mul3A_1301 = arith.mulf %get3A_1299, %mul3A_1300 : vector<16xf32>
          %swap3A_1302 = arith.index_cast %add3A_1218 : i32 to index
          %swap3A_1303 = arith.constant 112 : index
          %swap3A_1304 = tpu.vector_load %arg10[%swap3A_1302, %swap3A_1303] {strides = array<i32>} : memref<128x128xf32, #tpu.memory_space<vmem>>, vector<1x16xf32>,
          %swap3A_1305 = vector.shape_cast %swap3A_1304 : vector<1x16xf32> to vector<16xf32>
          %swap3A_1306 = vector.shape_cast %mul3A_1301 : vector<16xf32> to vector<1x16xf32>
          tpu.vector_store %arg10[%swap3A_1302, %swap3A_1303], %swap3A_1306 {strides = array<i32>} : memref<128x128xf32, #tpu.memory_space<vmem>>, vector<1x16xf32>,
          %slice3A_1307 = vector.extract_strided_slice %get3A_87 {offsets = [13], sizes = [1], strides = [1]} : vector<16xf32> to vector<1xf32>
          %squeeze3A_1308 = vector.extract %slice3A_1307[0] : f32 from vector<1xf32>
          %mul3A_1309 = arith.constant 16 : i32
          %mul3A_1310 = arith.muli %scan3A_82, %mul3A_1309 : i32
          %add3A_1311 = arith.constant 13 : i32
          %add3A_1312 = arith.addi %mul3A_1310, %add3A_1311 : i32
          %get3A_1313 = arith.index_cast %add3A_1312 : i32 to index
          %get3A_1314 = arith.constant 0 : index
          %get3A_1315 = tpu.vector_load %arg10[%get3A_1313, %get3A_1314] {strides = array<i32>} : memref<128x128xf32, #tpu.memory_space<vmem>>, vector<1x16xf32>,
          %get3A_1316 = vector.shape_cast %get3A_1315 : vector<1x16xf32> to vector<16xf32>
          %mul3A_1317 = vector.broadcast %squeeze3A_1308 : f32 to vector<16xf32>
          %mul3A_1318 = arith.mulf %get3A_1316, %mul3A_1317 : vector<16xf32>
          %swap3A_1319 = arith.index_cast %add3A_1312 : i32 to index
          %swap3A_1320 = arith.constant 0 : index
          %swap3A_1321 = tpu.vector_load %arg10[%swap3A_1319, %swap3A_1320] {strides = array<i32>} : memref<128x128xf32, #tpu.memory_space<vmem>>, vector<1x16xf32>,
          %swap3A_1322 = vector.shape_cast %swap3A_1321 : vector<1x16xf32> to vector<16xf32>
          %swap3A_1323 = vector.shape_cast %mul3A_1318 : vector<16xf32> to vector<1x16xf32>
          tpu.vector_store %arg10[%swap3A_1319, %swap3A_1320], %swap3A_1323 {strides = array<i32>} : memref<128x128xf32, #tpu.memory_space<vmem>>, vector<1x16xf32>,
          %get3A_1324 = arith.index_cast %add3A_1312 : i32 to index
          %get3A_1325 = arith.constant 16 : index
          %get3A_1326 = tpu.vector_load %arg10[%get3A_1324, %get3A_1325] {strides = array<i32>} : memref<128x128xf32, #tpu.memory_space<vmem>>, vector<1x16xf32>,
          %get3A_1327 = vector.shape_cast %get3A_1326 : vector<1x16xf32> to vector<16xf32>
          %mul3A_1328 = vector.broadcast %squeeze3A_1308 : f32 to vector<16xf32>
          %mul3A_1329 = arith.mulf %get3A_1327, %mul3A_1328 : vector<16xf32>
          %swap3A_1330 = arith.index_cast %add3A_1312 : i32 to index
          %swap3A_1331 = arith.constant 16 : index
          %swap3A_1332 = tpu.vector_load %arg10[%swap3A_1330, %swap3A_1331] {strides = array<i32>} : memref<128x128xf32, #tpu.memory_space<vmem>>, vector<1x16xf32>,
          %swap3A_1333 = vector.shape_cast %swap3A_1332 : vector<1x16xf32> to vector<16xf32>
          %swap3A_1334 = vector.shape_cast %mul3A_1329 : vector<16xf32> to vector<1x16xf32>
          tpu.vector_store %arg10[%swap3A_1330, %swap3A_1331], %swap3A_1334 {strides = array<i32>} : memref<128x128xf32, #tpu.memory_space<vmem>>, vector<1x16xf32>,
          %get3A_1335 = arith.index_cast %add3A_1312 : i32 to index
          %get3A_1336 = arith.constant 32 : index
          %get3A_1337 = tpu.vector_load %arg10[%get3A_1335, %get3A_1336] {strides = array<i32>} : memref<128x128xf32, #tpu.memory_space<vmem>>, vector<1x16xf32>,
          %get3A_1338 = vector.shape_cast %get3A_1337 : vector<1x16xf32> to vector<16xf32>
          %mul3A_1339 = vector.broadcast %squeeze3A_1308 : f32 to vector<16xf32>
          %mul3A_1340 = arith.mulf %get3A_1338, %mul3A_1339 : vector<16xf32>
          %swap3A_1341 = arith.index_cast %add3A_1312 : i32 to index
          %swap3A_1342 = arith.constant 32 : index
          %swap3A_1343 = tpu.vector_load %arg10[%swap3A_1341, %swap3A_1342] {strides = array<i32>} : memref<128x128xf32, #tpu.memory_space<vmem>>, vector<1x16xf32>,
          %swap3A_1344 = vector.shape_cast %swap3A_1343 : vector<1x16xf32> to vector<16xf32>
          %swap3A_1345 = vector.shape_cast %mul3A_1340 : vector<16xf32> to vector<1x16xf32>
          tpu.vector_store %arg10[%swap3A_1341, %swap3A_1342], %swap3A_1345 {strides = array<i32>} : memref<128x128xf32, #tpu.memory_space<vmem>>, vector<1x16xf32>,
          %get3A_1346 = arith.index_cast %add3A_1312 : i32 to index
          %get3A_1347 = arith.constant 48 : index
          %get3A_1348 = tpu.vector_load %arg10[%get3A_1346, %get3A_1347] {strides = array<i32>} : memref<128x128xf32, #tpu.memory_space<vmem>>, vector<1x16xf32>,
          %get3A_1349 = vector.shape_cast %get3A_1348 : vector<1x16xf32> to vector<16xf32>
          %mul3A_1350 = vector.broadcast %squeeze3A_1308 : f32 to vector<16xf32>
          %mul3A_1351 = arith.mulf %get3A_1349, %mul3A_1350 : vector<16xf32>
          %swap3A_1352 = arith.index_cast %add3A_1312 : i32 to index
          %swap3A_1353 = arith.constant 48 : index
          %swap3A_1354 = tpu.vector_load %arg10[%swap3A_1352, %swap3A_1353] {strides = array<i32>} : memref<128x128xf32, #tpu.memory_space<vmem>>, vector<1x16xf32>,
          %swap3A_1355 = vector.shape_cast %swap3A_1354 : vector<1x16xf32> to vector<16xf32>
          %swap3A_1356 = vector.shape_cast %mul3A_1351 : vector<16xf32> to vector<1x16xf32>
          tpu.vector_store %arg10[%swap3A_1352, %swap3A_1353], %swap3A_1356 {strides = array<i32>} : memref<128x128xf32, #tpu.memory_space<vmem>>, vector<1x16xf32>,
          %get3A_1357 = arith.index_cast %add3A_1312 : i32 to index
          %get3A_1358 = arith.constant 64 : index
          %get3A_1359 = tpu.vector_load %arg10[%get3A_1357, %get3A_1358] {strides = array<i32>} : memref<128x128xf32, #tpu.memory_space<vmem>>, vector<1x16xf32>,
          %get3A_1360 = vector.shape_cast %get3A_1359 : vector<1x16xf32> to vector<16xf32>
          %mul3A_1361 = vector.broadcast %squeeze3A_1308 : f32 to vector<16xf32>
          %mul3A_1362 = arith.mulf %get3A_1360, %mul3A_1361 : vector<16xf32>
          %swap3A_1363 = arith.index_cast %add3A_1312 : i32 to index
          %swap3A_1364 = arith.constant 64 : index
          %swap3A_1365 = tpu.vector_load %arg10[%swap3A_1363, %swap3A_1364] {strides = array<i32>} : memref<128x128xf32, #tpu.memory_space<vmem>>, vector<1x16xf32>,
          %swap3A_1366 = vector.shape_cast %swap3A_1365 : vector<1x16xf32> to vector<16xf32>
          %swap3A_1367 = vector.shape_cast %mul3A_1362 : vector<16xf32> to vector<1x16xf32>
          tpu.vector_store %arg10[%swap3A_1363, %swap3A_1364], %swap3A_1367 {strides = array<i32>} : memref<128x128xf32, #tpu.memory_space<vmem>>, vector<1x16xf32>,
          %get3A_1368 = arith.index_cast %add3A_1312 : i32 to index
          %get3A_1369 = arith.constant 80 : index
          %get3A_1370 = tpu.vector_load %arg10[%get3A_1368, %get3A_1369] {strides = array<i32>} : memref<128x128xf32, #tpu.memory_space<vmem>>, vector<1x16xf32>,
          %get3A_1371 = vector.shape_cast %get3A_1370 : vector<1x16xf32> to vector<16xf32>
          %mul3A_1372 = vector.broadcast %squeeze3A_1308 : f32 to vector<16xf32>
          %mul3A_1373 = arith.mulf %get3A_1371, %mul3A_1372 : vector<16xf32>
          %swap3A_1374 = arith.index_cast %add3A_1312 : i32 to index
          %swap3A_1375 = arith.constant 80 : index
          %swap3A_1376 = tpu.vector_load %arg10[%swap3A_1374, %swap3A_1375] {strides = array<i32>} : memref<128x128xf32, #tpu.memory_space<vmem>>, vector<1x16xf32>,
          %swap3A_1377 = vector.shape_cast %swap3A_1376 : vector<1x16xf32> to vector<16xf32>
          %swap3A_1378 = vector.shape_cast %mul3A_1373 : vector<16xf32> to vector<1x16xf32>
          tpu.vector_store %arg10[%swap3A_1374, %swap3A_1375], %swap3A_1378 {strides = array<i32>} : memref<128x128xf32, #tpu.memory_space<vmem>>, vector<1x16xf32>,
          %get3A_1379 = arith.index_cast %add3A_1312 : i32 to index
          %get3A_1380 = arith.constant 96 : index
          %get3A_1381 = tpu.vector_load %arg10[%get3A_1379, %get3A_1380] {strides = array<i32>} : memref<128x128xf32, #tpu.memory_space<vmem>>, vector<1x16xf32>,
          %get3A_1382 = vector.shape_cast %get3A_1381 : vector<1x16xf32> to vector<16xf32>
          %mul3A_1383 = vector.broadcast %squeeze3A_1308 : f32 to vector<16xf32>
          %mul3A_1384 = arith.mulf %get3A_1382, %mul3A_1383 : vector<16xf32>
          %swap3A_1385 = arith.index_cast %add3A_1312 : i32 to index
          %swap3A_1386 = arith.constant 96 : index
          %swap3A_1387 = tpu.vector_load %arg10[%swap3A_1385, %swap3A_1386] {strides = array<i32>} : memref<128x128xf32, #tpu.memory_space<vmem>>, vector<1x16xf32>,
          %swap3A_1388 = vector.shape_cast %swap3A_1387 : vector<1x16xf32> to vector<16xf32>
          %swap3A_1389 = vector.shape_cast %mul3A_1384 : vector<16xf32> to vector<1x16xf32>
          tpu.vector_store %arg10[%swap3A_1385, %swap3A_1386], %swap3A_1389 {strides = array<i32>} : memref<128x128xf32, #tpu.memory_space<vmem>>, vector<1x16xf32>,
          %get3A_1390 = arith.index_cast %add3A_1312 : i32 to index
          %get3A_1391 = arith.constant 112 : index
          %get3A_1392 = tpu.vector_load %arg10[%get3A_1390, %get3A_1391] {strides = array<i32>} : memref<128x128xf32, #tpu.memory_space<vmem>>, vector<1x16xf32>,
          %get3A_1393 = vector.shape_cast %get3A_1392 : vector<1x16xf32> to vector<16xf32>
          %mul3A_1394 = vector.broadcast %squeeze3A_1308 : f32 to vector<16xf32>
          %mul3A_1395 = arith.mulf %get3A_1393, %mul3A_1394 : vector<16xf32>
          %swap3A_1396 = arith.index_cast %add3A_1312 : i32 to index
          %swap3A_1397 = arith.constant 112 : index
          %swap3A_1398 = tpu.vector_load %arg10[%swap3A_1396, %swap3A_1397] {strides = array<i32>} : memref<128x128xf32, #tpu.memory_space<vmem>>, vector<1x16xf32>,
          %swap3A_1399 = vector.shape_cast %swap3A_1398 : vector<1x16xf32> to vector<16xf32>
          %swap3A_1400 = vector.shape_cast %mul3A_1395 : vector<16xf32> to vector<1x16xf32>
          tpu.vector_store %arg10[%swap3A_1396, %swap3A_1397], %swap3A_1400 {strides = array<i32>} : memref<128x128xf32, #tpu.memory_space<vmem>>, vector<1x16xf32>,
          %slice3A_1401 = vector.extract_strided_slice %get3A_87 {offsets = [14], sizes = [1], strides = [1]} : vector<16xf32> to vector<1xf32>
          %squeeze3A_1402 = vector.extract %slice3A_1401[0] : f32 from vector<1xf32>
          %mul3A_1403 = arith.constant 16 : i32
          %mul3A_1404 = arith.muli %scan3A_82, %mul3A_1403 : i32
          %add3A_1405 = arith.constant 14 : i32
          %add3A_1406 = arith.addi %mul3A_1404, %add3A_1405 : i32
          %get3A_1407 = arith.index_cast %add3A_1406 : i32 to index
          %get3A_1408 = arith.constant 0 : index
          %get3A_1409 = tpu.vector_load %arg10[%get3A_1407, %get3A_1408] {strides = array<i32>} : memref<128x128xf32, #tpu.memory_space<vmem>>, vector<1x16xf32>,
          %get3A_1410 = vector.shape_cast %get3A_1409 : vector<1x16xf32> to vector<16xf32>
          %mul3A_1411 = vector.broadcast %squeeze3A_1402 : f32 to vector<16xf32>
          %mul3A_1412 = arith.mulf %get3A_1410, %mul3A_1411 : vector<16xf32>
          %swap3A_1413 = arith.index_cast %add3A_1406 : i32 to index
          %swap3A_1414 = arith.constant 0 : index
          %swap3A_1415 = tpu.vector_load %arg10[%swap3A_1413, %swap3A_1414] {strides = array<i32>} : memref<128x128xf32, #tpu.memory_space<vmem>>, vector<1x16xf32>,
          %swap3A_1416 = vector.shape_cast %swap3A_1415 : vector<1x16xf32> to vector<16xf32>
          %swap3A_1417 = vector.shape_cast %mul3A_1412 : vector<16xf32> to vector<1x16xf32>
          tpu.vector_store %arg10[%swap3A_1413, %swap3A_1414], %swap3A_1417 {strides = array<i32>} : memref<128x128xf32, #tpu.memory_space<vmem>>, vector<1x16xf32>,
          %get3A_1418 = arith.index_cast %add3A_1406 : i32 to index
          %get3A_1419 = arith.constant 16 : index
          %get3A_1420 = tpu.vector_load %arg10[%get3A_1418, %get3A_1419] {strides = array<i32>} : memref<128x128xf32, #tpu.memory_space<vmem>>, vector<1x16xf32>,
          %get3A_1421 = vector.shape_cast %get3A_1420 : vector<1x16xf32> to vector<16xf32>
          %mul3A_1422 = vector.broadcast %squeeze3A_1402 : f32 to vector<16xf32>
          %mul3A_1423 = arith.mulf %get3A_1421, %mul3A_1422 : vector<16xf32>
          %swap3A_1424 = arith.index_cast %add3A_1406 : i32 to index
          %swap3A_1425 = arith.constant 16 : index
          %swap3A_1426 = tpu.vector_load %arg10[%swap3A_1424, %swap3A_1425] {strides = array<i32>} : memref<128x128xf32, #tpu.memory_space<vmem>>, vector<1x16xf32>,
          %swap3A_1427 = vector.shape_cast %swap3A_1426 : vector<1x16xf32> to vector<16xf32>
          %swap3A_1428 = vector.shape_cast %mul3A_1423 : vector<16xf32> to vector<1x16xf32>
          tpu.vector_store %arg10[%swap3A_1424, %swap3A_1425], %swap3A_1428 {strides = array<i32>} : memref<128x128xf32, #tpu.memory_space<vmem>>, vector<1x16xf32>,
          %get3A_1429 = arith.index_cast %add3A_1406 : i32 to index
          %get3A_1430 = arith.constant 32 : index
          %get3A_1431 = tpu.vector_load %arg10[%get3A_1429, %get3A_1430] {strides = array<i32>} : memref<128x128xf32, #tpu.memory_space<vmem>>, vector<1x16xf32>,
          %get3A_1432 = vector.shape_cast %get3A_1431 : vector<1x16xf32> to vector<16xf32>
          %mul3A_1433 = vector.broadcast %squeeze3A_1402 : f32 to vector<16xf32>
          %mul3A_1434 = arith.mulf %get3A_1432, %mul3A_1433 : vector<16xf32>
          %swap3A_1435 = arith.index_cast %add3A_1406 : i32 to index
          %swap3A_1436 = arith.constant 32 : index
          %swap3A_1437 = tpu.vector_load %arg10[%swap3A_1435, %swap3A_1436] {strides = array<i32>} : memref<128x128xf32, #tpu.memory_space<vmem>>, vector<1x16xf32>,
          %swap3A_1438 = vector.shape_cast %swap3A_1437 : vector<1x16xf32> to vector<16xf32>
          %swap3A_1439 = vector.shape_cast %mul3A_1434 : vector<16xf32> to vector<1x16xf32>
          tpu.vector_store %arg10[%swap3A_1435, %swap3A_1436], %swap3A_1439 {strides = array<i32>} : memref<128x128xf32, #tpu.memory_space<vmem>>, vector<1x16xf32>,
          %get3A_1440 = arith.index_cast %add3A_1406 : i32 to index
          %get3A_1441 = arith.constant 48 : index
          %get3A_1442 = tpu.vector_load %arg10[%get3A_1440, %get3A_1441] {strides = array<i32>} : memref<128x128xf32, #tpu.memory_space<vmem>>, vector<1x16xf32>,
          %get3A_1443 = vector.shape_cast %get3A_1442 : vector<1x16xf32> to vector<16xf32>
          %mul3A_1444 = vector.broadcast %squeeze3A_1402 : f32 to vector<16xf32>
          %mul3A_1445 = arith.mulf %get3A_1443, %mul3A_1444 : vector<16xf32>
          %swap3A_1446 = arith.index_cast %add3A_1406 : i32 to index
          %swap3A_1447 = arith.constant 48 : index
          %swap3A_1448 = tpu.vector_load %arg10[%swap3A_1446, %swap3A_1447] {strides = array<i32>} : memref<128x128xf32, #tpu.memory_space<vmem>>, vector<1x16xf32>,
          %swap3A_1449 = vector.shape_cast %swap3A_1448 : vector<1x16xf32> to vector<16xf32>
          %swap3A_1450 = vector.shape_cast %mul3A_1445 : vector<16xf32> to vector<1x16xf32>
          tpu.vector_store %arg10[%swap3A_1446, %swap3A_1447], %swap3A_1450 {strides = array<i32>} : memref<128x128xf32, #tpu.memory_space<vmem>>, vector<1x16xf32>,
          %get3A_1451 = arith.index_cast %add3A_1406 : i32 to index
          %get3A_1452 = arith.constant 64 : index
          %get3A_1453 = tpu.vector_load %arg10[%get3A_1451, %get3A_1452] {strides = array<i32>} : memref<128x128xf32, #tpu.memory_space<vmem>>, vector<1x16xf32>,
          %get3A_1454 = vector.shape_cast %get3A_1453 : vector<1x16xf32> to vector<16xf32>
          %mul3A_1455 = vector.broadcast %squeeze3A_1402 : f32 to vector<16xf32>
          %mul3A_1456 = arith.mulf %get3A_1454, %mul3A_1455 : vector<16xf32>
          %swap3A_1457 = arith.index_cast %add3A_1406 : i32 to index
          %swap3A_1458 = arith.constant 64 : index
          %swap3A_1459 = tpu.vector_load %arg10[%swap3A_1457, %swap3A_1458] {strides = array<i32>} : memref<128x128xf32, #tpu.memory_space<vmem>>, vector<1x16xf32>,
          %swap3A_1460 = vector.shape_cast %swap3A_1459 : vector<1x16xf32> to vector<16xf32>
          %swap3A_1461 = vector.shape_cast %mul3A_1456 : vector<16xf32> to vector<1x16xf32>
          tpu.vector_store %arg10[%swap3A_1457, %swap3A_1458], %swap3A_1461 {strides = array<i32>} : memref<128x128xf32, #tpu.memory_space<vmem>>, vector<1x16xf32>,
          %get3A_1462 = arith.index_cast %add3A_1406 : i32 to index
          %get3A_1463 = arith.constant 80 : index
          %get3A_1464 = tpu.vector_load %arg10[%get3A_1462, %get3A_1463] {strides = array<i32>} : memref<128x128xf32, #tpu.memory_space<vmem>>, vector<1x16xf32>,
          %get3A_1465 = vector.shape_cast %get3A_1464 : vector<1x16xf32> to vector<16xf32>
          %mul3A_1466 = vector.broadcast %squeeze3A_1402 : f32 to vector<16xf32>
          %mul3A_1467 = arith.mulf %get3A_1465, %mul3A_1466 : vector<16xf32>
          %swap3A_1468 = arith.index_cast %add3A_1406 : i32 to index
          %swap3A_1469 = arith.constant 80 : index
          %swap3A_1470 = tpu.vector_load %arg10[%swap3A_1468, %swap3A_1469] {strides = array<i32>} : memref<128x128xf32, #tpu.memory_space<vmem>>, vector<1x16xf32>,
          %swap3A_1471 = vector.shape_cast %swap3A_1470 : vector<1x16xf32> to vector<16xf32>
          %swap3A_1472 = vector.shape_cast %mul3A_1467 : vector<16xf32> to vector<1x16xf32>
          tpu.vector_store %arg10[%swap3A_1468, %swap3A_1469], %swap3A_1472 {strides = array<i32>} : memref<128x128xf32, #tpu.memory_space<vmem>>, vector<1x16xf32>,
          %get3A_1473 = arith.index_cast %add3A_1406 : i32 to index
          %get3A_1474 = arith.constant 96 : index
          %get3A_1475 = tpu.vector_load %arg10[%get3A_1473, %get3A_1474] {strides = array<i32>} : memref<128x128xf32, #tpu.memory_space<vmem>>, vector<1x16xf32>,
          %get3A_1476 = vector.shape_cast %get3A_1475 : vector<1x16xf32> to vector<16xf32>
          %mul3A_1477 = vector.broadcast %squeeze3A_1402 : f32 to vector<16xf32>
          %mul3A_1478 = arith.mulf %get3A_1476, %mul3A_1477 : vector<16xf32>
          %swap3A_1479 = arith.index_cast %add3A_1406 : i32 to index
          %swap3A_1480 = arith.constant 96 : index
          %swap3A_1481 = tpu.vector_load %arg10[%swap3A_1479, %swap3A_1480] {strides = array<i32>} : memref<128x128xf32, #tpu.memory_space<vmem>>, vector<1x16xf32>,
          %swap3A_1482 = vector.shape_cast %swap3A_1481 : vector<1x16xf32> to vector<16xf32>
          %swap3A_1483 = vector.shape_cast %mul3A_1478 : vector<16xf32> to vector<1x16xf32>
          tpu.vector_store %arg10[%swap3A_1479, %swap3A_1480], %swap3A_1483 {strides = array<i32>} : memref<128x128xf32, #tpu.memory_space<vmem>>, vector<1x16xf32>,
          %get3A_1484 = arith.index_cast %add3A_1406 : i32 to index
          %get3A_1485 = arith.constant 112 : index
          %get3A_1486 = tpu.vector_load %arg10[%get3A_1484, %get3A_1485] {strides = array<i32>} : memref<128x128xf32, #tpu.memory_space<vmem>>, vector<1x16xf32>,
          %get3A_1487 = vector.shape_cast %get3A_1486 : vector<1x16xf32> to vector<16xf32>
          %mul3A_1488 = vector.broadcast %squeeze3A_1402 : f32 to vector<16xf32>
          %mul3A_1489 = arith.mulf %get3A_1487, %mul3A_1488 : vector<16xf32>
          %swap3A_1490 = arith.index_cast %add3A_1406 : i32 to index
          %swap3A_1491 = arith.constant 112 : index
          %swap3A_1492 = tpu.vector_load %arg10[%swap3A_1490, %swap3A_1491] {strides = array<i32>} : memref<128x128xf32, #tpu.memory_space<vmem>>, vector<1x16xf32>,
          %swap3A_1493 = vector.shape_cast %swap3A_1492 : vector<1x16xf32> to vector<16xf32>
          %swap3A_1494 = vector.shape_cast %mul3A_1489 : vector<16xf32> to vector<1x16xf32>
          tpu.vector_store %arg10[%swap3A_1490, %swap3A_1491], %swap3A_1494 {strides = array<i32>} : memref<128x128xf32, #tpu.memory_space<vmem>>, vector<1x16xf32>,
          %slice3A_1495 = vector.extract_strided_slice %get3A_87 {offsets = [15], sizes = [1], strides = [1]} : vector<16xf32> to vector<1xf32>
          %squeeze3A_1496 = vector.extract %slice3A_1495[0] : f32 from vector<1xf32>
          %mul3A_1497 = arith.constant 16 : i32
          %mul3A_1498 = arith.muli %scan3A_82, %mul3A_1497 : i32
          %add3A_1499 = arith.constant 15 : i32
          %add3A_1500 = arith.addi %mul3A_1498, %add3A_1499 : i32
          %get3A_1501 = arith.index_cast %add3A_1500 : i32 to index
          %get3A_1502 = arith.constant 0 : index
          %get3A_1503 = tpu.vector_load %arg10[%get3A_1501, %get3A_1502] {strides = array<i32>} : memref<128x128xf32, #tpu.memory_space<vmem>>, vector<1x16xf32>,
          %get3A_1504 = vector.shape_cast %get3A_1503 : vector<1x16xf32> to vector<16xf32>
          %mul3A_1505 = vector.broadcast %squeeze3A_1496 : f32 to vector<16xf32>
          %mul3A_1506 = arith.mulf %get3A_1504, %mul3A_1505 : vector<16xf32>
          %swap3A_1507 = arith.index_cast %add3A_1500 : i32 to index
          %swap3A_1508 = arith.constant 0 : index
          %swap3A_1509 = tpu.vector_load %arg10[%swap3A_1507, %swap3A_1508] {strides = array<i32>} : memref<128x128xf32, #tpu.memory_space<vmem>>, vector<1x16xf32>,
          %swap3A_1510 = vector.shape_cast %swap3A_1509 : vector<1x16xf32> to vector<16xf32>
          %swap3A_1511 = vector.shape_cast %mul3A_1506 : vector<16xf32> to vector<1x16xf32>
          tpu.vector_store %arg10[%swap3A_1507, %swap3A_1508], %swap3A_1511 {strides = array<i32>} : memref<128x128xf32, #tpu.memory_space<vmem>>, vector<1x16xf32>,
          %get3A_1512 = arith.index_cast %add3A_1500 : i32 to index
          %get3A_1513 = arith.constant 16 : index
          %get3A_1514 = tpu.vector_load %arg10[%get3A_1512, %get3A_1513] {strides = array<i32>} : memref<128x128xf32, #tpu.memory_space<vmem>>, vector<1x16xf32>,
          %get3A_1515 = vector.shape_cast %get3A_1514 : vector<1x16xf32> to vector<16xf32>
          %mul3A_1516 = vector.broadcast %squeeze3A_1496 : f32 to vector<16xf32>
          %mul3A_1517 = arith.mulf %get3A_1515, %mul3A_1516 : vector<16xf32>
          %swap3A_1518 = arith.index_cast %add3A_1500 : i32 to index
          %swap3A_1519 = arith.constant 16 : index
          %swap3A_1520 = tpu.vector_load %arg10[%swap3A_1518, %swap3A_1519] {strides = array<i32>} : memref<128x128xf32, #tpu.memory_space<vmem>>, vector<1x16xf32>,
          %swap3A_1521 = vector.shape_cast %swap3A_1520 : vector<1x16xf32> to vector<16xf32>
          %swap3A_1522 = vector.shape_cast %mul3A_1517 : vector<16xf32> to vector<1x16xf32>
          tpu.vector_store %arg10[%swap3A_1518, %swap3A_1519], %swap3A_1522 {strides = array<i32>} : memref<128x128xf32, #tpu.memory_space<vmem>>, vector<1x16xf32>,
          %get3A_1523 = arith.index_cast %add3A_1500 : i32 to index
          %get3A_1524 = arith.constant 32 : index
          %get3A_1525 = tpu.vector_load %arg10[%get3A_1523, %get3A_1524] {strides = array<i32>} : memref<128x128xf32, #tpu.memory_space<vmem>>, vector<1x16xf32>,
          %get3A_1526 = vector.shape_cast %get3A_1525 : vector<1x16xf32> to vector<16xf32>
          %mul3A_1527 = vector.broadcast %squeeze3A_1496 : f32 to vector<16xf32>
          %mul3A_1528 = arith.mulf %get3A_1526, %mul3A_1527 : vector<16xf32>
          %swap3A_1529 = arith.index_cast %add3A_1500 : i32 to index
          %swap3A_1530 = arith.constant 32 : index
          %swap3A_1531 = tpu.vector_load %arg10[%swap3A_1529, %swap3A_1530] {strides = array<i32>} : memref<128x128xf32, #tpu.memory_space<vmem>>, vector<1x16xf32>,
          %swap3A_1532 = vector.shape_cast %swap3A_1531 : vector<1x16xf32> to vector<16xf32>
          %swap3A_1533 = vector.shape_cast %mul3A_1528 : vector<16xf32> to vector<1x16xf32>
          tpu.vector_store %arg10[%swap3A_1529, %swap3A_1530], %swap3A_1533 {strides = array<i32>} : memref<128x128xf32, #tpu.memory_space<vmem>>, vector<1x16xf32>,
          %get3A_1534 = arith.index_cast %add3A_1500 : i32 to index
          %get3A_1535 = arith.constant 48 : index
          %get3A_1536 = tpu.vector_load %arg10[%get3A_1534, %get3A_1535] {strides = array<i32>} : memref<128x128xf32, #tpu.memory_space<vmem>>, vector<1x16xf32>,
          %get3A_1537 = vector.shape_cast %get3A_1536 : vector<1x16xf32> to vector<16xf32>
          %mul3A_1538 = vector.broadcast %squeeze3A_1496 : f32 to vector<16xf32>
          %mul3A_1539 = arith.mulf %get3A_1537, %mul3A_1538 : vector<16xf32>
          %swap3A_1540 = arith.index_cast %add3A_1500 : i32 to index
          %swap3A_1541 = arith.constant 48 : index
          %swap3A_1542 = tpu.vector_load %arg10[%swap3A_1540, %swap3A_1541] {strides = array<i32>} : memref<128x128xf32, #tpu.memory_space<vmem>>, vector<1x16xf32>,
          %swap3A_1543 = vector.shape_cast %swap3A_1542 : vector<1x16xf32> to vector<16xf32>
          %swap3A_1544 = vector.shape_cast %mul3A_1539 : vector<16xf32> to vector<1x16xf32>
          tpu.vector_store %arg10[%swap3A_1540, %swap3A_1541], %swap3A_1544 {strides = array<i32>} : memref<128x128xf32, #tpu.memory_space<vmem>>, vector<1x16xf32>,
          %get3A_1545 = arith.index_cast %add3A_1500 : i32 to index
          %get3A_1546 = arith.constant 64 : index
          %get3A_1547 = tpu.vector_load %arg10[%get3A_1545, %get3A_1546] {strides = array<i32>} : memref<128x128xf32, #tpu.memory_space<vmem>>, vector<1x16xf32>,
          %get3A_1548 = vector.shape_cast %get3A_1547 : vector<1x16xf32> to vector<16xf32>
          %mul3A_1549 = vector.broadcast %squeeze3A_1496 : f32 to vector<16xf32>
          %mul3A_1550 = arith.mulf %get3A_1548, %mul3A_1549 : vector<16xf32>
          %swap3A_1551 = arith.index_cast %add3A_1500 : i32 to index
          %swap3A_1552 = arith.constant 64 : index
          %swap3A_1553 = tpu.vector_load %arg10[%swap3A_1551, %swap3A_1552] {strides = array<i32>} : memref<128x128xf32, #tpu.memory_space<vmem>>, vector<1x16xf32>,
          %swap3A_1554 = vector.shape_cast %swap3A_1553 : vector<1x16xf32> to vector<16xf32>
          %swap3A_1555 = vector.shape_cast %mul3A_1550 : vector<16xf32> to vector<1x16xf32>
          tpu.vector_store %arg10[%swap3A_1551, %swap3A_1552], %swap3A_1555 {strides = array<i32>} : memref<128x128xf32, #tpu.memory_space<vmem>>, vector<1x16xf32>,
          %get3A_1556 = arith.index_cast %add3A_1500 : i32 to index
          %get3A_1557 = arith.constant 80 : index
          %get3A_1558 = tpu.vector_load %arg10[%get3A_1556, %get3A_1557] {strides = array<i32>} : memref<128x128xf32, #tpu.memory_space<vmem>>, vector<1x16xf32>,
          %get3A_1559 = vector.shape_cast %get3A_1558 : vector<1x16xf32> to vector<16xf32>
          %mul3A_1560 = vector.broadcast %squeeze3A_1496 : f32 to vector<16xf32>
          %mul3A_1561 = arith.mulf %get3A_1559, %mul3A_1560 : vector<16xf32>
          %swap3A_1562 = arith.index_cast %add3A_1500 : i32 to index
          %swap3A_1563 = arith.constant 80 : index
          %swap3A_1564 = tpu.vector_load %arg10[%swap3A_1562, %swap3A_1563] {strides = array<i32>} : memref<128x128xf32, #tpu.memory_space<vmem>>, vector<1x16xf32>,
          %swap3A_1565 = vector.shape_cast %swap3A_1564 : vector<1x16xf32> to vector<16xf32>
          %swap3A_1566 = vector.shape_cast %mul3A_1561 : vector<16xf32> to vector<1x16xf32>
          tpu.vector_store %arg10[%swap3A_1562, %swap3A_1563], %swap3A_1566 {strides = array<i32>} : memref<128x128xf32, #tpu.memory_space<vmem>>, vector<1x16xf32>,
          %get3A_1567 = arith.index_cast %add3A_1500 : i32 to index
          %get3A_1568 = arith.constant 96 : index
          %get3A_1569 = tpu.vector_load %arg10[%get3A_1567, %get3A_1568] {strides = array<i32>} : memref<128x128xf32, #tpu.memory_space<vmem>>, vector<1x16xf32>,
          %get3A_1570 = vector.shape_cast %get3A_1569 : vector<1x16xf32> to vector<16xf32>
          %mul3A_1571 = vector.broadcast %squeeze3A_1496 : f32 to vector<16xf32>
          %mul3A_1572 = arith.mulf %get3A_1570, %mul3A_1571 : vector<16xf32>
          %swap3A_1573 = arith.index_cast %add3A_1500 : i32 to index
          %swap3A_1574 = arith.constant 96 : index
          %swap3A_1575 = tpu.vector_load %arg10[%swap3A_1573, %swap3A_1574] {strides = array<i32>} : memref<128x128xf32, #tpu.memory_space<vmem>>, vector<1x16xf32>,
          %swap3A_1576 = vector.shape_cast %swap3A_1575 : vector<1x16xf32> to vector<16xf32>
          %swap3A_1577 = vector.shape_cast %mul3A_1572 : vector<16xf32> to vector<1x16xf32>
          tpu.vector_store %arg10[%swap3A_1573, %swap3A_1574], %swap3A_1577 {strides = array<i32>} : memref<128x128xf32, #tpu.memory_space<vmem>>, vector<1x16xf32>,
          %get3A_1578 = arith.index_cast %add3A_1500 : i32 to index
          %get3A_1579 = arith.constant 112 : index
          %get3A_1580 = tpu.vector_load %arg10[%get3A_1578, %get3A_1579] {strides = array<i32>} : memref<128x128xf32, #tpu.memory_space<vmem>>, vector<1x16xf32>,
          %get3A_1581 = vector.shape_cast %get3A_1580 : vector<1x16xf32> to vector<16xf32>
          %mul3A_1582 = vector.broadcast %squeeze3A_1496 : f32 to vector<16xf32>
          %mul3A_1583 = arith.mulf %get3A_1581, %mul3A_1582 : vector<16xf32>
          %swap3A_1584 = arith.index_cast %add3A_1500 : i32 to index
          %swap3A_1585 = arith.constant 112 : index
          %swap3A_1586 = tpu.vector_load %arg10[%swap3A_1584, %swap3A_1585] {strides = array<i32>} : memref<128x128xf32, #tpu.memory_space<vmem>>, vector<1x16xf32>,
          %swap3A_1587 = vector.shape_cast %swap3A_1586 : vector<1x16xf32> to vector<16xf32>
          %swap3A_1588 = vector.shape_cast %mul3A_1583 : vector<16xf32> to vector<1x16xf32>
          tpu.vector_store %arg10[%swap3A_1584, %swap3A_1585], %swap3A_1588 {strides = array<i32>} : memref<128x128xf32, #tpu.memory_space<vmem>>, vector<1x16xf32>,
        }
        %scan3A_81 = arith.constant 8 : i32
        "tpu.region"() ({
          %run_scoped3A = tpu.sem_alloc : memref<!tpu.dma_semaphore, #tpu.memory_space<semaphore_mem>>
          %dma_start3A_82 = arith.constant 0 : i32
          %dma_start3A_83 = tpu.memref_slice %arg8[%scan3A_65, %dma_start3A_82] : memref<16x128xi32, #tpu.memory_space<vmem>> -> memref<1x128xi32, #tpu.memory_space<vmem>>
          %dma_start3A_84 = tpu.memref_squeeze %dma_start3A_83 : memref<1x128xi32, #tpu.memory_space<vmem>> -> memref<128xi32, #tpu.memory_space<vmem>>
          %dma_start3A_85 = arith.constant 0 : i32
          %dma_start3A_86 = arith.constant 0 : i32
          %dma_start3A_87 = tpu.memref_slice %arg12[%dma_start3A_85, %dma_start3A_86] : memref<10000x128xf32, #tpu.memory_space<vmem_shared>> -> memref<10000x128xf32, #tpu.memory_space<vmem_shared>>
          tpu.enqueue_indirect_dma source(%arg10 : memref<128x128xf32, #tpu.memory_space<vmem>>) target(%dma_start3A_87 : memref<10000x128xf32, #tpu.memory_space<vmem_shared>>) offsets(%dma_start3A_84 : memref<128xi32, #tpu.memory_space<vmem>>) semaphore(%run_scoped3A : memref<!tpu.dma_semaphore, #tpu.memory_space<semaphore_mem>>) {add = true}
          %dma_wait3A_88 = arith.constant 0 : i32
          %dma_wait3A_89 = tpu.memref_slice %arg8[%scan3A_65, %dma_wait3A_88] : memref<16x128xi32, #tpu.memory_space<vmem>> -> memref<1x128xi32, #tpu.memory_space<vmem>>
          %dma_wait3A_90 = tpu.memref_squeeze %dma_wait3A_89 : memref<1x128xi32, #tpu.memory_space<vmem>> -> memref<128xi32, #tpu.memory_space<vmem>>
          %dma_wait3A_91 = arith.constant 0 : i32
          %dma_wait3A_92 = arith.constant 0 : i32
          %dma_wait3A_93 = tpu.memref_slice %arg12[%dma_wait3A_91, %dma_wait3A_92] : memref<10000x128xf32, #tpu.memory_space<vmem_shared>> -> memref<10000x128xf32, #tpu.memory_space<vmem_shared>>
          tpu.wait_indirect_dma semaphore(%run_scoped3A : memref<!tpu.dma_semaphore, #tpu.memory_space<semaphore_mem>>) src(%arg10 : memref<128x128xf32, #tpu.memory_space<vmem>>) dst(%dma_wait3A_93 : memref<10000x128xf32, #tpu.memory_space<vmem_shared>>)
          tpu.yield
        }) : () -> ()
      }
      %scan3A_64 = arith.constant 16 : i32
    }
    %scan3A_41 = arith.constant 10 : i32
    %barrier3A_42 = arith.constant 0 : index
    tpu.barrier barrier_id(%barrier3A_42)
    %while3A_43 = arith.constant 0 : i32
    %while3A_44 = arith.constant 0 : i32
    %while3A_45 = arith.subi %select_n3A, %while3A_44 : i32
    %while3A_46 = arith.addi %while3A_44, %while3A_45 : i32
    %while3A_47 = arith.constant 1 : i32
    %while3A_48 = arith.divsi %while3A_45, %while3A_47 : i32
    %while3A_49 = arith.muli %while3A_48, %while3A_47 : i32
    %while3A_50 = arith.addi %while3A_44, %while3A_49 : i32
    %while3A_51 = arith.constant 1 : i32
    scf.for %while3A_53 = %while3A_44 to %while3A_50 step %while3A_51  : i32 {
      %mul3A = arith.constant 16 : i32
      %mul3A_54 = arith.muli %while3A_53, %mul3A : i32
      %add3A_55 = arith.addi %arg1, %mul3A_54 : i32
      %mul3A_56 = arith.constant 80 : i32
      %mul3A_57 = arith.muli %add3A_55, %mul3A_56 : i32
      "tpu.region"() ({
        %run_scoped3A = tpu.sem_alloc : memref<!tpu.dma_semaphore, #tpu.memory_space<semaphore_mem>>
        %dma_start3A = arith.constant 0 : i32
        %dma_start3A_58 = tpu.memref_slice %arg12[%mul3A_57, %dma_start3A] : memref<10000x128xf32, #tpu.memory_space<vmem_shared>> -> memref<80x128xf32, #tpu.memory_space<vmem_shared>>
        %dma_start3A_59 = arith.constant 0 : i32
        %dma_start3A_60 = tpu.memref_slice %arg12[%mul3A_57, %dma_start3A_59] : memref<10000x128xf32, #tpu.memory_space<vmem_shared>> -> memref<80x128xf32, #tpu.memory_space<vmem_shared>>
        tpu.enqueue_dma source(%dma_start3A_60 : memref<80x128xf32, #tpu.memory_space<vmem_shared>>) target(%arg11 : memref<80x128xf32, #tpu.memory_space<vmem>>) target_semaphore(%run_scoped3A : memref<!tpu.dma_semaphore, #tpu.memory_space<semaphore_mem>>)
        %dma_wait3A = arith.constant 0 : i32
        %dma_wait3A_61 = tpu.memref_slice %arg12[%mul3A_57, %dma_wait3A] : memref<10000x128xf32, #tpu.memory_space<vmem_shared>> -> memref<80x128xf32, #tpu.memory_space<vmem_shared>>
        %dma_wait3A_62 = arith.constant 0 : i32
        %dma_wait3A_63 = tpu.memref_slice %arg12[%mul3A_57, %dma_wait3A_62] : memref<10000x128xf32, #tpu.memory_space<vmem_shared>> -> memref<80x128xf32, #tpu.memory_space<vmem_shared>>
        tpu.wait_dma2 semaphore(%run_scoped3A : memref<!tpu.dma_semaphore, #tpu.memory_space<semaphore_mem>>) src(%dma_wait3A_63 : memref<80x128xf32, #tpu.memory_space<vmem_shared>>) dst(%arg11 : memref<80x128xf32, #tpu.memory_space<vmem>>)
        tpu.yield
      }) : () -> ()
      "tpu.region"() ({
        %run_scoped3A = tpu.sem_alloc : memref<!tpu.dma_semaphore, #tpu.memory_space<semaphore_mem>>
        %dma_start3A = arith.constant 0 : i32
        %dma_start3A_58 = tpu.memref_slice %arg6[%arg0, %mul3A_57, %dma_start3A] : memref<2x10000x128xf32, #tpu.memory_space<hbm>> -> memref<1x80x128xf32, #tpu.memory_space<hbm>>
        %dma_start3A_59 = tpu.memref_squeeze %dma_start3A_58 : memref<1x80x128xf32, #tpu.memory_space<hbm>> -> memref<80x128xf32, #tpu.memory_space<hbm>>
        %dma_start3A_60 = arith.constant 0 : i32
        %dma_start3A_61 = tpu.memref_slice %arg6[%arg0, %mul3A_57, %dma_start3A_60] : memref<2x10000x128xf32, #tpu.memory_space<hbm>> -> memref<1x80x128xf32, #tpu.memory_space<hbm>>
        %dma_start3A_62 = tpu.memref_squeeze %dma_start3A_61 : memref<1x80x128xf32, #tpu.memory_space<hbm>> -> memref<80x128xf32, #tpu.memory_space<hbm>>
        tpu.enqueue_dma source(%arg11 : memref<80x128xf32, #tpu.memory_space<vmem>>) target(%dma_start3A_62 : memref<80x128xf32, #tpu.memory_space<hbm>>) target_semaphore(%run_scoped3A : memref<!tpu.dma_semaphore, #tpu.memory_space<semaphore_mem>>)
        %dma_wait3A = arith.constant 0 : i32
        %dma_wait3A_63 = tpu.memref_slice %arg6[%arg0, %mul3A_57, %dma_wait3A] : memref<2x10000x128xf32, #tpu.memory_space<hbm>> -> memref<1x80x128xf32, #tpu.memory_space<hbm>>
        %dma_wait3A_64 = tpu.memref_squeeze %dma_wait3A_63 : memref<1x80x128xf32, #tpu.memory_space<hbm>> -> memref<80x128xf32, #tpu.memory_space<hbm>>
        %dma_wait3A_65 = arith.constant 0 : i32
        %dma_wait3A_66 = tpu.memref_slice %arg6[%arg0, %mul3A_57, %dma_wait3A_65] : memref<2x10000x128xf32, #tpu.memory_space<hbm>> -> memref<1x80x128xf32, #tpu.memory_space<hbm>>
        %dma_wait3A_67 = tpu.memref_squeeze %dma_wait3A_66 : memref<1x80x128xf32, #tpu.memory_space<hbm>> -> memref<80x128xf32, #tpu.memory_space<hbm>>
        tpu.wait_dma2 semaphore(%run_scoped3A : memref<!tpu.dma_semaphore, #tpu.memory_space<semaphore_mem>>) src(%arg11 : memref<80x128xf32, #tpu.memory_space<vmem>>) dst(%dma_wait3A_67 : memref<80x128xf32, #tpu.memory_space<hbm>>)
        tpu.yield
      }) : () -> ()
    }
    %while3A_52 = arith.constant 1 : i32
    scf.for %while3A_53 = %while3A_50 to %while3A_46 step %while3A_52  : i32 {
      %mul3A = arith.constant 16 : i32
      %mul3A_54 = arith.muli %while3A_53, %mul3A : i32
      %add3A_55 = arith.addi %arg1, %mul3A_54 : i32
      %mul3A_56 = arith.constant 80 : i32
      %mul3A_57 = arith.muli %add3A_55, %mul3A_56 : i32
      "tpu.region"() ({
        %run_scoped3A = tpu.sem_alloc : memref<!tpu.dma_semaphore, #tpu.memory_space<semaphore_mem>>
        %dma_start3A = arith.constant 0 : i32
        %dma_start3A_58 = tpu.memref_slice %arg12[%mul3A_57, %dma_start3A] : memref<10000x128xf32, #tpu.memory_space<vmem_shared>> -> memref<80x128xf32, #tpu.memory_space<vmem_shared>>
        %dma_start3A_59 = arith.constant 0 : i32
        %dma_start3A_60 = tpu.memref_slice %arg12[%mul3A_57, %dma_start3A_59] : memref<10000x128xf32, #tpu.memory_space<vmem_shared>> -> memref<80x128xf32, #tpu.memory_space<vmem_shared>>
        tpu.enqueue_dma source(%dma_start3A_60 : memref<80x128xf32, #tpu.memory_space<vmem_shared>>) target(%arg11 : memref<80x128xf32, #tpu.memory_space<vmem>>) target_semaphore(%run_scoped3A : memref<!tpu.dma_semaphore, #tpu.memory_space<semaphore_mem>>)
        %dma_wait3A = arith.constant 0 : i32
        %dma_wait3A_61 = tpu.memref_slice %arg12[%mul3A_57, %dma_wait3A] : memref<10000x128xf32, #tpu.memory_space<vmem_shared>> -> memref<80x128xf32, #tpu.memory_space<vmem_shared>>
        %dma_wait3A_62 = arith.constant 0 : i32
        %dma_wait3A_63 = tpu.memref_slice %arg12[%mul3A_57, %dma_wait3A_62] : memref<10000x128xf32, #tpu.memory_space<vmem_shared>> -> memref<80x128xf32, #tpu.memory_space<vmem_shared>>
        tpu.wait_dma2 semaphore(%run_scoped3A : memref<!tpu.dma_semaphore, #tpu.memory_space<semaphore_mem>>) src(%dma_wait3A_63 : memref<80x128xf32, #tpu.memory_space<vmem_shared>>) dst(%arg11 : memref<80x128xf32, #tpu.memory_space<vmem>>)
        tpu.yield
      }) : () -> ()
      "tpu.region"() ({
        %run_scoped3A = tpu.sem_alloc : memref<!tpu.dma_semaphore, #tpu.memory_space<semaphore_mem>>
        %dma_start3A = arith.constant 0 : i32
        %dma_start3A_58 = tpu.memref_slice %arg6[%arg0, %mul3A_57, %dma_start3A] : memref<2x10000x128xf32, #tpu.memory_space<hbm>> -> memref<1x80x128xf32, #tpu.memory_space<hbm>>
        %dma_start3A_59 = tpu.memref_squeeze %dma_start3A_58 : memref<1x80x128xf32, #tpu.memory_space<hbm>> -> memref<80x128xf32, #tpu.memory_space<hbm>>
        %dma_start3A_60 = arith.constant 0 : i32
        %dma_start3A_61 = tpu.memref_slice %arg6[%arg0, %mul3A_57, %dma_start3A_60] : memref<2x10000x128xf32, #tpu.memory_space<hbm>> -> memref<1x80x128xf32, #tpu.memory_space<hbm>>
        %dma_start3A_62 = tpu.memref_squeeze %dma_start3A_61 : memref<1x80x128xf32, #tpu.memory_space<hbm>> -> memref<80x128xf32, #tpu.memory_space<hbm>>
        tpu.enqueue_dma source(%arg11 : memref<80x128xf32, #tpu.memory_space<vmem>>) target(%dma_start3A_62 : memref<80x128xf32, #tpu.memory_space<hbm>>) target_semaphore(%run_scoped3A : memref<!tpu.dma_semaphore, #tpu.memory_space<semaphore_mem>>)
        %dma_wait3A = arith.constant 0 : i32
        %dma_wait3A_63 = tpu.memref_slice %arg6[%arg0, %mul3A_57, %dma_wait3A] : memref<2x10000x128xf32, #tpu.memory_space<hbm>> -> memref<1x80x128xf32, #tpu.memory_space<hbm>>
        %dma_wait3A_64 = tpu.memref_squeeze %dma_wait3A_63 : memref<1x80x128xf32, #tpu.memory_space<hbm>> -> memref<80x128xf32, #tpu.memory_space<hbm>>
        %dma_wait3A_65 = arith.constant 0 : i32
        %dma_wait3A_66 = tpu.memref_slice %arg6[%arg0, %mul3A_57, %dma_wait3A_65] : memref<2x10000x128xf32, #tpu.memory_space<hbm>> -> memref<1x80x128xf32, #tpu.memory_space<hbm>>
        %dma_wait3A_67 = tpu.memref_squeeze %dma_wait3A_66 : memref<1x80x128xf32, #tpu.memory_space<hbm>> -> memref<80x128xf32, #tpu.memory_space<hbm>>
        tpu.wait_dma2 semaphore(%run_scoped3A : memref<!tpu.dma_semaphore, #tpu.memory_space<semaphore_mem>>) src(%arg11 : memref<80x128xf32, #tpu.memory_space<vmem>>) dst(%dma_wait3A_67 : memref<80x128xf32, #tpu.memory_space<hbm>>)
        tpu.yield
      }) : () -> ()
    }
    return
  }
}

#map = affine_map<(d0, d1) -> (0, 0)>
#map1 = affine_map<(d0, d1) -> (0, 0, 0, 0)>
#map2 = affine_map<(d0, d1) -> (0, 0, 0)>
module attributes {stable_mosaic.version = 14 : i64} {
  func.func @_spmm_body(%arg0: i32, %arg1: i32, %arg2: memref<20000x128xf32, #tpu.memory_space<hbm>>, %arg3: memref<2x16x160x128xi32, #tpu.memory_space<hbm>>, %arg4: memref<2x16x160x128xi32, #tpu.memory_space<hbm>>, %arg5: memref<2x16x160x128xf32, #tpu.memory_space<hbm>>, %arg6: memref<2x10000x128xf32, #tpu.memory_space<hbm>>, %arg7: memref<16x128xi32, #tpu.memory_space<vmem>>, %arg8: memref<16x128xi32, #tpu.memory_space<vmem>>, %arg9: memref<16x128xf32, #tpu.memory_space<vmem>>, %arg10: memref<128x128xf32, #tpu.memory_space<vmem>>, %arg11: memref<80x128xf32, #tpu.memory_space<vmem>>, %arg12: memref<10000x128xf32, #tpu.memory_space<vmem_shared>>, %arg13: memref<!tpu.dma_semaphore, #tpu.memory_space<semaphore_mem>>) attributes {dimension_semantics = [#tpu.dimension_semantics<core_parallel>, #tpu.dimension_semantics<subcore_parallel>], iteration_bounds = array<i64: 2, 16>, scalar_prefetch = 0 : i64, scratch_operands = 7 : i64, tpu.core_type = #tpu.core_type<sc_vector_subcore>, window_params = [{transform_indices = #map}, {transform_indices = #map1}, {transform_indices = #map1}, {transform_indices = #map1}, {transform_indices = #map2}]} {
    %broadcast_in_dim3A = arith.constant 0.000000e+00 : f32
    %broadcast_in_dim3A_0 = vector.broadcast %broadcast_in_dim3A : f32 to vector<16xf32>
    %scan3A = arith.constant 0 : i32
    %scan3A_1 = arith.constant 0 : i32
    %scan3A_2 = arith.constant 80 : i32
    %scan3A_3 = arith.addi %scan3A_1, %scan3A_2 : i32
    %scan3A_4 = arith.constant 1 : i32
    scf.for %scan3A_53 = %scan3A_1 to %scan3A_3 step %scan3A_4  : i32 {
      %swap3A = arith.index_cast %scan3A_53 : i32 to index
      %swap3A_54 = arith.constant 0 : index
      %swap3A_55 = tpu.vector_load %arg11[%swap3A, %swap3A_54] {strides = array<i32>} : memref<80x128xf32, #tpu.memory_space<vmem>>, vector<1x16xf32>,
      %swap3A_56 = vector.shape_cast %swap3A_55 : vector<1x16xf32> to vector<16xf32>
      %swap3A_57 = vector.shape_cast %broadcast_in_dim3A_0 : vector<16xf32> to vector<1x16xf32>
      tpu.vector_store %arg11[%swap3A, %swap3A_54], %swap3A_57 {strides = array<i32>} : memref<80x128xf32, #tpu.memory_space<vmem>>, vector<1x16xf32>,
      %swap3A_58 = arith.index_cast %scan3A_53 : i32 to index
      %swap3A_59 = arith.constant 16 : index
      %swap3A_60 = tpu.vector_load %arg11[%swap3A_58, %swap3A_59] {strides = array<i32>} : memref<80x128xf32, #tpu.memory_space<vmem>>, vector<1x16xf32>,
      %swap3A_61 = vector.shape_cast %swap3A_60 : vector<1x16xf32> to vector<16xf32>
      %swap3A_62 = vector.shape_cast %broadcast_in_dim3A_0 : vector<16xf32> to vector<1x16xf32>
      tpu.vector_store %arg11[%swap3A_58, %swap3A_59], %swap3A_62 {strides = array<i32>} : memref<80x128xf32, #tpu.memory_space<vmem>>, vector<1x16xf32>,
      %swap3A_63 = arith.index_cast %scan3A_53 : i32 to index
      %swap3A_64 = arith.constant 32 : index
      %swap3A_65 = tpu.vector_load %arg11[%swap3A_63, %swap3A_64] {strides = array<i32>} : memref<80x128xf32, #tpu.memory_space<vmem>>, vector<1x16xf32>,
      %swap3A_66 = vector.shape_cast %swap3A_65 : vector<1x16xf32> to vector<16xf32>
      %swap3A_67 = vector.shape_cast %broadcast_in_dim3A_0 : vector<16xf32> to vector<1x16xf32>
      tpu.vector_store %arg11[%swap3A_63, %swap3A_64], %swap3A_67 {strides = array<i32>} : memref<80x128xf32, #tpu.memory_space<vmem>>, vector<1x16xf32>,
      %swap3A_68 = arith.index_cast %scan3A_53 : i32 to index
      %swap3A_69 = arith.constant 48 : index
      %swap3A_70 = tpu.vector_load %arg11[%swap3A_68, %swap3A_69] {strides = array<i32>} : memref<80x128xf32, #tpu.memory_space<vmem>>, vector<1x16xf32>,
      %swap3A_71 = vector.shape_cast %swap3A_70 : vector<1x16xf32> to vector<16xf32>
      %swap3A_72 = vector.shape_cast %broadcast_in_dim3A_0 : vector<16xf32> to vector<1x16xf32>
      tpu.vector_store %arg11[%swap3A_68, %swap3A_69], %swap3A_72 {strides = array<i32>} : memref<80x128xf32, #tpu.memory_space<vmem>>, vector<1x16xf32>,
      %swap3A_73 = arith.index_cast %scan3A_53 : i32 to index
      %swap3A_74 = arith.constant 64 : index
      %swap3A_75 = tpu.vector_load %arg11[%swap3A_73, %swap3A_74] {strides = array<i32>} : memref<80x128xf32, #tpu.memory_space<vmem>>, vector<1x16xf32>,
      %swap3A_76 = vector.shape_cast %swap3A_75 : vector<1x16xf32> to vector<16xf32>
      %swap3A_77 = vector.shape_cast %broadcast_in_dim3A_0 : vector<16xf32> to vector<1x16xf32>
      tpu.vector_store %arg11[%swap3A_73, %swap3A_74], %swap3A_77 {strides = array<i32>} : memref<80x128xf32, #tpu.memory_space<vmem>>, vector<1x16xf32>,
      %swap3A_78 = arith.index_cast %scan3A_53 : i32 to index
      %swap3A_79 = arith.constant 80 : index
      %swap3A_80 = tpu.vector_load %arg11[%swap3A_78, %swap3A_79] {strides = array<i32>} : memref<80x128xf32, #tpu.memory_space<vmem>>, vector<1x16xf32>,
      %swap3A_81 = vector.shape_cast %swap3A_80 : vector<1x16xf32> to vector<16xf32>
      %swap3A_82 = vector.shape_cast %broadcast_in_dim3A_0 : vector<16xf32> to vector<1x16xf32>
      tpu.vector_store %arg11[%swap3A_78, %swap3A_79], %swap3A_82 {strides = array<i32>} : memref<80x128xf32, #tpu.memory_space<vmem>>, vector<1x16xf32>,
      %swap3A_83 = arith.index_cast %scan3A_53 : i32 to index
      %swap3A_84 = arith.constant 96 : index
      %swap3A_85 = tpu.vector_load %arg11[%swap3A_83, %swap3A_84] {strides = array<i32>} : memref<80x128xf32, #tpu.memory_space<vmem>>, vector<1x16xf32>,
      %swap3A_86 = vector.shape_cast %swap3A_85 : vector<1x16xf32> to vector<16xf32>
      %swap3A_87 = vector.shape_cast %broadcast_in_dim3A_0 : vector<16xf32> to vector<1x16xf32>
      tpu.vector_store %arg11[%swap3A_83, %swap3A_84], %swap3A_87 {strides = array<i32>} : memref<80x128xf32, #tpu.memory_space<vmem>>, vector<1x16xf32>,
      %swap3A_88 = arith.index_cast %scan3A_53 : i32 to index
      %swap3A_89 = arith.constant 112 : index
      %swap3A_90 = tpu.vector_load %arg11[%swap3A_88, %swap3A_89] {strides = array<i32>} : memref<80x128xf32, #tpu.memory_space<vmem>>, vector<1x16xf32>,
      %swap3A_91 = vector.shape_cast %swap3A_90 : vector<1x16xf32> to vector<16xf32>
      %swap3A_92 = vector.shape_cast %broadcast_in_dim3A_0 : vector<16xf32> to vector<1x16xf32>
      tpu.vector_store %arg11[%swap3A_88, %swap3A_89], %swap3A_92 {strides = array<i32>} : memref<80x128xf32, #tpu.memory_space<vmem>>, vector<1x16xf32>,
    }
    %scan3A_5 = arith.constant 80 : i32
    %sub3A = arith.constant 125 : i32
    %sub3A_6 = arith.subi %sub3A, %arg1 : i32
    %add3A = arith.constant 16 : i32
    %add3A_7 = arith.addi %sub3A_6, %add3A : i32
    %sub3A_8 = arith.constant 1 : i32
    %sub3A_9 = arith.subi %add3A_7, %sub3A_8 : i32
    %jit3A = arith.constant 16 : i32
    %div3A = arith.divsi %sub3A_9, %jit3A : i32
    %sign3A = arith.constant 0 : i32
    %sign3A_10 = arith.cmpi sgt, %sub3A_9, %sign3A : i32
    %sign3A_11 = arith.extui %sign3A_10 : i1 to i32
    %sign3A_12 = arith.constant 0 : i32
    %sign3A_13 = arith.cmpi slt, %sub3A_9, %sign3A_12 : i32
    %sign3A_14 = arith.extui %sign3A_13 : i1 to i32
    %sign3A_15 = arith.subi %sign3A_11, %sign3A_14 : i32
    %sign3A_16 = arith.constant 0 : i32
    %sign3A_17 = arith.cmpi sgt, %jit3A, %sign3A_16 : i32
    %sign3A_18 = arith.extui %sign3A_17 : i1 to i32
    %sign3A_19 = arith.constant 0 : i32
    %sign3A_20 = arith.cmpi slt, %jit3A, %sign3A_19 : i32
    %sign3A_21 = arith.extui %sign3A_20 : i1 to i32
    %sign3A_22 = arith.subi %sign3A_18, %sign3A_21 : i32
    %ne3A = arith.cmpi ne, %sign3A_15, %sign3A_22 : i32
    %rem3A = arith.remsi %sub3A_9, %jit3A : i32
    %ne3A_23 = arith.constant 0 : i32
    %ne3A_24 = arith.cmpi ne, %rem3A, %ne3A_23 : i32
    %and3A = arith.andi %ne3A, %ne3A_24 : i1
    %sub3A_25 = arith.constant 1 : i32
    %sub3A_26 = arith.subi %div3A, %sub3A_25 : i32
    %select_n3A = arith.select %and3A, %sub3A_26, %div3A : i32
    %while3A = arith.constant 0 : i32
    %while3A_27 = arith.constant 0 : i32
    %while3A_28 = arith.subi %select_n3A, %while3A_27 : i32
    %while3A_29 = arith.addi %while3A_27, %while3A_28 : i32
    %while3A_30 = arith.constant 1 : i32
    %while3A_31 = arith.divsi %while3A_28, %while3A_30 : i32
    %while3A_32 = arith.muli %while3A_31, %while3A_30 : i32
    %while3A_33 = arith.addi %while3A_27, %while3A_32 : i32
    %while3A_34 = arith.constant 1 : i32
    scf.for %while3A_53 = %while3A_27 to %while3A_33 step %while3A_34  : i32 {
      %mul3A = arith.constant 16 : i32
      %mul3A_54 = arith.muli %while3A_53, %mul3A : i32
      %add3A_55 = arith.addi %arg1, %mul3A_54 : i32
      %mul3A_56 = arith.constant 80 : i32
      %mul3A_57 = arith.muli %add3A_55, %mul3A_56 : i32
      "tpu.region"() ({
        %run_scoped3A = tpu.sem_alloc : memref<!tpu.dma_semaphore, #tpu.memory_space<semaphore_mem>>
        %dma_start3A = arith.constant 0 : i32
        %dma_start3A_58 = tpu.memref_slice %arg12[%mul3A_57, %dma_start3A] : memref<10000x128xf32, #tpu.memory_space<vmem_shared>> -> memref<80x128xf32, #tpu.memory_space<vmem_shared>>
        %dma_start3A_59 = arith.constant 0 : i32
        %dma_start3A_60 = tpu.memref_slice %arg12[%mul3A_57, %dma_start3A_59] : memref<10000x128xf32, #tpu.memory_space<vmem_shared>> -> memref<80x128xf32, #tpu.memory_space<vmem_shared>>
        tpu.enqueue_dma source(%arg11 : memref<80x128xf32, #tpu.memory_space<vmem>>) target(%dma_start3A_60 : memref<80x128xf32, #tpu.memory_space<vmem_shared>>) target_semaphore(%run_scoped3A : memref<!tpu.dma_semaphore, #tpu.memory_space<semaphore_mem>>)
        %dma_wait3A = arith.constant 0 : i32
        %dma_wait3A_61 = tpu.memref_slice %arg12[%mul3A_57, %dma_wait3A] : memref<10000x128xf32, #tpu.memory_space<vmem_shared>> -> memref<80x128xf32, #tpu.memory_space<vmem_shared>>
        %dma_wait3A_62 = arith.constant 0 : i32
        %dma_wait3A_63 = tpu.memref_slice %arg12[%mul3A_57, %dma_wait3A_62] : memref<10000x128xf32, #tpu.memory_space<vmem_shared>> -> memref<80x128xf32, #tpu.memory_space<vmem_shared>>
        tpu.wait_dma2 semaphore(%run_scoped3A : memref<!tpu.dma_semaphore, #tpu.memory_space<semaphore_mem>>) src(%arg11 : memref<80x128xf32, #tpu.memory_space<vmem>>) dst(%dma_wait3A_63 : memref<80x128xf32, #tpu.memory_space<vmem_shared>>)
        tpu.yield
      }) : () -> ()
    }
    %while3A_35 = arith.constant 1 : i32
    scf.for %while3A_53 = %while3A_33 to %while3A_29 step %while3A_35  : i32 {
      %mul3A = arith.constant 16 : i32
      %mul3A_54 = arith.muli %while3A_53, %mul3A : i32
      %add3A_55 = arith.addi %arg1, %mul3A_54 : i32
      %mul3A_56 = arith.constant 80 : i32
      %mul3A_57 = arith.muli %add3A_55, %mul3A_56 : i32
      "tpu.region"() ({
        %run_scoped3A = tpu.sem_alloc : memref<!tpu.dma_semaphore, #tpu.memory_space<semaphore_mem>>
        %dma_start3A = arith.constant 0 : i32
        %dma_start3A_58 = tpu.memref_slice %arg12[%mul3A_57, %dma_start3A] : memref<10000x128xf32, #tpu.memory_space<vmem_shared>> -> memref<80x128xf32, #tpu.memory_space<vmem_shared>>
        %dma_start3A_59 = arith.constant 0 : i32
        %dma_start3A_60 = tpu.memref_slice %arg12[%mul3A_57, %dma_start3A_59] : memref<10000x128xf32, #tpu.memory_space<vmem_shared>> -> memref<80x128xf32, #tpu.memory_space<vmem_shared>>
        tpu.enqueue_dma source(%arg11 : memref<80x128xf32, #tpu.memory_space<vmem>>) target(%dma_start3A_60 : memref<80x128xf32, #tpu.memory_space<vmem_shared>>) target_semaphore(%run_scoped3A : memref<!tpu.dma_semaphore, #tpu.memory_space<semaphore_mem>>)
        %dma_wait3A = arith.constant 0 : i32
        %dma_wait3A_61 = tpu.memref_slice %arg12[%mul3A_57, %dma_wait3A] : memref<10000x128xf32, #tpu.memory_space<vmem_shared>> -> memref<80x128xf32, #tpu.memory_space<vmem_shared>>
        %dma_wait3A_62 = arith.constant 0 : i32
        %dma_wait3A_63 = tpu.memref_slice %arg12[%mul3A_57, %dma_wait3A_62] : memref<10000x128xf32, #tpu.memory_space<vmem_shared>> -> memref<80x128xf32, #tpu.memory_space<vmem_shared>>
        tpu.wait_dma2 semaphore(%run_scoped3A : memref<!tpu.dma_semaphore, #tpu.memory_space<semaphore_mem>>) src(%arg11 : memref<80x128xf32, #tpu.memory_space<vmem>>) dst(%dma_wait3A_63 : memref<80x128xf32, #tpu.memory_space<vmem_shared>>)
        tpu.yield
      }) : () -> ()
    }
    %barrier3A = arith.constant 0 : index
    tpu.barrier barrier_id(%barrier3A)
    %scan3A_36 = arith.constant 0 : i32
    %scan3A_37 = arith.constant 0 : i32
    %scan3A_38 = arith.constant 10 : i32
    %scan3A_39 = arith.addi %scan3A_37, %scan3A_38 : i32
    %scan3A_40 = arith.constant 1 : i32
    scf.for %scan3A_53 = %scan3A_37 to %scan3A_39 step %scan3A_40  : i32 {
      %mul3A = arith.constant 16 : i32
      %mul3A_54 = arith.muli %scan3A_53, %mul3A : i32
      "tpu.region"() ({
        %run_scoped3A = tpu.sem_alloc : memref<!tpu.dma_semaphore, #tpu.memory_space<semaphore_mem>>
        %dma_start3A = arith.constant 0 : i32
        %dma_start3A_65 = tpu.memref_slice %arg3[%arg0, %arg1, %mul3A_54, %dma_start3A] : memref<2x16x160x128xi32, #tpu.memory_space<hbm>> -> memref<1x1x16x128xi32, #tpu.memory_space<hbm>>
        %dma_start3A_66 = tpu.memref_squeeze %dma_start3A_65 : memref<1x1x16x128xi32, #tpu.memory_space<hbm>> -> memref<16x128xi32, #tpu.memory_space<hbm>>
        %dma_start3A_67 = arith.constant 0 : i32
        %dma_start3A_68 = tpu.memref_slice %arg3[%arg0, %arg1, %mul3A_54, %dma_start3A_67] : memref<2x16x160x128xi32, #tpu.memory_space<hbm>> -> memref<1x1x16x128xi32, #tpu.memory_space<hbm>>
        %dma_start3A_69 = tpu.memref_squeeze %dma_start3A_68 : memref<1x1x16x128xi32, #tpu.memory_space<hbm>> -> memref<16x128xi32, #tpu.memory_space<hbm>>
        tpu.enqueue_dma source(%dma_start3A_69 : memref<16x128xi32, #tpu.memory_space<hbm>>) target(%arg7 : memref<16x128xi32, #tpu.memory_space<vmem>>) target_semaphore(%run_scoped3A : memref<!tpu.dma_semaphore, #tpu.memory_space<semaphore_mem>>)
        %dma_wait3A = arith.constant 0 : i32
        %dma_wait3A_70 = tpu.memref_slice %arg3[%arg0, %arg1, %mul3A_54, %dma_wait3A] : memref<2x16x160x128xi32, #tpu.memory_space<hbm>> -> memref<1x1x16x128xi32, #tpu.memory_space<hbm>>
        %dma_wait3A_71 = tpu.memref_squeeze %dma_wait3A_70 : memref<1x1x16x128xi32, #tpu.memory_space<hbm>> -> memref<16x128xi32, #tpu.memory_space<hbm>>
        %dma_wait3A_72 = arith.constant 0 : i32
        %dma_wait3A_73 = tpu.memref_slice %arg3[%arg0, %arg1, %mul3A_54, %dma_wait3A_72] : memref<2x16x160x128xi32, #tpu.memory_space<hbm>> -> memref<1x1x16x128xi32, #tpu.memory_space<hbm>>
        %dma_wait3A_74 = tpu.memref_squeeze %dma_wait3A_73 : memref<1x1x16x128xi32, #tpu.memory_space<hbm>> -> memref<16x128xi32, #tpu.memory_space<hbm>>
        tpu.wait_dma2 semaphore(%run_scoped3A : memref<!tpu.dma_semaphore, #tpu.memory_space<semaphore_mem>>) src(%dma_wait3A_74 : memref<16x128xi32, #tpu.memory_space<hbm>>) dst(%arg7 : memref<16x128xi32, #tpu.memory_space<vmem>>)
        tpu.yield
      }) : () -> ()
      %mul3A_55 = arith.constant 16 : i32
      %mul3A_56 = arith.muli %scan3A_53, %mul3A_55 : i32
      "tpu.region"() ({
        %run_scoped3A = tpu.sem_alloc : memref<!tpu.dma_semaphore, #tpu.memory_space<semaphore_mem>>
        %dma_start3A = arith.constant 0 : i32
        %dma_start3A_65 = tpu.memref_slice %arg4[%arg0, %arg1, %mul3A_56, %dma_start3A] : memref<2x16x160x128xi32, #tpu.memory_space<hbm>> -> memref<1x1x16x128xi32, #tpu.memory_space<hbm>>
        %dma_start3A_66 = tpu.memref_squeeze %dma_start3A_65 : memref<1x1x16x128xi32, #tpu.memory_space<hbm>> -> memref<16x128xi32, #tpu.memory_space<hbm>>
        %dma_start3A_67 = arith.constant 0 : i32
        %dma_start3A_68 = tpu.memref_slice %arg4[%arg0, %arg1, %mul3A_56, %dma_start3A_67] : memref<2x16x160x128xi32, #tpu.memory_space<hbm>> -> memref<1x1x16x128xi32, #tpu.memory_space<hbm>>
        %dma_start3A_69 = tpu.memref_squeeze %dma_start3A_68 : memref<1x1x16x128xi32, #tpu.memory_space<hbm>> -> memref<16x128xi32, #tpu.memory_space<hbm>>
        tpu.enqueue_dma source(%dma_start3A_69 : memref<16x128xi32, #tpu.memory_space<hbm>>) target(%arg8 : memref<16x128xi32, #tpu.memory_space<vmem>>) target_semaphore(%run_scoped3A : memref<!tpu.dma_semaphore, #tpu.memory_space<semaphore_mem>>)
        %dma_wait3A = arith.constant 0 : i32
        %dma_wait3A_70 = tpu.memref_slice %arg4[%arg0, %arg1, %mul3A_56, %dma_wait3A] : memref<2x16x160x128xi32, #tpu.memory_space<hbm>> -> memref<1x1x16x128xi32, #tpu.memory_space<hbm>>
        %dma_wait3A_71 = tpu.memref_squeeze %dma_wait3A_70 : memref<1x1x16x128xi32, #tpu.memory_space<hbm>> -> memref<16x128xi32, #tpu.memory_space<hbm>>
        %dma_wait3A_72 = arith.constant 0 : i32
        %dma_wait3A_73 = tpu.memref_slice %arg4[%arg0, %arg1, %mul3A_56, %dma_wait3A_72] : memref<2x16x160x128xi32, #tpu.memory_space<hbm>> -> memref<1x1x16x128xi32, #tpu.memory_space<hbm>>
        %dma_wait3A_74 = tpu.memref_squeeze %dma_wait3A_73 : memref<1x1x16x128xi32, #tpu.memory_space<hbm>> -> memref<16x128xi32, #tpu.memory_space<hbm>>
        tpu.wait_dma2 semaphore(%run_scoped3A : memref<!tpu.dma_semaphore, #tpu.memory_space<semaphore_mem>>) src(%dma_wait3A_74 : memref<16x128xi32, #tpu.memory_space<hbm>>) dst(%arg8 : memref<16x128xi32, #tpu.memory_space<vmem>>)
        tpu.yield
      }) : () -> ()
      %mul3A_57 = arith.constant 16 : i32
      %mul3A_58 = arith.muli %scan3A_53, %mul3A_57 : i32
      "tpu.region"() ({
        %run_scoped3A = tpu.sem_alloc : memref<!tpu.dma_semaphore, #tpu.memory_space<semaphore_mem>>
        %dma_start3A = arith.constant 0 : i32
        %dma_start3A_65 = tpu.memref_slice %arg5[%arg0, %arg1, %mul3A_58, %dma_start3A] : memref<2x16x160x128xf32, #tpu.memory_space<hbm>> -> memref<1x1x16x128xf32, #tpu.memory_space<hbm>>
        %dma_start3A_66 = tpu.memref_squeeze %dma_start3A_65 : memref<1x1x16x128xf32, #tpu.memory_space<hbm>> -> memref<16x128xf32, #tpu.memory_space<hbm>>
        %dma_start3A_67 = arith.constant 0 : i32
        %dma_start3A_68 = tpu.memref_slice %arg5[%arg0, %arg1, %mul3A_58, %dma_start3A_67] : memref<2x16x160x128xf32, #tpu.memory_space<hbm>> -> memref<1x1x16x128xf32, #tpu.memory_space<hbm>>
        %dma_start3A_69 = tpu.memref_squeeze %dma_start3A_68 : memref<1x1x16x128xf32, #tpu.memory_space<hbm>> -> memref<16x128xf32, #tpu.memory_space<hbm>>
        tpu.enqueue_dma source(%dma_start3A_69 : memref<16x128xf32, #tpu.memory_space<hbm>>) target(%arg9 : memref<16x128xf32, #tpu.memory_space<vmem>>) target_semaphore(%run_scoped3A : memref<!tpu.dma_semaphore, #tpu.memory_space<semaphore_mem>>)
        %dma_wait3A = arith.constant 0 : i32
        %dma_wait3A_70 = tpu.memref_slice %arg5[%arg0, %arg1, %mul3A_58, %dma_wait3A] : memref<2x16x160x128xf32, #tpu.memory_space<hbm>> -> memref<1x1x16x128xf32, #tpu.memory_space<hbm>>
        %dma_wait3A_71 = tpu.memref_squeeze %dma_wait3A_70 : memref<1x1x16x128xf32, #tpu.memory_space<hbm>> -> memref<16x128xf32, #tpu.memory_space<hbm>>
        %dma_wait3A_72 = arith.constant 0 : i32
        %dma_wait3A_73 = tpu.memref_slice %arg5[%arg0, %arg1, %mul3A_58, %dma_wait3A_72] : memref<2x16x160x128xf32, #tpu.memory_space<hbm>> -> memref<1x1x16x128xf32, #tpu.memory_space<hbm>>
        %dma_wait3A_74 = tpu.memref_squeeze %dma_wait3A_73 : memref<1x1x16x128xf32, #tpu.memory_space<hbm>> -> memref<16x128xf32, #tpu.memory_space<hbm>>
        tpu.wait_dma2 semaphore(%run_scoped3A : memref<!tpu.dma_semaphore, #tpu.memory_space<semaphore_mem>>) src(%dma_wait3A_74 : memref<16x128xf32, #tpu.memory_space<hbm>>) dst(%arg9 : memref<16x128xf32, #tpu.memory_space<vmem>>)
        tpu.yield
      }) : () -> ()
      %scan3A_59 = arith.constant 0 : i32
      %scan3A_60 = arith.constant 0 : i32
      %scan3A_61 = arith.constant 16 : i32
      %scan3A_62 = arith.addi %scan3A_60, %scan3A_61 : i32
      %scan3A_63 = arith.constant 1 : i32
      scf.for %scan3A_65 = %scan3A_60 to %scan3A_62 step %scan3A_63  : i32 {
        %dma_start3A = arith.constant 0 : i32
        %dma_start3A_66 = tpu.memref_slice %arg7[%scan3A_65, %dma_start3A] : memref<16x128xi32, #tpu.memory_space<vmem>> -> memref<1x128xi32, #tpu.memory_space<vmem>>
        %dma_start3A_67 = tpu.memref_squeeze %dma_start3A_66 : memref<1x128xi32, #tpu.memory_space<vmem>> -> memref<128xi32, #tpu.memory_space<vmem>>
        %dma_start3A_68 = arith.constant 0 : i32
        %dma_start3A_69 = arith.constant 0 : i32
        %dma_start3A_70 = tpu.memref_slice %arg2[%dma_start3A_68, %dma_start3A_69] : memref<20000x128xf32, #tpu.memory_space<hbm>> -> memref<20000x128xf32, #tpu.memory_space<hbm>>
        tpu.enqueue_indirect_dma source(%dma_start3A_70 : memref<20000x128xf32, #tpu.memory_space<hbm>>) target(%arg10 : memref<128x128xf32, #tpu.memory_space<vmem>>) offsets(%dma_start3A_67 : memref<128xi32, #tpu.memory_space<vmem>>) semaphore(%arg13 : memref<!tpu.dma_semaphore, #tpu.memory_space<semaphore_mem>>)
        %dma_wait3A = arith.constant 0 : i32
        %dma_wait3A_71 = tpu.memref_slice %arg7[%scan3A_65, %dma_wait3A] : memref<16x128xi32, #tpu.memory_space<vmem>> -> memref<1x128xi32, #tpu.memory_space<vmem>>
        %dma_wait3A_72 = tpu.memref_squeeze %dma_wait3A_71 : memref<1x128xi32, #tpu.memory_space<vmem>> -> memref<128xi32, #tpu.memory_space<vmem>>
        %dma_wait3A_73 = arith.constant 0 : i32
        %dma_wait3A_74 = arith.constant 0 : i32
        %dma_wait3A_75 = tpu.memref_slice %arg2[%dma_wait3A_73, %dma_wait3A_74] : memref<20000x128xf32, #tpu.memory_space<hbm>> -> memref<20000x128xf32, #tpu.memory_space<hbm>>
        tpu.wait_indirect_dma semaphore(%arg13 : memref<!tpu.dma_semaphore, #tpu.memory_space<semaphore_mem>>) src(%dma_wait3A_75 : memref<20000x128xf32, #tpu.memory_space<hbm>>) dst(%arg10 : memref<128x128xf32, #tpu.memory_space<vmem>>)
        %scan3A_76 = arith.constant 0 : i32
        %scan3A_77 = arith.constant 0 : i32
        %scan3A_78 = arith.constant 8 : i32
        %scan3A_79 = arith.addi %scan3A_77, %scan3A_78 : i32
        %scan3A_80 = arith.constant 1 : i32
        scf.for %scan3A_82 = %scan3A_77 to %scan3A_79 step %scan3A_80  : i32 {
          %mul3A_83 = arith.constant 16 : i32
          %mul3A_84 = arith.muli %scan3A_82, %mul3A_83 : i32
          %get3A = arith.index_cast %scan3A_65 : i32 to index
          %get3A_85 = arith.index_cast %mul3A_84 : i32 to index
          %get3A_86 = tpu.vector_load %arg9[%get3A, %get3A_85] {strides = array<i32>} : memref<16x128xf32, #tpu.memory_space<vmem>>, vector<1x16xf32>,
          %get3A_87 = vector.shape_cast %get3A_86 : vector<1x16xf32> to vector<16xf32>
          %slice3A = vector.extract_strided_slice %get3A_87 {offsets = [0], sizes = [1], strides = [1]} : vector<16xf32> to vector<1xf32>
          %squeeze3A = vector.extract %slice3A[0] : f32 from vector<1xf32>
          %mul3A_88 = arith.constant 16 : i32
          %mul3A_89 = arith.muli %scan3A_82, %mul3A_88 : i32
          %add3A_90 = arith.constant 0 : i32
          %add3A_91 = arith.addi %mul3A_89, %add3A_90 : i32
          %get3A_92 = arith.index_cast %add3A_91 : i32 to index
          %get3A_93 = arith.constant 0 : index
          %get3A_94 = tpu.vector_load %arg10[%get3A_92, %get3A_93] {strides = array<i32>} : memref<128x128xf32, #tpu.memory_space<vmem>>, vector<1x16xf32>,
          %get3A_95 = vector.shape_cast %get3A_94 : vector<1x16xf32> to vector<16xf32>
          %mul3A_96 = vector.broadcast %squeeze3A : f32 to vector<16xf32>
          %mul3A_97 = arith.mulf %get3A_95, %mul3A_96 : vector<16xf32>
          %swap3A = arith.index_cast %add3A_91 : i32 to index
          %swap3A_98 = arith.constant 0 : index
          %swap3A_99 = tpu.vector_load %arg10[%swap3A, %swap3A_98] {strides = array<i32>} : memref<128x128xf32, #tpu.memory_space<vmem>>, vector<1x16xf32>,
          %swap3A_100 = vector.shape_cast %swap3A_99 : vector<1x16xf32> to vector<16xf32>
          %swap3A_101 = vector.shape_cast %mul3A_97 : vector<16xf32> to vector<1x16xf32>
          tpu.vector_store %arg10[%swap3A, %swap3A_98], %swap3A_101 {strides = array<i32>} : memref<128x128xf32, #tpu.memory_space<vmem>>, vector<1x16xf32>,
          %get3A_102 = arith.index_cast %add3A_91 : i32 to index
          %get3A_103 = arith.constant 16 : index
          %get3A_104 = tpu.vector_load %arg10[%get3A_102, %get3A_103] {strides = array<i32>} : memref<128x128xf32, #tpu.memory_space<vmem>>, vector<1x16xf32>,
          %get3A_105 = vector.shape_cast %get3A_104 : vector<1x16xf32> to vector<16xf32>
          %mul3A_106 = vector.broadcast %squeeze3A : f32 to vector<16xf32>
          %mul3A_107 = arith.mulf %get3A_105, %mul3A_106 : vector<16xf32>
          %swap3A_108 = arith.index_cast %add3A_91 : i32 to index
          %swap3A_109 = arith.constant 16 : index
          %swap3A_110 = tpu.vector_load %arg10[%swap3A_108, %swap3A_109] {strides = array<i32>} : memref<128x128xf32, #tpu.memory_space<vmem>>, vector<1x16xf32>,
          %swap3A_111 = vector.shape_cast %swap3A_110 : vector<1x16xf32> to vector<16xf32>
          %swap3A_112 = vector.shape_cast %mul3A_107 : vector<16xf32> to vector<1x16xf32>
          tpu.vector_store %arg10[%swap3A_108, %swap3A_109], %swap3A_112 {strides = array<i32>} : memref<128x128xf32, #tpu.memory_space<vmem>>, vector<1x16xf32>,
          %get3A_113 = arith.index_cast %add3A_91 : i32 to index
          %get3A_114 = arith.constant 32 : index
          %get3A_115 = tpu.vector_load %arg10[%get3A_113, %get3A_114] {strides = array<i32>} : memref<128x128xf32, #tpu.memory_space<vmem>>, vector<1x16xf32>,
          %get3A_116 = vector.shape_cast %get3A_115 : vector<1x16xf32> to vector<16xf32>
          %mul3A_117 = vector.broadcast %squeeze3A : f32 to vector<16xf32>
          %mul3A_118 = arith.mulf %get3A_116, %mul3A_117 : vector<16xf32>
          %swap3A_119 = arith.index_cast %add3A_91 : i32 to index
          %swap3A_120 = arith.constant 32 : index
          %swap3A_121 = tpu.vector_load %arg10[%swap3A_119, %swap3A_120] {strides = array<i32>} : memref<128x128xf32, #tpu.memory_space<vmem>>, vector<1x16xf32>,
          %swap3A_122 = vector.shape_cast %swap3A_121 : vector<1x16xf32> to vector<16xf32>
          %swap3A_123 = vector.shape_cast %mul3A_118 : vector<16xf32> to vector<1x16xf32>
          tpu.vector_store %arg10[%swap3A_119, %swap3A_120], %swap3A_123 {strides = array<i32>} : memref<128x128xf32, #tpu.memory_space<vmem>>, vector<1x16xf32>,
          %get3A_124 = arith.index_cast %add3A_91 : i32 to index
          %get3A_125 = arith.constant 48 : index
          %get3A_126 = tpu.vector_load %arg10[%get3A_124, %get3A_125] {strides = array<i32>} : memref<128x128xf32, #tpu.memory_space<vmem>>, vector<1x16xf32>,
          %get3A_127 = vector.shape_cast %get3A_126 : vector<1x16xf32> to vector<16xf32>
          %mul3A_128 = vector.broadcast %squeeze3A : f32 to vector<16xf32>
          %mul3A_129 = arith.mulf %get3A_127, %mul3A_128 : vector<16xf32>
          %swap3A_130 = arith.index_cast %add3A_91 : i32 to index
          %swap3A_131 = arith.constant 48 : index
          %swap3A_132 = tpu.vector_load %arg10[%swap3A_130, %swap3A_131] {strides = array<i32>} : memref<128x128xf32, #tpu.memory_space<vmem>>, vector<1x16xf32>,
          %swap3A_133 = vector.shape_cast %swap3A_132 : vector<1x16xf32> to vector<16xf32>
          %swap3A_134 = vector.shape_cast %mul3A_129 : vector<16xf32> to vector<1x16xf32>
          tpu.vector_store %arg10[%swap3A_130, %swap3A_131], %swap3A_134 {strides = array<i32>} : memref<128x128xf32, #tpu.memory_space<vmem>>, vector<1x16xf32>,
          %get3A_135 = arith.index_cast %add3A_91 : i32 to index
          %get3A_136 = arith.constant 64 : index
          %get3A_137 = tpu.vector_load %arg10[%get3A_135, %get3A_136] {strides = array<i32>} : memref<128x128xf32, #tpu.memory_space<vmem>>, vector<1x16xf32>,
          %get3A_138 = vector.shape_cast %get3A_137 : vector<1x16xf32> to vector<16xf32>
          %mul3A_139 = vector.broadcast %squeeze3A : f32 to vector<16xf32>
          %mul3A_140 = arith.mulf %get3A_138, %mul3A_139 : vector<16xf32>
          %swap3A_141 = arith.index_cast %add3A_91 : i32 to index
          %swap3A_142 = arith.constant 64 : index
          %swap3A_143 = tpu.vector_load %arg10[%swap3A_141, %swap3A_142] {strides = array<i32>} : memref<128x128xf32, #tpu.memory_space<vmem>>, vector<1x16xf32>,
          %swap3A_144 = vector.shape_cast %swap3A_143 : vector<1x16xf32> to vector<16xf32>
          %swap3A_145 = vector.shape_cast %mul3A_140 : vector<16xf32> to vector<1x16xf32>
          tpu.vector_store %arg10[%swap3A_141, %swap3A_142], %swap3A_145 {strides = array<i32>} : memref<128x128xf32, #tpu.memory_space<vmem>>, vector<1x16xf32>,
          %get3A_146 = arith.index_cast %add3A_91 : i32 to index
          %get3A_147 = arith.constant 80 : index
          %get3A_148 = tpu.vector_load %arg10[%get3A_146, %get3A_147] {strides = array<i32>} : memref<128x128xf32, #tpu.memory_space<vmem>>, vector<1x16xf32>,
          %get3A_149 = vector.shape_cast %get3A_148 : vector<1x16xf32> to vector<16xf32>
          %mul3A_150 = vector.broadcast %squeeze3A : f32 to vector<16xf32>
          %mul3A_151 = arith.mulf %get3A_149, %mul3A_150 : vector<16xf32>
          %swap3A_152 = arith.index_cast %add3A_91 : i32 to index
          %swap3A_153 = arith.constant 80 : index
          %swap3A_154 = tpu.vector_load %arg10[%swap3A_152, %swap3A_153] {strides = array<i32>} : memref<128x128xf32, #tpu.memory_space<vmem>>, vector<1x16xf32>,
          %swap3A_155 = vector.shape_cast %swap3A_154 : vector<1x16xf32> to vector<16xf32>
          %swap3A_156 = vector.shape_cast %mul3A_151 : vector<16xf32> to vector<1x16xf32>
          tpu.vector_store %arg10[%swap3A_152, %swap3A_153], %swap3A_156 {strides = array<i32>} : memref<128x128xf32, #tpu.memory_space<vmem>>, vector<1x16xf32>,
          %get3A_157 = arith.index_cast %add3A_91 : i32 to index
          %get3A_158 = arith.constant 96 : index
          %get3A_159 = tpu.vector_load %arg10[%get3A_157, %get3A_158] {strides = array<i32>} : memref<128x128xf32, #tpu.memory_space<vmem>>, vector<1x16xf32>,
          %get3A_160 = vector.shape_cast %get3A_159 : vector<1x16xf32> to vector<16xf32>
          %mul3A_161 = vector.broadcast %squeeze3A : f32 to vector<16xf32>
          %mul3A_162 = arith.mulf %get3A_160, %mul3A_161 : vector<16xf32>
          %swap3A_163 = arith.index_cast %add3A_91 : i32 to index
          %swap3A_164 = arith.constant 96 : index
          %swap3A_165 = tpu.vector_load %arg10[%swap3A_163, %swap3A_164] {strides = array<i32>} : memref<128x128xf32, #tpu.memory_space<vmem>>, vector<1x16xf32>,
          %swap3A_166 = vector.shape_cast %swap3A_165 : vector<1x16xf32> to vector<16xf32>
          %swap3A_167 = vector.shape_cast %mul3A_162 : vector<16xf32> to vector<1x16xf32>
          tpu.vector_store %arg10[%swap3A_163, %swap3A_164], %swap3A_167 {strides = array<i32>} : memref<128x128xf32, #tpu.memory_space<vmem>>, vector<1x16xf32>,
          %get3A_168 = arith.index_cast %add3A_91 : i32 to index
          %get3A_169 = arith.constant 112 : index
          %get3A_170 = tpu.vector_load %arg10[%get3A_168, %get3A_169] {strides = array<i32>} : memref<128x128xf32, #tpu.memory_space<vmem>>, vector<1x16xf32>,
          %get3A_171 = vector.shape_cast %get3A_170 : vector<1x16xf32> to vector<16xf32>
          %mul3A_172 = vector.broadcast %squeeze3A : f32 to vector<16xf32>
          %mul3A_173 = arith.mulf %get3A_171, %mul3A_172 : vector<16xf32>
          %swap3A_174 = arith.index_cast %add3A_91 : i32 to index
          %swap3A_175 = arith.constant 112 : index
          %swap3A_176 = tpu.vector_load %arg10[%swap3A_174, %swap3A_175] {strides = array<i32>} : memref<128x128xf32, #tpu.memory_space<vmem>>, vector<1x16xf32>,
          %swap3A_177 = vector.shape_cast %swap3A_176 : vector<1x16xf32> to vector<16xf32>
          %swap3A_178 = vector.shape_cast %mul3A_173 : vector<16xf32> to vector<1x16xf32>
          tpu.vector_store %arg10[%swap3A_174, %swap3A_175], %swap3A_178 {strides = array<i32>} : memref<128x128xf32, #tpu.memory_space<vmem>>, vector<1x16xf32>,
          %slice3A_179 = vector.extract_strided_slice %get3A_87 {offsets = [1], sizes = [1], strides = [1]} : vector<16xf32> to vector<1xf32>
          %squeeze3A_180 = vector.extract %slice3A_179[0] : f32 from vector<1xf32>
          %mul3A_181 = arith.constant 16 : i32
          %mul3A_182 = arith.muli %scan3A_82, %mul3A_181 : i32
          %add3A_183 = arith.constant 1 : i32
          %add3A_184 = arith.addi %mul3A_182, %add3A_183 : i32
          %get3A_185 = arith.index_cast %add3A_184 : i32 to index
          %get3A_186 = arith.constant 0 : index
          %get3A_187 = tpu.vector_load %arg10[%get3A_185, %get3A_186] {strides = array<i32>} : memref<128x128xf32, #tpu.memory_space<vmem>>, vector<1x16xf32>,
          %get3A_188 = vector.shape_cast %get3A_187 : vector<1x16xf32> to vector<16xf32>
          %mul3A_189 = vector.broadcast %squeeze3A_180 : f32 to vector<16xf32>
          %mul3A_190 = arith.mulf %get3A_188, %mul3A_189 : vector<16xf32>
          %swap3A_191 = arith.index_cast %add3A_184 : i32 to index
          %swap3A_192 = arith.constant 0 : index
          %swap3A_193 = tpu.vector_load %arg10[%swap3A_191, %swap3A_192] {strides = array<i32>} : memref<128x128xf32, #tpu.memory_space<vmem>>, vector<1x16xf32>,
          %swap3A_194 = vector.shape_cast %swap3A_193 : vector<1x16xf32> to vector<16xf32>
          %swap3A_195 = vector.shape_cast %mul3A_190 : vector<16xf32> to vector<1x16xf32>
          tpu.vector_store %arg10[%swap3A_191, %swap3A_192], %swap3A_195 {strides = array<i32>} : memref<128x128xf32, #tpu.memory_space<vmem>>, vector<1x16xf32>,
          %get3A_196 = arith.index_cast %add3A_184 : i32 to index
          %get3A_197 = arith.constant 16 : index
          %get3A_198 = tpu.vector_load %arg10[%get3A_196, %get3A_197] {strides = array<i32>} : memref<128x128xf32, #tpu.memory_space<vmem>>, vector<1x16xf32>,
          %get3A_199 = vector.shape_cast %get3A_198 : vector<1x16xf32> to vector<16xf32>
          %mul3A_200 = vector.broadcast %squeeze3A_180 : f32 to vector<16xf32>
          %mul3A_201 = arith.mulf %get3A_199, %mul3A_200 : vector<16xf32>
          %swap3A_202 = arith.index_cast %add3A_184 : i32 to index
          %swap3A_203 = arith.constant 16 : index
          %swap3A_204 = tpu.vector_load %arg10[%swap3A_202, %swap3A_203] {strides = array<i32>} : memref<128x128xf32, #tpu.memory_space<vmem>>, vector<1x16xf32>,
          %swap3A_205 = vector.shape_cast %swap3A_204 : vector<1x16xf32> to vector<16xf32>
          %swap3A_206 = vector.shape_cast %mul3A_201 : vector<16xf32> to vector<1x16xf32>
          tpu.vector_store %arg10[%swap3A_202, %swap3A_203], %swap3A_206 {strides = array<i32>} : memref<128x128xf32, #tpu.memory_space<vmem>>, vector<1x16xf32>,
          %get3A_207 = arith.index_cast %add3A_184 : i32 to index
          %get3A_208 = arith.constant 32 : index
          %get3A_209 = tpu.vector_load %arg10[%get3A_207, %get3A_208] {strides = array<i32>} : memref<128x128xf32, #tpu.memory_space<vmem>>, vector<1x16xf32>,
          %get3A_210 = vector.shape_cast %get3A_209 : vector<1x16xf32> to vector<16xf32>
          %mul3A_211 = vector.broadcast %squeeze3A_180 : f32 to vector<16xf32>
          %mul3A_212 = arith.mulf %get3A_210, %mul3A_211 : vector<16xf32>
          %swap3A_213 = arith.index_cast %add3A_184 : i32 to index
          %swap3A_214 = arith.constant 32 : index
          %swap3A_215 = tpu.vector_load %arg10[%swap3A_213, %swap3A_214] {strides = array<i32>} : memref<128x128xf32, #tpu.memory_space<vmem>>, vector<1x16xf32>,
          %swap3A_216 = vector.shape_cast %swap3A_215 : vector<1x16xf32> to vector<16xf32>
          %swap3A_217 = vector.shape_cast %mul3A_212 : vector<16xf32> to vector<1x16xf32>
          tpu.vector_store %arg10[%swap3A_213, %swap3A_214], %swap3A_217 {strides = array<i32>} : memref<128x128xf32, #tpu.memory_space<vmem>>, vector<1x16xf32>,
          %get3A_218 = arith.index_cast %add3A_184 : i32 to index
          %get3A_219 = arith.constant 48 : index
          %get3A_220 = tpu.vector_load %arg10[%get3A_218, %get3A_219] {strides = array<i32>} : memref<128x128xf32, #tpu.memory_space<vmem>>, vector<1x16xf32>,
          %get3A_221 = vector.shape_cast %get3A_220 : vector<1x16xf32> to vector<16xf32>
          %mul3A_222 = vector.broadcast %squeeze3A_180 : f32 to vector<16xf32>
          %mul3A_223 = arith.mulf %get3A_221, %mul3A_222 : vector<16xf32>
          %swap3A_224 = arith.index_cast %add3A_184 : i32 to index
          %swap3A_225 = arith.constant 48 : index
          %swap3A_226 = tpu.vector_load %arg10[%swap3A_224, %swap3A_225] {strides = array<i32>} : memref<128x128xf32, #tpu.memory_space<vmem>>, vector<1x16xf32>,
          %swap3A_227 = vector.shape_cast %swap3A_226 : vector<1x16xf32> to vector<16xf32>
          %swap3A_228 = vector.shape_cast %mul3A_223 : vector<16xf32> to vector<1x16xf32>
          tpu.vector_store %arg10[%swap3A_224, %swap3A_225], %swap3A_228 {strides = array<i32>} : memref<128x128xf32, #tpu.memory_space<vmem>>, vector<1x16xf32>,
          %get3A_229 = arith.index_cast %add3A_184 : i32 to index
          %get3A_230 = arith.constant 64 : index
          %get3A_231 = tpu.vector_load %arg10[%get3A_229, %get3A_230] {strides = array<i32>} : memref<128x128xf32, #tpu.memory_space<vmem>>, vector<1x16xf32>,
          %get3A_232 = vector.shape_cast %get3A_231 : vector<1x16xf32> to vector<16xf32>
          %mul3A_233 = vector.broadcast %squeeze3A_180 : f32 to vector<16xf32>
          %mul3A_234 = arith.mulf %get3A_232, %mul3A_233 : vector<16xf32>
          %swap3A_235 = arith.index_cast %add3A_184 : i32 to index
          %swap3A_236 = arith.constant 64 : index
          %swap3A_237 = tpu.vector_load %arg10[%swap3A_235, %swap3A_236] {strides = array<i32>} : memref<128x128xf32, #tpu.memory_space<vmem>>, vector<1x16xf32>,
          %swap3A_238 = vector.shape_cast %swap3A_237 : vector<1x16xf32> to vector<16xf32>
          %swap3A_239 = vector.shape_cast %mul3A_234 : vector<16xf32> to vector<1x16xf32>
          tpu.vector_store %arg10[%swap3A_235, %swap3A_236], %swap3A_239 {strides = array<i32>} : memref<128x128xf32, #tpu.memory_space<vmem>>, vector<1x16xf32>,
          %get3A_240 = arith.index_cast %add3A_184 : i32 to index
          %get3A_241 = arith.constant 80 : index
          %get3A_242 = tpu.vector_load %arg10[%get3A_240, %get3A_241] {strides = array<i32>} : memref<128x128xf32, #tpu.memory_space<vmem>>, vector<1x16xf32>,
          %get3A_243 = vector.shape_cast %get3A_242 : vector<1x16xf32> to vector<16xf32>
          %mul3A_244 = vector.broadcast %squeeze3A_180 : f32 to vector<16xf32>
          %mul3A_245 = arith.mulf %get3A_243, %mul3A_244 : vector<16xf32>
          %swap3A_246 = arith.index_cast %add3A_184 : i32 to index
          %swap3A_247 = arith.constant 80 : index
          %swap3A_248 = tpu.vector_load %arg10[%swap3A_246, %swap3A_247] {strides = array<i32>} : memref<128x128xf32, #tpu.memory_space<vmem>>, vector<1x16xf32>,
          %swap3A_249 = vector.shape_cast %swap3A_248 : vector<1x16xf32> to vector<16xf32>
          %swap3A_250 = vector.shape_cast %mul3A_245 : vector<16xf32> to vector<1x16xf32>
          tpu.vector_store %arg10[%swap3A_246, %swap3A_247], %swap3A_250 {strides = array<i32>} : memref<128x128xf32, #tpu.memory_space<vmem>>, vector<1x16xf32>,
          %get3A_251 = arith.index_cast %add3A_184 : i32 to index
          %get3A_252 = arith.constant 96 : index
          %get3A_253 = tpu.vector_load %arg10[%get3A_251, %get3A_252] {strides = array<i32>} : memref<128x128xf32, #tpu.memory_space<vmem>>, vector<1x16xf32>,
          %get3A_254 = vector.shape_cast %get3A_253 : vector<1x16xf32> to vector<16xf32>
          %mul3A_255 = vector.broadcast %squeeze3A_180 : f32 to vector<16xf32>
          %mul3A_256 = arith.mulf %get3A_254, %mul3A_255 : vector<16xf32>
          %swap3A_257 = arith.index_cast %add3A_184 : i32 to index
          %swap3A_258 = arith.constant 96 : index
          %swap3A_259 = tpu.vector_load %arg10[%swap3A_257, %swap3A_258] {strides = array<i32>} : memref<128x128xf32, #tpu.memory_space<vmem>>, vector<1x16xf32>,
          %swap3A_260 = vector.shape_cast %swap3A_259 : vector<1x16xf32> to vector<16xf32>
          %swap3A_261 = vector.shape_cast %mul3A_256 : vector<16xf32> to vector<1x16xf32>
          tpu.vector_store %arg10[%swap3A_257, %swap3A_258], %swap3A_261 {strides = array<i32>} : memref<128x128xf32, #tpu.memory_space<vmem>>, vector<1x16xf32>,
          %get3A_262 = arith.index_cast %add3A_184 : i32 to index
          %get3A_263 = arith.constant 112 : index
          %get3A_264 = tpu.vector_load %arg10[%get3A_262, %get3A_263] {strides = array<i32>} : memref<128x128xf32, #tpu.memory_space<vmem>>, vector<1x16xf32>,
          %get3A_265 = vector.shape_cast %get3A_264 : vector<1x16xf32> to vector<16xf32>
          %mul3A_266 = vector.broadcast %squeeze3A_180 : f32 to vector<16xf32>
          %mul3A_267 = arith.mulf %get3A_265, %mul3A_266 : vector<16xf32>
          %swap3A_268 = arith.index_cast %add3A_184 : i32 to index
          %swap3A_269 = arith.constant 112 : index
          %swap3A_270 = tpu.vector_load %arg10[%swap3A_268, %swap3A_269] {strides = array<i32>} : memref<128x128xf32, #tpu.memory_space<vmem>>, vector<1x16xf32>,
          %swap3A_271 = vector.shape_cast %swap3A_270 : vector<1x16xf32> to vector<16xf32>
          %swap3A_272 = vector.shape_cast %mul3A_267 : vector<16xf32> to vector<1x16xf32>
          tpu.vector_store %arg10[%swap3A_268, %swap3A_269], %swap3A_272 {strides = array<i32>} : memref<128x128xf32, #tpu.memory_space<vmem>>, vector<1x16xf32>,
          %slice3A_273 = vector.extract_strided_slice %get3A_87 {offsets = [2], sizes = [1], strides = [1]} : vector<16xf32> to vector<1xf32>
          %squeeze3A_274 = vector.extract %slice3A_273[0] : f32 from vector<1xf32>
          %mul3A_275 = arith.constant 16 : i32
          %mul3A_276 = arith.muli %scan3A_82, %mul3A_275 : i32
          %add3A_277 = arith.constant 2 : i32
          %add3A_278 = arith.addi %mul3A_276, %add3A_277 : i32
          %get3A_279 = arith.index_cast %add3A_278 : i32 to index
          %get3A_280 = arith.constant 0 : index
          %get3A_281 = tpu.vector_load %arg10[%get3A_279, %get3A_280] {strides = array<i32>} : memref<128x128xf32, #tpu.memory_space<vmem>>, vector<1x16xf32>,
          %get3A_282 = vector.shape_cast %get3A_281 : vector<1x16xf32> to vector<16xf32>
          %mul3A_283 = vector.broadcast %squeeze3A_274 : f32 to vector<16xf32>
          %mul3A_284 = arith.mulf %get3A_282, %mul3A_283 : vector<16xf32>
          %swap3A_285 = arith.index_cast %add3A_278 : i32 to index
          %swap3A_286 = arith.constant 0 : index
          %swap3A_287 = tpu.vector_load %arg10[%swap3A_285, %swap3A_286] {strides = array<i32>} : memref<128x128xf32, #tpu.memory_space<vmem>>, vector<1x16xf32>,
          %swap3A_288 = vector.shape_cast %swap3A_287 : vector<1x16xf32> to vector<16xf32>
          %swap3A_289 = vector.shape_cast %mul3A_284 : vector<16xf32> to vector<1x16xf32>
          tpu.vector_store %arg10[%swap3A_285, %swap3A_286], %swap3A_289 {strides = array<i32>} : memref<128x128xf32, #tpu.memory_space<vmem>>, vector<1x16xf32>,
          %get3A_290 = arith.index_cast %add3A_278 : i32 to index
          %get3A_291 = arith.constant 16 : index
          %get3A_292 = tpu.vector_load %arg10[%get3A_290, %get3A_291] {strides = array<i32>} : memref<128x128xf32, #tpu.memory_space<vmem>>, vector<1x16xf32>,
          %get3A_293 = vector.shape_cast %get3A_292 : vector<1x16xf32> to vector<16xf32>
          %mul3A_294 = vector.broadcast %squeeze3A_274 : f32 to vector<16xf32>
          %mul3A_295 = arith.mulf %get3A_293, %mul3A_294 : vector<16xf32>
          %swap3A_296 = arith.index_cast %add3A_278 : i32 to index
          %swap3A_297 = arith.constant 16 : index
          %swap3A_298 = tpu.vector_load %arg10[%swap3A_296, %swap3A_297] {strides = array<i32>} : memref<128x128xf32, #tpu.memory_space<vmem>>, vector<1x16xf32>,
          %swap3A_299 = vector.shape_cast %swap3A_298 : vector<1x16xf32> to vector<16xf32>
          %swap3A_300 = vector.shape_cast %mul3A_295 : vector<16xf32> to vector<1x16xf32>
          tpu.vector_store %arg10[%swap3A_296, %swap3A_297], %swap3A_300 {strides = array<i32>} : memref<128x128xf32, #tpu.memory_space<vmem>>, vector<1x16xf32>,
          %get3A_301 = arith.index_cast %add3A_278 : i32 to index
          %get3A_302 = arith.constant 32 : index
          %get3A_303 = tpu.vector_load %arg10[%get3A_301, %get3A_302] {strides = array<i32>} : memref<128x128xf32, #tpu.memory_space<vmem>>, vector<1x16xf32>,
          %get3A_304 = vector.shape_cast %get3A_303 : vector<1x16xf32> to vector<16xf32>
          %mul3A_305 = vector.broadcast %squeeze3A_274 : f32 to vector<16xf32>
          %mul3A_306 = arith.mulf %get3A_304, %mul3A_305 : vector<16xf32>
          %swap3A_307 = arith.index_cast %add3A_278 : i32 to index
          %swap3A_308 = arith.constant 32 : index
          %swap3A_309 = tpu.vector_load %arg10[%swap3A_307, %swap3A_308] {strides = array<i32>} : memref<128x128xf32, #tpu.memory_space<vmem>>, vector<1x16xf32>,
          %swap3A_310 = vector.shape_cast %swap3A_309 : vector<1x16xf32> to vector<16xf32>
          %swap3A_311 = vector.shape_cast %mul3A_306 : vector<16xf32> to vector<1x16xf32>
          tpu.vector_store %arg10[%swap3A_307, %swap3A_308], %swap3A_311 {strides = array<i32>} : memref<128x128xf32, #tpu.memory_space<vmem>>, vector<1x16xf32>,
          %get3A_312 = arith.index_cast %add3A_278 : i32 to index
          %get3A_313 = arith.constant 48 : index
          %get3A_314 = tpu.vector_load %arg10[%get3A_312, %get3A_313] {strides = array<i32>} : memref<128x128xf32, #tpu.memory_space<vmem>>, vector<1x16xf32>,
          %get3A_315 = vector.shape_cast %get3A_314 : vector<1x16xf32> to vector<16xf32>
          %mul3A_316 = vector.broadcast %squeeze3A_274 : f32 to vector<16xf32>
          %mul3A_317 = arith.mulf %get3A_315, %mul3A_316 : vector<16xf32>
          %swap3A_318 = arith.index_cast %add3A_278 : i32 to index
          %swap3A_319 = arith.constant 48 : index
          %swap3A_320 = tpu.vector_load %arg10[%swap3A_318, %swap3A_319] {strides = array<i32>} : memref<128x128xf32, #tpu.memory_space<vmem>>, vector<1x16xf32>,
          %swap3A_321 = vector.shape_cast %swap3A_320 : vector<1x16xf32> to vector<16xf32>
          %swap3A_322 = vector.shape_cast %mul3A_317 : vector<16xf32> to vector<1x16xf32>
          tpu.vector_store %arg10[%swap3A_318, %swap3A_319], %swap3A_322 {strides = array<i32>} : memref<128x128xf32, #tpu.memory_space<vmem>>, vector<1x16xf32>,
          %get3A_323 = arith.index_cast %add3A_278 : i32 to index
          %get3A_324 = arith.constant 64 : index
          %get3A_325 = tpu.vector_load %arg10[%get3A_323, %get3A_324] {strides = array<i32>} : memref<128x128xf32, #tpu.memory_space<vmem>>, vector<1x16xf32>,
          %get3A_326 = vector.shape_cast %get3A_325 : vector<1x16xf32> to vector<16xf32>
          %mul3A_327 = vector.broadcast %squeeze3A_274 : f32 to vector<16xf32>
          %mul3A_328 = arith.mulf %get3A_326, %mul3A_327 : vector<16xf32>
          %swap3A_329 = arith.index_cast %add3A_278 : i32 to index
          %swap3A_330 = arith.constant 64 : index
          %swap3A_331 = tpu.vector_load %arg10[%swap3A_329, %swap3A_330] {strides = array<i32>} : memref<128x128xf32, #tpu.memory_space<vmem>>, vector<1x16xf32>,
          %swap3A_332 = vector.shape_cast %swap3A_331 : vector<1x16xf32> to vector<16xf32>
          %swap3A_333 = vector.shape_cast %mul3A_328 : vector<16xf32> to vector<1x16xf32>
          tpu.vector_store %arg10[%swap3A_329, %swap3A_330], %swap3A_333 {strides = array<i32>} : memref<128x128xf32, #tpu.memory_space<vmem>>, vector<1x16xf32>,
          %get3A_334 = arith.index_cast %add3A_278 : i32 to index
          %get3A_335 = arith.constant 80 : index
          %get3A_336 = tpu.vector_load %arg10[%get3A_334, %get3A_335] {strides = array<i32>} : memref<128x128xf32, #tpu.memory_space<vmem>>, vector<1x16xf32>,
          %get3A_337 = vector.shape_cast %get3A_336 : vector<1x16xf32> to vector<16xf32>
          %mul3A_338 = vector.broadcast %squeeze3A_274 : f32 to vector<16xf32>
          %mul3A_339 = arith.mulf %get3A_337, %mul3A_338 : vector<16xf32>
          %swap3A_340 = arith.index_cast %add3A_278 : i32 to index
          %swap3A_341 = arith.constant 80 : index
          %swap3A_342 = tpu.vector_load %arg10[%swap3A_340, %swap3A_341] {strides = array<i32>} : memref<128x128xf32, #tpu.memory_space<vmem>>, vector<1x16xf32>,
          %swap3A_343 = vector.shape_cast %swap3A_342 : vector<1x16xf32> to vector<16xf32>
          %swap3A_344 = vector.shape_cast %mul3A_339 : vector<16xf32> to vector<1x16xf32>
          tpu.vector_store %arg10[%swap3A_340, %swap3A_341], %swap3A_344 {strides = array<i32>} : memref<128x128xf32, #tpu.memory_space<vmem>>, vector<1x16xf32>,
          %get3A_345 = arith.index_cast %add3A_278 : i32 to index
          %get3A_346 = arith.constant 96 : index
          %get3A_347 = tpu.vector_load %arg10[%get3A_345, %get3A_346] {strides = array<i32>} : memref<128x128xf32, #tpu.memory_space<vmem>>, vector<1x16xf32>,
          %get3A_348 = vector.shape_cast %get3A_347 : vector<1x16xf32> to vector<16xf32>
          %mul3A_349 = vector.broadcast %squeeze3A_274 : f32 to vector<16xf32>
          %mul3A_350 = arith.mulf %get3A_348, %mul3A_349 : vector<16xf32>
          %swap3A_351 = arith.index_cast %add3A_278 : i32 to index
          %swap3A_352 = arith.constant 96 : index
          %swap3A_353 = tpu.vector_load %arg10[%swap3A_351, %swap3A_352] {strides = array<i32>} : memref<128x128xf32, #tpu.memory_space<vmem>>, vector<1x16xf32>,
          %swap3A_354 = vector.shape_cast %swap3A_353 : vector<1x16xf32> to vector<16xf32>
          %swap3A_355 = vector.shape_cast %mul3A_350 : vector<16xf32> to vector<1x16xf32>
          tpu.vector_store %arg10[%swap3A_351, %swap3A_352], %swap3A_355 {strides = array<i32>} : memref<128x128xf32, #tpu.memory_space<vmem>>, vector<1x16xf32>,
          %get3A_356 = arith.index_cast %add3A_278 : i32 to index
          %get3A_357 = arith.constant 112 : index
          %get3A_358 = tpu.vector_load %arg10[%get3A_356, %get3A_357] {strides = array<i32>} : memref<128x128xf32, #tpu.memory_space<vmem>>, vector<1x16xf32>,
          %get3A_359 = vector.shape_cast %get3A_358 : vector<1x16xf32> to vector<16xf32>
          %mul3A_360 = vector.broadcast %squeeze3A_274 : f32 to vector<16xf32>
          %mul3A_361 = arith.mulf %get3A_359, %mul3A_360 : vector<16xf32>
          %swap3A_362 = arith.index_cast %add3A_278 : i32 to index
          %swap3A_363 = arith.constant 112 : index
          %swap3A_364 = tpu.vector_load %arg10[%swap3A_362, %swap3A_363] {strides = array<i32>} : memref<128x128xf32, #tpu.memory_space<vmem>>, vector<1x16xf32>,
          %swap3A_365 = vector.shape_cast %swap3A_364 : vector<1x16xf32> to vector<16xf32>
          %swap3A_366 = vector.shape_cast %mul3A_361 : vector<16xf32> to vector<1x16xf32>
          tpu.vector_store %arg10[%swap3A_362, %swap3A_363], %swap3A_366 {strides = array<i32>} : memref<128x128xf32, #tpu.memory_space<vmem>>, vector<1x16xf32>,
          %slice3A_367 = vector.extract_strided_slice %get3A_87 {offsets = [3], sizes = [1], strides = [1]} : vector<16xf32> to vector<1xf32>
          %squeeze3A_368 = vector.extract %slice3A_367[0] : f32 from vector<1xf32>
          %mul3A_369 = arith.constant 16 : i32
          %mul3A_370 = arith.muli %scan3A_82, %mul3A_369 : i32
          %add3A_371 = arith.constant 3 : i32
          %add3A_372 = arith.addi %mul3A_370, %add3A_371 : i32
          %get3A_373 = arith.index_cast %add3A_372 : i32 to index
          %get3A_374 = arith.constant 0 : index
          %get3A_375 = tpu.vector_load %arg10[%get3A_373, %get3A_374] {strides = array<i32>} : memref<128x128xf32, #tpu.memory_space<vmem>>, vector<1x16xf32>,
          %get3A_376 = vector.shape_cast %get3A_375 : vector<1x16xf32> to vector<16xf32>
          %mul3A_377 = vector.broadcast %squeeze3A_368 : f32 to vector<16xf32>
          %mul3A_378 = arith.mulf %get3A_376, %mul3A_377 : vector<16xf32>
          %swap3A_379 = arith.index_cast %add3A_372 : i32 to index
          %swap3A_380 = arith.constant 0 : index
          %swap3A_381 = tpu.vector_load %arg10[%swap3A_379, %swap3A_380] {strides = array<i32>} : memref<128x128xf32, #tpu.memory_space<vmem>>, vector<1x16xf32>,
          %swap3A_382 = vector.shape_cast %swap3A_381 : vector<1x16xf32> to vector<16xf32>
          %swap3A_383 = vector.shape_cast %mul3A_378 : vector<16xf32> to vector<1x16xf32>
          tpu.vector_store %arg10[%swap3A_379, %swap3A_380], %swap3A_383 {strides = array<i32>} : memref<128x128xf32, #tpu.memory_space<vmem>>, vector<1x16xf32>,
          %get3A_384 = arith.index_cast %add3A_372 : i32 to index
          %get3A_385 = arith.constant 16 : index
          %get3A_386 = tpu.vector_load %arg10[%get3A_384, %get3A_385] {strides = array<i32>} : memref<128x128xf32, #tpu.memory_space<vmem>>, vector<1x16xf32>,
          %get3A_387 = vector.shape_cast %get3A_386 : vector<1x16xf32> to vector<16xf32>
          %mul3A_388 = vector.broadcast %squeeze3A_368 : f32 to vector<16xf32>
          %mul3A_389 = arith.mulf %get3A_387, %mul3A_388 : vector<16xf32>
          %swap3A_390 = arith.index_cast %add3A_372 : i32 to index
          %swap3A_391 = arith.constant 16 : index
          %swap3A_392 = tpu.vector_load %arg10[%swap3A_390, %swap3A_391] {strides = array<i32>} : memref<128x128xf32, #tpu.memory_space<vmem>>, vector<1x16xf32>,
          %swap3A_393 = vector.shape_cast %swap3A_392 : vector<1x16xf32> to vector<16xf32>
          %swap3A_394 = vector.shape_cast %mul3A_389 : vector<16xf32> to vector<1x16xf32>
          tpu.vector_store %arg10[%swap3A_390, %swap3A_391], %swap3A_394 {strides = array<i32>} : memref<128x128xf32, #tpu.memory_space<vmem>>, vector<1x16xf32>,
          %get3A_395 = arith.index_cast %add3A_372 : i32 to index
          %get3A_396 = arith.constant 32 : index
          %get3A_397 = tpu.vector_load %arg10[%get3A_395, %get3A_396] {strides = array<i32>} : memref<128x128xf32, #tpu.memory_space<vmem>>, vector<1x16xf32>,
          %get3A_398 = vector.shape_cast %get3A_397 : vector<1x16xf32> to vector<16xf32>
          %mul3A_399 = vector.broadcast %squeeze3A_368 : f32 to vector<16xf32>
          %mul3A_400 = arith.mulf %get3A_398, %mul3A_399 : vector<16xf32>
          %swap3A_401 = arith.index_cast %add3A_372 : i32 to index
          %swap3A_402 = arith.constant 32 : index
          %swap3A_403 = tpu.vector_load %arg10[%swap3A_401, %swap3A_402] {strides = array<i32>} : memref<128x128xf32, #tpu.memory_space<vmem>>, vector<1x16xf32>,
          %swap3A_404 = vector.shape_cast %swap3A_403 : vector<1x16xf32> to vector<16xf32>
          %swap3A_405 = vector.shape_cast %mul3A_400 : vector<16xf32> to vector<1x16xf32>
          tpu.vector_store %arg10[%swap3A_401, %swap3A_402], %swap3A_405 {strides = array<i32>} : memref<128x128xf32, #tpu.memory_space<vmem>>, vector<1x16xf32>,
          %get3A_406 = arith.index_cast %add3A_372 : i32 to index
          %get3A_407 = arith.constant 48 : index
          %get3A_408 = tpu.vector_load %arg10[%get3A_406, %get3A_407] {strides = array<i32>} : memref<128x128xf32, #tpu.memory_space<vmem>>, vector<1x16xf32>,
          %get3A_409 = vector.shape_cast %get3A_408 : vector<1x16xf32> to vector<16xf32>
          %mul3A_410 = vector.broadcast %squeeze3A_368 : f32 to vector<16xf32>
          %mul3A_411 = arith.mulf %get3A_409, %mul3A_410 : vector<16xf32>
          %swap3A_412 = arith.index_cast %add3A_372 : i32 to index
          %swap3A_413 = arith.constant 48 : index
          %swap3A_414 = tpu.vector_load %arg10[%swap3A_412, %swap3A_413] {strides = array<i32>} : memref<128x128xf32, #tpu.memory_space<vmem>>, vector<1x16xf32>,
          %swap3A_415 = vector.shape_cast %swap3A_414 : vector<1x16xf32> to vector<16xf32>
          %swap3A_416 = vector.shape_cast %mul3A_411 : vector<16xf32> to vector<1x16xf32>
          tpu.vector_store %arg10[%swap3A_412, %swap3A_413], %swap3A_416 {strides = array<i32>} : memref<128x128xf32, #tpu.memory_space<vmem>>, vector<1x16xf32>,
          %get3A_417 = arith.index_cast %add3A_372 : i32 to index
          %get3A_418 = arith.constant 64 : index
          %get3A_419 = tpu.vector_load %arg10[%get3A_417, %get3A_418] {strides = array<i32>} : memref<128x128xf32, #tpu.memory_space<vmem>>, vector<1x16xf32>,
          %get3A_420 = vector.shape_cast %get3A_419 : vector<1x16xf32> to vector<16xf32>
          %mul3A_421 = vector.broadcast %squeeze3A_368 : f32 to vector<16xf32>
          %mul3A_422 = arith.mulf %get3A_420, %mul3A_421 : vector<16xf32>
          %swap3A_423 = arith.index_cast %add3A_372 : i32 to index
          %swap3A_424 = arith.constant 64 : index
          %swap3A_425 = tpu.vector_load %arg10[%swap3A_423, %swap3A_424] {strides = array<i32>} : memref<128x128xf32, #tpu.memory_space<vmem>>, vector<1x16xf32>,
          %swap3A_426 = vector.shape_cast %swap3A_425 : vector<1x16xf32> to vector<16xf32>
          %swap3A_427 = vector.shape_cast %mul3A_422 : vector<16xf32> to vector<1x16xf32>
          tpu.vector_store %arg10[%swap3A_423, %swap3A_424], %swap3A_427 {strides = array<i32>} : memref<128x128xf32, #tpu.memory_space<vmem>>, vector<1x16xf32>,
          %get3A_428 = arith.index_cast %add3A_372 : i32 to index
          %get3A_429 = arith.constant 80 : index
          %get3A_430 = tpu.vector_load %arg10[%get3A_428, %get3A_429] {strides = array<i32>} : memref<128x128xf32, #tpu.memory_space<vmem>>, vector<1x16xf32>,
          %get3A_431 = vector.shape_cast %get3A_430 : vector<1x16xf32> to vector<16xf32>
          %mul3A_432 = vector.broadcast %squeeze3A_368 : f32 to vector<16xf32>
          %mul3A_433 = arith.mulf %get3A_431, %mul3A_432 : vector<16xf32>
          %swap3A_434 = arith.index_cast %add3A_372 : i32 to index
          %swap3A_435 = arith.constant 80 : index
          %swap3A_436 = tpu.vector_load %arg10[%swap3A_434, %swap3A_435] {strides = array<i32>} : memref<128x128xf32, #tpu.memory_space<vmem>>, vector<1x16xf32>,
          %swap3A_437 = vector.shape_cast %swap3A_436 : vector<1x16xf32> to vector<16xf32>
          %swap3A_438 = vector.shape_cast %mul3A_433 : vector<16xf32> to vector<1x16xf32>
          tpu.vector_store %arg10[%swap3A_434, %swap3A_435], %swap3A_438 {strides = array<i32>} : memref<128x128xf32, #tpu.memory_space<vmem>>, vector<1x16xf32>,
          %get3A_439 = arith.index_cast %add3A_372 : i32 to index
          %get3A_440 = arith.constant 96 : index
          %get3A_441 = tpu.vector_load %arg10[%get3A_439, %get3A_440] {strides = array<i32>} : memref<128x128xf32, #tpu.memory_space<vmem>>, vector<1x16xf32>,
          %get3A_442 = vector.shape_cast %get3A_441 : vector<1x16xf32> to vector<16xf32>
          %mul3A_443 = vector.broadcast %squeeze3A_368 : f32 to vector<16xf32>
          %mul3A_444 = arith.mulf %get3A_442, %mul3A_443 : vector<16xf32>
          %swap3A_445 = arith.index_cast %add3A_372 : i32 to index
          %swap3A_446 = arith.constant 96 : index
          %swap3A_447 = tpu.vector_load %arg10[%swap3A_445, %swap3A_446] {strides = array<i32>} : memref<128x128xf32, #tpu.memory_space<vmem>>, vector<1x16xf32>,
          %swap3A_448 = vector.shape_cast %swap3A_447 : vector<1x16xf32> to vector<16xf32>
          %swap3A_449 = vector.shape_cast %mul3A_444 : vector<16xf32> to vector<1x16xf32>
          tpu.vector_store %arg10[%swap3A_445, %swap3A_446], %swap3A_449 {strides = array<i32>} : memref<128x128xf32, #tpu.memory_space<vmem>>, vector<1x16xf32>,
          %get3A_450 = arith.index_cast %add3A_372 : i32 to index
          %get3A_451 = arith.constant 112 : index
          %get3A_452 = tpu.vector_load %arg10[%get3A_450, %get3A_451] {strides = array<i32>} : memref<128x128xf32, #tpu.memory_space<vmem>>, vector<1x16xf32>,
          %get3A_453 = vector.shape_cast %get3A_452 : vector<1x16xf32> to vector<16xf32>
          %mul3A_454 = vector.broadcast %squeeze3A_368 : f32 to vector<16xf32>
          %mul3A_455 = arith.mulf %get3A_453, %mul3A_454 : vector<16xf32>
          %swap3A_456 = arith.index_cast %add3A_372 : i32 to index
          %swap3A_457 = arith.constant 112 : index
          %swap3A_458 = tpu.vector_load %arg10[%swap3A_456, %swap3A_457] {strides = array<i32>} : memref<128x128xf32, #tpu.memory_space<vmem>>, vector<1x16xf32>,
          %swap3A_459 = vector.shape_cast %swap3A_458 : vector<1x16xf32> to vector<16xf32>
          %swap3A_460 = vector.shape_cast %mul3A_455 : vector<16xf32> to vector<1x16xf32>
          tpu.vector_store %arg10[%swap3A_456, %swap3A_457], %swap3A_460 {strides = array<i32>} : memref<128x128xf32, #tpu.memory_space<vmem>>, vector<1x16xf32>,
          %slice3A_461 = vector.extract_strided_slice %get3A_87 {offsets = [4], sizes = [1], strides = [1]} : vector<16xf32> to vector<1xf32>
          %squeeze3A_462 = vector.extract %slice3A_461[0] : f32 from vector<1xf32>
          %mul3A_463 = arith.constant 16 : i32
          %mul3A_464 = arith.muli %scan3A_82, %mul3A_463 : i32
          %add3A_465 = arith.constant 4 : i32
          %add3A_466 = arith.addi %mul3A_464, %add3A_465 : i32
          %get3A_467 = arith.index_cast %add3A_466 : i32 to index
          %get3A_468 = arith.constant 0 : index
          %get3A_469 = tpu.vector_load %arg10[%get3A_467, %get3A_468] {strides = array<i32>} : memref<128x128xf32, #tpu.memory_space<vmem>>, vector<1x16xf32>,
          %get3A_470 = vector.shape_cast %get3A_469 : vector<1x16xf32> to vector<16xf32>
          %mul3A_471 = vector.broadcast %squeeze3A_462 : f32 to vector<16xf32>
          %mul3A_472 = arith.mulf %get3A_470, %mul3A_471 : vector<16xf32>
          %swap3A_473 = arith.index_cast %add3A_466 : i32 to index
          %swap3A_474 = arith.constant 0 : index
          %swap3A_475 = tpu.vector_load %arg10[%swap3A_473, %swap3A_474] {strides = array<i32>} : memref<128x128xf32, #tpu.memory_space<vmem>>, vector<1x16xf32>,
          %swap3A_476 = vector.shape_cast %swap3A_475 : vector<1x16xf32> to vector<16xf32>
          %swap3A_477 = vector.shape_cast %mul3A_472 : vector<16xf32> to vector<1x16xf32>
          tpu.vector_store %arg10[%swap3A_473, %swap3A_474], %swap3A_477 {strides = array<i32>} : memref<128x128xf32, #tpu.memory_space<vmem>>, vector<1x16xf32>,
          %get3A_478 = arith.index_cast %add3A_466 : i32 to index
          %get3A_479 = arith.constant 16 : index
          %get3A_480 = tpu.vector_load %arg10[%get3A_478, %get3A_479] {strides = array<i32>} : memref<128x128xf32, #tpu.memory_space<vmem>>, vector<1x16xf32>,
          %get3A_481 = vector.shape_cast %get3A_480 : vector<1x16xf32> to vector<16xf32>
          %mul3A_482 = vector.broadcast %squeeze3A_462 : f32 to vector<16xf32>
          %mul3A_483 = arith.mulf %get3A_481, %mul3A_482 : vector<16xf32>
          %swap3A_484 = arith.index_cast %add3A_466 : i32 to index
          %swap3A_485 = arith.constant 16 : index
          %swap3A_486 = tpu.vector_load %arg10[%swap3A_484, %swap3A_485] {strides = array<i32>} : memref<128x128xf32, #tpu.memory_space<vmem>>, vector<1x16xf32>,
          %swap3A_487 = vector.shape_cast %swap3A_486 : vector<1x16xf32> to vector<16xf32>
          %swap3A_488 = vector.shape_cast %mul3A_483 : vector<16xf32> to vector<1x16xf32>
          tpu.vector_store %arg10[%swap3A_484, %swap3A_485], %swap3A_488 {strides = array<i32>} : memref<128x128xf32, #tpu.memory_space<vmem>>, vector<1x16xf32>,
          %get3A_489 = arith.index_cast %add3A_466 : i32 to index
          %get3A_490 = arith.constant 32 : index
          %get3A_491 = tpu.vector_load %arg10[%get3A_489, %get3A_490] {strides = array<i32>} : memref<128x128xf32, #tpu.memory_space<vmem>>, vector<1x16xf32>,
          %get3A_492 = vector.shape_cast %get3A_491 : vector<1x16xf32> to vector<16xf32>
          %mul3A_493 = vector.broadcast %squeeze3A_462 : f32 to vector<16xf32>
          %mul3A_494 = arith.mulf %get3A_492, %mul3A_493 : vector<16xf32>
          %swap3A_495 = arith.index_cast %add3A_466 : i32 to index
          %swap3A_496 = arith.constant 32 : index
          %swap3A_497 = tpu.vector_load %arg10[%swap3A_495, %swap3A_496] {strides = array<i32>} : memref<128x128xf32, #tpu.memory_space<vmem>>, vector<1x16xf32>,
          %swap3A_498 = vector.shape_cast %swap3A_497 : vector<1x16xf32> to vector<16xf32>
          %swap3A_499 = vector.shape_cast %mul3A_494 : vector<16xf32> to vector<1x16xf32>
          tpu.vector_store %arg10[%swap3A_495, %swap3A_496], %swap3A_499 {strides = array<i32>} : memref<128x128xf32, #tpu.memory_space<vmem>>, vector<1x16xf32>,
          %get3A_500 = arith.index_cast %add3A_466 : i32 to index
          %get3A_501 = arith.constant 48 : index
          %get3A_502 = tpu.vector_load %arg10[%get3A_500, %get3A_501] {strides = array<i32>} : memref<128x128xf32, #tpu.memory_space<vmem>>, vector<1x16xf32>,
          %get3A_503 = vector.shape_cast %get3A_502 : vector<1x16xf32> to vector<16xf32>
          %mul3A_504 = vector.broadcast %squeeze3A_462 : f32 to vector<16xf32>
          %mul3A_505 = arith.mulf %get3A_503, %mul3A_504 : vector<16xf32>
          %swap3A_506 = arith.index_cast %add3A_466 : i32 to index
          %swap3A_507 = arith.constant 48 : index
          %swap3A_508 = tpu.vector_load %arg10[%swap3A_506, %swap3A_507] {strides = array<i32>} : memref<128x128xf32, #tpu.memory_space<vmem>>, vector<1x16xf32>,
          %swap3A_509 = vector.shape_cast %swap3A_508 : vector<1x16xf32> to vector<16xf32>
          %swap3A_510 = vector.shape_cast %mul3A_505 : vector<16xf32> to vector<1x16xf32>
          tpu.vector_store %arg10[%swap3A_506, %swap3A_507], %swap3A_510 {strides = array<i32>} : memref<128x128xf32, #tpu.memory_space<vmem>>, vector<1x16xf32>,
          %get3A_511 = arith.index_cast %add3A_466 : i32 to index
          %get3A_512 = arith.constant 64 : index
          %get3A_513 = tpu.vector_load %arg10[%get3A_511, %get3A_512] {strides = array<i32>} : memref<128x128xf32, #tpu.memory_space<vmem>>, vector<1x16xf32>,
          %get3A_514 = vector.shape_cast %get3A_513 : vector<1x16xf32> to vector<16xf32>
          %mul3A_515 = vector.broadcast %squeeze3A_462 : f32 to vector<16xf32>
          %mul3A_516 = arith.mulf %get3A_514, %mul3A_515 : vector<16xf32>
          %swap3A_517 = arith.index_cast %add3A_466 : i32 to index
          %swap3A_518 = arith.constant 64 : index
          %swap3A_519 = tpu.vector_load %arg10[%swap3A_517, %swap3A_518] {strides = array<i32>} : memref<128x128xf32, #tpu.memory_space<vmem>>, vector<1x16xf32>,
          %swap3A_520 = vector.shape_cast %swap3A_519 : vector<1x16xf32> to vector<16xf32>
          %swap3A_521 = vector.shape_cast %mul3A_516 : vector<16xf32> to vector<1x16xf32>
          tpu.vector_store %arg10[%swap3A_517, %swap3A_518], %swap3A_521 {strides = array<i32>} : memref<128x128xf32, #tpu.memory_space<vmem>>, vector<1x16xf32>,
          %get3A_522 = arith.index_cast %add3A_466 : i32 to index
          %get3A_523 = arith.constant 80 : index
          %get3A_524 = tpu.vector_load %arg10[%get3A_522, %get3A_523] {strides = array<i32>} : memref<128x128xf32, #tpu.memory_space<vmem>>, vector<1x16xf32>,
          %get3A_525 = vector.shape_cast %get3A_524 : vector<1x16xf32> to vector<16xf32>
          %mul3A_526 = vector.broadcast %squeeze3A_462 : f32 to vector<16xf32>
          %mul3A_527 = arith.mulf %get3A_525, %mul3A_526 : vector<16xf32>
          %swap3A_528 = arith.index_cast %add3A_466 : i32 to index
          %swap3A_529 = arith.constant 80 : index
          %swap3A_530 = tpu.vector_load %arg10[%swap3A_528, %swap3A_529] {strides = array<i32>} : memref<128x128xf32, #tpu.memory_space<vmem>>, vector<1x16xf32>,
          %swap3A_531 = vector.shape_cast %swap3A_530 : vector<1x16xf32> to vector<16xf32>
          %swap3A_532 = vector.shape_cast %mul3A_527 : vector<16xf32> to vector<1x16xf32>
          tpu.vector_store %arg10[%swap3A_528, %swap3A_529], %swap3A_532 {strides = array<i32>} : memref<128x128xf32, #tpu.memory_space<vmem>>, vector<1x16xf32>,
          %get3A_533 = arith.index_cast %add3A_466 : i32 to index
          %get3A_534 = arith.constant 96 : index
          %get3A_535 = tpu.vector_load %arg10[%get3A_533, %get3A_534] {strides = array<i32>} : memref<128x128xf32, #tpu.memory_space<vmem>>, vector<1x16xf32>,
          %get3A_536 = vector.shape_cast %get3A_535 : vector<1x16xf32> to vector<16xf32>
          %mul3A_537 = vector.broadcast %squeeze3A_462 : f32 to vector<16xf32>
          %mul3A_538 = arith.mulf %get3A_536, %mul3A_537 : vector<16xf32>
          %swap3A_539 = arith.index_cast %add3A_466 : i32 to index
          %swap3A_540 = arith.constant 96 : index
          %swap3A_541 = tpu.vector_load %arg10[%swap3A_539, %swap3A_540] {strides = array<i32>} : memref<128x128xf32, #tpu.memory_space<vmem>>, vector<1x16xf32>,
          %swap3A_542 = vector.shape_cast %swap3A_541 : vector<1x16xf32> to vector<16xf32>
          %swap3A_543 = vector.shape_cast %mul3A_538 : vector<16xf32> to vector<1x16xf32>
          tpu.vector_store %arg10[%swap3A_539, %swap3A_540], %swap3A_543 {strides = array<i32>} : memref<128x128xf32, #tpu.memory_space<vmem>>, vector<1x16xf32>,
          %get3A_544 = arith.index_cast %add3A_466 : i32 to index
          %get3A_545 = arith.constant 112 : index
          %get3A_546 = tpu.vector_load %arg10[%get3A_544, %get3A_545] {strides = array<i32>} : memref<128x128xf32, #tpu.memory_space<vmem>>, vector<1x16xf32>,
          %get3A_547 = vector.shape_cast %get3A_546 : vector<1x16xf32> to vector<16xf32>
          %mul3A_548 = vector.broadcast %squeeze3A_462 : f32 to vector<16xf32>
          %mul3A_549 = arith.mulf %get3A_547, %mul3A_548 : vector<16xf32>
          %swap3A_550 = arith.index_cast %add3A_466 : i32 to index
          %swap3A_551 = arith.constant 112 : index
          %swap3A_552 = tpu.vector_load %arg10[%swap3A_550, %swap3A_551] {strides = array<i32>} : memref<128x128xf32, #tpu.memory_space<vmem>>, vector<1x16xf32>,
          %swap3A_553 = vector.shape_cast %swap3A_552 : vector<1x16xf32> to vector<16xf32>
          %swap3A_554 = vector.shape_cast %mul3A_549 : vector<16xf32> to vector<1x16xf32>
          tpu.vector_store %arg10[%swap3A_550, %swap3A_551], %swap3A_554 {strides = array<i32>} : memref<128x128xf32, #tpu.memory_space<vmem>>, vector<1x16xf32>,
          %slice3A_555 = vector.extract_strided_slice %get3A_87 {offsets = [5], sizes = [1], strides = [1]} : vector<16xf32> to vector<1xf32>
          %squeeze3A_556 = vector.extract %slice3A_555[0] : f32 from vector<1xf32>
          %mul3A_557 = arith.constant 16 : i32
          %mul3A_558 = arith.muli %scan3A_82, %mul3A_557 : i32
          %add3A_559 = arith.constant 5 : i32
          %add3A_560 = arith.addi %mul3A_558, %add3A_559 : i32
          %get3A_561 = arith.index_cast %add3A_560 : i32 to index
          %get3A_562 = arith.constant 0 : index
          %get3A_563 = tpu.vector_load %arg10[%get3A_561, %get3A_562] {strides = array<i32>} : memref<128x128xf32, #tpu.memory_space<vmem>>, vector<1x16xf32>,
          %get3A_564 = vector.shape_cast %get3A_563 : vector<1x16xf32> to vector<16xf32>
          %mul3A_565 = vector.broadcast %squeeze3A_556 : f32 to vector<16xf32>
          %mul3A_566 = arith.mulf %get3A_564, %mul3A_565 : vector<16xf32>
          %swap3A_567 = arith.index_cast %add3A_560 : i32 to index
          %swap3A_568 = arith.constant 0 : index
          %swap3A_569 = tpu.vector_load %arg10[%swap3A_567, %swap3A_568] {strides = array<i32>} : memref<128x128xf32, #tpu.memory_space<vmem>>, vector<1x16xf32>,
          %swap3A_570 = vector.shape_cast %swap3A_569 : vector<1x16xf32> to vector<16xf32>
          %swap3A_571 = vector.shape_cast %mul3A_566 : vector<16xf32> to vector<1x16xf32>
          tpu.vector_store %arg10[%swap3A_567, %swap3A_568], %swap3A_571 {strides = array<i32>} : memref<128x128xf32, #tpu.memory_space<vmem>>, vector<1x16xf32>,
          %get3A_572 = arith.index_cast %add3A_560 : i32 to index
          %get3A_573 = arith.constant 16 : index
          %get3A_574 = tpu.vector_load %arg10[%get3A_572, %get3A_573] {strides = array<i32>} : memref<128x128xf32, #tpu.memory_space<vmem>>, vector<1x16xf32>,
          %get3A_575 = vector.shape_cast %get3A_574 : vector<1x16xf32> to vector<16xf32>
          %mul3A_576 = vector.broadcast %squeeze3A_556 : f32 to vector<16xf32>
          %mul3A_577 = arith.mulf %get3A_575, %mul3A_576 : vector<16xf32>
          %swap3A_578 = arith.index_cast %add3A_560 : i32 to index
          %swap3A_579 = arith.constant 16 : index
          %swap3A_580 = tpu.vector_load %arg10[%swap3A_578, %swap3A_579] {strides = array<i32>} : memref<128x128xf32, #tpu.memory_space<vmem>>, vector<1x16xf32>,
          %swap3A_581 = vector.shape_cast %swap3A_580 : vector<1x16xf32> to vector<16xf32>
          %swap3A_582 = vector.shape_cast %mul3A_577 : vector<16xf32> to vector<1x16xf32>
          tpu.vector_store %arg10[%swap3A_578, %swap3A_579], %swap3A_582 {strides = array<i32>} : memref<128x128xf32, #tpu.memory_space<vmem>>, vector<1x16xf32>,
          %get3A_583 = arith.index_cast %add3A_560 : i32 to index
          %get3A_584 = arith.constant 32 : index
          %get3A_585 = tpu.vector_load %arg10[%get3A_583, %get3A_584] {strides = array<i32>} : memref<128x128xf32, #tpu.memory_space<vmem>>, vector<1x16xf32>,
          %get3A_586 = vector.shape_cast %get3A_585 : vector<1x16xf32> to vector<16xf32>
          %mul3A_587 = vector.broadcast %squeeze3A_556 : f32 to vector<16xf32>
          %mul3A_588 = arith.mulf %get3A_586, %mul3A_587 : vector<16xf32>
          %swap3A_589 = arith.index_cast %add3A_560 : i32 to index
          %swap3A_590 = arith.constant 32 : index
          %swap3A_591 = tpu.vector_load %arg10[%swap3A_589, %swap3A_590] {strides = array<i32>} : memref<128x128xf32, #tpu.memory_space<vmem>>, vector<1x16xf32>,
          %swap3A_592 = vector.shape_cast %swap3A_591 : vector<1x16xf32> to vector<16xf32>
          %swap3A_593 = vector.shape_cast %mul3A_588 : vector<16xf32> to vector<1x16xf32>
          tpu.vector_store %arg10[%swap3A_589, %swap3A_590], %swap3A_593 {strides = array<i32>} : memref<128x128xf32, #tpu.memory_space<vmem>>, vector<1x16xf32>,
          %get3A_594 = arith.index_cast %add3A_560 : i32 to index
          %get3A_595 = arith.constant 48 : index
          %get3A_596 = tpu.vector_load %arg10[%get3A_594, %get3A_595] {strides = array<i32>} : memref<128x128xf32, #tpu.memory_space<vmem>>, vector<1x16xf32>,
          %get3A_597 = vector.shape_cast %get3A_596 : vector<1x16xf32> to vector<16xf32>
          %mul3A_598 = vector.broadcast %squeeze3A_556 : f32 to vector<16xf32>
          %mul3A_599 = arith.mulf %get3A_597, %mul3A_598 : vector<16xf32>
          %swap3A_600 = arith.index_cast %add3A_560 : i32 to index
          %swap3A_601 = arith.constant 48 : index
          %swap3A_602 = tpu.vector_load %arg10[%swap3A_600, %swap3A_601] {strides = array<i32>} : memref<128x128xf32, #tpu.memory_space<vmem>>, vector<1x16xf32>,
          %swap3A_603 = vector.shape_cast %swap3A_602 : vector<1x16xf32> to vector<16xf32>
          %swap3A_604 = vector.shape_cast %mul3A_599 : vector<16xf32> to vector<1x16xf32>
          tpu.vector_store %arg10[%swap3A_600, %swap3A_601], %swap3A_604 {strides = array<i32>} : memref<128x128xf32, #tpu.memory_space<vmem>>, vector<1x16xf32>,
          %get3A_605 = arith.index_cast %add3A_560 : i32 to index
          %get3A_606 = arith.constant 64 : index
          %get3A_607 = tpu.vector_load %arg10[%get3A_605, %get3A_606] {strides = array<i32>} : memref<128x128xf32, #tpu.memory_space<vmem>>, vector<1x16xf32>,
          %get3A_608 = vector.shape_cast %get3A_607 : vector<1x16xf32> to vector<16xf32>
          %mul3A_609 = vector.broadcast %squeeze3A_556 : f32 to vector<16xf32>
          %mul3A_610 = arith.mulf %get3A_608, %mul3A_609 : vector<16xf32>
          %swap3A_611 = arith.index_cast %add3A_560 : i32 to index
          %swap3A_612 = arith.constant 64 : index
          %swap3A_613 = tpu.vector_load %arg10[%swap3A_611, %swap3A_612] {strides = array<i32>} : memref<128x128xf32, #tpu.memory_space<vmem>>, vector<1x16xf32>,
          %swap3A_614 = vector.shape_cast %swap3A_613 : vector<1x16xf32> to vector<16xf32>
          %swap3A_615 = vector.shape_cast %mul3A_610 : vector<16xf32> to vector<1x16xf32>
          tpu.vector_store %arg10[%swap3A_611, %swap3A_612], %swap3A_615 {strides = array<i32>} : memref<128x128xf32, #tpu.memory_space<vmem>>, vector<1x16xf32>,
          %get3A_616 = arith.index_cast %add3A_560 : i32 to index
          %get3A_617 = arith.constant 80 : index
          %get3A_618 = tpu.vector_load %arg10[%get3A_616, %get3A_617] {strides = array<i32>} : memref<128x128xf32, #tpu.memory_space<vmem>>, vector<1x16xf32>,
          %get3A_619 = vector.shape_cast %get3A_618 : vector<1x16xf32> to vector<16xf32>
          %mul3A_620 = vector.broadcast %squeeze3A_556 : f32 to vector<16xf32>
          %mul3A_621 = arith.mulf %get3A_619, %mul3A_620 : vector<16xf32>
          %swap3A_622 = arith.index_cast %add3A_560 : i32 to index
          %swap3A_623 = arith.constant 80 : index
          %swap3A_624 = tpu.vector_load %arg10[%swap3A_622, %swap3A_623] {strides = array<i32>} : memref<128x128xf32, #tpu.memory_space<vmem>>, vector<1x16xf32>,
          %swap3A_625 = vector.shape_cast %swap3A_624 : vector<1x16xf32> to vector<16xf32>
          %swap3A_626 = vector.shape_cast %mul3A_621 : vector<16xf32> to vector<1x16xf32>
          tpu.vector_store %arg10[%swap3A_622, %swap3A_623], %swap3A_626 {strides = array<i32>} : memref<128x128xf32, #tpu.memory_space<vmem>>, vector<1x16xf32>,
          %get3A_627 = arith.index_cast %add3A_560 : i32 to index
          %get3A_628 = arith.constant 96 : index
          %get3A_629 = tpu.vector_load %arg10[%get3A_627, %get3A_628] {strides = array<i32>} : memref<128x128xf32, #tpu.memory_space<vmem>>, vector<1x16xf32>,
          %get3A_630 = vector.shape_cast %get3A_629 : vector<1x16xf32> to vector<16xf32>
          %mul3A_631 = vector.broadcast %squeeze3A_556 : f32 to vector<16xf32>
          %mul3A_632 = arith.mulf %get3A_630, %mul3A_631 : vector<16xf32>
          %swap3A_633 = arith.index_cast %add3A_560 : i32 to index
          %swap3A_634 = arith.constant 96 : index
          %swap3A_635 = tpu.vector_load %arg10[%swap3A_633, %swap3A_634] {strides = array<i32>} : memref<128x128xf32, #tpu.memory_space<vmem>>, vector<1x16xf32>,
          %swap3A_636 = vector.shape_cast %swap3A_635 : vector<1x16xf32> to vector<16xf32>
          %swap3A_637 = vector.shape_cast %mul3A_632 : vector<16xf32> to vector<1x16xf32>
          tpu.vector_store %arg10[%swap3A_633, %swap3A_634], %swap3A_637 {strides = array<i32>} : memref<128x128xf32, #tpu.memory_space<vmem>>, vector<1x16xf32>,
          %get3A_638 = arith.index_cast %add3A_560 : i32 to index
          %get3A_639 = arith.constant 112 : index
          %get3A_640 = tpu.vector_load %arg10[%get3A_638, %get3A_639] {strides = array<i32>} : memref<128x128xf32, #tpu.memory_space<vmem>>, vector<1x16xf32>,
          %get3A_641 = vector.shape_cast %get3A_640 : vector<1x16xf32> to vector<16xf32>
          %mul3A_642 = vector.broadcast %squeeze3A_556 : f32 to vector<16xf32>
          %mul3A_643 = arith.mulf %get3A_641, %mul3A_642 : vector<16xf32>
          %swap3A_644 = arith.index_cast %add3A_560 : i32 to index
          %swap3A_645 = arith.constant 112 : index
          %swap3A_646 = tpu.vector_load %arg10[%swap3A_644, %swap3A_645] {strides = array<i32>} : memref<128x128xf32, #tpu.memory_space<vmem>>, vector<1x16xf32>,
          %swap3A_647 = vector.shape_cast %swap3A_646 : vector<1x16xf32> to vector<16xf32>
          %swap3A_648 = vector.shape_cast %mul3A_643 : vector<16xf32> to vector<1x16xf32>
          tpu.vector_store %arg10[%swap3A_644, %swap3A_645], %swap3A_648 {strides = array<i32>} : memref<128x128xf32, #tpu.memory_space<vmem>>, vector<1x16xf32>,
          %slice3A_649 = vector.extract_strided_slice %get3A_87 {offsets = [6], sizes = [1], strides = [1]} : vector<16xf32> to vector<1xf32>
          %squeeze3A_650 = vector.extract %slice3A_649[0] : f32 from vector<1xf32>
          %mul3A_651 = arith.constant 16 : i32
          %mul3A_652 = arith.muli %scan3A_82, %mul3A_651 : i32
          %add3A_653 = arith.constant 6 : i32
          %add3A_654 = arith.addi %mul3A_652, %add3A_653 : i32
          %get3A_655 = arith.index_cast %add3A_654 : i32 to index
          %get3A_656 = arith.constant 0 : index
          %get3A_657 = tpu.vector_load %arg10[%get3A_655, %get3A_656] {strides = array<i32>} : memref<128x128xf32, #tpu.memory_space<vmem>>, vector<1x16xf32>,
          %get3A_658 = vector.shape_cast %get3A_657 : vector<1x16xf32> to vector<16xf32>
          %mul3A_659 = vector.broadcast %squeeze3A_650 : f32 to vector<16xf32>
          %mul3A_660 = arith.mulf %get3A_658, %mul3A_659 : vector<16xf32>
          %swap3A_661 = arith.index_cast %add3A_654 : i32 to index
          %swap3A_662 = arith.constant 0 : index
          %swap3A_663 = tpu.vector_load %arg10[%swap3A_661, %swap3A_662] {strides = array<i32>} : memref<128x128xf32, #tpu.memory_space<vmem>>, vector<1x16xf32>,
          %swap3A_664 = vector.shape_cast %swap3A_663 : vector<1x16xf32> to vector<16xf32>
          %swap3A_665 = vector.shape_cast %mul3A_660 : vector<16xf32> to vector<1x16xf32>
          tpu.vector_store %arg10[%swap3A_661, %swap3A_662], %swap3A_665 {strides = array<i32>} : memref<128x128xf32, #tpu.memory_space<vmem>>, vector<1x16xf32>,
          %get3A_666 = arith.index_cast %add3A_654 : i32 to index
          %get3A_667 = arith.constant 16 : index
          %get3A_668 = tpu.vector_load %arg10[%get3A_666, %get3A_667] {strides = array<i32>} : memref<128x128xf32, #tpu.memory_space<vmem>>, vector<1x16xf32>,
          %get3A_669 = vector.shape_cast %get3A_668 : vector<1x16xf32> to vector<16xf32>
          %mul3A_670 = vector.broadcast %squeeze3A_650 : f32 to vector<16xf32>
          %mul3A_671 = arith.mulf %get3A_669, %mul3A_670 : vector<16xf32>
          %swap3A_672 = arith.index_cast %add3A_654 : i32 to index
          %swap3A_673 = arith.constant 16 : index
          %swap3A_674 = tpu.vector_load %arg10[%swap3A_672, %swap3A_673] {strides = array<i32>} : memref<128x128xf32, #tpu.memory_space<vmem>>, vector<1x16xf32>,
          %swap3A_675 = vector.shape_cast %swap3A_674 : vector<1x16xf32> to vector<16xf32>
          %swap3A_676 = vector.shape_cast %mul3A_671 : vector<16xf32> to vector<1x16xf32>
          tpu.vector_store %arg10[%swap3A_672, %swap3A_673], %swap3A_676 {strides = array<i32>} : memref<128x128xf32, #tpu.memory_space<vmem>>, vector<1x16xf32>,
          %get3A_677 = arith.index_cast %add3A_654 : i32 to index
          %get3A_678 = arith.constant 32 : index
          %get3A_679 = tpu.vector_load %arg10[%get3A_677, %get3A_678] {strides = array<i32>} : memref<128x128xf32, #tpu.memory_space<vmem>>, vector<1x16xf32>,
          %get3A_680 = vector.shape_cast %get3A_679 : vector<1x16xf32> to vector<16xf32>
          %mul3A_681 = vector.broadcast %squeeze3A_650 : f32 to vector<16xf32>
          %mul3A_682 = arith.mulf %get3A_680, %mul3A_681 : vector<16xf32>
          %swap3A_683 = arith.index_cast %add3A_654 : i32 to index
          %swap3A_684 = arith.constant 32 : index
          %swap3A_685 = tpu.vector_load %arg10[%swap3A_683, %swap3A_684] {strides = array<i32>} : memref<128x128xf32, #tpu.memory_space<vmem>>, vector<1x16xf32>,
          %swap3A_686 = vector.shape_cast %swap3A_685 : vector<1x16xf32> to vector<16xf32>
          %swap3A_687 = vector.shape_cast %mul3A_682 : vector<16xf32> to vector<1x16xf32>
          tpu.vector_store %arg10[%swap3A_683, %swap3A_684], %swap3A_687 {strides = array<i32>} : memref<128x128xf32, #tpu.memory_space<vmem>>, vector<1x16xf32>,
          %get3A_688 = arith.index_cast %add3A_654 : i32 to index
          %get3A_689 = arith.constant 48 : index
          %get3A_690 = tpu.vector_load %arg10[%get3A_688, %get3A_689] {strides = array<i32>} : memref<128x128xf32, #tpu.memory_space<vmem>>, vector<1x16xf32>,
          %get3A_691 = vector.shape_cast %get3A_690 : vector<1x16xf32> to vector<16xf32>
          %mul3A_692 = vector.broadcast %squeeze3A_650 : f32 to vector<16xf32>
          %mul3A_693 = arith.mulf %get3A_691, %mul3A_692 : vector<16xf32>
          %swap3A_694 = arith.index_cast %add3A_654 : i32 to index
          %swap3A_695 = arith.constant 48 : index
          %swap3A_696 = tpu.vector_load %arg10[%swap3A_694, %swap3A_695] {strides = array<i32>} : memref<128x128xf32, #tpu.memory_space<vmem>>, vector<1x16xf32>,
          %swap3A_697 = vector.shape_cast %swap3A_696 : vector<1x16xf32> to vector<16xf32>
          %swap3A_698 = vector.shape_cast %mul3A_693 : vector<16xf32> to vector<1x16xf32>
          tpu.vector_store %arg10[%swap3A_694, %swap3A_695], %swap3A_698 {strides = array<i32>} : memref<128x128xf32, #tpu.memory_space<vmem>>, vector<1x16xf32>,
          %get3A_699 = arith.index_cast %add3A_654 : i32 to index
          %get3A_700 = arith.constant 64 : index
          %get3A_701 = tpu.vector_load %arg10[%get3A_699, %get3A_700] {strides = array<i32>} : memref<128x128xf32, #tpu.memory_space<vmem>>, vector<1x16xf32>,
          %get3A_702 = vector.shape_cast %get3A_701 : vector<1x16xf32> to vector<16xf32>
          %mul3A_703 = vector.broadcast %squeeze3A_650 : f32 to vector<16xf32>
          %mul3A_704 = arith.mulf %get3A_702, %mul3A_703 : vector<16xf32>
          %swap3A_705 = arith.index_cast %add3A_654 : i32 to index
          %swap3A_706 = arith.constant 64 : index
          %swap3A_707 = tpu.vector_load %arg10[%swap3A_705, %swap3A_706] {strides = array<i32>} : memref<128x128xf32, #tpu.memory_space<vmem>>, vector<1x16xf32>,
          %swap3A_708 = vector.shape_cast %swap3A_707 : vector<1x16xf32> to vector<16xf32>
          %swap3A_709 = vector.shape_cast %mul3A_704 : vector<16xf32> to vector<1x16xf32>
          tpu.vector_store %arg10[%swap3A_705, %swap3A_706], %swap3A_709 {strides = array<i32>} : memref<128x128xf32, #tpu.memory_space<vmem>>, vector<1x16xf32>,
          %get3A_710 = arith.index_cast %add3A_654 : i32 to index
          %get3A_711 = arith.constant 80 : index
          %get3A_712 = tpu.vector_load %arg10[%get3A_710, %get3A_711] {strides = array<i32>} : memref<128x128xf32, #tpu.memory_space<vmem>>, vector<1x16xf32>,
          %get3A_713 = vector.shape_cast %get3A_712 : vector<1x16xf32> to vector<16xf32>
          %mul3A_714 = vector.broadcast %squeeze3A_650 : f32 to vector<16xf32>
          %mul3A_715 = arith.mulf %get3A_713, %mul3A_714 : vector<16xf32>
          %swap3A_716 = arith.index_cast %add3A_654 : i32 to index
          %swap3A_717 = arith.constant 80 : index
          %swap3A_718 = tpu.vector_load %arg10[%swap3A_716, %swap3A_717] {strides = array<i32>} : memref<128x128xf32, #tpu.memory_space<vmem>>, vector<1x16xf32>,
          %swap3A_719 = vector.shape_cast %swap3A_718 : vector<1x16xf32> to vector<16xf32>
          %swap3A_720 = vector.shape_cast %mul3A_715 : vector<16xf32> to vector<1x16xf32>
          tpu.vector_store %arg10[%swap3A_716, %swap3A_717], %swap3A_720 {strides = array<i32>} : memref<128x128xf32, #tpu.memory_space<vmem>>, vector<1x16xf32>,
          %get3A_721 = arith.index_cast %add3A_654 : i32 to index
          %get3A_722 = arith.constant 96 : index
          %get3A_723 = tpu.vector_load %arg10[%get3A_721, %get3A_722] {strides = array<i32>} : memref<128x128xf32, #tpu.memory_space<vmem>>, vector<1x16xf32>,
          %get3A_724 = vector.shape_cast %get3A_723 : vector<1x16xf32> to vector<16xf32>
          %mul3A_725 = vector.broadcast %squeeze3A_650 : f32 to vector<16xf32>
          %mul3A_726 = arith.mulf %get3A_724, %mul3A_725 : vector<16xf32>
          %swap3A_727 = arith.index_cast %add3A_654 : i32 to index
          %swap3A_728 = arith.constant 96 : index
          %swap3A_729 = tpu.vector_load %arg10[%swap3A_727, %swap3A_728] {strides = array<i32>} : memref<128x128xf32, #tpu.memory_space<vmem>>, vector<1x16xf32>,
          %swap3A_730 = vector.shape_cast %swap3A_729 : vector<1x16xf32> to vector<16xf32>
          %swap3A_731 = vector.shape_cast %mul3A_726 : vector<16xf32> to vector<1x16xf32>
          tpu.vector_store %arg10[%swap3A_727, %swap3A_728], %swap3A_731 {strides = array<i32>} : memref<128x128xf32, #tpu.memory_space<vmem>>, vector<1x16xf32>,
          %get3A_732 = arith.index_cast %add3A_654 : i32 to index
          %get3A_733 = arith.constant 112 : index
          %get3A_734 = tpu.vector_load %arg10[%get3A_732, %get3A_733] {strides = array<i32>} : memref<128x128xf32, #tpu.memory_space<vmem>>, vector<1x16xf32>,
          %get3A_735 = vector.shape_cast %get3A_734 : vector<1x16xf32> to vector<16xf32>
          %mul3A_736 = vector.broadcast %squeeze3A_650 : f32 to vector<16xf32>
          %mul3A_737 = arith.mulf %get3A_735, %mul3A_736 : vector<16xf32>
          %swap3A_738 = arith.index_cast %add3A_654 : i32 to index
          %swap3A_739 = arith.constant 112 : index
          %swap3A_740 = tpu.vector_load %arg10[%swap3A_738, %swap3A_739] {strides = array<i32>} : memref<128x128xf32, #tpu.memory_space<vmem>>, vector<1x16xf32>,
          %swap3A_741 = vector.shape_cast %swap3A_740 : vector<1x16xf32> to vector<16xf32>
          %swap3A_742 = vector.shape_cast %mul3A_737 : vector<16xf32> to vector<1x16xf32>
          tpu.vector_store %arg10[%swap3A_738, %swap3A_739], %swap3A_742 {strides = array<i32>} : memref<128x128xf32, #tpu.memory_space<vmem>>, vector<1x16xf32>,
          %slice3A_743 = vector.extract_strided_slice %get3A_87 {offsets = [7], sizes = [1], strides = [1]} : vector<16xf32> to vector<1xf32>
          %squeeze3A_744 = vector.extract %slice3A_743[0] : f32 from vector<1xf32>
          %mul3A_745 = arith.constant 16 : i32
          %mul3A_746 = arith.muli %scan3A_82, %mul3A_745 : i32
          %add3A_747 = arith.constant 7 : i32
          %add3A_748 = arith.addi %mul3A_746, %add3A_747 : i32
          %get3A_749 = arith.index_cast %add3A_748 : i32 to index
          %get3A_750 = arith.constant 0 : index
          %get3A_751 = tpu.vector_load %arg10[%get3A_749, %get3A_750] {strides = array<i32>} : memref<128x128xf32, #tpu.memory_space<vmem>>, vector<1x16xf32>,
          %get3A_752 = vector.shape_cast %get3A_751 : vector<1x16xf32> to vector<16xf32>
          %mul3A_753 = vector.broadcast %squeeze3A_744 : f32 to vector<16xf32>
          %mul3A_754 = arith.mulf %get3A_752, %mul3A_753 : vector<16xf32>
          %swap3A_755 = arith.index_cast %add3A_748 : i32 to index
          %swap3A_756 = arith.constant 0 : index
          %swap3A_757 = tpu.vector_load %arg10[%swap3A_755, %swap3A_756] {strides = array<i32>} : memref<128x128xf32, #tpu.memory_space<vmem>>, vector<1x16xf32>,
          %swap3A_758 = vector.shape_cast %swap3A_757 : vector<1x16xf32> to vector<16xf32>
          %swap3A_759 = vector.shape_cast %mul3A_754 : vector<16xf32> to vector<1x16xf32>
          tpu.vector_store %arg10[%swap3A_755, %swap3A_756], %swap3A_759 {strides = array<i32>} : memref<128x128xf32, #tpu.memory_space<vmem>>, vector<1x16xf32>,
          %get3A_760 = arith.index_cast %add3A_748 : i32 to index
          %get3A_761 = arith.constant 16 : index
          %get3A_762 = tpu.vector_load %arg10[%get3A_760, %get3A_761] {strides = array<i32>} : memref<128x128xf32, #tpu.memory_space<vmem>>, vector<1x16xf32>,
          %get3A_763 = vector.shape_cast %get3A_762 : vector<1x16xf32> to vector<16xf32>
          %mul3A_764 = vector.broadcast %squeeze3A_744 : f32 to vector<16xf32>
          %mul3A_765 = arith.mulf %get3A_763, %mul3A_764 : vector<16xf32>
          %swap3A_766 = arith.index_cast %add3A_748 : i32 to index
          %swap3A_767 = arith.constant 16 : index
          %swap3A_768 = tpu.vector_load %arg10[%swap3A_766, %swap3A_767] {strides = array<i32>} : memref<128x128xf32, #tpu.memory_space<vmem>>, vector<1x16xf32>,
          %swap3A_769 = vector.shape_cast %swap3A_768 : vector<1x16xf32> to vector<16xf32>
          %swap3A_770 = vector.shape_cast %mul3A_765 : vector<16xf32> to vector<1x16xf32>
          tpu.vector_store %arg10[%swap3A_766, %swap3A_767], %swap3A_770 {strides = array<i32>} : memref<128x128xf32, #tpu.memory_space<vmem>>, vector<1x16xf32>,
          %get3A_771 = arith.index_cast %add3A_748 : i32 to index
          %get3A_772 = arith.constant 32 : index
          %get3A_773 = tpu.vector_load %arg10[%get3A_771, %get3A_772] {strides = array<i32>} : memref<128x128xf32, #tpu.memory_space<vmem>>, vector<1x16xf32>,
          %get3A_774 = vector.shape_cast %get3A_773 : vector<1x16xf32> to vector<16xf32>
          %mul3A_775 = vector.broadcast %squeeze3A_744 : f32 to vector<16xf32>
          %mul3A_776 = arith.mulf %get3A_774, %mul3A_775 : vector<16xf32>
          %swap3A_777 = arith.index_cast %add3A_748 : i32 to index
          %swap3A_778 = arith.constant 32 : index
          %swap3A_779 = tpu.vector_load %arg10[%swap3A_777, %swap3A_778] {strides = array<i32>} : memref<128x128xf32, #tpu.memory_space<vmem>>, vector<1x16xf32>,
          %swap3A_780 = vector.shape_cast %swap3A_779 : vector<1x16xf32> to vector<16xf32>
          %swap3A_781 = vector.shape_cast %mul3A_776 : vector<16xf32> to vector<1x16xf32>
          tpu.vector_store %arg10[%swap3A_777, %swap3A_778], %swap3A_781 {strides = array<i32>} : memref<128x128xf32, #tpu.memory_space<vmem>>, vector<1x16xf32>,
          %get3A_782 = arith.index_cast %add3A_748 : i32 to index
          %get3A_783 = arith.constant 48 : index
          %get3A_784 = tpu.vector_load %arg10[%get3A_782, %get3A_783] {strides = array<i32>} : memref<128x128xf32, #tpu.memory_space<vmem>>, vector<1x16xf32>,
          %get3A_785 = vector.shape_cast %get3A_784 : vector<1x16xf32> to vector<16xf32>
          %mul3A_786 = vector.broadcast %squeeze3A_744 : f32 to vector<16xf32>
          %mul3A_787 = arith.mulf %get3A_785, %mul3A_786 : vector<16xf32>
          %swap3A_788 = arith.index_cast %add3A_748 : i32 to index
          %swap3A_789 = arith.constant 48 : index
          %swap3A_790 = tpu.vector_load %arg10[%swap3A_788, %swap3A_789] {strides = array<i32>} : memref<128x128xf32, #tpu.memory_space<vmem>>, vector<1x16xf32>,
          %swap3A_791 = vector.shape_cast %swap3A_790 : vector<1x16xf32> to vector<16xf32>
          %swap3A_792 = vector.shape_cast %mul3A_787 : vector<16xf32> to vector<1x16xf32>
          tpu.vector_store %arg10[%swap3A_788, %swap3A_789], %swap3A_792 {strides = array<i32>} : memref<128x128xf32, #tpu.memory_space<vmem>>, vector<1x16xf32>,
          %get3A_793 = arith.index_cast %add3A_748 : i32 to index
          %get3A_794 = arith.constant 64 : index
          %get3A_795 = tpu.vector_load %arg10[%get3A_793, %get3A_794] {strides = array<i32>} : memref<128x128xf32, #tpu.memory_space<vmem>>, vector<1x16xf32>,
          %get3A_796 = vector.shape_cast %get3A_795 : vector<1x16xf32> to vector<16xf32>
          %mul3A_797 = vector.broadcast %squeeze3A_744 : f32 to vector<16xf32>
          %mul3A_798 = arith.mulf %get3A_796, %mul3A_797 : vector<16xf32>
          %swap3A_799 = arith.index_cast %add3A_748 : i32 to index
          %swap3A_800 = arith.constant 64 : index
          %swap3A_801 = tpu.vector_load %arg10[%swap3A_799, %swap3A_800] {strides = array<i32>} : memref<128x128xf32, #tpu.memory_space<vmem>>, vector<1x16xf32>,
          %swap3A_802 = vector.shape_cast %swap3A_801 : vector<1x16xf32> to vector<16xf32>
          %swap3A_803 = vector.shape_cast %mul3A_798 : vector<16xf32> to vector<1x16xf32>
          tpu.vector_store %arg10[%swap3A_799, %swap3A_800], %swap3A_803 {strides = array<i32>} : memref<128x128xf32, #tpu.memory_space<vmem>>, vector<1x16xf32>,
          %get3A_804 = arith.index_cast %add3A_748 : i32 to index
          %get3A_805 = arith.constant 80 : index
          %get3A_806 = tpu.vector_load %arg10[%get3A_804, %get3A_805] {strides = array<i32>} : memref<128x128xf32, #tpu.memory_space<vmem>>, vector<1x16xf32>,
          %get3A_807 = vector.shape_cast %get3A_806 : vector<1x16xf32> to vector<16xf32>
          %mul3A_808 = vector.broadcast %squeeze3A_744 : f32 to vector<16xf32>
          %mul3A_809 = arith.mulf %get3A_807, %mul3A_808 : vector<16xf32>
          %swap3A_810 = arith.index_cast %add3A_748 : i32 to index
          %swap3A_811 = arith.constant 80 : index
          %swap3A_812 = tpu.vector_load %arg10[%swap3A_810, %swap3A_811] {strides = array<i32>} : memref<128x128xf32, #tpu.memory_space<vmem>>, vector<1x16xf32>,
          %swap3A_813 = vector.shape_cast %swap3A_812 : vector<1x16xf32> to vector<16xf32>
          %swap3A_814 = vector.shape_cast %mul3A_809 : vector<16xf32> to vector<1x16xf32>
          tpu.vector_store %arg10[%swap3A_810, %swap3A_811], %swap3A_814 {strides = array<i32>} : memref<128x128xf32, #tpu.memory_space<vmem>>, vector<1x16xf32>,
          %get3A_815 = arith.index_cast %add3A_748 : i32 to index
          %get3A_816 = arith.constant 96 : index
          %get3A_817 = tpu.vector_load %arg10[%get3A_815, %get3A_816] {strides = array<i32>} : memref<128x128xf32, #tpu.memory_space<vmem>>, vector<1x16xf32>,
          %get3A_818 = vector.shape_cast %get3A_817 : vector<1x16xf32> to vector<16xf32>
          %mul3A_819 = vector.broadcast %squeeze3A_744 : f32 to vector<16xf32>
          %mul3A_820 = arith.mulf %get3A_818, %mul3A_819 : vector<16xf32>
          %swap3A_821 = arith.index_cast %add3A_748 : i32 to index
          %swap3A_822 = arith.constant 96 : index
          %swap3A_823 = tpu.vector_load %arg10[%swap3A_821, %swap3A_822] {strides = array<i32>} : memref<128x128xf32, #tpu.memory_space<vmem>>, vector<1x16xf32>,
          %swap3A_824 = vector.shape_cast %swap3A_823 : vector<1x16xf32> to vector<16xf32>
          %swap3A_825 = vector.shape_cast %mul3A_820 : vector<16xf32> to vector<1x16xf32>
          tpu.vector_store %arg10[%swap3A_821, %swap3A_822], %swap3A_825 {strides = array<i32>} : memref<128x128xf32, #tpu.memory_space<vmem>>, vector<1x16xf32>,
          %get3A_826 = arith.index_cast %add3A_748 : i32 to index
          %get3A_827 = arith.constant 112 : index
          %get3A_828 = tpu.vector_load %arg10[%get3A_826, %get3A_827] {strides = array<i32>} : memref<128x128xf32, #tpu.memory_space<vmem>>, vector<1x16xf32>,
          %get3A_829 = vector.shape_cast %get3A_828 : vector<1x16xf32> to vector<16xf32>
          %mul3A_830 = vector.broadcast %squeeze3A_744 : f32 to vector<16xf32>
          %mul3A_831 = arith.mulf %get3A_829, %mul3A_830 : vector<16xf32>
          %swap3A_832 = arith.index_cast %add3A_748 : i32 to index
          %swap3A_833 = arith.constant 112 : index
          %swap3A_834 = tpu.vector_load %arg10[%swap3A_832, %swap3A_833] {strides = array<i32>} : memref<128x128xf32, #tpu.memory_space<vmem>>, vector<1x16xf32>,
          %swap3A_835 = vector.shape_cast %swap3A_834 : vector<1x16xf32> to vector<16xf32>
          %swap3A_836 = vector.shape_cast %mul3A_831 : vector<16xf32> to vector<1x16xf32>
          tpu.vector_store %arg10[%swap3A_832, %swap3A_833], %swap3A_836 {strides = array<i32>} : memref<128x128xf32, #tpu.memory_space<vmem>>, vector<1x16xf32>,
          %slice3A_837 = vector.extract_strided_slice %get3A_87 {offsets = [8], sizes = [1], strides = [1]} : vector<16xf32> to vector<1xf32>
          %squeeze3A_838 = vector.extract %slice3A_837[0] : f32 from vector<1xf32>
          %mul3A_839 = arith.constant 16 : i32
          %mul3A_840 = arith.muli %scan3A_82, %mul3A_839 : i32
          %add3A_841 = arith.constant 8 : i32
          %add3A_842 = arith.addi %mul3A_840, %add3A_841 : i32
          %get3A_843 = arith.index_cast %add3A_842 : i32 to index
          %get3A_844 = arith.constant 0 : index
          %get3A_845 = tpu.vector_load %arg10[%get3A_843, %get3A_844] {strides = array<i32>} : memref<128x128xf32, #tpu.memory_space<vmem>>, vector<1x16xf32>,
          %get3A_846 = vector.shape_cast %get3A_845 : vector<1x16xf32> to vector<16xf32>
          %mul3A_847 = vector.broadcast %squeeze3A_838 : f32 to vector<16xf32>
          %mul3A_848 = arith.mulf %get3A_846, %mul3A_847 : vector<16xf32>
          %swap3A_849 = arith.index_cast %add3A_842 : i32 to index
          %swap3A_850 = arith.constant 0 : index
          %swap3A_851 = tpu.vector_load %arg10[%swap3A_849, %swap3A_850] {strides = array<i32>} : memref<128x128xf32, #tpu.memory_space<vmem>>, vector<1x16xf32>,
          %swap3A_852 = vector.shape_cast %swap3A_851 : vector<1x16xf32> to vector<16xf32>
          %swap3A_853 = vector.shape_cast %mul3A_848 : vector<16xf32> to vector<1x16xf32>
          tpu.vector_store %arg10[%swap3A_849, %swap3A_850], %swap3A_853 {strides = array<i32>} : memref<128x128xf32, #tpu.memory_space<vmem>>, vector<1x16xf32>,
          %get3A_854 = arith.index_cast %add3A_842 : i32 to index
          %get3A_855 = arith.constant 16 : index
          %get3A_856 = tpu.vector_load %arg10[%get3A_854, %get3A_855] {strides = array<i32>} : memref<128x128xf32, #tpu.memory_space<vmem>>, vector<1x16xf32>,
          %get3A_857 = vector.shape_cast %get3A_856 : vector<1x16xf32> to vector<16xf32>
          %mul3A_858 = vector.broadcast %squeeze3A_838 : f32 to vector<16xf32>
          %mul3A_859 = arith.mulf %get3A_857, %mul3A_858 : vector<16xf32>
          %swap3A_860 = arith.index_cast %add3A_842 : i32 to index
          %swap3A_861 = arith.constant 16 : index
          %swap3A_862 = tpu.vector_load %arg10[%swap3A_860, %swap3A_861] {strides = array<i32>} : memref<128x128xf32, #tpu.memory_space<vmem>>, vector<1x16xf32>,
          %swap3A_863 = vector.shape_cast %swap3A_862 : vector<1x16xf32> to vector<16xf32>
          %swap3A_864 = vector.shape_cast %mul3A_859 : vector<16xf32> to vector<1x16xf32>
          tpu.vector_store %arg10[%swap3A_860, %swap3A_861], %swap3A_864 {strides = array<i32>} : memref<128x128xf32, #tpu.memory_space<vmem>>, vector<1x16xf32>,
          %get3A_865 = arith.index_cast %add3A_842 : i32 to index
          %get3A_866 = arith.constant 32 : index
          %get3A_867 = tpu.vector_load %arg10[%get3A_865, %get3A_866] {strides = array<i32>} : memref<128x128xf32, #tpu.memory_space<vmem>>, vector<1x16xf32>,
          %get3A_868 = vector.shape_cast %get3A_867 : vector<1x16xf32> to vector<16xf32>
          %mul3A_869 = vector.broadcast %squeeze3A_838 : f32 to vector<16xf32>
          %mul3A_870 = arith.mulf %get3A_868, %mul3A_869 : vector<16xf32>
          %swap3A_871 = arith.index_cast %add3A_842 : i32 to index
          %swap3A_872 = arith.constant 32 : index
          %swap3A_873 = tpu.vector_load %arg10[%swap3A_871, %swap3A_872] {strides = array<i32>} : memref<128x128xf32, #tpu.memory_space<vmem>>, vector<1x16xf32>,
          %swap3A_874 = vector.shape_cast %swap3A_873 : vector<1x16xf32> to vector<16xf32>
          %swap3A_875 = vector.shape_cast %mul3A_870 : vector<16xf32> to vector<1x16xf32>
          tpu.vector_store %arg10[%swap3A_871, %swap3A_872], %swap3A_875 {strides = array<i32>} : memref<128x128xf32, #tpu.memory_space<vmem>>, vector<1x16xf32>,
          %get3A_876 = arith.index_cast %add3A_842 : i32 to index
          %get3A_877 = arith.constant 48 : index
          %get3A_878 = tpu.vector_load %arg10[%get3A_876, %get3A_877] {strides = array<i32>} : memref<128x128xf32, #tpu.memory_space<vmem>>, vector<1x16xf32>,
          %get3A_879 = vector.shape_cast %get3A_878 : vector<1x16xf32> to vector<16xf32>
          %mul3A_880 = vector.broadcast %squeeze3A_838 : f32 to vector<16xf32>
          %mul3A_881 = arith.mulf %get3A_879, %mul3A_880 : vector<16xf32>
          %swap3A_882 = arith.index_cast %add3A_842 : i32 to index
          %swap3A_883 = arith.constant 48 : index
          %swap3A_884 = tpu.vector_load %arg10[%swap3A_882, %swap3A_883] {strides = array<i32>} : memref<128x128xf32, #tpu.memory_space<vmem>>, vector<1x16xf32>,
          %swap3A_885 = vector.shape_cast %swap3A_884 : vector<1x16xf32> to vector<16xf32>
          %swap3A_886 = vector.shape_cast %mul3A_881 : vector<16xf32> to vector<1x16xf32>
          tpu.vector_store %arg10[%swap3A_882, %swap3A_883], %swap3A_886 {strides = array<i32>} : memref<128x128xf32, #tpu.memory_space<vmem>>, vector<1x16xf32>,
          %get3A_887 = arith.index_cast %add3A_842 : i32 to index
          %get3A_888 = arith.constant 64 : index
          %get3A_889 = tpu.vector_load %arg10[%get3A_887, %get3A_888] {strides = array<i32>} : memref<128x128xf32, #tpu.memory_space<vmem>>, vector<1x16xf32>,
          %get3A_890 = vector.shape_cast %get3A_889 : vector<1x16xf32> to vector<16xf32>
          %mul3A_891 = vector.broadcast %squeeze3A_838 : f32 to vector<16xf32>
          %mul3A_892 = arith.mulf %get3A_890, %mul3A_891 : vector<16xf32>
          %swap3A_893 = arith.index_cast %add3A_842 : i32 to index
          %swap3A_894 = arith.constant 64 : index
          %swap3A_895 = tpu.vector_load %arg10[%swap3A_893, %swap3A_894] {strides = array<i32>} : memref<128x128xf32, #tpu.memory_space<vmem>>, vector<1x16xf32>,
          %swap3A_896 = vector.shape_cast %swap3A_895 : vector<1x16xf32> to vector<16xf32>
          %swap3A_897 = vector.shape_cast %mul3A_892 : vector<16xf32> to vector<1x16xf32>
          tpu.vector_store %arg10[%swap3A_893, %swap3A_894], %swap3A_897 {strides = array<i32>} : memref<128x128xf32, #tpu.memory_space<vmem>>, vector<1x16xf32>,
          %get3A_898 = arith.index_cast %add3A_842 : i32 to index
          %get3A_899 = arith.constant 80 : index
          %get3A_900 = tpu.vector_load %arg10[%get3A_898, %get3A_899] {strides = array<i32>} : memref<128x128xf32, #tpu.memory_space<vmem>>, vector<1x16xf32>,
          %get3A_901 = vector.shape_cast %get3A_900 : vector<1x16xf32> to vector<16xf32>
          %mul3A_902 = vector.broadcast %squeeze3A_838 : f32 to vector<16xf32>
          %mul3A_903 = arith.mulf %get3A_901, %mul3A_902 : vector<16xf32>
          %swap3A_904 = arith.index_cast %add3A_842 : i32 to index
          %swap3A_905 = arith.constant 80 : index
          %swap3A_906 = tpu.vector_load %arg10[%swap3A_904, %swap3A_905] {strides = array<i32>} : memref<128x128xf32, #tpu.memory_space<vmem>>, vector<1x16xf32>,
          %swap3A_907 = vector.shape_cast %swap3A_906 : vector<1x16xf32> to vector<16xf32>
          %swap3A_908 = vector.shape_cast %mul3A_903 : vector<16xf32> to vector<1x16xf32>
          tpu.vector_store %arg10[%swap3A_904, %swap3A_905], %swap3A_908 {strides = array<i32>} : memref<128x128xf32, #tpu.memory_space<vmem>>, vector<1x16xf32>,
          %get3A_909 = arith.index_cast %add3A_842 : i32 to index
          %get3A_910 = arith.constant 96 : index
          %get3A_911 = tpu.vector_load %arg10[%get3A_909, %get3A_910] {strides = array<i32>} : memref<128x128xf32, #tpu.memory_space<vmem>>, vector<1x16xf32>,
          %get3A_912 = vector.shape_cast %get3A_911 : vector<1x16xf32> to vector<16xf32>
          %mul3A_913 = vector.broadcast %squeeze3A_838 : f32 to vector<16xf32>
          %mul3A_914 = arith.mulf %get3A_912, %mul3A_913 : vector<16xf32>
          %swap3A_915 = arith.index_cast %add3A_842 : i32 to index
          %swap3A_916 = arith.constant 96 : index
          %swap3A_917 = tpu.vector_load %arg10[%swap3A_915, %swap3A_916] {strides = array<i32>} : memref<128x128xf32, #tpu.memory_space<vmem>>, vector<1x16xf32>,
          %swap3A_918 = vector.shape_cast %swap3A_917 : vector<1x16xf32> to vector<16xf32>
          %swap3A_919 = vector.shape_cast %mul3A_914 : vector<16xf32> to vector<1x16xf32>
          tpu.vector_store %arg10[%swap3A_915, %swap3A_916], %swap3A_919 {strides = array<i32>} : memref<128x128xf32, #tpu.memory_space<vmem>>, vector<1x16xf32>,
          %get3A_920 = arith.index_cast %add3A_842 : i32 to index
          %get3A_921 = arith.constant 112 : index
          %get3A_922 = tpu.vector_load %arg10[%get3A_920, %get3A_921] {strides = array<i32>} : memref<128x128xf32, #tpu.memory_space<vmem>>, vector<1x16xf32>,
          %get3A_923 = vector.shape_cast %get3A_922 : vector<1x16xf32> to vector<16xf32>
          %mul3A_924 = vector.broadcast %squeeze3A_838 : f32 to vector<16xf32>
          %mul3A_925 = arith.mulf %get3A_923, %mul3A_924 : vector<16xf32>
          %swap3A_926 = arith.index_cast %add3A_842 : i32 to index
          %swap3A_927 = arith.constant 112 : index
          %swap3A_928 = tpu.vector_load %arg10[%swap3A_926, %swap3A_927] {strides = array<i32>} : memref<128x128xf32, #tpu.memory_space<vmem>>, vector<1x16xf32>,
          %swap3A_929 = vector.shape_cast %swap3A_928 : vector<1x16xf32> to vector<16xf32>
          %swap3A_930 = vector.shape_cast %mul3A_925 : vector<16xf32> to vector<1x16xf32>
          tpu.vector_store %arg10[%swap3A_926, %swap3A_927], %swap3A_930 {strides = array<i32>} : memref<128x128xf32, #tpu.memory_space<vmem>>, vector<1x16xf32>,
          %slice3A_931 = vector.extract_strided_slice %get3A_87 {offsets = [9], sizes = [1], strides = [1]} : vector<16xf32> to vector<1xf32>
          %squeeze3A_932 = vector.extract %slice3A_931[0] : f32 from vector<1xf32>
          %mul3A_933 = arith.constant 16 : i32
          %mul3A_934 = arith.muli %scan3A_82, %mul3A_933 : i32
          %add3A_935 = arith.constant 9 : i32
          %add3A_936 = arith.addi %mul3A_934, %add3A_935 : i32
          %get3A_937 = arith.index_cast %add3A_936 : i32 to index
          %get3A_938 = arith.constant 0 : index
          %get3A_939 = tpu.vector_load %arg10[%get3A_937, %get3A_938] {strides = array<i32>} : memref<128x128xf32, #tpu.memory_space<vmem>>, vector<1x16xf32>,
          %get3A_940 = vector.shape_cast %get3A_939 : vector<1x16xf32> to vector<16xf32>
          %mul3A_941 = vector.broadcast %squeeze3A_932 : f32 to vector<16xf32>
          %mul3A_942 = arith.mulf %get3A_940, %mul3A_941 : vector<16xf32>
          %swap3A_943 = arith.index_cast %add3A_936 : i32 to index
          %swap3A_944 = arith.constant 0 : index
          %swap3A_945 = tpu.vector_load %arg10[%swap3A_943, %swap3A_944] {strides = array<i32>} : memref<128x128xf32, #tpu.memory_space<vmem>>, vector<1x16xf32>,
          %swap3A_946 = vector.shape_cast %swap3A_945 : vector<1x16xf32> to vector<16xf32>
          %swap3A_947 = vector.shape_cast %mul3A_942 : vector<16xf32> to vector<1x16xf32>
          tpu.vector_store %arg10[%swap3A_943, %swap3A_944], %swap3A_947 {strides = array<i32>} : memref<128x128xf32, #tpu.memory_space<vmem>>, vector<1x16xf32>,
          %get3A_948 = arith.index_cast %add3A_936 : i32 to index
          %get3A_949 = arith.constant 16 : index
          %get3A_950 = tpu.vector_load %arg10[%get3A_948, %get3A_949] {strides = array<i32>} : memref<128x128xf32, #tpu.memory_space<vmem>>, vector<1x16xf32>,
          %get3A_951 = vector.shape_cast %get3A_950 : vector<1x16xf32> to vector<16xf32>
          %mul3A_952 = vector.broadcast %squeeze3A_932 : f32 to vector<16xf32>
          %mul3A_953 = arith.mulf %get3A_951, %mul3A_952 : vector<16xf32>
          %swap3A_954 = arith.index_cast %add3A_936 : i32 to index
          %swap3A_955 = arith.constant 16 : index
          %swap3A_956 = tpu.vector_load %arg10[%swap3A_954, %swap3A_955] {strides = array<i32>} : memref<128x128xf32, #tpu.memory_space<vmem>>, vector<1x16xf32>,
          %swap3A_957 = vector.shape_cast %swap3A_956 : vector<1x16xf32> to vector<16xf32>
          %swap3A_958 = vector.shape_cast %mul3A_953 : vector<16xf32> to vector<1x16xf32>
          tpu.vector_store %arg10[%swap3A_954, %swap3A_955], %swap3A_958 {strides = array<i32>} : memref<128x128xf32, #tpu.memory_space<vmem>>, vector<1x16xf32>,
          %get3A_959 = arith.index_cast %add3A_936 : i32 to index
          %get3A_960 = arith.constant 32 : index
          %get3A_961 = tpu.vector_load %arg10[%get3A_959, %get3A_960] {strides = array<i32>} : memref<128x128xf32, #tpu.memory_space<vmem>>, vector<1x16xf32>,
          %get3A_962 = vector.shape_cast %get3A_961 : vector<1x16xf32> to vector<16xf32>
          %mul3A_963 = vector.broadcast %squeeze3A_932 : f32 to vector<16xf32>
          %mul3A_964 = arith.mulf %get3A_962, %mul3A_963 : vector<16xf32>
          %swap3A_965 = arith.index_cast %add3A_936 : i32 to index
          %swap3A_966 = arith.constant 32 : index
          %swap3A_967 = tpu.vector_load %arg10[%swap3A_965, %swap3A_966] {strides = array<i32>} : memref<128x128xf32, #tpu.memory_space<vmem>>, vector<1x16xf32>,
          %swap3A_968 = vector.shape_cast %swap3A_967 : vector<1x16xf32> to vector<16xf32>
          %swap3A_969 = vector.shape_cast %mul3A_964 : vector<16xf32> to vector<1x16xf32>
          tpu.vector_store %arg10[%swap3A_965, %swap3A_966], %swap3A_969 {strides = array<i32>} : memref<128x128xf32, #tpu.memory_space<vmem>>, vector<1x16xf32>,
          %get3A_970 = arith.index_cast %add3A_936 : i32 to index
          %get3A_971 = arith.constant 48 : index
          %get3A_972 = tpu.vector_load %arg10[%get3A_970, %get3A_971] {strides = array<i32>} : memref<128x128xf32, #tpu.memory_space<vmem>>, vector<1x16xf32>,
          %get3A_973 = vector.shape_cast %get3A_972 : vector<1x16xf32> to vector<16xf32>
          %mul3A_974 = vector.broadcast %squeeze3A_932 : f32 to vector<16xf32>
          %mul3A_975 = arith.mulf %get3A_973, %mul3A_974 : vector<16xf32>
          %swap3A_976 = arith.index_cast %add3A_936 : i32 to index
          %swap3A_977 = arith.constant 48 : index
          %swap3A_978 = tpu.vector_load %arg10[%swap3A_976, %swap3A_977] {strides = array<i32>} : memref<128x128xf32, #tpu.memory_space<vmem>>, vector<1x16xf32>,
          %swap3A_979 = vector.shape_cast %swap3A_978 : vector<1x16xf32> to vector<16xf32>
          %swap3A_980 = vector.shape_cast %mul3A_975 : vector<16xf32> to vector<1x16xf32>
          tpu.vector_store %arg10[%swap3A_976, %swap3A_977], %swap3A_980 {strides = array<i32>} : memref<128x128xf32, #tpu.memory_space<vmem>>, vector<1x16xf32>,
          %get3A_981 = arith.index_cast %add3A_936 : i32 to index
          %get3A_982 = arith.constant 64 : index
          %get3A_983 = tpu.vector_load %arg10[%get3A_981, %get3A_982] {strides = array<i32>} : memref<128x128xf32, #tpu.memory_space<vmem>>, vector<1x16xf32>,
          %get3A_984 = vector.shape_cast %get3A_983 : vector<1x16xf32> to vector<16xf32>
          %mul3A_985 = vector.broadcast %squeeze3A_932 : f32 to vector<16xf32>
          %mul3A_986 = arith.mulf %get3A_984, %mul3A_985 : vector<16xf32>
          %swap3A_987 = arith.index_cast %add3A_936 : i32 to index
          %swap3A_988 = arith.constant 64 : index
          %swap3A_989 = tpu.vector_load %arg10[%swap3A_987, %swap3A_988] {strides = array<i32>} : memref<128x128xf32, #tpu.memory_space<vmem>>, vector<1x16xf32>,
          %swap3A_990 = vector.shape_cast %swap3A_989 : vector<1x16xf32> to vector<16xf32>
          %swap3A_991 = vector.shape_cast %mul3A_986 : vector<16xf32> to vector<1x16xf32>
          tpu.vector_store %arg10[%swap3A_987, %swap3A_988], %swap3A_991 {strides = array<i32>} : memref<128x128xf32, #tpu.memory_space<vmem>>, vector<1x16xf32>,
          %get3A_992 = arith.index_cast %add3A_936 : i32 to index
          %get3A_993 = arith.constant 80 : index
          %get3A_994 = tpu.vector_load %arg10[%get3A_992, %get3A_993] {strides = array<i32>} : memref<128x128xf32, #tpu.memory_space<vmem>>, vector<1x16xf32>,
          %get3A_995 = vector.shape_cast %get3A_994 : vector<1x16xf32> to vector<16xf32>
          %mul3A_996 = vector.broadcast %squeeze3A_932 : f32 to vector<16xf32>
          %mul3A_997 = arith.mulf %get3A_995, %mul3A_996 : vector<16xf32>
          %swap3A_998 = arith.index_cast %add3A_936 : i32 to index
          %swap3A_999 = arith.constant 80 : index
          %swap3A_1000 = tpu.vector_load %arg10[%swap3A_998, %swap3A_999] {strides = array<i32>} : memref<128x128xf32, #tpu.memory_space<vmem>>, vector<1x16xf32>,
          %swap3A_1001 = vector.shape_cast %swap3A_1000 : vector<1x16xf32> to vector<16xf32>
          %swap3A_1002 = vector.shape_cast %mul3A_997 : vector<16xf32> to vector<1x16xf32>
          tpu.vector_store %arg10[%swap3A_998, %swap3A_999], %swap3A_1002 {strides = array<i32>} : memref<128x128xf32, #tpu.memory_space<vmem>>, vector<1x16xf32>,
          %get3A_1003 = arith.index_cast %add3A_936 : i32 to index
          %get3A_1004 = arith.constant 96 : index
          %get3A_1005 = tpu.vector_load %arg10[%get3A_1003, %get3A_1004] {strides = array<i32>} : memref<128x128xf32, #tpu.memory_space<vmem>>, vector<1x16xf32>,
          %get3A_1006 = vector.shape_cast %get3A_1005 : vector<1x16xf32> to vector<16xf32>
          %mul3A_1007 = vector.broadcast %squeeze3A_932 : f32 to vector<16xf32>
          %mul3A_1008 = arith.mulf %get3A_1006, %mul3A_1007 : vector<16xf32>
          %swap3A_1009 = arith.index_cast %add3A_936 : i32 to index
          %swap3A_1010 = arith.constant 96 : index
          %swap3A_1011 = tpu.vector_load %arg10[%swap3A_1009, %swap3A_1010] {strides = array<i32>} : memref<128x128xf32, #tpu.memory_space<vmem>>, vector<1x16xf32>,
          %swap3A_1012 = vector.shape_cast %swap3A_1011 : vector<1x16xf32> to vector<16xf32>
          %swap3A_1013 = vector.shape_cast %mul3A_1008 : vector<16xf32> to vector<1x16xf32>
          tpu.vector_store %arg10[%swap3A_1009, %swap3A_1010], %swap3A_1013 {strides = array<i32>} : memref<128x128xf32, #tpu.memory_space<vmem>>, vector<1x16xf32>,
          %get3A_1014 = arith.index_cast %add3A_936 : i32 to index
          %get3A_1015 = arith.constant 112 : index
          %get3A_1016 = tpu.vector_load %arg10[%get3A_1014, %get3A_1015] {strides = array<i32>} : memref<128x128xf32, #tpu.memory_space<vmem>>, vector<1x16xf32>,
          %get3A_1017 = vector.shape_cast %get3A_1016 : vector<1x16xf32> to vector<16xf32>
          %mul3A_1018 = vector.broadcast %squeeze3A_932 : f32 to vector<16xf32>
          %mul3A_1019 = arith.mulf %get3A_1017, %mul3A_1018 : vector<16xf32>
          %swap3A_1020 = arith.index_cast %add3A_936 : i32 to index
          %swap3A_1021 = arith.constant 112 : index
          %swap3A_1022 = tpu.vector_load %arg10[%swap3A_1020, %swap3A_1021] {strides = array<i32>} : memref<128x128xf32, #tpu.memory_space<vmem>>, vector<1x16xf32>,
          %swap3A_1023 = vector.shape_cast %swap3A_1022 : vector<1x16xf32> to vector<16xf32>
          %swap3A_1024 = vector.shape_cast %mul3A_1019 : vector<16xf32> to vector<1x16xf32>
          tpu.vector_store %arg10[%swap3A_1020, %swap3A_1021], %swap3A_1024 {strides = array<i32>} : memref<128x128xf32, #tpu.memory_space<vmem>>, vector<1x16xf32>,
          %slice3A_1025 = vector.extract_strided_slice %get3A_87 {offsets = [10], sizes = [1], strides = [1]} : vector<16xf32> to vector<1xf32>
          %squeeze3A_1026 = vector.extract %slice3A_1025[0] : f32 from vector<1xf32>
          %mul3A_1027 = arith.constant 16 : i32
          %mul3A_1028 = arith.muli %scan3A_82, %mul3A_1027 : i32
          %add3A_1029 = arith.constant 10 : i32
          %add3A_1030 = arith.addi %mul3A_1028, %add3A_1029 : i32
          %get3A_1031 = arith.index_cast %add3A_1030 : i32 to index
          %get3A_1032 = arith.constant 0 : index
          %get3A_1033 = tpu.vector_load %arg10[%get3A_1031, %get3A_1032] {strides = array<i32>} : memref<128x128xf32, #tpu.memory_space<vmem>>, vector<1x16xf32>,
          %get3A_1034 = vector.shape_cast %get3A_1033 : vector<1x16xf32> to vector<16xf32>
          %mul3A_1035 = vector.broadcast %squeeze3A_1026 : f32 to vector<16xf32>
          %mul3A_1036 = arith.mulf %get3A_1034, %mul3A_1035 : vector<16xf32>
          %swap3A_1037 = arith.index_cast %add3A_1030 : i32 to index
          %swap3A_1038 = arith.constant 0 : index
          %swap3A_1039 = tpu.vector_load %arg10[%swap3A_1037, %swap3A_1038] {strides = array<i32>} : memref<128x128xf32, #tpu.memory_space<vmem>>, vector<1x16xf32>,
          %swap3A_1040 = vector.shape_cast %swap3A_1039 : vector<1x16xf32> to vector<16xf32>
          %swap3A_1041 = vector.shape_cast %mul3A_1036 : vector<16xf32> to vector<1x16xf32>
          tpu.vector_store %arg10[%swap3A_1037, %swap3A_1038], %swap3A_1041 {strides = array<i32>} : memref<128x128xf32, #tpu.memory_space<vmem>>, vector<1x16xf32>,
          %get3A_1042 = arith.index_cast %add3A_1030 : i32 to index
          %get3A_1043 = arith.constant 16 : index
          %get3A_1044 = tpu.vector_load %arg10[%get3A_1042, %get3A_1043] {strides = array<i32>} : memref<128x128xf32, #tpu.memory_space<vmem>>, vector<1x16xf32>,
          %get3A_1045 = vector.shape_cast %get3A_1044 : vector<1x16xf32> to vector<16xf32>
          %mul3A_1046 = vector.broadcast %squeeze3A_1026 : f32 to vector<16xf32>
          %mul3A_1047 = arith.mulf %get3A_1045, %mul3A_1046 : vector<16xf32>
          %swap3A_1048 = arith.index_cast %add3A_1030 : i32 to index
          %swap3A_1049 = arith.constant 16 : index
          %swap3A_1050 = tpu.vector_load %arg10[%swap3A_1048, %swap3A_1049] {strides = array<i32>} : memref<128x128xf32, #tpu.memory_space<vmem>>, vector<1x16xf32>,
          %swap3A_1051 = vector.shape_cast %swap3A_1050 : vector<1x16xf32> to vector<16xf32>
          %swap3A_1052 = vector.shape_cast %mul3A_1047 : vector<16xf32> to vector<1x16xf32>
          tpu.vector_store %arg10[%swap3A_1048, %swap3A_1049], %swap3A_1052 {strides = array<i32>} : memref<128x128xf32, #tpu.memory_space<vmem>>, vector<1x16xf32>,
          %get3A_1053 = arith.index_cast %add3A_1030 : i32 to index
          %get3A_1054 = arith.constant 32 : index
          %get3A_1055 = tpu.vector_load %arg10[%get3A_1053, %get3A_1054] {strides = array<i32>} : memref<128x128xf32, #tpu.memory_space<vmem>>, vector<1x16xf32>,
          %get3A_1056 = vector.shape_cast %get3A_1055 : vector<1x16xf32> to vector<16xf32>
          %mul3A_1057 = vector.broadcast %squeeze3A_1026 : f32 to vector<16xf32>
          %mul3A_1058 = arith.mulf %get3A_1056, %mul3A_1057 : vector<16xf32>
          %swap3A_1059 = arith.index_cast %add3A_1030 : i32 to index
          %swap3A_1060 = arith.constant 32 : index
          %swap3A_1061 = tpu.vector_load %arg10[%swap3A_1059, %swap3A_1060] {strides = array<i32>} : memref<128x128xf32, #tpu.memory_space<vmem>>, vector<1x16xf32>,
          %swap3A_1062 = vector.shape_cast %swap3A_1061 : vector<1x16xf32> to vector<16xf32>
          %swap3A_1063 = vector.shape_cast %mul3A_1058 : vector<16xf32> to vector<1x16xf32>
          tpu.vector_store %arg10[%swap3A_1059, %swap3A_1060], %swap3A_1063 {strides = array<i32>} : memref<128x128xf32, #tpu.memory_space<vmem>>, vector<1x16xf32>,
          %get3A_1064 = arith.index_cast %add3A_1030 : i32 to index
          %get3A_1065 = arith.constant 48 : index
          %get3A_1066 = tpu.vector_load %arg10[%get3A_1064, %get3A_1065] {strides = array<i32>} : memref<128x128xf32, #tpu.memory_space<vmem>>, vector<1x16xf32>,
          %get3A_1067 = vector.shape_cast %get3A_1066 : vector<1x16xf32> to vector<16xf32>
          %mul3A_1068 = vector.broadcast %squeeze3A_1026 : f32 to vector<16xf32>
          %mul3A_1069 = arith.mulf %get3A_1067, %mul3A_1068 : vector<16xf32>
          %swap3A_1070 = arith.index_cast %add3A_1030 : i32 to index
          %swap3A_1071 = arith.constant 48 : index
          %swap3A_1072 = tpu.vector_load %arg10[%swap3A_1070, %swap3A_1071] {strides = array<i32>} : memref<128x128xf32, #tpu.memory_space<vmem>>, vector<1x16xf32>,
          %swap3A_1073 = vector.shape_cast %swap3A_1072 : vector<1x16xf32> to vector<16xf32>
          %swap3A_1074 = vector.shape_cast %mul3A_1069 : vector<16xf32> to vector<1x16xf32>
          tpu.vector_store %arg10[%swap3A_1070, %swap3A_1071], %swap3A_1074 {strides = array<i32>} : memref<128x128xf32, #tpu.memory_space<vmem>>, vector<1x16xf32>,
          %get3A_1075 = arith.index_cast %add3A_1030 : i32 to index
          %get3A_1076 = arith.constant 64 : index
          %get3A_1077 = tpu.vector_load %arg10[%get3A_1075, %get3A_1076] {strides = array<i32>} : memref<128x128xf32, #tpu.memory_space<vmem>>, vector<1x16xf32>,
          %get3A_1078 = vector.shape_cast %get3A_1077 : vector<1x16xf32> to vector<16xf32>
          %mul3A_1079 = vector.broadcast %squeeze3A_1026 : f32 to vector<16xf32>
          %mul3A_1080 = arith.mulf %get3A_1078, %mul3A_1079 : vector<16xf32>
          %swap3A_1081 = arith.index_cast %add3A_1030 : i32 to index
          %swap3A_1082 = arith.constant 64 : index
          %swap3A_1083 = tpu.vector_load %arg10[%swap3A_1081, %swap3A_1082] {strides = array<i32>} : memref<128x128xf32, #tpu.memory_space<vmem>>, vector<1x16xf32>,
          %swap3A_1084 = vector.shape_cast %swap3A_1083 : vector<1x16xf32> to vector<16xf32>
          %swap3A_1085 = vector.shape_cast %mul3A_1080 : vector<16xf32> to vector<1x16xf32>
          tpu.vector_store %arg10[%swap3A_1081, %swap3A_1082], %swap3A_1085 {strides = array<i32>} : memref<128x128xf32, #tpu.memory_space<vmem>>, vector<1x16xf32>,
          %get3A_1086 = arith.index_cast %add3A_1030 : i32 to index
          %get3A_1087 = arith.constant 80 : index
          %get3A_1088 = tpu.vector_load %arg10[%get3A_1086, %get3A_1087] {strides = array<i32>} : memref<128x128xf32, #tpu.memory_space<vmem>>, vector<1x16xf32>,
          %get3A_1089 = vector.shape_cast %get3A_1088 : vector<1x16xf32> to vector<16xf32>
          %mul3A_1090 = vector.broadcast %squeeze3A_1026 : f32 to vector<16xf32>
          %mul3A_1091 = arith.mulf %get3A_1089, %mul3A_1090 : vector<16xf32>
          %swap3A_1092 = arith.index_cast %add3A_1030 : i32 to index
          %swap3A_1093 = arith.constant 80 : index
          %swap3A_1094 = tpu.vector_load %arg10[%swap3A_1092, %swap3A_1093] {strides = array<i32>} : memref<128x128xf32, #tpu.memory_space<vmem>>, vector<1x16xf32>,
          %swap3A_1095 = vector.shape_cast %swap3A_1094 : vector<1x16xf32> to vector<16xf32>
          %swap3A_1096 = vector.shape_cast %mul3A_1091 : vector<16xf32> to vector<1x16xf32>
          tpu.vector_store %arg10[%swap3A_1092, %swap3A_1093], %swap3A_1096 {strides = array<i32>} : memref<128x128xf32, #tpu.memory_space<vmem>>, vector<1x16xf32>,
          %get3A_1097 = arith.index_cast %add3A_1030 : i32 to index
          %get3A_1098 = arith.constant 96 : index
          %get3A_1099 = tpu.vector_load %arg10[%get3A_1097, %get3A_1098] {strides = array<i32>} : memref<128x128xf32, #tpu.memory_space<vmem>>, vector<1x16xf32>,
          %get3A_1100 = vector.shape_cast %get3A_1099 : vector<1x16xf32> to vector<16xf32>
          %mul3A_1101 = vector.broadcast %squeeze3A_1026 : f32 to vector<16xf32>
          %mul3A_1102 = arith.mulf %get3A_1100, %mul3A_1101 : vector<16xf32>
          %swap3A_1103 = arith.index_cast %add3A_1030 : i32 to index
          %swap3A_1104 = arith.constant 96 : index
          %swap3A_1105 = tpu.vector_load %arg10[%swap3A_1103, %swap3A_1104] {strides = array<i32>} : memref<128x128xf32, #tpu.memory_space<vmem>>, vector<1x16xf32>,
          %swap3A_1106 = vector.shape_cast %swap3A_1105 : vector<1x16xf32> to vector<16xf32>
          %swap3A_1107 = vector.shape_cast %mul3A_1102 : vector<16xf32> to vector<1x16xf32>
          tpu.vector_store %arg10[%swap3A_1103, %swap3A_1104], %swap3A_1107 {strides = array<i32>} : memref<128x128xf32, #tpu.memory_space<vmem>>, vector<1x16xf32>,
          %get3A_1108 = arith.index_cast %add3A_1030 : i32 to index
          %get3A_1109 = arith.constant 112 : index
          %get3A_1110 = tpu.vector_load %arg10[%get3A_1108, %get3A_1109] {strides = array<i32>} : memref<128x128xf32, #tpu.memory_space<vmem>>, vector<1x16xf32>,
          %get3A_1111 = vector.shape_cast %get3A_1110 : vector<1x16xf32> to vector<16xf32>
          %mul3A_1112 = vector.broadcast %squeeze3A_1026 : f32 to vector<16xf32>
          %mul3A_1113 = arith.mulf %get3A_1111, %mul3A_1112 : vector<16xf32>
          %swap3A_1114 = arith.index_cast %add3A_1030 : i32 to index
          %swap3A_1115 = arith.constant 112 : index
          %swap3A_1116 = tpu.vector_load %arg10[%swap3A_1114, %swap3A_1115] {strides = array<i32>} : memref<128x128xf32, #tpu.memory_space<vmem>>, vector<1x16xf32>,
          %swap3A_1117 = vector.shape_cast %swap3A_1116 : vector<1x16xf32> to vector<16xf32>
          %swap3A_1118 = vector.shape_cast %mul3A_1113 : vector<16xf32> to vector<1x16xf32>
          tpu.vector_store %arg10[%swap3A_1114, %swap3A_1115], %swap3A_1118 {strides = array<i32>} : memref<128x128xf32, #tpu.memory_space<vmem>>, vector<1x16xf32>,
          %slice3A_1119 = vector.extract_strided_slice %get3A_87 {offsets = [11], sizes = [1], strides = [1]} : vector<16xf32> to vector<1xf32>
          %squeeze3A_1120 = vector.extract %slice3A_1119[0] : f32 from vector<1xf32>
          %mul3A_1121 = arith.constant 16 : i32
          %mul3A_1122 = arith.muli %scan3A_82, %mul3A_1121 : i32
          %add3A_1123 = arith.constant 11 : i32
          %add3A_1124 = arith.addi %mul3A_1122, %add3A_1123 : i32
          %get3A_1125 = arith.index_cast %add3A_1124 : i32 to index
          %get3A_1126 = arith.constant 0 : index
          %get3A_1127 = tpu.vector_load %arg10[%get3A_1125, %get3A_1126] {strides = array<i32>} : memref<128x128xf32, #tpu.memory_space<vmem>>, vector<1x16xf32>,
          %get3A_1128 = vector.shape_cast %get3A_1127 : vector<1x16xf32> to vector<16xf32>
          %mul3A_1129 = vector.broadcast %squeeze3A_1120 : f32 to vector<16xf32>
          %mul3A_1130 = arith.mulf %get3A_1128, %mul3A_1129 : vector<16xf32>
          %swap3A_1131 = arith.index_cast %add3A_1124 : i32 to index
          %swap3A_1132 = arith.constant 0 : index
          %swap3A_1133 = tpu.vector_load %arg10[%swap3A_1131, %swap3A_1132] {strides = array<i32>} : memref<128x128xf32, #tpu.memory_space<vmem>>, vector<1x16xf32>,
          %swap3A_1134 = vector.shape_cast %swap3A_1133 : vector<1x16xf32> to vector<16xf32>
          %swap3A_1135 = vector.shape_cast %mul3A_1130 : vector<16xf32> to vector<1x16xf32>
          tpu.vector_store %arg10[%swap3A_1131, %swap3A_1132], %swap3A_1135 {strides = array<i32>} : memref<128x128xf32, #tpu.memory_space<vmem>>, vector<1x16xf32>,
          %get3A_1136 = arith.index_cast %add3A_1124 : i32 to index
          %get3A_1137 = arith.constant 16 : index
          %get3A_1138 = tpu.vector_load %arg10[%get3A_1136, %get3A_1137] {strides = array<i32>} : memref<128x128xf32, #tpu.memory_space<vmem>>, vector<1x16xf32>,
          %get3A_1139 = vector.shape_cast %get3A_1138 : vector<1x16xf32> to vector<16xf32>
          %mul3A_1140 = vector.broadcast %squeeze3A_1120 : f32 to vector<16xf32>
          %mul3A_1141 = arith.mulf %get3A_1139, %mul3A_1140 : vector<16xf32>
          %swap3A_1142 = arith.index_cast %add3A_1124 : i32 to index
          %swap3A_1143 = arith.constant 16 : index
          %swap3A_1144 = tpu.vector_load %arg10[%swap3A_1142, %swap3A_1143] {strides = array<i32>} : memref<128x128xf32, #tpu.memory_space<vmem>>, vector<1x16xf32>,
          %swap3A_1145 = vector.shape_cast %swap3A_1144 : vector<1x16xf32> to vector<16xf32>
          %swap3A_1146 = vector.shape_cast %mul3A_1141 : vector<16xf32> to vector<1x16xf32>
          tpu.vector_store %arg10[%swap3A_1142, %swap3A_1143], %swap3A_1146 {strides = array<i32>} : memref<128x128xf32, #tpu.memory_space<vmem>>, vector<1x16xf32>,
          %get3A_1147 = arith.index_cast %add3A_1124 : i32 to index
          %get3A_1148 = arith.constant 32 : index
          %get3A_1149 = tpu.vector_load %arg10[%get3A_1147, %get3A_1148] {strides = array<i32>} : memref<128x128xf32, #tpu.memory_space<vmem>>, vector<1x16xf32>,
          %get3A_1150 = vector.shape_cast %get3A_1149 : vector<1x16xf32> to vector<16xf32>
          %mul3A_1151 = vector.broadcast %squeeze3A_1120 : f32 to vector<16xf32>
          %mul3A_1152 = arith.mulf %get3A_1150, %mul3A_1151 : vector<16xf32>
          %swap3A_1153 = arith.index_cast %add3A_1124 : i32 to index
          %swap3A_1154 = arith.constant 32 : index
          %swap3A_1155 = tpu.vector_load %arg10[%swap3A_1153, %swap3A_1154] {strides = array<i32>} : memref<128x128xf32, #tpu.memory_space<vmem>>, vector<1x16xf32>,
          %swap3A_1156 = vector.shape_cast %swap3A_1155 : vector<1x16xf32> to vector<16xf32>
          %swap3A_1157 = vector.shape_cast %mul3A_1152 : vector<16xf32> to vector<1x16xf32>
          tpu.vector_store %arg10[%swap3A_1153, %swap3A_1154], %swap3A_1157 {strides = array<i32>} : memref<128x128xf32, #tpu.memory_space<vmem>>, vector<1x16xf32>,
          %get3A_1158 = arith.index_cast %add3A_1124 : i32 to index
          %get3A_1159 = arith.constant 48 : index
          %get3A_1160 = tpu.vector_load %arg10[%get3A_1158, %get3A_1159] {strides = array<i32>} : memref<128x128xf32, #tpu.memory_space<vmem>>, vector<1x16xf32>,
          %get3A_1161 = vector.shape_cast %get3A_1160 : vector<1x16xf32> to vector<16xf32>
          %mul3A_1162 = vector.broadcast %squeeze3A_1120 : f32 to vector<16xf32>
          %mul3A_1163 = arith.mulf %get3A_1161, %mul3A_1162 : vector<16xf32>
          %swap3A_1164 = arith.index_cast %add3A_1124 : i32 to index
          %swap3A_1165 = arith.constant 48 : index
          %swap3A_1166 = tpu.vector_load %arg10[%swap3A_1164, %swap3A_1165] {strides = array<i32>} : memref<128x128xf32, #tpu.memory_space<vmem>>, vector<1x16xf32>,
          %swap3A_1167 = vector.shape_cast %swap3A_1166 : vector<1x16xf32> to vector<16xf32>
          %swap3A_1168 = vector.shape_cast %mul3A_1163 : vector<16xf32> to vector<1x16xf32>
          tpu.vector_store %arg10[%swap3A_1164, %swap3A_1165], %swap3A_1168 {strides = array<i32>} : memref<128x128xf32, #tpu.memory_space<vmem>>, vector<1x16xf32>,
          %get3A_1169 = arith.index_cast %add3A_1124 : i32 to index
          %get3A_1170 = arith.constant 64 : index
          %get3A_1171 = tpu.vector_load %arg10[%get3A_1169, %get3A_1170] {strides = array<i32>} : memref<128x128xf32, #tpu.memory_space<vmem>>, vector<1x16xf32>,
          %get3A_1172 = vector.shape_cast %get3A_1171 : vector<1x16xf32> to vector<16xf32>
          %mul3A_1173 = vector.broadcast %squeeze3A_1120 : f32 to vector<16xf32>
          %mul3A_1174 = arith.mulf %get3A_1172, %mul3A_1173 : vector<16xf32>
          %swap3A_1175 = arith.index_cast %add3A_1124 : i32 to index
          %swap3A_1176 = arith.constant 64 : index
          %swap3A_1177 = tpu.vector_load %arg10[%swap3A_1175, %swap3A_1176] {strides = array<i32>} : memref<128x128xf32, #tpu.memory_space<vmem>>, vector<1x16xf32>,
          %swap3A_1178 = vector.shape_cast %swap3A_1177 : vector<1x16xf32> to vector<16xf32>
          %swap3A_1179 = vector.shape_cast %mul3A_1174 : vector<16xf32> to vector<1x16xf32>
          tpu.vector_store %arg10[%swap3A_1175, %swap3A_1176], %swap3A_1179 {strides = array<i32>} : memref<128x128xf32, #tpu.memory_space<vmem>>, vector<1x16xf32>,
          %get3A_1180 = arith.index_cast %add3A_1124 : i32 to index
          %get3A_1181 = arith.constant 80 : index
          %get3A_1182 = tpu.vector_load %arg10[%get3A_1180, %get3A_1181] {strides = array<i32>} : memref<128x128xf32, #tpu.memory_space<vmem>>, vector<1x16xf32>,
          %get3A_1183 = vector.shape_cast %get3A_1182 : vector<1x16xf32> to vector<16xf32>
          %mul3A_1184 = vector.broadcast %squeeze3A_1120 : f32 to vector<16xf32>
          %mul3A_1185 = arith.mulf %get3A_1183, %mul3A_1184 : vector<16xf32>
          %swap3A_1186 = arith.index_cast %add3A_1124 : i32 to index
          %swap3A_1187 = arith.constant 80 : index
          %swap3A_1188 = tpu.vector_load %arg10[%swap3A_1186, %swap3A_1187] {strides = array<i32>} : memref<128x128xf32, #tpu.memory_space<vmem>>, vector<1x16xf32>,
          %swap3A_1189 = vector.shape_cast %swap3A_1188 : vector<1x16xf32> to vector<16xf32>
          %swap3A_1190 = vector.shape_cast %mul3A_1185 : vector<16xf32> to vector<1x16xf32>
          tpu.vector_store %arg10[%swap3A_1186, %swap3A_1187], %swap3A_1190 {strides = array<i32>} : memref<128x128xf32, #tpu.memory_space<vmem>>, vector<1x16xf32>,
          %get3A_1191 = arith.index_cast %add3A_1124 : i32 to index
          %get3A_1192 = arith.constant 96 : index
          %get3A_1193 = tpu.vector_load %arg10[%get3A_1191, %get3A_1192] {strides = array<i32>} : memref<128x128xf32, #tpu.memory_space<vmem>>, vector<1x16xf32>,
          %get3A_1194 = vector.shape_cast %get3A_1193 : vector<1x16xf32> to vector<16xf32>
          %mul3A_1195 = vector.broadcast %squeeze3A_1120 : f32 to vector<16xf32>
          %mul3A_1196 = arith.mulf %get3A_1194, %mul3A_1195 : vector<16xf32>
          %swap3A_1197 = arith.index_cast %add3A_1124 : i32 to index
          %swap3A_1198 = arith.constant 96 : index
          %swap3A_1199 = tpu.vector_load %arg10[%swap3A_1197, %swap3A_1198] {strides = array<i32>} : memref<128x128xf32, #tpu.memory_space<vmem>>, vector<1x16xf32>,
          %swap3A_1200 = vector.shape_cast %swap3A_1199 : vector<1x16xf32> to vector<16xf32>
          %swap3A_1201 = vector.shape_cast %mul3A_1196 : vector<16xf32> to vector<1x16xf32>
          tpu.vector_store %arg10[%swap3A_1197, %swap3A_1198], %swap3A_1201 {strides = array<i32>} : memref<128x128xf32, #tpu.memory_space<vmem>>, vector<1x16xf32>,
          %get3A_1202 = arith.index_cast %add3A_1124 : i32 to index
          %get3A_1203 = arith.constant 112 : index
          %get3A_1204 = tpu.vector_load %arg10[%get3A_1202, %get3A_1203] {strides = array<i32>} : memref<128x128xf32, #tpu.memory_space<vmem>>, vector<1x16xf32>,
          %get3A_1205 = vector.shape_cast %get3A_1204 : vector<1x16xf32> to vector<16xf32>
          %mul3A_1206 = vector.broadcast %squeeze3A_1120 : f32 to vector<16xf32>
          %mul3A_1207 = arith.mulf %get3A_1205, %mul3A_1206 : vector<16xf32>
          %swap3A_1208 = arith.index_cast %add3A_1124 : i32 to index
          %swap3A_1209 = arith.constant 112 : index
          %swap3A_1210 = tpu.vector_load %arg10[%swap3A_1208, %swap3A_1209] {strides = array<i32>} : memref<128x128xf32, #tpu.memory_space<vmem>>, vector<1x16xf32>,
          %swap3A_1211 = vector.shape_cast %swap3A_1210 : vector<1x16xf32> to vector<16xf32>
          %swap3A_1212 = vector.shape_cast %mul3A_1207 : vector<16xf32> to vector<1x16xf32>
          tpu.vector_store %arg10[%swap3A_1208, %swap3A_1209], %swap3A_1212 {strides = array<i32>} : memref<128x128xf32, #tpu.memory_space<vmem>>, vector<1x16xf32>,
          %slice3A_1213 = vector.extract_strided_slice %get3A_87 {offsets = [12], sizes = [1], strides = [1]} : vector<16xf32> to vector<1xf32>
          %squeeze3A_1214 = vector.extract %slice3A_1213[0] : f32 from vector<1xf32>
          %mul3A_1215 = arith.constant 16 : i32
          %mul3A_1216 = arith.muli %scan3A_82, %mul3A_1215 : i32
          %add3A_1217 = arith.constant 12 : i32
          %add3A_1218 = arith.addi %mul3A_1216, %add3A_1217 : i32
          %get3A_1219 = arith.index_cast %add3A_1218 : i32 to index
          %get3A_1220 = arith.constant 0 : index
          %get3A_1221 = tpu.vector_load %arg10[%get3A_1219, %get3A_1220] {strides = array<i32>} : memref<128x128xf32, #tpu.memory_space<vmem>>, vector<1x16xf32>,
          %get3A_1222 = vector.shape_cast %get3A_1221 : vector<1x16xf32> to vector<16xf32>
          %mul3A_1223 = vector.broadcast %squeeze3A_1214 : f32 to vector<16xf32>
          %mul3A_1224 = arith.mulf %get3A_1222, %mul3A_1223 : vector<16xf32>
          %swap3A_1225 = arith.index_cast %add3A_1218 : i32 to index
          %swap3A_1226 = arith.constant 0 : index
          %swap3A_1227 = tpu.vector_load %arg10[%swap3A_1225, %swap3A_1226] {strides = array<i32>} : memref<128x128xf32, #tpu.memory_space<vmem>>, vector<1x16xf32>,
          %swap3A_1228 = vector.shape_cast %swap3A_1227 : vector<1x16xf32> to vector<16xf32>
          %swap3A_1229 = vector.shape_cast %mul3A_1224 : vector<16xf32> to vector<1x16xf32>
          tpu.vector_store %arg10[%swap3A_1225, %swap3A_1226], %swap3A_1229 {strides = array<i32>} : memref<128x128xf32, #tpu.memory_space<vmem>>, vector<1x16xf32>,
          %get3A_1230 = arith.index_cast %add3A_1218 : i32 to index
          %get3A_1231 = arith.constant 16 : index
          %get3A_1232 = tpu.vector_load %arg10[%get3A_1230, %get3A_1231] {strides = array<i32>} : memref<128x128xf32, #tpu.memory_space<vmem>>, vector<1x16xf32>,
          %get3A_1233 = vector.shape_cast %get3A_1232 : vector<1x16xf32> to vector<16xf32>
          %mul3A_1234 = vector.broadcast %squeeze3A_1214 : f32 to vector<16xf32>
          %mul3A_1235 = arith.mulf %get3A_1233, %mul3A_1234 : vector<16xf32>
          %swap3A_1236 = arith.index_cast %add3A_1218 : i32 to index
          %swap3A_1237 = arith.constant 16 : index
          %swap3A_1238 = tpu.vector_load %arg10[%swap3A_1236, %swap3A_1237] {strides = array<i32>} : memref<128x128xf32, #tpu.memory_space<vmem>>, vector<1x16xf32>,
          %swap3A_1239 = vector.shape_cast %swap3A_1238 : vector<1x16xf32> to vector<16xf32>
          %swap3A_1240 = vector.shape_cast %mul3A_1235 : vector<16xf32> to vector<1x16xf32>
          tpu.vector_store %arg10[%swap3A_1236, %swap3A_1237], %swap3A_1240 {strides = array<i32>} : memref<128x128xf32, #tpu.memory_space<vmem>>, vector<1x16xf32>,
          %get3A_1241 = arith.index_cast %add3A_1218 : i32 to index
          %get3A_1242 = arith.constant 32 : index
          %get3A_1243 = tpu.vector_load %arg10[%get3A_1241, %get3A_1242] {strides = array<i32>} : memref<128x128xf32, #tpu.memory_space<vmem>>, vector<1x16xf32>,
          %get3A_1244 = vector.shape_cast %get3A_1243 : vector<1x16xf32> to vector<16xf32>
          %mul3A_1245 = vector.broadcast %squeeze3A_1214 : f32 to vector<16xf32>
          %mul3A_1246 = arith.mulf %get3A_1244, %mul3A_1245 : vector<16xf32>
          %swap3A_1247 = arith.index_cast %add3A_1218 : i32 to index
          %swap3A_1248 = arith.constant 32 : index
          %swap3A_1249 = tpu.vector_load %arg10[%swap3A_1247, %swap3A_1248] {strides = array<i32>} : memref<128x128xf32, #tpu.memory_space<vmem>>, vector<1x16xf32>,
          %swap3A_1250 = vector.shape_cast %swap3A_1249 : vector<1x16xf32> to vector<16xf32>
          %swap3A_1251 = vector.shape_cast %mul3A_1246 : vector<16xf32> to vector<1x16xf32>
          tpu.vector_store %arg10[%swap3A_1247, %swap3A_1248], %swap3A_1251 {strides = array<i32>} : memref<128x128xf32, #tpu.memory_space<vmem>>, vector<1x16xf32>,
          %get3A_1252 = arith.index_cast %add3A_1218 : i32 to index
          %get3A_1253 = arith.constant 48 : index
          %get3A_1254 = tpu.vector_load %arg10[%get3A_1252, %get3A_1253] {strides = array<i32>} : memref<128x128xf32, #tpu.memory_space<vmem>>, vector<1x16xf32>,
          %get3A_1255 = vector.shape_cast %get3A_1254 : vector<1x16xf32> to vector<16xf32>
          %mul3A_1256 = vector.broadcast %squeeze3A_1214 : f32 to vector<16xf32>
          %mul3A_1257 = arith.mulf %get3A_1255, %mul3A_1256 : vector<16xf32>
          %swap3A_1258 = arith.index_cast %add3A_1218 : i32 to index
          %swap3A_1259 = arith.constant 48 : index
          %swap3A_1260 = tpu.vector_load %arg10[%swap3A_1258, %swap3A_1259] {strides = array<i32>} : memref<128x128xf32, #tpu.memory_space<vmem>>, vector<1x16xf32>,
          %swap3A_1261 = vector.shape_cast %swap3A_1260 : vector<1x16xf32> to vector<16xf32>
          %swap3A_1262 = vector.shape_cast %mul3A_1257 : vector<16xf32> to vector<1x16xf32>
          tpu.vector_store %arg10[%swap3A_1258, %swap3A_1259], %swap3A_1262 {strides = array<i32>} : memref<128x128xf32, #tpu.memory_space<vmem>>, vector<1x16xf32>,
          %get3A_1263 = arith.index_cast %add3A_1218 : i32 to index
          %get3A_1264 = arith.constant 64 : index
          %get3A_1265 = tpu.vector_load %arg10[%get3A_1263, %get3A_1264] {strides = array<i32>} : memref<128x128xf32, #tpu.memory_space<vmem>>, vector<1x16xf32>,
          %get3A_1266 = vector.shape_cast %get3A_1265 : vector<1x16xf32> to vector<16xf32>
          %mul3A_1267 = vector.broadcast %squeeze3A_1214 : f32 to vector<16xf32>
          %mul3A_1268 = arith.mulf %get3A_1266, %mul3A_1267 : vector<16xf32>
          %swap3A_1269 = arith.index_cast %add3A_1218 : i32 to index
          %swap3A_1270 = arith.constant 64 : index
          %swap3A_1271 = tpu.vector_load %arg10[%swap3A_1269, %swap3A_1270] {strides = array<i32>} : memref<128x128xf32, #tpu.memory_space<vmem>>, vector<1x16xf32>,
          %swap3A_1272 = vector.shape_cast %swap3A_1271 : vector<1x16xf32> to vector<16xf32>
          %swap3A_1273 = vector.shape_cast %mul3A_1268 : vector<16xf32> to vector<1x16xf32>
          tpu.vector_store %arg10[%swap3A_1269, %swap3A_1270], %swap3A_1273 {strides = array<i32>} : memref<128x128xf32, #tpu.memory_space<vmem>>, vector<1x16xf32>,
          %get3A_1274 = arith.index_cast %add3A_1218 : i32 to index
          %get3A_1275 = arith.constant 80 : index
          %get3A_1276 = tpu.vector_load %arg10[%get3A_1274, %get3A_1275] {strides = array<i32>} : memref<128x128xf32, #tpu.memory_space<vmem>>, vector<1x16xf32>,
          %get3A_1277 = vector.shape_cast %get3A_1276 : vector<1x16xf32> to vector<16xf32>
          %mul3A_1278 = vector.broadcast %squeeze3A_1214 : f32 to vector<16xf32>
          %mul3A_1279 = arith.mulf %get3A_1277, %mul3A_1278 : vector<16xf32>
          %swap3A_1280 = arith.index_cast %add3A_1218 : i32 to index
          %swap3A_1281 = arith.constant 80 : index
          %swap3A_1282 = tpu.vector_load %arg10[%swap3A_1280, %swap3A_1281] {strides = array<i32>} : memref<128x128xf32, #tpu.memory_space<vmem>>, vector<1x16xf32>,
          %swap3A_1283 = vector.shape_cast %swap3A_1282 : vector<1x16xf32> to vector<16xf32>
          %swap3A_1284 = vector.shape_cast %mul3A_1279 : vector<16xf32> to vector<1x16xf32>
          tpu.vector_store %arg10[%swap3A_1280, %swap3A_1281], %swap3A_1284 {strides = array<i32>} : memref<128x128xf32, #tpu.memory_space<vmem>>, vector<1x16xf32>,
          %get3A_1285 = arith.index_cast %add3A_1218 : i32 to index
          %get3A_1286 = arith.constant 96 : index
          %get3A_1287 = tpu.vector_load %arg10[%get3A_1285, %get3A_1286] {strides = array<i32>} : memref<128x128xf32, #tpu.memory_space<vmem>>, vector<1x16xf32>,
          %get3A_1288 = vector.shape_cast %get3A_1287 : vector<1x16xf32> to vector<16xf32>
          %mul3A_1289 = vector.broadcast %squeeze3A_1214 : f32 to vector<16xf32>
          %mul3A_1290 = arith.mulf %get3A_1288, %mul3A_1289 : vector<16xf32>
          %swap3A_1291 = arith.index_cast %add3A_1218 : i32 to index
          %swap3A_1292 = arith.constant 96 : index
          %swap3A_1293 = tpu.vector_load %arg10[%swap3A_1291, %swap3A_1292] {strides = array<i32>} : memref<128x128xf32, #tpu.memory_space<vmem>>, vector<1x16xf32>,
          %swap3A_1294 = vector.shape_cast %swap3A_1293 : vector<1x16xf32> to vector<16xf32>
          %swap3A_1295 = vector.shape_cast %mul3A_1290 : vector<16xf32> to vector<1x16xf32>
          tpu.vector_store %arg10[%swap3A_1291, %swap3A_1292], %swap3A_1295 {strides = array<i32>} : memref<128x128xf32, #tpu.memory_space<vmem>>, vector<1x16xf32>,
          %get3A_1296 = arith.index_cast %add3A_1218 : i32 to index
          %get3A_1297 = arith.constant 112 : index
          %get3A_1298 = tpu.vector_load %arg10[%get3A_1296, %get3A_1297] {strides = array<i32>} : memref<128x128xf32, #tpu.memory_space<vmem>>, vector<1x16xf32>,
          %get3A_1299 = vector.shape_cast %get3A_1298 : vector<1x16xf32> to vector<16xf32>
          %mul3A_1300 = vector.broadcast %squeeze3A_1214 : f32 to vector<16xf32>
          %mul3A_1301 = arith.mulf %get3A_1299, %mul3A_1300 : vector<16xf32>
          %swap3A_1302 = arith.index_cast %add3A_1218 : i32 to index
          %swap3A_1303 = arith.constant 112 : index
          %swap3A_1304 = tpu.vector_load %arg10[%swap3A_1302, %swap3A_1303] {strides = array<i32>} : memref<128x128xf32, #tpu.memory_space<vmem>>, vector<1x16xf32>,
          %swap3A_1305 = vector.shape_cast %swap3A_1304 : vector<1x16xf32> to vector<16xf32>
          %swap3A_1306 = vector.shape_cast %mul3A_1301 : vector<16xf32> to vector<1x16xf32>
          tpu.vector_store %arg10[%swap3A_1302, %swap3A_1303], %swap3A_1306 {strides = array<i32>} : memref<128x128xf32, #tpu.memory_space<vmem>>, vector<1x16xf32>,
          %slice3A_1307 = vector.extract_strided_slice %get3A_87 {offsets = [13], sizes = [1], strides = [1]} : vector<16xf32> to vector<1xf32>
          %squeeze3A_1308 = vector.extract %slice3A_1307[0] : f32 from vector<1xf32>
          %mul3A_1309 = arith.constant 16 : i32
          %mul3A_1310 = arith.muli %scan3A_82, %mul3A_1309 : i32
          %add3A_1311 = arith.constant 13 : i32
          %add3A_1312 = arith.addi %mul3A_1310, %add3A_1311 : i32
          %get3A_1313 = arith.index_cast %add3A_1312 : i32 to index
          %get3A_1314 = arith.constant 0 : index
          %get3A_1315 = tpu.vector_load %arg10[%get3A_1313, %get3A_1314] {strides = array<i32>} : memref<128x128xf32, #tpu.memory_space<vmem>>, vector<1x16xf32>,
          %get3A_1316 = vector.shape_cast %get3A_1315 : vector<1x16xf32> to vector<16xf32>
          %mul3A_1317 = vector.broadcast %squeeze3A_1308 : f32 to vector<16xf32>
          %mul3A_1318 = arith.mulf %get3A_1316, %mul3A_1317 : vector<16xf32>
          %swap3A_1319 = arith.index_cast %add3A_1312 : i32 to index
          %swap3A_1320 = arith.constant 0 : index
          %swap3A_1321 = tpu.vector_load %arg10[%swap3A_1319, %swap3A_1320] {strides = array<i32>} : memref<128x128xf32, #tpu.memory_space<vmem>>, vector<1x16xf32>,
          %swap3A_1322 = vector.shape_cast %swap3A_1321 : vector<1x16xf32> to vector<16xf32>
          %swap3A_1323 = vector.shape_cast %mul3A_1318 : vector<16xf32> to vector<1x16xf32>
          tpu.vector_store %arg10[%swap3A_1319, %swap3A_1320], %swap3A_1323 {strides = array<i32>} : memref<128x128xf32, #tpu.memory_space<vmem>>, vector<1x16xf32>,
          %get3A_1324 = arith.index_cast %add3A_1312 : i32 to index
          %get3A_1325 = arith.constant 16 : index
          %get3A_1326 = tpu.vector_load %arg10[%get3A_1324, %get3A_1325] {strides = array<i32>} : memref<128x128xf32, #tpu.memory_space<vmem>>, vector<1x16xf32>,
          %get3A_1327 = vector.shape_cast %get3A_1326 : vector<1x16xf32> to vector<16xf32>
          %mul3A_1328 = vector.broadcast %squeeze3A_1308 : f32 to vector<16xf32>
          %mul3A_1329 = arith.mulf %get3A_1327, %mul3A_1328 : vector<16xf32>
          %swap3A_1330 = arith.index_cast %add3A_1312 : i32 to index
          %swap3A_1331 = arith.constant 16 : index
          %swap3A_1332 = tpu.vector_load %arg10[%swap3A_1330, %swap3A_1331] {strides = array<i32>} : memref<128x128xf32, #tpu.memory_space<vmem>>, vector<1x16xf32>,
          %swap3A_1333 = vector.shape_cast %swap3A_1332 : vector<1x16xf32> to vector<16xf32>
          %swap3A_1334 = vector.shape_cast %mul3A_1329 : vector<16xf32> to vector<1x16xf32>
          tpu.vector_store %arg10[%swap3A_1330, %swap3A_1331], %swap3A_1334 {strides = array<i32>} : memref<128x128xf32, #tpu.memory_space<vmem>>, vector<1x16xf32>,
          %get3A_1335 = arith.index_cast %add3A_1312 : i32 to index
          %get3A_1336 = arith.constant 32 : index
          %get3A_1337 = tpu.vector_load %arg10[%get3A_1335, %get3A_1336] {strides = array<i32>} : memref<128x128xf32, #tpu.memory_space<vmem>>, vector<1x16xf32>,
          %get3A_1338 = vector.shape_cast %get3A_1337 : vector<1x16xf32> to vector<16xf32>
          %mul3A_1339 = vector.broadcast %squeeze3A_1308 : f32 to vector<16xf32>
          %mul3A_1340 = arith.mulf %get3A_1338, %mul3A_1339 : vector<16xf32>
          %swap3A_1341 = arith.index_cast %add3A_1312 : i32 to index
          %swap3A_1342 = arith.constant 32 : index
          %swap3A_1343 = tpu.vector_load %arg10[%swap3A_1341, %swap3A_1342] {strides = array<i32>} : memref<128x128xf32, #tpu.memory_space<vmem>>, vector<1x16xf32>,
          %swap3A_1344 = vector.shape_cast %swap3A_1343 : vector<1x16xf32> to vector<16xf32>
          %swap3A_1345 = vector.shape_cast %mul3A_1340 : vector<16xf32> to vector<1x16xf32>
          tpu.vector_store %arg10[%swap3A_1341, %swap3A_1342], %swap3A_1345 {strides = array<i32>} : memref<128x128xf32, #tpu.memory_space<vmem>>, vector<1x16xf32>,
          %get3A_1346 = arith.index_cast %add3A_1312 : i32 to index
          %get3A_1347 = arith.constant 48 : index
          %get3A_1348 = tpu.vector_load %arg10[%get3A_1346, %get3A_1347] {strides = array<i32>} : memref<128x128xf32, #tpu.memory_space<vmem>>, vector<1x16xf32>,
          %get3A_1349 = vector.shape_cast %get3A_1348 : vector<1x16xf32> to vector<16xf32>
          %mul3A_1350 = vector.broadcast %squeeze3A_1308 : f32 to vector<16xf32>
          %mul3A_1351 = arith.mulf %get3A_1349, %mul3A_1350 : vector<16xf32>
          %swap3A_1352 = arith.index_cast %add3A_1312 : i32 to index
          %swap3A_1353 = arith.constant 48 : index
          %swap3A_1354 = tpu.vector_load %arg10[%swap3A_1352, %swap3A_1353] {strides = array<i32>} : memref<128x128xf32, #tpu.memory_space<vmem>>, vector<1x16xf32>,
          %swap3A_1355 = vector.shape_cast %swap3A_1354 : vector<1x16xf32> to vector<16xf32>
          %swap3A_1356 = vector.shape_cast %mul3A_1351 : vector<16xf32> to vector<1x16xf32>
          tpu.vector_store %arg10[%swap3A_1352, %swap3A_1353], %swap3A_1356 {strides = array<i32>} : memref<128x128xf32, #tpu.memory_space<vmem>>, vector<1x16xf32>,
          %get3A_1357 = arith.index_cast %add3A_1312 : i32 to index
          %get3A_1358 = arith.constant 64 : index
          %get3A_1359 = tpu.vector_load %arg10[%get3A_1357, %get3A_1358] {strides = array<i32>} : memref<128x128xf32, #tpu.memory_space<vmem>>, vector<1x16xf32>,
          %get3A_1360 = vector.shape_cast %get3A_1359 : vector<1x16xf32> to vector<16xf32>
          %mul3A_1361 = vector.broadcast %squeeze3A_1308 : f32 to vector<16xf32>
          %mul3A_1362 = arith.mulf %get3A_1360, %mul3A_1361 : vector<16xf32>
          %swap3A_1363 = arith.index_cast %add3A_1312 : i32 to index
          %swap3A_1364 = arith.constant 64 : index
          %swap3A_1365 = tpu.vector_load %arg10[%swap3A_1363, %swap3A_1364] {strides = array<i32>} : memref<128x128xf32, #tpu.memory_space<vmem>>, vector<1x16xf32>,
          %swap3A_1366 = vector.shape_cast %swap3A_1365 : vector<1x16xf32> to vector<16xf32>
          %swap3A_1367 = vector.shape_cast %mul3A_1362 : vector<16xf32> to vector<1x16xf32>
          tpu.vector_store %arg10[%swap3A_1363, %swap3A_1364], %swap3A_1367 {strides = array<i32>} : memref<128x128xf32, #tpu.memory_space<vmem>>, vector<1x16xf32>,
          %get3A_1368 = arith.index_cast %add3A_1312 : i32 to index
          %get3A_1369 = arith.constant 80 : index
          %get3A_1370 = tpu.vector_load %arg10[%get3A_1368, %get3A_1369] {strides = array<i32>} : memref<128x128xf32, #tpu.memory_space<vmem>>, vector<1x16xf32>,
          %get3A_1371 = vector.shape_cast %get3A_1370 : vector<1x16xf32> to vector<16xf32>
          %mul3A_1372 = vector.broadcast %squeeze3A_1308 : f32 to vector<16xf32>
          %mul3A_1373 = arith.mulf %get3A_1371, %mul3A_1372 : vector<16xf32>
          %swap3A_1374 = arith.index_cast %add3A_1312 : i32 to index
          %swap3A_1375 = arith.constant 80 : index
          %swap3A_1376 = tpu.vector_load %arg10[%swap3A_1374, %swap3A_1375] {strides = array<i32>} : memref<128x128xf32, #tpu.memory_space<vmem>>, vector<1x16xf32>,
          %swap3A_1377 = vector.shape_cast %swap3A_1376 : vector<1x16xf32> to vector<16xf32>
          %swap3A_1378 = vector.shape_cast %mul3A_1373 : vector<16xf32> to vector<1x16xf32>
          tpu.vector_store %arg10[%swap3A_1374, %swap3A_1375], %swap3A_1378 {strides = array<i32>} : memref<128x128xf32, #tpu.memory_space<vmem>>, vector<1x16xf32>,
          %get3A_1379 = arith.index_cast %add3A_1312 : i32 to index
          %get3A_1380 = arith.constant 96 : index
          %get3A_1381 = tpu.vector_load %arg10[%get3A_1379, %get3A_1380] {strides = array<i32>} : memref<128x128xf32, #tpu.memory_space<vmem>>, vector<1x16xf32>,
          %get3A_1382 = vector.shape_cast %get3A_1381 : vector<1x16xf32> to vector<16xf32>
          %mul3A_1383 = vector.broadcast %squeeze3A_1308 : f32 to vector<16xf32>
          %mul3A_1384 = arith.mulf %get3A_1382, %mul3A_1383 : vector<16xf32>
          %swap3A_1385 = arith.index_cast %add3A_1312 : i32 to index
          %swap3A_1386 = arith.constant 96 : index
          %swap3A_1387 = tpu.vector_load %arg10[%swap3A_1385, %swap3A_1386] {strides = array<i32>} : memref<128x128xf32, #tpu.memory_space<vmem>>, vector<1x16xf32>,
          %swap3A_1388 = vector.shape_cast %swap3A_1387 : vector<1x16xf32> to vector<16xf32>
          %swap3A_1389 = vector.shape_cast %mul3A_1384 : vector<16xf32> to vector<1x16xf32>
          tpu.vector_store %arg10[%swap3A_1385, %swap3A_1386], %swap3A_1389 {strides = array<i32>} : memref<128x128xf32, #tpu.memory_space<vmem>>, vector<1x16xf32>,
          %get3A_1390 = arith.index_cast %add3A_1312 : i32 to index
          %get3A_1391 = arith.constant 112 : index
          %get3A_1392 = tpu.vector_load %arg10[%get3A_1390, %get3A_1391] {strides = array<i32>} : memref<128x128xf32, #tpu.memory_space<vmem>>, vector<1x16xf32>,
          %get3A_1393 = vector.shape_cast %get3A_1392 : vector<1x16xf32> to vector<16xf32>
          %mul3A_1394 = vector.broadcast %squeeze3A_1308 : f32 to vector<16xf32>
          %mul3A_1395 = arith.mulf %get3A_1393, %mul3A_1394 : vector<16xf32>
          %swap3A_1396 = arith.index_cast %add3A_1312 : i32 to index
          %swap3A_1397 = arith.constant 112 : index
          %swap3A_1398 = tpu.vector_load %arg10[%swap3A_1396, %swap3A_1397] {strides = array<i32>} : memref<128x128xf32, #tpu.memory_space<vmem>>, vector<1x16xf32>,
          %swap3A_1399 = vector.shape_cast %swap3A_1398 : vector<1x16xf32> to vector<16xf32>
          %swap3A_1400 = vector.shape_cast %mul3A_1395 : vector<16xf32> to vector<1x16xf32>
          tpu.vector_store %arg10[%swap3A_1396, %swap3A_1397], %swap3A_1400 {strides = array<i32>} : memref<128x128xf32, #tpu.memory_space<vmem>>, vector<1x16xf32>,
          %slice3A_1401 = vector.extract_strided_slice %get3A_87 {offsets = [14], sizes = [1], strides = [1]} : vector<16xf32> to vector<1xf32>
          %squeeze3A_1402 = vector.extract %slice3A_1401[0] : f32 from vector<1xf32>
          %mul3A_1403 = arith.constant 16 : i32
          %mul3A_1404 = arith.muli %scan3A_82, %mul3A_1403 : i32
          %add3A_1405 = arith.constant 14 : i32
          %add3A_1406 = arith.addi %mul3A_1404, %add3A_1405 : i32
          %get3A_1407 = arith.index_cast %add3A_1406 : i32 to index
          %get3A_1408 = arith.constant 0 : index
          %get3A_1409 = tpu.vector_load %arg10[%get3A_1407, %get3A_1408] {strides = array<i32>} : memref<128x128xf32, #tpu.memory_space<vmem>>, vector<1x16xf32>,
          %get3A_1410 = vector.shape_cast %get3A_1409 : vector<1x16xf32> to vector<16xf32>
          %mul3A_1411 = vector.broadcast %squeeze3A_1402 : f32 to vector<16xf32>
          %mul3A_1412 = arith.mulf %get3A_1410, %mul3A_1411 : vector<16xf32>
          %swap3A_1413 = arith.index_cast %add3A_1406 : i32 to index
          %swap3A_1414 = arith.constant 0 : index
          %swap3A_1415 = tpu.vector_load %arg10[%swap3A_1413, %swap3A_1414] {strides = array<i32>} : memref<128x128xf32, #tpu.memory_space<vmem>>, vector<1x16xf32>,
          %swap3A_1416 = vector.shape_cast %swap3A_1415 : vector<1x16xf32> to vector<16xf32>
          %swap3A_1417 = vector.shape_cast %mul3A_1412 : vector<16xf32> to vector<1x16xf32>
          tpu.vector_store %arg10[%swap3A_1413, %swap3A_1414], %swap3A_1417 {strides = array<i32>} : memref<128x128xf32, #tpu.memory_space<vmem>>, vector<1x16xf32>,
          %get3A_1418 = arith.index_cast %add3A_1406 : i32 to index
          %get3A_1419 = arith.constant 16 : index
          %get3A_1420 = tpu.vector_load %arg10[%get3A_1418, %get3A_1419] {strides = array<i32>} : memref<128x128xf32, #tpu.memory_space<vmem>>, vector<1x16xf32>,
          %get3A_1421 = vector.shape_cast %get3A_1420 : vector<1x16xf32> to vector<16xf32>
          %mul3A_1422 = vector.broadcast %squeeze3A_1402 : f32 to vector<16xf32>
          %mul3A_1423 = arith.mulf %get3A_1421, %mul3A_1422 : vector<16xf32>
          %swap3A_1424 = arith.index_cast %add3A_1406 : i32 to index
          %swap3A_1425 = arith.constant 16 : index
          %swap3A_1426 = tpu.vector_load %arg10[%swap3A_1424, %swap3A_1425] {strides = array<i32>} : memref<128x128xf32, #tpu.memory_space<vmem>>, vector<1x16xf32>,
          %swap3A_1427 = vector.shape_cast %swap3A_1426 : vector<1x16xf32> to vector<16xf32>
          %swap3A_1428 = vector.shape_cast %mul3A_1423 : vector<16xf32> to vector<1x16xf32>
          tpu.vector_store %arg10[%swap3A_1424, %swap3A_1425], %swap3A_1428 {strides = array<i32>} : memref<128x128xf32, #tpu.memory_space<vmem>>, vector<1x16xf32>,
          %get3A_1429 = arith.index_cast %add3A_1406 : i32 to index
          %get3A_1430 = arith.constant 32 : index
          %get3A_1431 = tpu.vector_load %arg10[%get3A_1429, %get3A_1430] {strides = array<i32>} : memref<128x128xf32, #tpu.memory_space<vmem>>, vector<1x16xf32>,
          %get3A_1432 = vector.shape_cast %get3A_1431 : vector<1x16xf32> to vector<16xf32>
          %mul3A_1433 = vector.broadcast %squeeze3A_1402 : f32 to vector<16xf32>
          %mul3A_1434 = arith.mulf %get3A_1432, %mul3A_1433 : vector<16xf32>
          %swap3A_1435 = arith.index_cast %add3A_1406 : i32 to index
          %swap3A_1436 = arith.constant 32 : index
          %swap3A_1437 = tpu.vector_load %arg10[%swap3A_1435, %swap3A_1436] {strides = array<i32>} : memref<128x128xf32, #tpu.memory_space<vmem>>, vector<1x16xf32>,
          %swap3A_1438 = vector.shape_cast %swap3A_1437 : vector<1x16xf32> to vector<16xf32>
          %swap3A_1439 = vector.shape_cast %mul3A_1434 : vector<16xf32> to vector<1x16xf32>
          tpu.vector_store %arg10[%swap3A_1435, %swap3A_1436], %swap3A_1439 {strides = array<i32>} : memref<128x128xf32, #tpu.memory_space<vmem>>, vector<1x16xf32>,
          %get3A_1440 = arith.index_cast %add3A_1406 : i32 to index
          %get3A_1441 = arith.constant 48 : index
          %get3A_1442 = tpu.vector_load %arg10[%get3A_1440, %get3A_1441] {strides = array<i32>} : memref<128x128xf32, #tpu.memory_space<vmem>>, vector<1x16xf32>,
          %get3A_1443 = vector.shape_cast %get3A_1442 : vector<1x16xf32> to vector<16xf32>
          %mul3A_1444 = vector.broadcast %squeeze3A_1402 : f32 to vector<16xf32>
          %mul3A_1445 = arith.mulf %get3A_1443, %mul3A_1444 : vector<16xf32>
          %swap3A_1446 = arith.index_cast %add3A_1406 : i32 to index
          %swap3A_1447 = arith.constant 48 : index
          %swap3A_1448 = tpu.vector_load %arg10[%swap3A_1446, %swap3A_1447] {strides = array<i32>} : memref<128x128xf32, #tpu.memory_space<vmem>>, vector<1x16xf32>,
          %swap3A_1449 = vector.shape_cast %swap3A_1448 : vector<1x16xf32> to vector<16xf32>
          %swap3A_1450 = vector.shape_cast %mul3A_1445 : vector<16xf32> to vector<1x16xf32>
          tpu.vector_store %arg10[%swap3A_1446, %swap3A_1447], %swap3A_1450 {strides = array<i32>} : memref<128x128xf32, #tpu.memory_space<vmem>>, vector<1x16xf32>,
          %get3A_1451 = arith.index_cast %add3A_1406 : i32 to index
          %get3A_1452 = arith.constant 64 : index
          %get3A_1453 = tpu.vector_load %arg10[%get3A_1451, %get3A_1452] {strides = array<i32>} : memref<128x128xf32, #tpu.memory_space<vmem>>, vector<1x16xf32>,
          %get3A_1454 = vector.shape_cast %get3A_1453 : vector<1x16xf32> to vector<16xf32>
          %mul3A_1455 = vector.broadcast %squeeze3A_1402 : f32 to vector<16xf32>
          %mul3A_1456 = arith.mulf %get3A_1454, %mul3A_1455 : vector<16xf32>
          %swap3A_1457 = arith.index_cast %add3A_1406 : i32 to index
          %swap3A_1458 = arith.constant 64 : index
          %swap3A_1459 = tpu.vector_load %arg10[%swap3A_1457, %swap3A_1458] {strides = array<i32>} : memref<128x128xf32, #tpu.memory_space<vmem>>, vector<1x16xf32>,
          %swap3A_1460 = vector.shape_cast %swap3A_1459 : vector<1x16xf32> to vector<16xf32>
          %swap3A_1461 = vector.shape_cast %mul3A_1456 : vector<16xf32> to vector<1x16xf32>
          tpu.vector_store %arg10[%swap3A_1457, %swap3A_1458], %swap3A_1461 {strides = array<i32>} : memref<128x128xf32, #tpu.memory_space<vmem>>, vector<1x16xf32>,
          %get3A_1462 = arith.index_cast %add3A_1406 : i32 to index
          %get3A_1463 = arith.constant 80 : index
          %get3A_1464 = tpu.vector_load %arg10[%get3A_1462, %get3A_1463] {strides = array<i32>} : memref<128x128xf32, #tpu.memory_space<vmem>>, vector<1x16xf32>,
          %get3A_1465 = vector.shape_cast %get3A_1464 : vector<1x16xf32> to vector<16xf32>
          %mul3A_1466 = vector.broadcast %squeeze3A_1402 : f32 to vector<16xf32>
          %mul3A_1467 = arith.mulf %get3A_1465, %mul3A_1466 : vector<16xf32>
          %swap3A_1468 = arith.index_cast %add3A_1406 : i32 to index
          %swap3A_1469 = arith.constant 80 : index
          %swap3A_1470 = tpu.vector_load %arg10[%swap3A_1468, %swap3A_1469] {strides = array<i32>} : memref<128x128xf32, #tpu.memory_space<vmem>>, vector<1x16xf32>,
          %swap3A_1471 = vector.shape_cast %swap3A_1470 : vector<1x16xf32> to vector<16xf32>
          %swap3A_1472 = vector.shape_cast %mul3A_1467 : vector<16xf32> to vector<1x16xf32>
          tpu.vector_store %arg10[%swap3A_1468, %swap3A_1469], %swap3A_1472 {strides = array<i32>} : memref<128x128xf32, #tpu.memory_space<vmem>>, vector<1x16xf32>,
          %get3A_1473 = arith.index_cast %add3A_1406 : i32 to index
          %get3A_1474 = arith.constant 96 : index
          %get3A_1475 = tpu.vector_load %arg10[%get3A_1473, %get3A_1474] {strides = array<i32>} : memref<128x128xf32, #tpu.memory_space<vmem>>, vector<1x16xf32>,
          %get3A_1476 = vector.shape_cast %get3A_1475 : vector<1x16xf32> to vector<16xf32>
          %mul3A_1477 = vector.broadcast %squeeze3A_1402 : f32 to vector<16xf32>
          %mul3A_1478 = arith.mulf %get3A_1476, %mul3A_1477 : vector<16xf32>
          %swap3A_1479 = arith.index_cast %add3A_1406 : i32 to index
          %swap3A_1480 = arith.constant 96 : index
          %swap3A_1481 = tpu.vector_load %arg10[%swap3A_1479, %swap3A_1480] {strides = array<i32>} : memref<128x128xf32, #tpu.memory_space<vmem>>, vector<1x16xf32>,
          %swap3A_1482 = vector.shape_cast %swap3A_1481 : vector<1x16xf32> to vector<16xf32>
          %swap3A_1483 = vector.shape_cast %mul3A_1478 : vector<16xf32> to vector<1x16xf32>
          tpu.vector_store %arg10[%swap3A_1479, %swap3A_1480], %swap3A_1483 {strides = array<i32>} : memref<128x128xf32, #tpu.memory_space<vmem>>, vector<1x16xf32>,
          %get3A_1484 = arith.index_cast %add3A_1406 : i32 to index
          %get3A_1485 = arith.constant 112 : index
          %get3A_1486 = tpu.vector_load %arg10[%get3A_1484, %get3A_1485] {strides = array<i32>} : memref<128x128xf32, #tpu.memory_space<vmem>>, vector<1x16xf32>,
          %get3A_1487 = vector.shape_cast %get3A_1486 : vector<1x16xf32> to vector<16xf32>
          %mul3A_1488 = vector.broadcast %squeeze3A_1402 : f32 to vector<16xf32>
          %mul3A_1489 = arith.mulf %get3A_1487, %mul3A_1488 : vector<16xf32>
          %swap3A_1490 = arith.index_cast %add3A_1406 : i32 to index
          %swap3A_1491 = arith.constant 112 : index
          %swap3A_1492 = tpu.vector_load %arg10[%swap3A_1490, %swap3A_1491] {strides = array<i32>} : memref<128x128xf32, #tpu.memory_space<vmem>>, vector<1x16xf32>,
          %swap3A_1493 = vector.shape_cast %swap3A_1492 : vector<1x16xf32> to vector<16xf32>
          %swap3A_1494 = vector.shape_cast %mul3A_1489 : vector<16xf32> to vector<1x16xf32>
          tpu.vector_store %arg10[%swap3A_1490, %swap3A_1491], %swap3A_1494 {strides = array<i32>} : memref<128x128xf32, #tpu.memory_space<vmem>>, vector<1x16xf32>,
          %slice3A_1495 = vector.extract_strided_slice %get3A_87 {offsets = [15], sizes = [1], strides = [1]} : vector<16xf32> to vector<1xf32>
          %squeeze3A_1496 = vector.extract %slice3A_1495[0] : f32 from vector<1xf32>
          %mul3A_1497 = arith.constant 16 : i32
          %mul3A_1498 = arith.muli %scan3A_82, %mul3A_1497 : i32
          %add3A_1499 = arith.constant 15 : i32
          %add3A_1500 = arith.addi %mul3A_1498, %add3A_1499 : i32
          %get3A_1501 = arith.index_cast %add3A_1500 : i32 to index
          %get3A_1502 = arith.constant 0 : index
          %get3A_1503 = tpu.vector_load %arg10[%get3A_1501, %get3A_1502] {strides = array<i32>} : memref<128x128xf32, #tpu.memory_space<vmem>>, vector<1x16xf32>,
          %get3A_1504 = vector.shape_cast %get3A_1503 : vector<1x16xf32> to vector<16xf32>
          %mul3A_1505 = vector.broadcast %squeeze3A_1496 : f32 to vector<16xf32>
          %mul3A_1506 = arith.mulf %get3A_1504, %mul3A_1505 : vector<16xf32>
          %swap3A_1507 = arith.index_cast %add3A_1500 : i32 to index
          %swap3A_1508 = arith.constant 0 : index
          %swap3A_1509 = tpu.vector_load %arg10[%swap3A_1507, %swap3A_1508] {strides = array<i32>} : memref<128x128xf32, #tpu.memory_space<vmem>>, vector<1x16xf32>,
          %swap3A_1510 = vector.shape_cast %swap3A_1509 : vector<1x16xf32> to vector<16xf32>
          %swap3A_1511 = vector.shape_cast %mul3A_1506 : vector<16xf32> to vector<1x16xf32>
          tpu.vector_store %arg10[%swap3A_1507, %swap3A_1508], %swap3A_1511 {strides = array<i32>} : memref<128x128xf32, #tpu.memory_space<vmem>>, vector<1x16xf32>,
          %get3A_1512 = arith.index_cast %add3A_1500 : i32 to index
          %get3A_1513 = arith.constant 16 : index
          %get3A_1514 = tpu.vector_load %arg10[%get3A_1512, %get3A_1513] {strides = array<i32>} : memref<128x128xf32, #tpu.memory_space<vmem>>, vector<1x16xf32>,
          %get3A_1515 = vector.shape_cast %get3A_1514 : vector<1x16xf32> to vector<16xf32>
          %mul3A_1516 = vector.broadcast %squeeze3A_1496 : f32 to vector<16xf32>
          %mul3A_1517 = arith.mulf %get3A_1515, %mul3A_1516 : vector<16xf32>
          %swap3A_1518 = arith.index_cast %add3A_1500 : i32 to index
          %swap3A_1519 = arith.constant 16 : index
          %swap3A_1520 = tpu.vector_load %arg10[%swap3A_1518, %swap3A_1519] {strides = array<i32>} : memref<128x128xf32, #tpu.memory_space<vmem>>, vector<1x16xf32>,
          %swap3A_1521 = vector.shape_cast %swap3A_1520 : vector<1x16xf32> to vector<16xf32>
          %swap3A_1522 = vector.shape_cast %mul3A_1517 : vector<16xf32> to vector<1x16xf32>
          tpu.vector_store %arg10[%swap3A_1518, %swap3A_1519], %swap3A_1522 {strides = array<i32>} : memref<128x128xf32, #tpu.memory_space<vmem>>, vector<1x16xf32>,
          %get3A_1523 = arith.index_cast %add3A_1500 : i32 to index
          %get3A_1524 = arith.constant 32 : index
          %get3A_1525 = tpu.vector_load %arg10[%get3A_1523, %get3A_1524] {strides = array<i32>} : memref<128x128xf32, #tpu.memory_space<vmem>>, vector<1x16xf32>,
          %get3A_1526 = vector.shape_cast %get3A_1525 : vector<1x16xf32> to vector<16xf32>
          %mul3A_1527 = vector.broadcast %squeeze3A_1496 : f32 to vector<16xf32>
          %mul3A_1528 = arith.mulf %get3A_1526, %mul3A_1527 : vector<16xf32>
          %swap3A_1529 = arith.index_cast %add3A_1500 : i32 to index
          %swap3A_1530 = arith.constant 32 : index
          %swap3A_1531 = tpu.vector_load %arg10[%swap3A_1529, %swap3A_1530] {strides = array<i32>} : memref<128x128xf32, #tpu.memory_space<vmem>>, vector<1x16xf32>,
          %swap3A_1532 = vector.shape_cast %swap3A_1531 : vector<1x16xf32> to vector<16xf32>
          %swap3A_1533 = vector.shape_cast %mul3A_1528 : vector<16xf32> to vector<1x16xf32>
          tpu.vector_store %arg10[%swap3A_1529, %swap3A_1530], %swap3A_1533 {strides = array<i32>} : memref<128x128xf32, #tpu.memory_space<vmem>>, vector<1x16xf32>,
          %get3A_1534 = arith.index_cast %add3A_1500 : i32 to index
          %get3A_1535 = arith.constant 48 : index
          %get3A_1536 = tpu.vector_load %arg10[%get3A_1534, %get3A_1535] {strides = array<i32>} : memref<128x128xf32, #tpu.memory_space<vmem>>, vector<1x16xf32>,
          %get3A_1537 = vector.shape_cast %get3A_1536 : vector<1x16xf32> to vector<16xf32>
          %mul3A_1538 = vector.broadcast %squeeze3A_1496 : f32 to vector<16xf32>
          %mul3A_1539 = arith.mulf %get3A_1537, %mul3A_1538 : vector<16xf32>
          %swap3A_1540 = arith.index_cast %add3A_1500 : i32 to index
          %swap3A_1541 = arith.constant 48 : index
          %swap3A_1542 = tpu.vector_load %arg10[%swap3A_1540, %swap3A_1541] {strides = array<i32>} : memref<128x128xf32, #tpu.memory_space<vmem>>, vector<1x16xf32>,
          %swap3A_1543 = vector.shape_cast %swap3A_1542 : vector<1x16xf32> to vector<16xf32>
          %swap3A_1544 = vector.shape_cast %mul3A_1539 : vector<16xf32> to vector<1x16xf32>
          tpu.vector_store %arg10[%swap3A_1540, %swap3A_1541], %swap3A_1544 {strides = array<i32>} : memref<128x128xf32, #tpu.memory_space<vmem>>, vector<1x16xf32>,
          %get3A_1545 = arith.index_cast %add3A_1500 : i32 to index
          %get3A_1546 = arith.constant 64 : index
          %get3A_1547 = tpu.vector_load %arg10[%get3A_1545, %get3A_1546] {strides = array<i32>} : memref<128x128xf32, #tpu.memory_space<vmem>>, vector<1x16xf32>,
          %get3A_1548 = vector.shape_cast %get3A_1547 : vector<1x16xf32> to vector<16xf32>
          %mul3A_1549 = vector.broadcast %squeeze3A_1496 : f32 to vector<16xf32>
          %mul3A_1550 = arith.mulf %get3A_1548, %mul3A_1549 : vector<16xf32>
          %swap3A_1551 = arith.index_cast %add3A_1500 : i32 to index
          %swap3A_1552 = arith.constant 64 : index
          %swap3A_1553 = tpu.vector_load %arg10[%swap3A_1551, %swap3A_1552] {strides = array<i32>} : memref<128x128xf32, #tpu.memory_space<vmem>>, vector<1x16xf32>,
          %swap3A_1554 = vector.shape_cast %swap3A_1553 : vector<1x16xf32> to vector<16xf32>
          %swap3A_1555 = vector.shape_cast %mul3A_1550 : vector<16xf32> to vector<1x16xf32>
          tpu.vector_store %arg10[%swap3A_1551, %swap3A_1552], %swap3A_1555 {strides = array<i32>} : memref<128x128xf32, #tpu.memory_space<vmem>>, vector<1x16xf32>,
          %get3A_1556 = arith.index_cast %add3A_1500 : i32 to index
          %get3A_1557 = arith.constant 80 : index
          %get3A_1558 = tpu.vector_load %arg10[%get3A_1556, %get3A_1557] {strides = array<i32>} : memref<128x128xf32, #tpu.memory_space<vmem>>, vector<1x16xf32>,
          %get3A_1559 = vector.shape_cast %get3A_1558 : vector<1x16xf32> to vector<16xf32>
          %mul3A_1560 = vector.broadcast %squeeze3A_1496 : f32 to vector<16xf32>
          %mul3A_1561 = arith.mulf %get3A_1559, %mul3A_1560 : vector<16xf32>
          %swap3A_1562 = arith.index_cast %add3A_1500 : i32 to index
          %swap3A_1563 = arith.constant 80 : index
          %swap3A_1564 = tpu.vector_load %arg10[%swap3A_1562, %swap3A_1563] {strides = array<i32>} : memref<128x128xf32, #tpu.memory_space<vmem>>, vector<1x16xf32>,
          %swap3A_1565 = vector.shape_cast %swap3A_1564 : vector<1x16xf32> to vector<16xf32>
          %swap3A_1566 = vector.shape_cast %mul3A_1561 : vector<16xf32> to vector<1x16xf32>
          tpu.vector_store %arg10[%swap3A_1562, %swap3A_1563], %swap3A_1566 {strides = array<i32>} : memref<128x128xf32, #tpu.memory_space<vmem>>, vector<1x16xf32>,
          %get3A_1567 = arith.index_cast %add3A_1500 : i32 to index
          %get3A_1568 = arith.constant 96 : index
          %get3A_1569 = tpu.vector_load %arg10[%get3A_1567, %get3A_1568] {strides = array<i32>} : memref<128x128xf32, #tpu.memory_space<vmem>>, vector<1x16xf32>,
          %get3A_1570 = vector.shape_cast %get3A_1569 : vector<1x16xf32> to vector<16xf32>
          %mul3A_1571 = vector.broadcast %squeeze3A_1496 : f32 to vector<16xf32>
          %mul3A_1572 = arith.mulf %get3A_1570, %mul3A_1571 : vector<16xf32>
          %swap3A_1573 = arith.index_cast %add3A_1500 : i32 to index
          %swap3A_1574 = arith.constant 96 : index
          %swap3A_1575 = tpu.vector_load %arg10[%swap3A_1573, %swap3A_1574] {strides = array<i32>} : memref<128x128xf32, #tpu.memory_space<vmem>>, vector<1x16xf32>,
          %swap3A_1576 = vector.shape_cast %swap3A_1575 : vector<1x16xf32> to vector<16xf32>
          %swap3A_1577 = vector.shape_cast %mul3A_1572 : vector<16xf32> to vector<1x16xf32>
          tpu.vector_store %arg10[%swap3A_1573, %swap3A_1574], %swap3A_1577 {strides = array<i32>} : memref<128x128xf32, #tpu.memory_space<vmem>>, vector<1x16xf32>,
          %get3A_1578 = arith.index_cast %add3A_1500 : i32 to index
          %get3A_1579 = arith.constant 112 : index
          %get3A_1580 = tpu.vector_load %arg10[%get3A_1578, %get3A_1579] {strides = array<i32>} : memref<128x128xf32, #tpu.memory_space<vmem>>, vector<1x16xf32>,
          %get3A_1581 = vector.shape_cast %get3A_1580 : vector<1x16xf32> to vector<16xf32>
          %mul3A_1582 = vector.broadcast %squeeze3A_1496 : f32 to vector<16xf32>
          %mul3A_1583 = arith.mulf %get3A_1581, %mul3A_1582 : vector<16xf32>
          %swap3A_1584 = arith.index_cast %add3A_1500 : i32 to index
          %swap3A_1585 = arith.constant 112 : index
          %swap3A_1586 = tpu.vector_load %arg10[%swap3A_1584, %swap3A_1585] {strides = array<i32>} : memref<128x128xf32, #tpu.memory_space<vmem>>, vector<1x16xf32>,
          %swap3A_1587 = vector.shape_cast %swap3A_1586 : vector<1x16xf32> to vector<16xf32>
          %swap3A_1588 = vector.shape_cast %mul3A_1583 : vector<16xf32> to vector<1x16xf32>
          tpu.vector_store %arg10[%swap3A_1584, %swap3A_1585], %swap3A_1588 {strides = array<i32>} : memref<128x128xf32, #tpu.memory_space<vmem>>, vector<1x16xf32>,
        }
        %scan3A_81 = arith.constant 8 : i32
        "tpu.region"() ({
          %run_scoped3A = tpu.sem_alloc : memref<!tpu.dma_semaphore, #tpu.memory_space<semaphore_mem>>
          %dma_start3A_82 = arith.constant 0 : i32
          %dma_start3A_83 = tpu.memref_slice %arg8[%scan3A_65, %dma_start3A_82] : memref<16x128xi32, #tpu.memory_space<vmem>> -> memref<1x128xi32, #tpu.memory_space<vmem>>
          %dma_start3A_84 = tpu.memref_squeeze %dma_start3A_83 : memref<1x128xi32, #tpu.memory_space<vmem>> -> memref<128xi32, #tpu.memory_space<vmem>>
          %dma_start3A_85 = arith.constant 0 : i32
          %dma_start3A_86 = arith.constant 0 : i32
          %dma_start3A_87 = tpu.memref_slice %arg12[%dma_start3A_85, %dma_start3A_86] : memref<10000x128xf32, #tpu.memory_space<vmem_shared>> -> memref<10000x128xf32, #tpu.memory_space<vmem_shared>>
          tpu.enqueue_indirect_dma source(%arg10 : memref<128x128xf32, #tpu.memory_space<vmem>>) target(%dma_start3A_87 : memref<10000x128xf32, #tpu.memory_space<vmem_shared>>) offsets(%dma_start3A_84 : memref<128xi32, #tpu.memory_space<vmem>>) semaphore(%run_scoped3A : memref<!tpu.dma_semaphore, #tpu.memory_space<semaphore_mem>>) {add = true}
          %dma_wait3A_88 = arith.constant 0 : i32
          %dma_wait3A_89 = tpu.memref_slice %arg8[%scan3A_65, %dma_wait3A_88] : memref<16x128xi32, #tpu.memory_space<vmem>> -> memref<1x128xi32, #tpu.memory_space<vmem>>
          %dma_wait3A_90 = tpu.memref_squeeze %dma_wait3A_89 : memref<1x128xi32, #tpu.memory_space<vmem>> -> memref<128xi32, #tpu.memory_space<vmem>>
          %dma_wait3A_91 = arith.constant 0 : i32
          %dma_wait3A_92 = arith.constant 0 : i32
          %dma_wait3A_93 = tpu.memref_slice %arg12[%dma_wait3A_91, %dma_wait3A_92] : memref<10000x128xf32, #tpu.memory_space<vmem_shared>> -> memref<10000x128xf32, #tpu.memory_space<vmem_shared>>
          tpu.wait_indirect_dma semaphore(%run_scoped3A : memref<!tpu.dma_semaphore, #tpu.memory_space<semaphore_mem>>) src(%arg10 : memref<128x128xf32, #tpu.memory_space<vmem>>) dst(%dma_wait3A_93 : memref<10000x128xf32, #tpu.memory_space<vmem_shared>>)
          tpu.yield
        }) : () -> ()
      }
      %scan3A_64 = arith.constant 16 : i32
    }
    %scan3A_41 = arith.constant 10 : i32
    %barrier3A_42 = arith.constant 0 : index
    tpu.barrier barrier_id(%barrier3A_42)
    %while3A_43 = arith.constant 0 : i32
    %while3A_44 = arith.constant 0 : i32
    %while3A_45 = arith.subi %select_n3A, %while3A_44 : i32
    %while3A_46 = arith.addi %while3A_44, %while3A_45 : i32
    %while3A_47 = arith.constant 1 : i32
    %while3A_48 = arith.divsi %while3A_45, %while3A_47 : i32
    %while3A_49 = arith.muli %while3A_48, %while3A_47 : i32
    %while3A_50 = arith.addi %while3A_44, %while3A_49 : i32
    %while3A_51 = arith.constant 1 : i32
    scf.for %while3A_53 = %while3A_44 to %while3A_50 step %while3A_51  : i32 {
      %mul3A = arith.constant 16 : i32
      %mul3A_54 = arith.muli %while3A_53, %mul3A : i32
      %add3A_55 = arith.addi %arg1, %mul3A_54 : i32
      %mul3A_56 = arith.constant 80 : i32
      %mul3A_57 = arith.muli %add3A_55, %mul3A_56 : i32
      "tpu.region"() ({
        %run_scoped3A = tpu.sem_alloc : memref<!tpu.dma_semaphore, #tpu.memory_space<semaphore_mem>>
        %dma_start3A = arith.constant 0 : i32
        %dma_start3A_58 = tpu.memref_slice %arg12[%mul3A_57, %dma_start3A] : memref<10000x128xf32, #tpu.memory_space<vmem_shared>> -> memref<80x128xf32, #tpu.memory_space<vmem_shared>>
        %dma_start3A_59 = arith.constant 0 : i32
        %dma_start3A_60 = tpu.memref_slice %arg12[%mul3A_57, %dma_start3A_59] : memref<10000x128xf32, #tpu.memory_space<vmem_shared>> -> memref<80x128xf32, #tpu.memory_space<vmem_shared>>
        tpu.enqueue_dma source(%dma_start3A_60 : memref<80x128xf32, #tpu.memory_space<vmem_shared>>) target(%arg11 : memref<80x128xf32, #tpu.memory_space<vmem>>) target_semaphore(%run_scoped3A : memref<!tpu.dma_semaphore, #tpu.memory_space<semaphore_mem>>)
        %dma_wait3A = arith.constant 0 : i32
        %dma_wait3A_61 = tpu.memref_slice %arg12[%mul3A_57, %dma_wait3A] : memref<10000x128xf32, #tpu.memory_space<vmem_shared>> -> memref<80x128xf32, #tpu.memory_space<vmem_shared>>
        %dma_wait3A_62 = arith.constant 0 : i32
        %dma_wait3A_63 = tpu.memref_slice %arg12[%mul3A_57, %dma_wait3A_62] : memref<10000x128xf32, #tpu.memory_space<vmem_shared>> -> memref<80x128xf32, #tpu.memory_space<vmem_shared>>
        tpu.wait_dma2 semaphore(%run_scoped3A : memref<!tpu.dma_semaphore, #tpu.memory_space<semaphore_mem>>) src(%dma_wait3A_63 : memref<80x128xf32, #tpu.memory_space<vmem_shared>>) dst(%arg11 : memref<80x128xf32, #tpu.memory_space<vmem>>)
        tpu.yield
      }) : () -> ()
      "tpu.region"() ({
        %run_scoped3A = tpu.sem_alloc : memref<!tpu.dma_semaphore, #tpu.memory_space<semaphore_mem>>
        %dma_start3A = arith.constant 0 : i32
        %dma_start3A_58 = tpu.memref_slice %arg6[%arg0, %mul3A_57, %dma_start3A] : memref<2x10000x128xf32, #tpu.memory_space<hbm>> -> memref<1x80x128xf32, #tpu.memory_space<hbm>>
        %dma_start3A_59 = tpu.memref_squeeze %dma_start3A_58 : memref<1x80x128xf32, #tpu.memory_space<hbm>> -> memref<80x128xf32, #tpu.memory_space<hbm>>
        %dma_start3A_60 = arith.constant 0 : i32
        %dma_start3A_61 = tpu.memref_slice %arg6[%arg0, %mul3A_57, %dma_start3A_60] : memref<2x10000x128xf32, #tpu.memory_space<hbm>> -> memref<1x80x128xf32, #tpu.memory_space<hbm>>
        %dma_start3A_62 = tpu.memref_squeeze %dma_start3A_61 : memref<1x80x128xf32, #tpu.memory_space<hbm>> -> memref<80x128xf32, #tpu.memory_space<hbm>>
        tpu.enqueue_dma source(%arg11 : memref<80x128xf32, #tpu.memory_space<vmem>>) target(%dma_start3A_62 : memref<80x128xf32, #tpu.memory_space<hbm>>) target_semaphore(%run_scoped3A : memref<!tpu.dma_semaphore, #tpu.memory_space<semaphore_mem>>)
        %dma_wait3A = arith.constant 0 : i32
        %dma_wait3A_63 = tpu.memref_slice %arg6[%arg0, %mul3A_57, %dma_wait3A] : memref<2x10000x128xf32, #tpu.memory_space<hbm>> -> memref<1x80x128xf32, #tpu.memory_space<hbm>>
        %dma_wait3A_64 = tpu.memref_squeeze %dma_wait3A_63 : memref<1x80x128xf32, #tpu.memory_space<hbm>> -> memref<80x128xf32, #tpu.memory_space<hbm>>
        %dma_wait3A_65 = arith.constant 0 : i32
        %dma_wait3A_66 = tpu.memref_slice %arg6[%arg0, %mul3A_57, %dma_wait3A_65] : memref<2x10000x128xf32, #tpu.memory_space<hbm>> -> memref<1x80x128xf32, #tpu.memory_space<hbm>>
        %dma_wait3A_67 = tpu.memref_squeeze %dma_wait3A_66 : memref<1x80x128xf32, #tpu.memory_space<hbm>> -> memref<80x128xf32, #tpu.memory_space<hbm>>
        tpu.wait_dma2 semaphore(%run_scoped3A : memref<!tpu.dma_semaphore, #tpu.memory_space<semaphore_mem>>) src(%arg11 : memref<80x128xf32, #tpu.memory_space<vmem>>) dst(%dma_wait3A_67 : memref<80x128xf32, #tpu.memory_space<hbm>>)
        tpu.yield
      }) : () -> ()
    }
    %while3A_52 = arith.constant 1 : i32
    scf.for %while3A_53 = %while3A_50 to %while3A_46 step %while3A_52  : i32 {
      %mul3A = arith.constant 16 : i32
      %mul3A_54 = arith.muli %while3A_53, %mul3A : i32
      %add3A_55 = arith.addi %arg1, %mul3A_54 : i32
      %mul3A_56 = arith.constant 80 : i32
      %mul3A_57 = arith.muli %add3A_55, %mul3A_56 : i32
      "tpu.region"() ({
        %run_scoped3A = tpu.sem_alloc : memref<!tpu.dma_semaphore, #tpu.memory_space<semaphore_mem>>
        %dma_start3A = arith.constant 0 : i32
        %dma_start3A_58 = tpu.memref_slice %arg12[%mul3A_57, %dma_start3A] : memref<10000x128xf32, #tpu.memory_space<vmem_shared>> -> memref<80x128xf32, #tpu.memory_space<vmem_shared>>
        %dma_start3A_59 = arith.constant 0 : i32
        %dma_start3A_60 = tpu.memref_slice %arg12[%mul3A_57, %dma_start3A_59] : memref<10000x128xf32, #tpu.memory_space<vmem_shared>> -> memref<80x128xf32, #tpu.memory_space<vmem_shared>>
        tpu.enqueue_dma source(%dma_start3A_60 : memref<80x128xf32, #tpu.memory_space<vmem_shared>>) target(%arg11 : memref<80x128xf32, #tpu.memory_space<vmem>>) target_semaphore(%run_scoped3A : memref<!tpu.dma_semaphore, #tpu.memory_space<semaphore_mem>>)
        %dma_wait3A = arith.constant 0 : i32
        %dma_wait3A_61 = tpu.memref_slice %arg12[%mul3A_57, %dma_wait3A] : memref<10000x128xf32, #tpu.memory_space<vmem_shared>> -> memref<80x128xf32, #tpu.memory_space<vmem_shared>>
        %dma_wait3A_62 = arith.constant 0 : i32
        %dma_wait3A_63 = tpu.memref_slice %arg12[%mul3A_57, %dma_wait3A_62] : memref<10000x128xf32, #tpu.memory_space<vmem_shared>> -> memref<80x128xf32, #tpu.memory_space<vmem_shared>>
        tpu.wait_dma2 semaphore(%run_scoped3A : memref<!tpu.dma_semaphore, #tpu.memory_space<semaphore_mem>>) src(%dma_wait3A_63 : memref<80x128xf32, #tpu.memory_space<vmem_shared>>) dst(%arg11 : memref<80x128xf32, #tpu.memory_space<vmem>>)
        tpu.yield
      }) : () -> ()
      "tpu.region"() ({
        %run_scoped3A = tpu.sem_alloc : memref<!tpu.dma_semaphore, #tpu.memory_space<semaphore_mem>>
        %dma_start3A = arith.constant 0 : i32
        %dma_start3A_58 = tpu.memref_slice %arg6[%arg0, %mul3A_57, %dma_start3A] : memref<2x10000x128xf32, #tpu.memory_space<hbm>> -> memref<1x80x128xf32, #tpu.memory_space<hbm>>
        %dma_start3A_59 = tpu.memref_squeeze %dma_start3A_58 : memref<1x80x128xf32, #tpu.memory_space<hbm>> -> memref<80x128xf32, #tpu.memory_space<hbm>>
        %dma_start3A_60 = arith.constant 0 : i32
        %dma_start3A_61 = tpu.memref_slice %arg6[%arg0, %mul3A_57, %dma_start3A_60] : memref<2x10000x128xf32, #tpu.memory_space<hbm>> -> memref<1x80x128xf32, #tpu.memory_space<hbm>>
        %dma_start3A_62 = tpu.memref_squeeze %dma_start3A_61 : memref<1x80x128xf32, #tpu.memory_space<hbm>> -> memref<80x128xf32, #tpu.memory_space<hbm>>
        tpu.enqueue_dma source(%arg11 : memref<80x128xf32, #tpu.memory_space<vmem>>) target(%dma_start3A_62 : memref<80x128xf32, #tpu.memory_space<hbm>>) target_semaphore(%run_scoped3A : memref<!tpu.dma_semaphore, #tpu.memory_space<semaphore_mem>>)
        %dma_wait3A = arith.constant 0 : i32
        %dma_wait3A_63 = tpu.memref_slice %arg6[%arg0, %mul3A_57, %dma_wait3A] : memref<2x10000x128xf32, #tpu.memory_space<hbm>> -> memref<1x80x128xf32, #tpu.memory_space<hbm>>
        %dma_wait3A_64 = tpu.memref_squeeze %dma_wait3A_63 : memref<1x80x128xf32, #tpu.memory_space<hbm>> -> memref<80x128xf32, #tpu.memory_space<hbm>>
        %dma_wait3A_65 = arith.constant 0 : i32
        %dma_wait3A_66 = tpu.memref_slice %arg6[%arg0, %mul3A_57, %dma_wait3A_65] : memref<2x10000x128xf32, #tpu.memory_space<hbm>> -> memref<1x80x128xf32, #tpu.memory_space<hbm>>
        %dma_wait3A_67 = tpu.memref_squeeze %dma_wait3A_66 : memref<1x80x128xf32, #tpu.memory_space<hbm>> -> memref<80x128xf32, #tpu.memory_space<hbm>>
        tpu.wait_dma2 semaphore(%run_scoped3A : memref<!tpu.dma_semaphore, #tpu.memory_space<semaphore_mem>>) src(%arg11 : memref<80x128xf32, #tpu.memory_space<vmem>>) dst(%dma_wait3A_67 : memref<80x128xf32, #tpu.memory_space<hbm>>)
        tpu.yield
      }) : () -> ()
    }
    return
  }
}

module attributes {stable_mosaic.version = 14 : i64} {
  func.func @_mm_body(%arg0: i32, %arg1: i32, %arg2: memref<1x1000x128xf32, #tpu.memory_space<vmem>>, %arg3: memref<1x128x128xf32, #tpu.memory_space<vmem>>, %arg4: memref<1x1000x128xf32, #tpu.memory_space<vmem>>) attributes {dimension_semantics = [#tpu.dimension_semantics<arbitrary>, #tpu.dimension_semantics<arbitrary>], iteration_bounds = array<i64: 2, 10>, scalar_prefetch = 0 : i64, scratch_operands = 0 : i64, tpu.core_type = #tpu.core_type<tc>, window_params = [{transform_indices = @transform_0, window_bounds = array<i64: 1, 1000, 128>}, {transform_indices = @transform_1, window_bounds = array<i64: 1, 128, 128>}, {transform_indices = @transform_2, window_bounds = array<i64: 1, 1000, 128>}]} {
    %get3A = arith.constant 0 : index
    %get3A_0 = arith.constant 0 : index
    %get3A_1 = arith.constant 0 : index
    %get3A_2 = vector.load %arg2[%get3A, %get3A_0, %get3A_1] : memref<1x1000x128xf32, #tpu.memory_space<vmem>>, vector<1x1000x128xf32>
    %get3A_3 = vector.shape_cast %get3A_2 : vector<1x1000x128xf32> to vector<1000x128xf32>
    %get3A_4 = arith.constant 0 : index
    %get3A_5 = arith.constant 0 : index
    %get3A_6 = arith.constant 0 : index
    %get3A_7 = vector.load %arg3[%get3A_4, %get3A_5, %get3A_6] : memref<1x128x128xf32, #tpu.memory_space<vmem>>, vector<1x128x128xf32>
    %get3A_8 = vector.shape_cast %get3A_7 : vector<1x128x128xf32> to vector<128x128xf32>
    %dot_general3A = arith.constant dense<0.000000e+00> : vector<1000x128xf32>
    %dot_general3A_9 = tpu.matmul %get3A_3, %get3A_8, %dot_general3A {dimension_numbers = #tpu.dot_dimension_numbers<[1], [0], [0], [1], [0, 0, 1, 1], [], []>, transpose_lhs_hint = false} : vector<1000x128xf32>, vector<128x128xf32>, vector<1000x128xf32> -> vector<1000x128xf32>
    %broadcast_in_dim3A = vector.shape_cast %dot_general3A_9 : vector<1000x128xf32> to vector<1x1000x128xf32>
    %swap3A = arith.constant 0 : index
    %swap3A_10 = arith.constant 0 : index
    %swap3A_11 = arith.constant 0 : index
    %swap3A_12 = vector.load %arg4[%swap3A, %swap3A_10, %swap3A_11] : memref<1x1000x128xf32, #tpu.memory_space<vmem>>, vector<1x1000x128xf32>
    tpu.vector_store %arg4[%swap3A, %swap3A_10, %swap3A_11], %broadcast_in_dim3A {strides = array<i32>} : memref<1x1000x128xf32, #tpu.memory_space<vmem>>, vector<1x1000x128xf32>,
    return
  }
  func.func @transform_0(%arg0: i32, %arg1: i32) -> (i32, i32, i32) {
    %c0_i32 = arith.constant 0 : i32
    %c0_i32_0 = arith.constant 0 : i32
    return %arg0, %arg1, %c0_i32 : i32, i32, i32
  }
  func.func @transform_1(%arg0: i32, %arg1: i32) -> (i32, i32, i32) {
    %c0_i32 = arith.constant 0 : i32
    %c0_i32_0 = arith.constant 0 : i32
    %c0_i32_1 = arith.constant 0 : i32
    return %arg0, %c0_i32, %c0_i32_0 : i32, i32, i32
  }
  func.func @transform_2(%arg0: i32, %arg1: i32) -> (i32, i32, i32) {
    %c0_i32 = arith.constant 0 : i32
    %c0_i32_0 = arith.constant 0 : i32
    return %arg0, %arg1, %c0_i32 : i32, i32, i32
  }
}

module attributes {stable_mosaic.version = 14 : i64} {
  func.func @_relu_mm_body(%arg0: i32, %arg1: i32, %arg2: memref<1x1000x128xf32, #tpu.memory_space<vmem>>, %arg3: memref<1x1x128xf32, #tpu.memory_space<vmem>>, %arg4: memref<1x128x128xf32, #tpu.memory_space<vmem>>, %arg5: memref<1x1000x128xf32, #tpu.memory_space<vmem>>) attributes {dimension_semantics = [#tpu.dimension_semantics<arbitrary>, #tpu.dimension_semantics<arbitrary>], iteration_bounds = array<i64: 2, 10>, scalar_prefetch = 0 : i64, scratch_operands = 0 : i64, tpu.core_type = #tpu.core_type<tc>, window_params = [{transform_indices = @transform_0, window_bounds = array<i64: 1, 1000, 128>}, {transform_indices = @transform_1, window_bounds = array<i64: 1, 1, 128>}, {transform_indices = @transform_2, window_bounds = array<i64: 1, 128, 128>}, {transform_indices = @transform_3, window_bounds = array<i64: 1, 1000, 128>}]} {
    %get3A = arith.constant 0 : index
    %get3A_0 = arith.constant 0 : index
    %get3A_1 = arith.constant 0 : index
    %get3A_2 = vector.load %arg2[%get3A, %get3A_0, %get3A_1] : memref<1x1000x128xf32, #tpu.memory_space<vmem>>, vector<1x1000x128xf32>
    %get3A_3 = vector.shape_cast %get3A_2 : vector<1x1000x128xf32> to vector<1000x128xf32>
    %get3A_4 = arith.constant 0 : index
    %get3A_5 = arith.constant 0 : index
    %get3A_6 = arith.constant 0 : index
    %get3A_7 = vector.load %arg3[%get3A_4, %get3A_5, %get3A_6] : memref<1x1x128xf32, #tpu.memory_space<vmem>>, vector<1x1x128xf32>
    %get3A_8 = vector.shape_cast %get3A_7 : vector<1x1x128xf32> to vector<1x128xf32>
    %add3A = vector.broadcast %get3A_8 : vector<1x128xf32> to vector<1000x128xf32>
    %add3A_9 = arith.addf %get3A_3, %add3A : vector<1000x128xf32>
    %max3A = arith.constant 0.000000e+00 : f32
    %max3A_10 = vector.broadcast %max3A : f32 to vector<1000x128xf32>
    %max3A_11 = arith.maximumf %add3A_9, %max3A_10 : vector<1000x128xf32>
    %get3A_12 = arith.constant 0 : index
    %get3A_13 = arith.constant 0 : index
    %get3A_14 = arith.constant 0 : index
    %get3A_15 = vector.load %arg4[%get3A_12, %get3A_13, %get3A_14] : memref<1x128x128xf32, #tpu.memory_space<vmem>>, vector<1x128x128xf32>
    %get3A_16 = vector.shape_cast %get3A_15 : vector<1x128x128xf32> to vector<128x128xf32>
    %dot_general3A = arith.constant dense<0.000000e+00> : vector<1000x128xf32>
    %dot_general3A_17 = tpu.matmul %max3A_11, %get3A_16, %dot_general3A {dimension_numbers = #tpu.dot_dimension_numbers<[1], [0], [0], [1], [0, 0, 1, 1], [], []>, transpose_lhs_hint = false} : vector<1000x128xf32>, vector<128x128xf32>, vector<1000x128xf32> -> vector<1000x128xf32>
    %broadcast_in_dim3A = vector.shape_cast %dot_general3A_17 : vector<1000x128xf32> to vector<1x1000x128xf32>
    %swap3A = arith.constant 0 : index
    %swap3A_18 = arith.constant 0 : index
    %swap3A_19 = arith.constant 0 : index
    %swap3A_20 = vector.load %arg5[%swap3A, %swap3A_18, %swap3A_19] : memref<1x1000x128xf32, #tpu.memory_space<vmem>>, vector<1x1000x128xf32>
    tpu.vector_store %arg5[%swap3A, %swap3A_18, %swap3A_19], %broadcast_in_dim3A {strides = array<i32>} : memref<1x1000x128xf32, #tpu.memory_space<vmem>>, vector<1x1000x128xf32>,
    return
  }
  func.func @transform_0(%arg0: i32, %arg1: i32) -> (i32, i32, i32) {
    %c0_i32 = arith.constant 0 : i32
    %c0_i32_0 = arith.constant 0 : i32
    return %arg0, %arg1, %c0_i32 : i32, i32, i32
  }
  func.func @transform_1(%arg0: i32, %arg1: i32) -> (i32, i32, i32) {
    %c0_i32 = arith.constant 0 : i32
    %c0_i32_0 = arith.constant 0 : i32
    %c0_i32_1 = arith.constant 0 : i32
    return %arg0, %c0_i32, %c0_i32_0 : i32, i32, i32
  }
  func.func @transform_2(%arg0: i32, %arg1: i32) -> (i32, i32, i32) {
    %c0_i32 = arith.constant 0 : i32
    %c0_i32_0 = arith.constant 0 : i32
    %c0_i32_1 = arith.constant 0 : i32
    return %arg0, %c0_i32, %c0_i32_0 : i32, i32, i32
  }
  func.func @transform_3(%arg0: i32, %arg1: i32) -> (i32, i32, i32) {
    %c0_i32 = arith.constant 0 : i32
    %c0_i32_0 = arith.constant 0 : i32
    return %arg0, %arg1, %c0_i32 : i32, i32, i32
  }
}

module attributes {stable_mosaic.version = 14 : i64} {
  func.func @_head_body(%arg0: i32, %arg1: memref<2x1000x128xf32, #tpu.memory_space<vmem>>, %arg2: memref<2x1x128xf32, #tpu.memory_space<vmem>>, %arg3: memref<2x128x128xf32, #tpu.memory_space<vmem>>, %arg4: memref<2x1x128xf32, #tpu.memory_space<vmem>>, %arg5: memref<256x64xf32, #tpu.memory_space<vmem>>, %arg6: memref<1x64xf32, #tpu.memory_space<vmem>>, %arg7: memref<1000x64xf32, #tpu.memory_space<vmem>>) attributes {dimension_semantics = [#tpu.dimension_semantics<arbitrary>], iteration_bounds = array<i64: 10>, scalar_prefetch = 0 : i64, scratch_operands = 0 : i64, tpu.core_type = #tpu.core_type<tc>, window_params = [{transform_indices = @transform_0, window_bounds = array<i64: 2, 1000, 128>}, {pipeline_mode = #tpu.pipeline_mode<synchronous>, transform_indices = @transform_1, window_bounds = array<i64: 2, 1, 128>}, {pipeline_mode = #tpu.pipeline_mode<synchronous>, transform_indices = @transform_2, window_bounds = array<i64: 2, 128, 128>}, {pipeline_mode = #tpu.pipeline_mode<synchronous>, transform_indices = @transform_3, window_bounds = array<i64: 2, 1, 128>}, {pipeline_mode = #tpu.pipeline_mode<synchronous>, transform_indices = @transform_4, window_bounds = array<i64: 256, 64>}, {pipeline_mode = #tpu.pipeline_mode<synchronous>, transform_indices = @transform_5, window_bounds = array<i64: 1, 64>}, {transform_indices = @transform_6, window_bounds = array<i64: 1000, 64>}]} {
    %get3A = arith.constant 0 : index
    %get3A_0 = arith.constant 0 : index
    %get3A_1 = arith.constant 0 : index
    %get3A_2 = vector.load %arg1[%get3A, %get3A_0, %get3A_1] : memref<2x1000x128xf32, #tpu.memory_space<vmem>>, vector<1x1000x128xf32>
    %get3A_3 = vector.shape_cast %get3A_2 : vector<1x1000x128xf32> to vector<1000x128xf32>
    %get3A_4 = arith.constant 0 : index
    %get3A_5 = arith.constant 0 : index
    %get3A_6 = arith.constant 0 : index
    %get3A_7 = vector.load %arg2[%get3A_4, %get3A_5, %get3A_6] : memref<2x1x128xf32, #tpu.memory_space<vmem>>, vector<1x1x128xf32>
    %get3A_8 = vector.shape_cast %get3A_7 : vector<1x1x128xf32> to vector<1x128xf32>
    %add3A = vector.broadcast %get3A_8 : vector<1x128xf32> to vector<1000x128xf32>
    %add3A_9 = arith.addf %get3A_3, %add3A : vector<1000x128xf32>
    %get3A_10 = arith.constant 0 : index
    %get3A_11 = arith.constant 0 : index
    %get3A_12 = arith.constant 0 : index
    %get3A_13 = vector.load %arg3[%get3A_10, %get3A_11, %get3A_12] : memref<2x128x128xf32, #tpu.memory_space<vmem>>, vector<1x128x128xf32>
    %get3A_14 = vector.shape_cast %get3A_13 : vector<1x128x128xf32> to vector<128x128xf32>
    %dot_general3A = arith.constant dense<0.000000e+00> : vector<1000x128xf32>
    %dot_general3A_15 = tpu.matmul %add3A_9, %get3A_14, %dot_general3A {dimension_numbers = #tpu.dot_dimension_numbers<[1], [0], [0], [1], [0, 0, 1, 1], [], []>, transpose_lhs_hint = false} : vector<1000x128xf32>, vector<128x128xf32>, vector<1000x128xf32> -> vector<1000x128xf32>
    %get3A_16 = arith.constant 0 : index
    %get3A_17 = arith.constant 0 : index
    %get3A_18 = arith.constant 0 : index
    %get3A_19 = vector.load %arg4[%get3A_16, %get3A_17, %get3A_18] : memref<2x1x128xf32, #tpu.memory_space<vmem>>, vector<1x1x128xf32>
    %get3A_20 = vector.shape_cast %get3A_19 : vector<1x1x128xf32> to vector<1x128xf32>
    %add3A_21 = vector.broadcast %get3A_20 : vector<1x128xf32> to vector<1000x128xf32>
    %add3A_22 = arith.addf %dot_general3A_15, %add3A_21 : vector<1000x128xf32>
    %reduce_max3A = arith.constant dense<0xFF800000> : vector<1000xf32>
    %reduce_max3A_23 = vector.multi_reduction <maximumf>, %add3A_22, %reduce_max3A [1] : vector<1000x128xf32> to vector<1000xf32>
    %broadcast_in_dim3A = vector.shape_cast %reduce_max3A_23 : vector<1000xf32> to vector<1000x1xf32>
    %sub3A = vector.broadcast %broadcast_in_dim3A : vector<1000x1xf32> to vector<1000x128xf32>
    %sub3A_24 = arith.subf %add3A_22, %sub3A : vector<1000x128xf32>
    %sub3A_25 = vector.broadcast %broadcast_in_dim3A : vector<1000x1xf32> to vector<1000x128xf32>
    %sub3A_26 = arith.subf %add3A_22, %sub3A_25 : vector<1000x128xf32>
    %exp3A = math.exp %sub3A_26 : vector<1000x128xf32>
    %reduce_sum3A = arith.constant dense<0.000000e+00> : vector<1000xf32>
    %reduce_sum3A_27 = vector.multi_reduction <add>, %exp3A, %reduce_sum3A [1] : vector<1000x128xf32> to vector<1000xf32>
    %broadcast_in_dim3A_28 = vector.shape_cast %reduce_sum3A_27 : vector<1000xf32> to vector<1000x1xf32>
    %log3A = math.log %broadcast_in_dim3A_28 : vector<1000x1xf32>
    %sub3A_29 = vector.broadcast %log3A : vector<1000x1xf32> to vector<1000x128xf32>
    %sub3A_30 = arith.subf %sub3A_24, %sub3A_29 : vector<1000x128xf32>
    %get3A_31 = arith.constant 1 : index
    %get3A_32 = arith.constant 0 : index
    %get3A_33 = arith.constant 0 : index
    %get3A_34 = vector.load %arg1[%get3A_31, %get3A_32, %get3A_33] : memref<2x1000x128xf32, #tpu.memory_space<vmem>>, vector<1x1000x128xf32>
    %get3A_35 = vector.shape_cast %get3A_34 : vector<1x1000x128xf32> to vector<1000x128xf32>
    %get3A_36 = arith.constant 1 : index
    %get3A_37 = arith.constant 0 : index
    %get3A_38 = arith.constant 0 : index
    %get3A_39 = vector.load %arg2[%get3A_36, %get3A_37, %get3A_38] : memref<2x1x128xf32, #tpu.memory_space<vmem>>, vector<1x1x128xf32>
    %get3A_40 = vector.shape_cast %get3A_39 : vector<1x1x128xf32> to vector<1x128xf32>
    %add3A_41 = vector.broadcast %get3A_40 : vector<1x128xf32> to vector<1000x128xf32>
    %add3A_42 = arith.addf %get3A_35, %add3A_41 : vector<1000x128xf32>
    %get3A_43 = arith.constant 1 : index
    %get3A_44 = arith.constant 0 : index
    %get3A_45 = arith.constant 0 : index
    %get3A_46 = vector.load %arg3[%get3A_43, %get3A_44, %get3A_45] : memref<2x128x128xf32, #tpu.memory_space<vmem>>, vector<1x128x128xf32>
    %get3A_47 = vector.shape_cast %get3A_46 : vector<1x128x128xf32> to vector<128x128xf32>
    %dot_general3A_48 = arith.constant dense<0.000000e+00> : vector<1000x128xf32>
    %dot_general3A_49 = tpu.matmul %add3A_42, %get3A_47, %dot_general3A_48 {dimension_numbers = #tpu.dot_dimension_numbers<[1], [0], [0], [1], [0, 0, 1, 1], [], []>, transpose_lhs_hint = false} : vector<1000x128xf32>, vector<128x128xf32>, vector<1000x128xf32> -> vector<1000x128xf32>
    %get3A_50 = arith.constant 1 : index
    %get3A_51 = arith.constant 0 : index
    %get3A_52 = arith.constant 0 : index
    %get3A_53 = vector.load %arg4[%get3A_50, %get3A_51, %get3A_52] : memref<2x1x128xf32, #tpu.memory_space<vmem>>, vector<1x1x128xf32>
    %get3A_54 = vector.shape_cast %get3A_53 : vector<1x1x128xf32> to vector<1x128xf32>
    %add3A_55 = vector.broadcast %get3A_54 : vector<1x128xf32> to vector<1000x128xf32>
    %add3A_56 = arith.addf %dot_general3A_49, %add3A_55 : vector<1000x128xf32>
    %reduce_max3A_57 = arith.constant dense<0xFF800000> : vector<1000xf32>
    %reduce_max3A_58 = vector.multi_reduction <maximumf>, %add3A_56, %reduce_max3A_57 [1] : vector<1000x128xf32> to vector<1000xf32>
    %broadcast_in_dim3A_59 = vector.shape_cast %reduce_max3A_58 : vector<1000xf32> to vector<1000x1xf32>
    %sub3A_60 = vector.broadcast %broadcast_in_dim3A_59 : vector<1000x1xf32> to vector<1000x128xf32>
    %sub3A_61 = arith.subf %add3A_56, %sub3A_60 : vector<1000x128xf32>
    %sub3A_62 = vector.broadcast %broadcast_in_dim3A_59 : vector<1000x1xf32> to vector<1000x128xf32>
    %sub3A_63 = arith.subf %add3A_56, %sub3A_62 : vector<1000x128xf32>
    %exp3A_64 = math.exp %sub3A_63 : vector<1000x128xf32>
    %reduce_sum3A_65 = arith.constant dense<0.000000e+00> : vector<1000xf32>
    %reduce_sum3A_66 = vector.multi_reduction <add>, %exp3A_64, %reduce_sum3A_65 [1] : vector<1000x128xf32> to vector<1000xf32>
    %broadcast_in_dim3A_67 = vector.shape_cast %reduce_sum3A_66 : vector<1000xf32> to vector<1000x1xf32>
    %log3A_68 = math.log %broadcast_in_dim3A_67 : vector<1000x1xf32>
    %sub3A_69 = vector.broadcast %log3A_68 : vector<1000x1xf32> to vector<1000x128xf32>
    %sub3A_70 = arith.subf %sub3A_61, %sub3A_69 : vector<1000x128xf32>
    %get3A_71 = arith.constant 0 : index
    %get3A_72 = arith.constant 0 : index
    %get3A_73 = vector.load %arg5[%get3A_71, %get3A_72] : memref<256x64xf32, #tpu.memory_space<vmem>>, vector<128x64xf32>
    %dot_general3A_74 = arith.constant dense<0.000000e+00> : vector<1000x64xf32>
    %dot_general3A_75 = tpu.matmul %sub3A_30, %get3A_73, %dot_general3A_74 {dimension_numbers = #tpu.dot_dimension_numbers<[1], [0], [0], [1], [0, 0, 1, 1], [], []>, transpose_lhs_hint = false} : vector<1000x128xf32>, vector<128x64xf32>, vector<1000x64xf32> -> vector<1000x64xf32>
    %get3A_76 = arith.constant 128 : index
    %get3A_77 = arith.constant 0 : index
    %get3A_78 = vector.load %arg5[%get3A_76, %get3A_77] : memref<256x64xf32, #tpu.memory_space<vmem>>, vector<128x64xf32>
    %dot_general3A_79 = arith.constant dense<0.000000e+00> : vector<1000x64xf32>
    %dot_general3A_80 = tpu.matmul %sub3A_70, %get3A_78, %dot_general3A_79 {dimension_numbers = #tpu.dot_dimension_numbers<[1], [0], [0], [1], [0, 0, 1, 1], [], []>, transpose_lhs_hint = false} : vector<1000x128xf32>, vector<128x64xf32>, vector<1000x64xf32> -> vector<1000x64xf32>
    %add3A_81 = arith.addf %dot_general3A_75, %dot_general3A_80 : vector<1000x64xf32>
    %get3A_82 = arith.constant 0 : index
    %get3A_83 = arith.constant 0 : index
    %get3A_84 = vector.load %arg6[%get3A_82, %get3A_83] : memref<1x64xf32, #tpu.memory_space<vmem>>, vector<1x64xf32>
    %add3A_85 = vector.broadcast %get3A_84 : vector<1x64xf32> to vector<1000x64xf32>
    %add3A_86 = arith.addf %add3A_81, %add3A_85 : vector<1000x64xf32>
    %reduce_max3A_87 = arith.constant dense<0xFF800000> : vector<1000xf32>
    %reduce_max3A_88 = vector.multi_reduction <maximumf>, %add3A_86, %reduce_max3A_87 [1] : vector<1000x64xf32> to vector<1000xf32>
    %broadcast_in_dim3A_89 = vector.shape_cast %reduce_max3A_88 : vector<1000xf32> to vector<1000x1xf32>
    %sub3A_90 = vector.broadcast %broadcast_in_dim3A_89 : vector<1000x1xf32> to vector<1000x64xf32>
    %sub3A_91 = arith.subf %add3A_86, %sub3A_90 : vector<1000x64xf32>
    %sub3A_92 = vector.broadcast %broadcast_in_dim3A_89 : vector<1000x1xf32> to vector<1000x64xf32>
    %sub3A_93 = arith.subf %add3A_86, %sub3A_92 : vector<1000x64xf32>
    %exp3A_94 = math.exp %sub3A_93 : vector<1000x64xf32>
    %reduce_sum3A_95 = arith.constant dense<0.000000e+00> : vector<1000xf32>
    %reduce_sum3A_96 = vector.multi_reduction <add>, %exp3A_94, %reduce_sum3A_95 [1] : vector<1000x64xf32> to vector<1000xf32>
    %broadcast_in_dim3A_97 = vector.shape_cast %reduce_sum3A_96 : vector<1000xf32> to vector<1000x1xf32>
    %log3A_98 = math.log %broadcast_in_dim3A_97 : vector<1000x1xf32>
    %sub3A_99 = vector.broadcast %log3A_98 : vector<1000x1xf32> to vector<1000x64xf32>
    %sub3A_100 = arith.subf %sub3A_91, %sub3A_99 : vector<1000x64xf32>
    %swap3A = arith.constant 0 : index
    %swap3A_101 = arith.constant 0 : index
    %swap3A_102 = vector.load %arg7[%swap3A, %swap3A_101] : memref<1000x64xf32, #tpu.memory_space<vmem>>, vector<1000x64xf32>
    tpu.vector_store %arg7[%swap3A, %swap3A_101], %sub3A_100 {strides = array<i32>} : memref<1000x64xf32, #tpu.memory_space<vmem>>, vector<1000x64xf32>,
    return
  }
  func.func @transform_0(%arg0: i32) -> (i32, i32, i32) {
    %c0_i32 = arith.constant 0 : i32
    %c0_i32_0 = arith.constant 0 : i32
    %c0_i32_1 = arith.constant 0 : i32
    return %c0_i32, %arg0, %c0_i32_0 : i32, i32, i32
  }
  func.func @transform_1(%arg0: i32) -> (i32, i32, i32) {
    %c0_i32 = arith.constant 0 : i32
    %c0_i32_0 = arith.constant 0 : i32
    %c0_i32_1 = arith.constant 0 : i32
    %c0_i32_2 = arith.constant 0 : i32
    return %c0_i32, %c0_i32_0, %c0_i32_1 : i32, i32, i32
  }
  func.func @transform_2(%arg0: i32) -> (i32, i32, i32) {
    %c0_i32 = arith.constant 0 : i32
    %c0_i32_0 = arith.constant 0 : i32
    %c0_i32_1 = arith.constant 0 : i32
    %c0_i32_2 = arith.constant 0 : i32
    return %c0_i32, %c0_i32_0, %c0_i32_1 : i32, i32, i32
  }
  func.func @transform_3(%arg0: i32) -> (i32, i32, i32) {
    %c0_i32 = arith.constant 0 : i32
    %c0_i32_0 = arith.constant 0 : i32
    %c0_i32_1 = arith.constant 0 : i32
    %c0_i32_2 = arith.constant 0 : i32
    return %c0_i32, %c0_i32_0, %c0_i32_1 : i32, i32, i32
  }
  func.func @transform_4(%arg0: i32) -> (i32, i32) {
    %c0_i32 = arith.constant 0 : i32
    %c0_i32_0 = arith.constant 0 : i32
    %c0_i32_1 = arith.constant 0 : i32
    return %c0_i32, %c0_i32_0 : i32, i32
  }
  func.func @transform_5(%arg0: i32) -> (i32, i32) {
    %c0_i32 = arith.constant 0 : i32
    %c0_i32_0 = arith.constant 0 : i32
    %c0_i32_1 = arith.constant 0 : i32
    return %c0_i32, %c0_i32_0 : i32, i32
  }
  func.func @transform_6(%arg0: i32) -> (i32, i32) {
    %c0_i32 = arith.constant 0 : i32
    %c0_i32_0 = arith.constant 0 : i32
    return %arg0, %c0_i32 : i32, i32
  }
}

</mosaic_0001>

<sc_bundles>
// kernel: kernel.10.cloned.1.call-start
scs
__scs_entry_jumppad:
0x0: {  	(pc) =	sbr.rel $0x88, $3  }
0x1: {  	(tag) =	ssettag $0x0;
	lr =	simm.s32 $0x1  }
0x2: {  	[smem:$0x3F8D] =	sst lr;
	_ =	strace $0xD0000000  }
0x3: {  	_ = 	snop  }
0x4: {  	_ = 	snop  }
0x5: {  	_ = 	snop  }
0x6: {  	_ = 	snop  }
0x7: {  	_ = 	snop  }
__scs_overlays_trampoline_lowered:
0x8: {  	[smem:$0x3F9C] =	sst s0  }
0x9: {  	[smem:$0x3F9D] =	sst s1  }
0xa: {  	[smem:$0x3F9E] =	sst s2  }
0xb: {  	[smem:$0x3F9F] =	sst s3  }
0xc: {  	[smem:$0x3FA0] =	sst s4  }
0xd: {  	[smem:$0x3FA1] =	sst s5  }
0xe: {  	[smem:$0x3FA2] =	sst s6  }
0xf: {  	[smem:$0x3FA3] =	sst s7  }
0x10: {  	[smem:$0x3FA4] =	sst s8  }
0x11: {  	[smem:$0x3FA5] =	sst s9;
	s0 =	simm.s32 @!p0 $0x0  }
0x12: {  	s1 =	sld [smem:$0x3F8B];
	s0 =	simm.s32 @p0 $0x1  }
0x13: {  	[smem:$0x3FA6] =	sst s0;
	s0 =	simm.s32 @!p1 $0x0  }
0x14: {  	s2 =	sld [smem:$0x3F8A];
	s0 =	simm.s32 @p1 $0x1  }
0x15: {  	[smem:$0x3FA7] =	sst s0;
	s0 =	simm.s32 @!p2 $0x0  }
0x16: {  	s3 =	sld [smem:$0x3FDB];
	s0 =	simm.s32 @p2 $0x1  }
0x17: {  	s4 =	simm.s32 $0x1BF5;
	[smem:$0x3FA9] =	sst s0  }
0x18: {  	s0 =	sld [smem:$0x3F8C];
	_ =	swait.ge [sflag:s4], $0x0  }
0x19: {  	s7 =	sld [smem:$0x3F8D]  }
0x1a: {  	s8 =	sadd.s32 $0xFFFFE003, lr  }
0x1b: {  	s9 =	sadd.s32 $0xFFFFFEF7, lr;
	s5 =	simm.s32 $0xFFFFFFFF;
	p2 =	slt.u32 s8, $0xFFFFF086  }
0x1c: {  	p1 =	slt.u32 s9, $0xF7A;
	s5 =	simm.s32 @!p2 $0x0  }
0x1d: {  	s5 =	simm.s32 @p1 $0x1;
	p0 =	seq.s32 s7, s2  }
0x1e: {  	s7 =	smul.u32 @!p0 $0xF7A, s2;
	p2 =	seq.s32 @!p0 s5, $0x0  }
0x1f: {  	s9 =	smul.u32 $0xF7A, s1;
	s8 =	simm.s32 @!p0 $0x1BF5;
	p2 =	por !p2, p0  }
0x20: {  	[sflag:s8] =	ssyncset.s32 @!p0 $0xFFFFF086;
	s6 =	sadd.s32 @!p0 s3, s7;
	s7 =	simm.s32 @!p0 $0x108  }
0x21: {  	s3 =	sadd.s32 s3, s9;
	s6 =	sadd.s32 @!p0 $0x88, s6;
	s7 =	simm.s32 @p2 $0x1082  }
0x22: {  	[simem:s7], [sflag:s8] =	dma.local @!p0 [hbm:s6], $0xF7A  }
0x23: {  	s9 =	sor.u32 $0xD0000000, s2;
	s6 =	simm.s32 $0x108;
	_ =	swait.ge @!p0 [sflag:s8], $0x0  }
0x24: {  	s3 =	sadd.s32 $0x88, s3;
	s6 =	simm.s32 @!p1 $0x1082;
	[sflag:s4] =	ssyncset.s32 $0xFFFFF086  }
0x25: {  	[simem:s6], [sflag:s4] =	dma.local [hbm:s3], $0xF7A  }
0x26: {  	[smem:$0x3F8D] =	sst s1;
	(tag) =	ssettag s2;
	_ =	strace s9  }
0x27: {  	s1 =	sld [smem:$0x3F9D]  }
0x28: {  	s2 =	sld [smem:$0x3F9E]  }
0x29: {  	s4 =	sld [smem:$0x3FA0]  }
0x2a: {  	p0 =	seq.s32 s5, $0x0;
	s5 =	sld [smem:$0x3FA1]  }
0x2b: {  	s6 =	sld [smem:$0x3FA2]  }
0x2c: {  	s7 =	sld [smem:$0x3FA3]  }
0x2d: {  	s3 =	simm.s32 $0x108;
	s8 =	sld [smem:$0x3FA4]  }
0x2e: {  	s3 =	simm.s32 @!p0 $0x1082;
	s9 =	sld [smem:$0x3FA5]  }
0x2f: {  	lr =	sadd.s32 s0, s3;
	s0 =	sld [smem:$0x3F9C]  }
0x30: {  	s3 =	sld [smem:$0x3F9F]  }
0x31: {  	[smem:$0x3FA8] =	sst s10  }
0x32: {  	s10 =	sld [smem:$0x3FA6];
	_ =	sdelay $0x3  }
0x33: {  	p0 =	seq.s32 s10, $0x1;
	s10 =	sld [smem:$0x3FA8];
	_ =	sdelay $0x3  }
0x34: {  	[smem:$0x3FA8] =	sst s10  }
0x35: {  	s10 =	sld [smem:$0x3FA7];
	_ =	sdelay $0x3  }
0x36: {  	p1 =	seq.s32 s10, $0x1;
	s10 =	sld [smem:$0x3FA8];
	_ =	sdelay $0x3  }
0x37: {  	[smem:$0x3FA8] =	sst s10  }
0x38: {  	s10 =	sld [smem:$0x3FA9]  }
0x39: {  	_ = 	snop;
	(pc) =	sbr.ind lr, $3  }
0x3a: {  	_ = 	snop  }
0x3b: {  	_ = 	snop  }
0x3c: {  	p2 =	seq.s32 s10, $0x1;
	s10 =	sld [smem:$0x3FA8]  }
0x3d: {  	_ =	shalt  }
0x3e: {  	_ =	shalt  }
0x3f: {  	_ =	shalt  }
0x40: {  	_ =	shalt  }
0x41: {  	_ =	shalt  }
0x42: {  	_ =	shalt  }
0x43: {  	_ =	shalt  }
0x44: {  	_ =	shalt  }
0x45: {  	_ =	shalt  }
0x46: {  	_ =	shalt  }
0x47: {  	_ =	shalt  }
0x48: {  	_ =	shalt  }
0x49: {  	_ =	shalt  }
0x4a: {  	_ =	shalt  }
0x4b: {  	_ =	shalt  }
0x4c: {  	_ =	shalt  }
0x4d: {  	_ =	shalt  }
0x4e: {  	_ =	shalt  }
0x4f: {  	_ =	shalt  }
0x50: {  	_ =	shalt  }
0x51: {  	_ =	shalt  }
0x52: {  	_ =	shalt  }
0x53: {  	_ =	shalt  }
0x54: {  	_ =	shalt  }
0x55: {  	_ =	shalt  }
0x56: {  	_ =	shalt  }
0x57: {  	_ =	shalt  }
0x58: {  	_ =	shalt  }
0x59: {  	_ =	shalt  }
0x5a: {  	_ =	shalt  }
0x5b: {  	_ =	shalt  }
0x5c: {  	_ =	shalt  }
0x5d: {  	_ =	shalt  }
0x5e: {  	_ =	shalt  }
0x5f: {  	_ =	shalt  }
0x60: {  	_ =	shalt  }
0x61: {  	_ =	shalt  }
0x62: {  	_ =	shalt  }
0x63: {  	_ =	shalt  }
0x64: {  	_ =	shalt  }
0x65: {  	_ =	shalt  }
0x66: {  	_ =	shalt  }
0x67: {  	_ =	shalt  }
0x68: {  	_ =	shalt  }
0x69: {  	_ =	shalt  }
0x6a: {  	_ =	shalt  }
0x6b: {  	_ =	shalt  }
0x6c: {  	_ =	shalt  }
0x6d: {  	_ =	shalt  }
0x6e: {  	_ =	shalt  }
0x6f: {  	_ =	shalt  }
0x70: {  	_ =	shalt  }
0x71: {  	_ =	shalt  }
0x72: {  	_ =	shalt  }
0x73: {  	_ =	shalt  }
0x74: {  	_ =	shalt  }
0x75: {  	_ =	shalt  }
0x76: {  	_ =	shalt  }
0x77: {  	_ =	shalt  }
0x78: {  	_ =	shalt  }
0x79: {  	_ =	shalt  }
0x7a: {  	_ =	shalt  }
0x7b: {  	_ =	shalt  }
0x7c: {  	_ =	shalt  }
0x7d: {  	_ =	shalt  }
0x7e: {  	_ =	shalt  }
0x7f: {  	_ =	shalt  }
0x80: {  	_ =	shalt  }
0x81: {  	_ =	shalt  }
0x82: {  	_ =	shalt  }
0x83: {  	_ =	shalt  }
0x84: {  	_ =	shalt  }
0x85: {  	_ =	shalt  }
0x86: {  	_ =	shalt  }
0x87: {  	_ =	shalt  }
.Lfunc_end0:
.L_simem_size_0:
called_computation.1_lowered:
.L_overlay_start_0:
0x88: {  	s2 =	sld [smem:$0x3FD9]  }
0x89: {  	s3 =	sld [smem:$0x3FFE];
	_ =	sdelay $0x1  }
0x8a: {  	s1 =	srdreg.scid  }
0x8b: {  	s0 =	sand.u32 $0x1, s1  }
0x8c: {  	s16 =	sshll.u32 s0, $0xA;
	s2 =	sadd.s32 s3, s2  }
0x8d: {  	s2 =	sadd.s32 s2, s16  }
0x8e: {  	[smem:$0x3FB4] =	sst s2  }
0x8f: {  	_ = 	snop  }
0x90: {  	(tm) =	ssettm $0x1  }
0x91: {  	s17 =	sld [smem:$0x3FFB];
	_ =	sdelay $0x3  }
0x92: {  	_ =	strace s17  }
0x93: {  	s2 =	sld [smem:$0x3FFC];
	_ =	sdelay $0x3  }
0x94: {  	_ =	strace s2  }
0x95: {  	s2 =	sld [smem:$0x3FFD];
	_ =	sdelay $0x3  }
0x96: {  	_ =	strace s2  }
0x97: {  	_ =	strace $0x8FFFFFFF  }
0x98: {  	s18 =	sld [smem:$0x3FDB];
	_ =	sdelay $0x1  }
0x99: {  	s19 =	simm.s32 $_scs_section_size  }
0x9a: {  	s4 =	simm.s32 $_size__tile_overlayer_lowered;
	s5 =	simm.s32 $_tile_overlayer_lowered  }
0x9b: {  	s22 =	simm.s32 $0x1BFF;
	s21 =	sshll.u32 s5, $0x1;
	s2 =	sadd.s32 s19, s18  }
0x9c: {  	s6 =	simm.s32 $0x0;
	s20 =	sshll.u32 s4, $0x1;
	s4 =	sadd.s32 s21, s2  }
0x9d: {  	[timem:s6], [sflag:s22] =	dma.local [hbm:s4], s20  }
0x9e: {  	_ =	swait.ge [sflag:s22], s20  }
0x9f: {  	s3 =	ssub.s32 $0x0, s20;
	[sflag:s22] =	ssyncset.done $0x0  }
0xa0: {  	[sflag:s22] =	ssyncadd.s32 s3;
	_ =	sdelay $0x1  }
0xa1: {  	s23 =	simm.s32 $0x1B8B  }
0xa2: {  	_ =	swait.ge [sflag:s23], $0x1  }
0xa3: {  	[sflag:s23] =	ssyncset.done $0x0  }
0xa4: {  	s25 =	simm.s32 $0x1B8E;
	s24 =	sld [smem:$0x3FFE];
	[sflag:s23] =	ssyncadd.s32 $0xFFFFFFFF  }
0xa5: {  	s26 =	simm.s32 $execute0_lowered;
	[smem:$0x3FD2] =	sst s25  }
0xa6: {  	s4 =	sshll.u32 s26, $0x1;
	_ =	strace $0x80000049;
	[dreg:$0x1] =	wrdreg $0xFFFFFFFF  }
0xa7: {  	s28 =	simm.s32 $_size_execute0_lowered;
	s2 =	sadd.s32 s2, s4;
	[dreg:$0x0] =	wrdreg $0x0  }
0xa8: {  	s4 =	sshll.u32 s28, $0x1;
	[dreg:$0x2] =	wrdreg s2  }
0xa9: {  	[dreg:$0x3] =	wrdreg s4  }
0xaa: {  	[dreg:$0x4] =	wrdreg $0xC0  }
0xab: {  	_ =	task [dreg:s6], $0x5FFFF  }
0xac: {  	[dreg:$0x1] =	wrdreg $0xFFFFFFFF  }
0xad: {  	[dreg:$0x0] =	wrdreg $0x60  }
0xae: {  	[dreg:$0x2] =	wrdreg s24  }
0xaf: {  	[dreg:$0x3] =	wrdreg $0x80000  }
0xb0: {  	[dreg:$0x4] =	wrdreg $0x9  }
0xb1: {  	_ =	task.clear_ibuf [dreg:s6], $0x5FFFF;
	_ =	strace $0x90000049  }
0xb2: {  	s29 =	simm.s32 $0x9;
	_ =	strace $0x8000004B  }
0xb3: {  	_ =	swait.ge [sflag:s29], $0x1  }
0xb4: {  	[sflag:s29] =	ssyncadd.s32 $0xFFFFFFFF  }
0xb5: {  	_ =	strace $0x9000004B  }
0xb6: {  	_ =	sfence  }
0xb7: {  	s30 =	sld [smem:$0x0];
	_ =	sdelay $0x2  }
0xb8: {  	s31 =	sshll.u32 s1, $0xD;
	s1 =	sshrl.u32 s1, $0x2  }
0xb9: {  	s3 =	sand.u32 $0x4000, s31;
	s1 =	sadd.s32 s1, s30  }
0xba: {  	s0 =	sor.u32 s3, s0;
	s1 =	sshll.u32 s1, $0x11  }
0xbb: {  	s0 =	sor.u32 s1, s0  }
0xbc: {  	s0 =	sadd.s32 $0x8F2B, s0  }
0xbd: {  	[sflag:s0] =	ssyncadd.remote.s32 $0x1  }
0xbe: {  	_ =	sfence.sel $0xFFFF  }
0xbf: {  	[dreg:$0x0] =	wrdreg $0xFFFFFFFF;
	(pc) =	sbr.abs _section_cstart, $3  }
0xc0: {  	[dreg:$0x1] =	wrdreg $0xFFFFFFFF  }
0xc1: {  	_ =	task.clear_ibuf [dreg:s6], $0x2FFFF;
	_ =	strace $0x9FFFFFFF  }
0xc2: {  	(tm) =	ssettm $0x7FFFFFFF  }
0xc3: {  	_ =	shalt  }
tec
execute0_lowered:
.L_overlay_start_1:
0x0: {  	(tag) =	ssettag $0x1  }
0x1: {  	s8 =	rddreg [dreg:$0x0]  }
0x2: {  	s1 =	rddreg [dreg:$0x1];
	s2 =	srdreg.scid  }
0x3: {  	s0 =	rddreg [dreg:$0x2];
	s3 =	simm.s32 $0x0;
	s15 =	simm.s32 $0x800  }
0x4: {  	s16 =	simm.s32 $0x1000;
	s17 =	simm.s32 $0x80;
	s9 =	sand.u32 $0x1, s2  }
0x5: {  	s18 =	simm.s32 $0x1800;
	s2 =	stileid.u32;
	s7 =	smul.u32 $0x138800, s9  }
0x6: {  	s19 =	simm.s32 $0x1;
	s20 =	simm.s32 $0x0;
	s10 =	smul.u32 $0x2800, s2  }
0x7: {  	[smem:$0x7FF] =	sst s3;
	s4 =	sadd.s32 $0x3F800, s8;
	s11 =	smul.u32 $0x50000, s9  }
0x8: {  	s5 =	sadd.s32 $0x3800, s8;
	s6 =	sadd.s32 $0x17800, s8;
	s29 =	smul.u32 $0xA000, s2  }
0x9: {  	_ =	strace $0x8000004A;
	s28 =	ssub.s32 $0x2, s9;
	s14 =	smul.u32 $0x5000, s2  }
0xa: {  	s13 =	ssub.s32 $0x8C, s2;
	s30 =	sshrl.u32 s28, $0x1;
	s10 =	sadd.s32 s10, s7  }
0xb: {  	s7 =	sadd.s32 $0x2B800, s8;
	s31 =	sshrl.u32 s29, $0x2;
	s9 =	sadd.s32 s14, s11  }
0xc: {  	s14 =	simm.s32 $0x2;
	s10 =	sshrl.u32 s10, $0x3;
	s11 =	sadd.s32 s31, s1  }
0xd: {  	s12 =	sadd.s32 s10, s8;
	s10 =	ssub.s32 s28, s30;
	s8 =	sshrl.u32 s13, $0x4  }
0xe: {  	v0 =	vimm.f32 $0.0e+00;
	s13 =	simm.s32 $0x5800;
	s10 =	smax.u32 s10, $0x1;
	s12 =	sadd.s32 $0x8DA00, s12  }
.LBB2_1:
0xf: {  	s21 =	simm.s32 $0x0;
	s22 =	simm.s32 $0x200  }
.LBB2_2:
0x10: {  	p0 =	sne.s32 s22, $0x9E00;
	[tilespmem:s21+$0x5870] =	vst v0  }
0x11: {  	[tilespmem:s21+$0x5800] =	vst v0  }
0x12: {  	[tilespmem:s21+$0x5810] =	vst v0  }
.Ltmp0:
0x13: {  	[tilespmem:s21+$0x5820] =	vst v0;
	(pc) =	sbr.rel @p0 .LBB2_2-.Ltmp0, $4  }
0x14: {  	[tilespmem:s21+$0x5830] =	vst v0  }
0x15: {  	[tilespmem:s21+$0x5840] =	vst v0  }
0x16: {  	[tilespmem:s21+$0x5850] =	vst v0  }
0x17: {  	[tilespmem:s21+$0x5860] =	vst v0;
	s21 =	sshra.s32 s22, $0x2;
	s22 =	sadd.s32 $0x200, s22  }
0x18: {  	[tilespmem:s21+$0x5870] =	vst v0  }
0x19: {  	[tilespmem:s21+$0x5800] =	vst v0  }
0x1a: {  	[tilespmem:s21+$0x5810] =	vst v0  }
0x1b: {  	[tilespmem:s21+$0x5820] =	vst v0  }
0x1c: {  	[tilespmem:s21+$0x5830] =	vst v0  }
0x1d: {  	[tilespmem:s21+$0x5840] =	vst v0;
	p0 =	sne.s32 s8, $0x1  }
.Ltmp1:
0x1e: {  	[tilespmem:s21+$0x5850] =	vst v0;
	(pc) =	sbr.rel @!p0 .LBB2_5-.Ltmp1, $4  }
0x1f: {  	[tilespmem:s21+$0x5860] =	vst v0  }
0x20: {  	[spmem:s11] =	stream.linear.scatter [tilespmem:s13], [sflag:$0x2], $0x2800, $0x38;
	[tilespmem:$0x1B880] =	vst v63  }
0x21: {  	_ =	swait.ge [sflag:s14], $0x2800  }
0x22: {  	s21 =	sadd.s32 $0xFFFFFFFF, s8;
	s22 =	smov.u32 s11;
	[sflag:s14] =	ssyncset.done $0x0  }
.LBB2_4:
0x23: {  	p1 =	sne.s32 s21, $0x1;
	[sflag:s14] =	ssyncadd.s32 $0xFFFFD800;
	s22 =	sadd.s32 $0x28000, s22  }
.Ltmp2:
0x24: {  	s21 =	sadd.s32 $0xFFFFFFFF, s21;
	(pc) =	sbr.rel @p1 .LBB2_4-.Ltmp2, $4  }
0x25: {  	_ = 	snop  }
0x26: {  	[spmem:s22] =	stream.linear.scatter [tilespmem:s13], [sflag:$0x2], $0x2800, $0x38;
	[tilespmem:$0x1B880] =	vst v63  }
0x27: {  	_ =	swait.ge [sflag:s14], $0x2800  }
0x28: {  	[sflag:s14] =	ssyncset.done $0x0  }
.LBB2_5:
0x29: {  	[sflag:s14] =	ssyncadd.s32 $0xFFFFD800  }
0x2a: {  	s21 =	simm.s32 $0x0;
	s22 =	simm.s32 $0x0;
	[bflag:$0x0] =	sbarrier.arrive $0xFFFF  }
.LBB2_6:
0x2b: {  	s23 =	sshll.u32 s22, $0xB  }
0x2c: {  	s23 =	sadd.s32 s23, s9  }
0x2d: {  	s23 =	sshrl.u32 s23, $0x3  }
0x2e: {  	s24 =	sadd.s32 s5, s23  }
0x2f: {  	[tilespmem:s21], [sflag:$0x2] =	stream.linear.gather [hbm4b:s24+s21], $0x800, $0x38;
	[tilespmem:$0x1B880] =	vst v63  }
0x30: {  	_ =	swait.ge [sflag:s14], $0x800  }
0x31: {  	[sflag:s14] =	ssyncset.done $0x0  }
0x32: {  	s31 =	sadd.s32 s6, s23;
	[sflag:s14] =	ssyncadd.s32 $0xFFFFF800  }
0x33: {  	[tilespmem:s15], [sflag:$0x2] =	stream.linear.gather [hbm4b:s31+s21], $0x800, $0x38;
	[tilespmem:$0x1B880] =	vst v63  }
0x34: {  	_ =	swait.ge [sflag:s14], $0x800  }
0x35: {  	[sflag:s14] =	ssyncset.done $0x0  }
0x36: {  	s23 =	sadd.s32 s7, s23;
	[sflag:s14] =	ssyncadd.s32 $0xFFFFF800  }
0x37: {  	[tilespmem:s16], [sflag:$0x2] =	stream.linear.gather [hbm4b:s23+s21], $0x800, $0x38;
	[tilespmem:$0x1B880] =	vst v63  }
0x38: {  	_ =	swait.ge [sflag:s14], $0x800  }
0x39: {  	[sflag:s14] =	ssyncset.done $0x0  }
0x3a: {  	s23 =	simm.s32 $0x0;
	[sflag:s14] =	ssyncadd.s32 $0xFFFFF800  }
.LBB2_7:
0x3b: {  	s24 =	sshll.u32 s23, $0x7  }
0x3c: {  	s25 =	sadd.s32 $0x1000, s24  }
0x3d: {  	v1 =	vmov s25  }
0x3e: {  	[tilespmem:s18], [sflag:$0x1] =	stream.indirect.gather [hbm4b:s4+s17], $0x80, s24, s17, $0xb8;
	[tilespmem:$0x1B880] =	vst v63  }
0x3f: {  	_ =	swait.ge [sflag:s19], $0x4000  }
0x40: {  	s31 =	simm.s32 $0x0;
	[sflag:s19] =	ssyncset.done $0x0  }
0x41: {  	s26 =	simm.s32 $0x0;
	s25 =	sand.u32 $0x3FFFFFF0, s31;
	[sflag:s19] =	ssyncadd.s32 $0xFFFFC000  }
0x42: {  	v2 =	vld.idx.msk [tilespmem:v1+s25+$0x0 ss:$0x1], $0xffff;
	s25 =	sand.u32 $0x3FFFF800, s26  }
0x43: {  	v8 =	vld [tilespmem:s25+$0x18C0]  }
0x44: {  	v4 =	vld [tilespmem:s25+$0x1820]  }
0x45: {  	v5 =	vld [tilespmem:s25+$0x1830]  }
0x46: {  	v11 =	vld [tilespmem:s25+$0x1860]  }
0x47: {  	v12 =	vld [tilespmem:s25+$0x1870];
	v3 =	vbroadcast v2, $0x0  }
0x48: {  	v13 =	vld [tilespmem:s25+$0x1880]  }
0x49: {  	v14 =	vld [tilespmem:s25+$0x1890];
	v4 =	vmul.f32 v4, v3  }
0x4a: {  	v15 =	vld [tilespmem:s25+$0x18A0];
	v5 =	vmul.f32 v5, v3  }
0x4b: {  	v10 =	vld [tilespmem:s25+$0x18B0];
	v21 =	vbroadcast v2, $0x1;
	v20 =	vmul.f32 v11, v3;
	[tilespmem:s25+$0x1820] =	vst v4  }
0x4c: {  	v9 =	vld [tilespmem:s25+$0x18D0];
	v12 =	vmul.f32 v12, v3;
	[tilespmem:s25+$0x1830] =	vst v5  }
0x4d: {  	v7 =	vld [tilespmem:s25+$0x1D70];
	v13 =	vmul.f32 v13, v21;
	[tilespmem:s25+$0x1860] =	vst v20  }
0x4e: {  	v23 =	vld [tilespmem:s25+$0x18F0];
	v14 =	vmul.f32 v14, v21;
	[tilespmem:s25+$0x1870] =	vst v12  }
0x4f: {  	v24 =	vld [tilespmem:s25+$0x1900];
	v15 =	vmul.f32 v15, v21;
	[tilespmem:s25+$0x1880] =	vst v13  }
0x50: {  	v25 =	vld [tilespmem:s25+$0x1910];
	v10 =	vmul.f32 v10, v21;
	[tilespmem:s25+$0x1890] =	vst v14  }
0x51: {  	v22 =	vld [tilespmem:s25+$0x18E0];
	v8 =	vmul.f32 v8, v21;
	[tilespmem:s25+$0x18A0] =	vst v15  }
0x52: {  	v26 =	vld [tilespmem:s25+$0x1920];
	v16 =	vbroadcast v2, $0x2;
	v9 =	vmul.f32 v9, v21;
	[tilespmem:s25+$0x18B0] =	vst v10  }
0x53: {  	v27 =	vld [tilespmem:s25+$0x1930];
	v11 =	vmul.f32 v23, v21;
	[tilespmem:s25+$0x18C0] =	vst v8  }
0x54: {  	v28 =	vld [tilespmem:s25+$0x1940];
	v6 =	vbroadcast v2, $0xA;
	v30 =	vmul.f32 v24, v16;
	[tilespmem:s25+$0x18D0] =	vst v9  }
0x55: {  	v29 =	vld [tilespmem:s25+$0x1950];
	v32 =	vmul.f32 v25, v16;
	[tilespmem:s25+$0x18F0] =	vst v11  }
0x56: {  	v31 =	vld [tilespmem:s25+$0x1960];
	v4 =	vmul.f32 v7, v6;
	[tilespmem:s25+$0x1900] =	vst v30  }
0x57: {  	v33 =	vld [tilespmem:s25+$0x1970];
	v12 =	vmul.f32 v22, v21;
	[tilespmem:s25+$0x1910] =	vst v32  }
0x58: {  	v34 =	vld [tilespmem:s25+$0x1980];
	v10 =	vmul.f32 v26, v16;
	[tilespmem:s25+$0x1D70] =	vst v4  }
0x59: {  	v35 =	vld [tilespmem:s25+$0x1990];
	v8 =	vmul.f32 v27, v16;
	[tilespmem:s25+$0x18E0] =	vst v12  }
0x5a: {  	v36 =	vld [tilespmem:s25+$0x19A0];
	v9 =	vmul.f32 v28, v16;
	[tilespmem:s25+$0x1920] =	vst v10  }
0x5b: {  	v37 =	vld [tilespmem:s25+$0x19B0];
	v39 =	vbroadcast v2, $0x3;
	v11 =	vmul.f32 v31, v16;
	[tilespmem:s25+$0x1930] =	vst v8  }
0x5c: {  	v38 =	vld [tilespmem:s25+$0x19C0];
	v13 =	vmul.f32 v33, v16;
	[tilespmem:s25+$0x1940] =	vst v9  }
0x5d: {  	v40 =	vld [tilespmem:s25+$0x19D0];
	v14 =	vmul.f32 v34, v39;
	[tilespmem:s25+$0x1960] =	vst v11  }
0x5e: {  	v41 =	vld [tilespmem:s25+$0x19E0];
	v12 =	vmul.f32 v29, v16;
	[tilespmem:s25+$0x1970] =	vst v13  }
0x5f: {  	v42 =	vld [tilespmem:s25+$0x19F0];
	v10 =	vmul.f32 v35, v39;
	[tilespmem:s25+$0x1980] =	vst v14  }
0x60: {  	v43 =	vld [tilespmem:s25+$0x1A00];
	v8 =	vmul.f32 v36, v39;
	[tilespmem:s25+$0x1950] =	vst v12  }
0x61: {  	v44 =	vld [tilespmem:s25+$0x1A10];
	v9 =	vmul.f32 v37, v39;
	[tilespmem:s25+$0x1990] =	vst v10  }
0x62: {  	v45 =	vld [tilespmem:s25+$0x1A20];
	v11 =	vmul.f32 v40, v39;
	[tilespmem:s25+$0x19A0] =	vst v8  }
0x63: {  	v46 =	vld [tilespmem:s25+$0x1A30];
	v13 =	vmul.f32 v41, v39;
	[tilespmem:s25+$0x19B0] =	vst v9  }
0x64: {  	v47 =	vld [tilespmem:s25+$0x1A40];
	v48 =	vbroadcast v2, $0x4;
	v14 =	vmul.f32 v42, v39;
	[tilespmem:s25+$0x19D0] =	vst v11  }
0x65: {  	v49 =	vld [tilespmem:s25+$0x1A50];
	v12 =	vmul.f32 v38, v39;
	[tilespmem:s25+$0x19E0] =	vst v13  }
0x66: {  	v50 =	vld [tilespmem:s25+$0x1A60];
	v10 =	vmul.f32 v43, v48;
	[tilespmem:s25+$0x19F0] =	vst v14  }
0x67: {  	v51 =	vld [tilespmem:s25+$0x1A70];
	v8 =	vmul.f32 v44, v48;
	[tilespmem:s25+$0x19C0] =	vst v12  }
0x68: {  	v52 =	vld [tilespmem:s25+$0x1A80];
	v9 =	vmul.f32 v45, v48;
	[tilespmem:s25+$0x1A00] =	vst v10  }
0x69: {  	v53 =	vld [tilespmem:s25+$0x1A90];
	v11 =	vmul.f32 v47, v48;
	[tilespmem:s25+$0x1A10] =	vst v8  }
0x6a: {  	v54 =	vld [tilespmem:s25+$0x1AA0];
	v13 =	vmul.f32 v49, v48;
	[tilespmem:s25+$0x1A20] =	vst v9  }
0x6b: {  	v55 =	vld [tilespmem:s25+$0x1AB0];
	v14 =	vmul.f32 v50, v48;
	[tilespmem:s25+$0x1A40] =	vst v11  }
0x6c: {  	v56 =	vld [tilespmem:s25+$0x1AC0];
	v57 =	vbroadcast v2, $0x5;
	v12 =	vmul.f32 v46, v48;
	[tilespmem:s25+$0x1A50] =	vst v13  }
0x6d: {  	v58 =	vld [tilespmem:s25+$0x1AD0];
	v10 =	vmul.f32 v51, v48;
	[tilespmem:s25+$0x1A60] =	vst v14  }
0x6e: {  	v59 =	vld [tilespmem:s25+$0x1AE0];
	v8 =	vmul.f32 v52, v57;
	[tilespmem:s25+$0x1A30] =	vst v12  }
0x6f: {  	v60 =	vld [tilespmem:s25+$0x1AF0];
	v9 =	vmul.f32 v53, v57;
	[tilespmem:s25+$0x1A70] =	vst v10  }
0x70: {  	v61 =	vld [tilespmem:s25+$0x1B00];
	v11 =	vmul.f32 v55, v57;
	[tilespmem:s25+$0x1A80] =	vst v8  }
0x71: {  	v62 =	vld [tilespmem:s25+$0x1B10];
	v13 =	vmul.f32 v56, v57;
	[tilespmem:s25+$0x1A90] =	vst v9  }
0x72: {  	v63 =	vld [tilespmem:s25+$0x1B20];
	v14 =	vmul.f32 v58, v57;
	[tilespmem:s25+$0x1AB0] =	vst v11  }
0x73: {  	v20 =	vld [tilespmem:s25+$0x1B30];
	v12 =	vmul.f32 v54, v57;
	[tilespmem:s25+$0x1AC0] =	vst v13  }
0x74: {  	v21 =	vld [tilespmem:s25+$0x1B40];
	v22 =	vbroadcast v2, $0x6;
	v10 =	vmul.f32 v59, v57;
	[tilespmem:s25+$0x1AD0] =	vst v14  }
0x75: {  	v23 =	vld [tilespmem:s25+$0x1B50];
	v8 =	vmul.f32 v60, v57;
	[tilespmem:s25+$0x1AA0] =	vst v12  }
0x76: {  	v24 =	vld [tilespmem:s25+$0x1B60];
	v9 =	vmul.f32 v61, v22;
	[tilespmem:s25+$0x1AE0] =	vst v10  }
0x77: {  	v25 =	vld [tilespmem:s25+$0x1B70];
	v11 =	vmul.f32 v63, v22;
	[tilespmem:s25+$0x1AF0] =	vst v8  }
0x78: {  	v5 =	vld [tilespmem:s25+$0x1D80];
	v13 =	vmul.f32 v20, v22;
	[tilespmem:s25+$0x1B00] =	vst v9  }
0x79: {  	v27 =	vld [tilespmem:s25+$0x1B90];
	v14 =	vmul.f32 v21, v22;
	[tilespmem:s25+$0x1B20] =	vst v11  }
0x7a: {  	v28 =	vld [tilespmem:s25+$0x1BA0];
	v12 =	vmul.f32 v62, v22;
	[tilespmem:s25+$0x1B30] =	vst v13  }
0x7b: {  	v29 =	vld [tilespmem:s25+$0x1BB0];
	v10 =	vmul.f32 v23, v22;
	[tilespmem:s25+$0x1B40] =	vst v14  }
0x7c: {  	v31 =	vbroadcast v2, $0x7;
	v53 =	vld [tilespmem:s25+$0x1D00];
	v8 =	vmul.f32 v24, v22;
	[tilespmem:s25+$0x1B10] =	vst v12  }
0x7d: {  	v58 =	vld [tilespmem:s25+$0x1D50];
	v9 =	vmul.f32 v25, v22;
	[tilespmem:s25+$0x1B50] =	vst v10  }
0x7e: {  	v26 =	vld [tilespmem:s25+$0x1B80];
	v11 =	vmul.f32 v27, v31;
	[tilespmem:s25+$0x1B60] =	vst v8  }
0x7f: {  	v30 =	vld [tilespmem:s25+$0x1BC0];
	v13 =	vmul.f32 v28, v31;
	[tilespmem:s25+$0x1B70] =	vst v9  }
0x80: {  	v32 =	vld [tilespmem:s25+$0x1BD0];
	v14 =	vmul.f32 v29, v31;
	[tilespmem:s25+$0x1B90] =	vst v11  }
0x81: {  	v33 =	vld [tilespmem:s25+$0x1BE0];
	v59 =	vmul.f32 v53, v6;
	[tilespmem:s25+$0x1BA0] =	vst v13  }
0x82: {  	v35 =	vld [tilespmem:s25+$0x1C00];
	v21 =	vmul.f32 v58, v6;
	[tilespmem:s25+$0x1BB0] =	vst v14  }
0x83: {  	v36 =	vld [tilespmem:s25+$0x1C10];
	v12 =	vmul.f32 v26, v31;
	[tilespmem:s25+$0x1D00] =	vst v59  }
0x84: {  	v37 =	vld [tilespmem:s25+$0x1C20];
	v10 =	vmul.f32 v30, v31;
	[tilespmem:s25+$0x1D50] =	vst v21  }
0x85: {  	v7 =	vld [tilespmem:s25+$0x1D90];
	v40 =	vbroadcast v2, $0x8;
	v8 =	vmul.f32 v32, v31;
	[tilespmem:s25+$0x1B80] =	vst v12  }
0x86: {  	v34 =	vld [tilespmem:s25+$0x1BF0];
	v9 =	vmul.f32 v33, v31;
	[tilespmem:s25+$0x1BC0] =	vst v10  }
0x87: {  	v57 =	vld [tilespmem:s25+$0x1D40];
	v11 =	vmul.f32 v35, v40;
	[tilespmem:s25+$0x1BD0] =	vst v8  }
0x88: {  	v61 =	vld [tilespmem:s25+$0x1800];
	v24 =	vbroadcast v2, $0xB;
	v13 =	vmul.f32 v36, v40;
	[tilespmem:s25+$0x1BE0] =	vst v9  }
0x89: {  	v4 =	vld [tilespmem:s25+$0x1FD0];
	v14 =	vmul.f32 v37, v40;
	[tilespmem:s25+$0x1C00] =	vst v11  }
0x8a: {  	v38 =	vld [tilespmem:s25+$0x1C30];
	v5 =	vmul.f32 v5, v24;
	[tilespmem:s25+$0x1C10] =	vst v13  }
0x8b: {  	v39 =	vld [tilespmem:s25+$0x1C40];
	v7 =	vmul.f32 v7, v24;
	[tilespmem:s25+$0x1C20] =	vst v14  }
0x8c: {  	v41 =	vld [tilespmem:s25+$0x1C50];
	v19 =	vmul.f32 v57, v6;
	[tilespmem:s25+$0x1D80] =	vst v5  }
0x8d: {  	v43 =	vld [tilespmem:s25+$0x1C70];
	v25 =	vmul.f32 v3, v61;
	[tilespmem:s25+$0x1D90] =	vst v7  }
0x8e: {  	v44 =	vld [tilespmem:s25+$0x1C80];
	v12 =	vmul.f32 v34, v31;
	[tilespmem:s25+$0x1D40] =	vst v19  }
0x8f: {  	v45 =	vld [tilespmem:s25+$0x1C90];
	v10 =	vmul.f32 v38, v40;
	[tilespmem:s25+$0x1800] =	vst v25  }
0x90: {  	v27 =	vld [tilespmem:s25+$0x1DD0];
	v8 =	vmul.f32 v39, v40;
	[tilespmem:s25+$0x1BF0] =	vst v12  }
0x91: {  	v49 =	vbroadcast v2, $0x9;
	v29 =	vld [tilespmem:s25+$0x1DF0];
	v9 =	vmul.f32 v41, v40;
	[tilespmem:s25+$0x1C30] =	vst v10  }
0x92: {  	v42 =	vld [tilespmem:s25+$0x1C60];
	v11 =	vmul.f32 v43, v40;
	[tilespmem:s25+$0x1C40] =	vst v8  }
0x93: {  	v46 =	vld [tilespmem:s25+$0x1CA0];
	v13 =	vmul.f32 v44, v49;
	[tilespmem:s25+$0x1C50] =	vst v9  }
0x94: {  	v47 =	vld [tilespmem:s25+$0x1CB0];
	v14 =	vmul.f32 v45, v49;
	[tilespmem:s25+$0x1C70] =	vst v11  }
0x95: {  	v48 =	vld [tilespmem:s25+$0x1CC0];
	v32 =	vmul.f32 v27, v24;
	[tilespmem:s25+$0x1C80] =	vst v13  }
0x96: {  	v51 =	vld [tilespmem:s25+$0x1CE0];
	v7 =	vmul.f32 v29, v24;
	[tilespmem:s25+$0x1C90] =	vst v14  }
0x97: {  	v52 =	vld [tilespmem:s25+$0x1CF0];
	v12 =	vmul.f32 v42, v40;
	[tilespmem:s25+$0x1DD0] =	vst v32  }
0x98: {  	v10 =	vmul.f32 v46, v49;
	[tilespmem:s25+$0x1DF0] =	vst v7  }
0x99: {  	v28 =	vld [tilespmem:s25+$0x1DE0];
	v8 =	vmul.f32 v47, v49;
	[tilespmem:s25+$0x1C60] =	vst v12  }
0x9a: {  	v30 =	vld [tilespmem:s25+$0x1E00];
	v9 =	vmul.f32 v48, v49;
	[tilespmem:s25+$0x1CA0] =	vst v10  }
0x9b: {  	v50 =	vld [tilespmem:s25+$0x1CD0];
	v5 =	vbroadcast v2, $0xF;
	v11 =	vmul.f32 v51, v49;
	[tilespmem:s25+$0x1CB0] =	vst v8  }
0x9c: {  	v54 =	vld [tilespmem:s25+$0x1D10];
	v13 =	vmul.f32 v52, v49;
	[tilespmem:s25+$0x1CC0] =	vst v9  }
0x9d: {  	v55 =	vld [tilespmem:s25+$0x1D20];
	v35 =	vbroadcast v2, $0xC;
	v4 =	vmul.f32 v4, v5;
	[tilespmem:s25+$0x1CE0] =	vst v11  }
0x9e: {  	v56 =	vld [tilespmem:s25+$0x1D30];
	v40 =	vmul.f32 v28, v24;
	[tilespmem:s25+$0x1CF0] =	vst v13  }
0x9f: {  	v60 =	vld [tilespmem:s25+$0x1D60];
	v16 =	vmul.f32 v30, v35;
	[tilespmem:s25+$0x1FD0] =	vst v4  }
0xa0: {  	v62 =	vld [tilespmem:s25+$0x1810];
	v12 =	vmul.f32 v50, v49;
	[tilespmem:s25+$0x1DE0] =	vst v40  }
0xa1: {  	v63 =	vld [tilespmem:s25+$0x1840];
	v10 =	vmul.f32 v54, v6;
	[tilespmem:s25+$0x1E00] =	vst v16  }
0xa2: {  	v20 =	vld [tilespmem:s25+$0x1850];
	v8 =	vmul.f32 v55, v6;
	[tilespmem:s25+$0x1CD0] =	vst v12  }
0xa3: {  	v33 =	vld [tilespmem:s25+$0x1E30];
	v9 =	vmul.f32 v56, v6;
	[tilespmem:s25+$0x1D10] =	vst v10  }
0xa4: {  	v61 =	vld [tilespmem:s25+$0x1FF0];
	v6 =	vmul.f32 v60, v6;
	[tilespmem:s25+$0x1D20] =	vst v8  }
0xa5: {  	v38 =	vld [tilespmem:s25+$0x1E70];
	v13 =	vmul.f32 v62, v3;
	[tilespmem:s25+$0x1D30] =	vst v9  }
0xa6: {  	v22 =	vld [tilespmem:s25+$0x1DA0];
	v4 =	vmul.f32 v63, v3;
	[tilespmem:s25+$0x1D60] =	vst v6  }
0xa7: {  	v23 =	vld [tilespmem:s25+$0x1DB0];
	v3 =	vmul.f32 v20, v3;
	[tilespmem:s25+$0x1810] =	vst v13  }
0xa8: {  	v26 =	vld [tilespmem:s25+$0x1DC0];
	v62 =	vmul.f32 v33, v35;
	[tilespmem:s25+$0x1840] =	vst v4  }
0xa9: {  	v31 =	vld [tilespmem:s25+$0x1E10];
	v63 =	vmul.f32 v61, v5;
	[tilespmem:s25+$0x1850] =	vst v3  }
0xaa: {  	v34 =	vld [tilespmem:s25+$0x1E40];
	v16 =	vmul.f32 v38, v35;
	[tilespmem:s25+$0x1E30] =	vst v62  }
0xab: {  	v41 =	vld [tilespmem:s25+$0x1EA0];
	v8 =	vmul.f32 v22, v24;
	[tilespmem:s25+$0x1FF0] =	vst v63  }
0xac: {  	v46 =	vld [tilespmem:s25+$0x1EE0];
	v9 =	vmul.f32 v23, v24;
	[tilespmem:s25+$0x1E70] =	vst v16  }
0xad: {  	v6 =	vmul.f32 v26, v24;
	v3 =	vld [tilespmem:s25+$0x1E90];
	[tilespmem:s25+$0x1DA0] =	vst v8  }
0xae: {  	v36 =	vld [tilespmem:s25+$0x1E50];
	v44 =	vbroadcast v2, $0xD;
	v10 =	vmul.f32 v31, v35;
	[tilespmem:s25+$0x1DB0] =	vst v9  }
0xaf: {  	v37 =	vld [tilespmem:s25+$0x1E60];
	v13 =	vmul.f32 v34, v35;
	[tilespmem:s25+$0x1DC0] =	vst v6  }
0xb0: {  	v39 =	vld [tilespmem:s25+$0x1E80];
	v12 =	vmul.f32 v41, v44;
	[tilespmem:s25+$0x1E10] =	vst v10  }
0xb1: {  	v42 =	vld [tilespmem:s25+$0x1EB0];
	v51 =	vmul.f32 v46, v44;
	[tilespmem:s25+$0x1E40] =	vst v13  }
0xb2: {  	v48 =	vld [tilespmem:s25+$0x1F10];
	[tilespmem:s25+$0x1EA0] =	vst v12;
	v3 =	vmul.f32 v3, v44  }
0xb3: {  	v49 =	vld [tilespmem:s25+$0x1F20];
	v9 =	vmul.f32 v36, v35;
	[tilespmem:s25+$0x1EE0] =	vst v51  }
0xb4: {  	v6 =	vmul.f32 v37, v35;
	[tilespmem:s25+$0x1E90] =	vst v3;
	v3 =	vld [tilespmem:s25+$0x1F00]  }
0xb5: {  	v2 =	vbroadcast v2, $0xE;
	v50 =	vld [tilespmem:s25+$0x1F30];
	v10 =	vmul.f32 v39, v44;
	[tilespmem:s25+$0x1E50] =	vst v9  }
0xb6: {  	v45 =	vld [tilespmem:s25+$0x1ED0];
	v13 =	vmul.f32 v42, v44;
	[tilespmem:s25+$0x1E60] =	vst v6  }
0xb7: {  	v47 =	vld [tilespmem:s25+$0x1EF0];
	v12 =	vmul.f32 v48, v2;
	[tilespmem:s25+$0x1E80] =	vst v10  }
0xb8: {  	v43 =	vld [tilespmem:s25+$0x1EC0];
	v11 =	vmul.f32 v49, v2;
	[tilespmem:s25+$0x1EB0] =	vst v13  }
0xb9: {  	v55 =	vld [tilespmem:s25+$0x1F80];
	[tilespmem:s25+$0x1F10] =	vst v12;
	v3 =	vmul.f32 v3, v2  }
0xba: {  	v57 =	vld [tilespmem:s25+$0x1FA0];
	v7 =	vmul.f32 v50, v2;
	[tilespmem:s25+$0x1F20] =	vst v11  }
0xbb: {  	v6 =	vmul.f32 v45, v44;
	[tilespmem:s25+$0x1F00] =	vst v3;
	v3 =	vld [tilespmem:s25+$0x1F70]  }
0xbc: {  	v52 =	vld [tilespmem:s25+$0x1F40];
	v10 =	vmul.f32 v47, v44;
	[tilespmem:s25+$0x1F30] =	vst v7  }
0xbd: {  	v56 =	vld [tilespmem:s25+$0x1F90];
	v9 =	vmul.f32 v43, v44;
	[tilespmem:s25+$0x1ED0] =	vst v6  }
0xbe: {  	v54 =	vld [tilespmem:s25+$0x1F60];
	v12 =	vmul.f32 v55, v5;
	[tilespmem:s25+$0x1EF0] =	vst v10  }
0xbf: {  	v58 =	vld [tilespmem:s25+$0x1FB0];
	v7 =	vmul.f32 v57, v5;
	[tilespmem:s25+$0x1EC0] =	vst v9  }
0xc0: {  	v53 =	vld [tilespmem:s25+$0x1F50];
	[tilespmem:s25+$0x1F80] =	vst v12;
	v3 =	vmul.f32 v3, v2  }
0xc1: {  	v59 =	vld [tilespmem:s25+$0x1FC0];
	v6 =	vmul.f32 v52, v2;
	[tilespmem:s25+$0x1FA0] =	vst v7  }
0xc2: {  	v60 =	vld [tilespmem:s25+$0x1FE0];
	[tilespmem:s25+$0x1F70] =	vst v3;
	v3 =	vmul.f32 v56, v5  }
0xc3: {  	v10 =	vmul.f32 v54, v2;
	[tilespmem:s25+$0x1F40] =	vst v6  }
0xc4: {  	v4 =	vld [tilespmem:s25+$0x1E20];
	[tilespmem:s25+$0x1F90] =	vst v3;
	v3 =	vmul.f32 v58, v5  }
0xc5: {  	[tilespmem:s25+$0x1F60] =	vst v10;
	v2 =	vmul.f32 v53, v2  }
0xc6: {  	[tilespmem:s25+$0x1FB0] =	vst v3;
	v3 =	vmul.f32 v59, v5  }
0xc7: {  	[tilespmem:s25+$0x1F50] =	vst v2;
	v5 =	vmul.f32 v60, v5  }
0xc8: {  	[tilespmem:s25+$0x1FC0] =	vst v3  }
0xc9: {  	s26 =	simm.s32 $0x1;
	v3 =	vmul.f32 v4, v35;
	[tilespmem:s25+$0x1FE0] =	vst v5  }
.LBB2_8:
0xca: {  	s28 =	sshll.u32 s26, $0x4  }
0xcb: {  	p1 =	sne.s32 s26, $0x7;
	[tilespmem:s25+$0x1E20] =	vst v3;
	s25 =	smov.u32 s26;
	s26 =	sadd.s32 $0x1, s26  }
0xcc: {  	s28 =	sand.u32 $0x3FFFFFF0, s28  }
0xcd: {  	v2 =	vld.idx.msk [tilespmem:v1+s28+$0x0 ss:$0x1], $0xffff  }
0xce: {  	s25 =	sshll.u32 s25, $0xB  }
0xcf: {  	s25 =	sand.u32 $0x3FFFF800, s25  }
0xd0: {  	v9 =	vld [tilespmem:s25+$0x18C0]  }
0xd1: {  	v10 =	vld [tilespmem:s25+$0x18D0]  }
0xd2: {  	v11 =	vld [tilespmem:s25+$0x18B0]  }
0xd3: {  	v3 =	vbroadcast v2, $0x0;
	v8 =	vbroadcast v2, $0x4;
	v4 =	vld [tilespmem:s25+$0x1820]  }
0xd4: {  	v6 =	vld [tilespmem:s25+$0x1830]  }
0xd5: {  	v7 =	vld [tilespmem:s25+$0x1D70]  }
0xd6: {  	v12 =	vld [tilespmem:s25+$0x1860]  }
0xd7: {  	v13 =	vld [tilespmem:s25+$0x1870]  }
0xd8: {  	v5 =	vbroadcast v2, $0xA;
	v4 =	vmul.f32 v4, v3;
	v14 =	vld [tilespmem:s25+$0x1880]  }
0xd9: {  	v6 =	vmul.f32 v6, v3;
	v15 =	vld [tilespmem:s25+$0x1890]  }
0xda: {  	[tilespmem:s25+$0x1820] =	vst v4;
	v16 =	vld [tilespmem:s25+$0x18A0];
	v4 =	vmul.f32 v7, v5  }
0xdb: {  	[tilespmem:s25+$0x1830] =	vst v6;
	v7 =	vmul.f32 v12, v3;
	v12 =	vbroadcast v2, $0x1;
	v6 =	vld [tilespmem:s25+$0x1D80]  }
0xdc: {  	v13 =	vmul.f32 v13, v3;
	[tilespmem:s25+$0x1D70] =	vst v4;
	v4 =	vld [tilespmem:s25+$0x1FD0]  }
0xdd: {  	[tilespmem:s25+$0x1860] =	vst v7;
	v14 =	vmul.f32 v14, v12;
	v7 =	vld [tilespmem:s25+$0x1D90]  }
0xde: {  	[tilespmem:s25+$0x1870] =	vst v13;
	v13 =	vmul.f32 v15, v12;
	v15 =	vld [tilespmem:s25+$0x18E0]  }
0xdf: {  	[tilespmem:s25+$0x1880] =	vst v14;
	v14 =	vmul.f32 v16, v12;
	v16 =	vld [tilespmem:s25+$0x18F0]  }
0xe0: {  	v11 =	vmul.f32 v11, v12;
	[tilespmem:s25+$0x1890] =	vst v13;
	v13 =	vld [tilespmem:s25+$0x1900]  }
0xe1: {  	v9 =	vmul.f32 v9, v12;
	[tilespmem:s25+$0x18A0] =	vst v14;
	v14 =	vld [tilespmem:s25+$0x1910]  }
0xe2: {  	v10 =	vmul.f32 v10, v12;
	[tilespmem:s25+$0x18B0] =	vst v11;
	v11 =	vld [tilespmem:s25+$0x1920]  }
0xe3: {  	[tilespmem:s25+$0x18C0] =	vst v9;
	v9 =	vmul.f32 v15, v12;
	v15 =	vbroadcast v2, $0x2;
	v17 =	vld [tilespmem:s25+$0x1930]  }
0xe4: {  	[tilespmem:s25+$0x18D0] =	vst v10;
	v10 =	vmul.f32 v16, v12;
	v12 =	vld [tilespmem:s25+$0x1940]  }
0xe5: {  	[tilespmem:s25+$0x18E0] =	vst v9;
	v9 =	vmul.f32 v13, v15;
	v13 =	vld [tilespmem:s25+$0x1950]  }
0xe6: {  	[tilespmem:s25+$0x18F0] =	vst v10;
	v10 =	vmul.f32 v14, v15;
	v14 =	vld [tilespmem:s25+$0x1960]  }
0xe7: {  	[tilespmem:s25+$0x1900] =	vst v9;
	v9 =	vmul.f32 v11, v15;
	v11 =	vld [tilespmem:s25+$0x1970]  }
0xe8: {  	[tilespmem:s25+$0x1910] =	vst v10;
	v10 =	vmul.f32 v17, v15;
	v16 =	vld [tilespmem:s25+$0x1980]  }
0xe9: {  	[tilespmem:s25+$0x1920] =	vst v9;
	v9 =	vmul.f32 v12, v15;
	v12 =	vld [tilespmem:s25+$0x1990]  }
0xea: {  	[tilespmem:s25+$0x1930] =	vst v10;
	v10 =	vmul.f32 v13, v15;
	v13 =	vld [tilespmem:s25+$0x19A0]  }
0xeb: {  	[tilespmem:s25+$0x1940] =	vst v9;
	v9 =	vmul.f32 v14, v15;
	v14 =	vbroadcast v2, $0x3;
	v17 =	vld [tilespmem:s25+$0x19B0]  }
0xec: {  	[tilespmem:s25+$0x1950] =	vst v10;
	v10 =	vmul.f32 v11, v15;
	v11 =	vld [tilespmem:s25+$0x19C0]  }
0xed: {  	[tilespmem:s25+$0x1960] =	vst v9;
	v9 =	vmul.f32 v16, v14;
	v15 =	vld [tilespmem:s25+$0x19D0]  }
0xee: {  	[tilespmem:s25+$0x1970] =	vst v10;
	v10 =	vmul.f32 v12, v14;
	v12 =	vld [tilespmem:s25+$0x19E0]  }
0xef: {  	[tilespmem:s25+$0x1980] =	vst v9;
	v9 =	vmul.f32 v13, v14;
	v13 =	vld [tilespmem:s25+$0x19F0]  }
0xf0: {  	[tilespmem:s25+$0x1990] =	vst v10;
	v10 =	vmul.f32 v17, v14;
	v16 =	vld [tilespmem:s25+$0x1A00]  }
0xf1: {  	[tilespmem:s25+$0x19A0] =	vst v9;
	v9 =	vmul.f32 v11, v14;
	v11 =	vld [tilespmem:s25+$0x1A10]  }
0xf2: {  	[tilespmem:s25+$0x19B0] =	vst v10;
	v10 =	vmul.f32 v15, v14;
	v15 =	vld [tilespmem:s25+$0x1A20]  }
0xf3: {  	[tilespmem:s25+$0x19C0] =	vst v9;
	v9 =	vmul.f32 v12, v14;
	v12 =	vld [tilespmem:s25+$0x1A30]  }
0xf4: {  	[tilespmem:s25+$0x19D0] =	vst v10;
	v10 =	vmul.f32 v13, v14;
	v13 =	vld [tilespmem:s25+$0x1A40]  }
0xf5: {  	[tilespmem:s25+$0x19E0] =	vst v9;
	v9 =	vmul.f32 v16, v8;
	v14 =	vld [tilespmem:s25+$0x1A50]  }
0xf6: {  	[tilespmem:s25+$0x19F0] =	vst v10;
	v10 =	vmul.f32 v11, v8;
	v11 =	vld [tilespmem:s25+$0x1A60]  }
0xf7: {  	[tilespmem:s25+$0x1A00] =	vst v9;
	v9 =	vmul.f32 v15, v8;
	v15 =	vld [tilespmem:s25+$0x1A70]  }
0xf8: {  	[tilespmem:s25+$0x1A10] =	vst v10;
	v10 =	vmul.f32 v12, v8;
	v12 =	vld [tilespmem:s25+$0x1A80]  }
0xf9: {  	[tilespmem:s25+$0x1A20] =	vst v9;
	v9 =	vmul.f32 v13, v8;
	v13 =	vld [tilespmem:s25+$0x1A90]  }
0xfa: {  	[tilespmem:s25+$0x1A30] =	vst v10;
	v10 =	vmul.f32 v14, v8;
	v14 =	vld [tilespmem:s25+$0x1AA0]  }
0xfb: {  	[tilespmem:s25+$0x1A40] =	vst v9;
	v9 =	vmul.f32 v11, v8;
	v11 =	vbroadcast v2, $0x5;
	v16 =	vld [tilespmem:s25+$0x1AB0]  }
0xfc: {  	[tilespmem:s25+$0x1A50] =	vst v10;
	v8 =	vmul.f32 v15, v8;
	v10 =	vld [tilespmem:s25+$0x1AC0]  }
0xfd: {  	[tilespmem:s25+$0x1A60] =	vst v9;
	v9 =	vmul.f32 v12, v11;
	v12 =	vld [tilespmem:s25+$0x1AD0]  }
0xfe: {  	[tilespmem:s25+$0x1A70] =	vst v8;
	v8 =	vmul.f32 v13, v11;
	v13 =	vld [tilespmem:s25+$0x1AE0]  }
0xff: {  	[tilespmem:s25+$0x1A80] =	vst v9;
	v9 =	vmul.f32 v14, v11;
	v14 =	vld [tilespmem:s25+$0x1AF0]  }
0x100: {  	[tilespmem:s25+$0x1A90] =	vst v8;
	v8 =	vmul.f32 v16, v11;
	v15 =	vld [tilespmem:s25+$0x1B00]  }
0x101: {  	[tilespmem:s25+$0x1AA0] =	vst v9;
	v9 =	vmul.f32 v10, v11;
	v10 =	vld [tilespmem:s25+$0x1B10]  }
0x102: {  	[tilespmem:s25+$0x1AB0] =	vst v8;
	v8 =	vmul.f32 v12, v11;
	v12 =	vld [tilespmem:s25+$0x1B20]  }
0x103: {  	[tilespmem:s25+$0x1AC0] =	vst v9;
	v9 =	vmul.f32 v13, v11;
	v13 =	vbroadcast v2, $0x6;
	v16 =	vld [tilespmem:s25+$0x1B30]  }
0x104: {  	[tilespmem:s25+$0x1AD0] =	vst v8;
	v8 =	vmul.f32 v14, v11;
	v11 =	vld [tilespmem:s25+$0x1B40]  }
0x105: {  	[tilespmem:s25+$0x1AE0] =	vst v9;
	v9 =	vmul.f32 v15, v13;
	v14 =	vld [tilespmem:s25+$0x1B50]  }
0x106: {  	[tilespmem:s25+$0x1AF0] =	vst v8;
	v8 =	vmul.f32 v10, v13;
	v10 =	vld [tilespmem:s25+$0x1B60]  }
0x107: {  	[tilespmem:s25+$0x1B00] =	vst v9;
	v9 =	vmul.f32 v12, v13;
	v12 =	vld [tilespmem:s25+$0x1B70]  }
0x108: {  	[tilespmem:s25+$0x1B10] =	vst v8;
	v8 =	vmul.f32 v16, v13;
	v15 =	vld [tilespmem:s25+$0x1B80]  }
0x109: {  	[tilespmem:s25+$0x1B20] =	vst v9;
	v9 =	vmul.f32 v11, v13;
	v11 =	vld [tilespmem:s25+$0x1B90]  }
0x10a: {  	[tilespmem:s25+$0x1B30] =	vst v8;
	v8 =	vmul.f32 v14, v13;
	v14 =	vld [tilespmem:s25+$0x1BA0]  }
0x10b: {  	[tilespmem:s25+$0x1B40] =	vst v9;
	v9 =	vmul.f32 v10, v13;
	v10 =	vbroadcast v2, $0x7;
	v16 =	vld [tilespmem:s25+$0x1BB0]  }
0x10c: {  	[tilespmem:s25+$0x1B50] =	vst v8;
	v8 =	vmul.f32 v12, v13;
	v12 =	vld [tilespmem:s25+$0x1BC0]  }
0x10d: {  	[tilespmem:s25+$0x1B60] =	vst v9;
	v9 =	vmul.f32 v15, v10;
	v13 =	vld [tilespmem:s25+$0x1BD0]  }
0x10e: {  	[tilespmem:s25+$0x1B70] =	vst v8;
	v8 =	vmul.f32 v11, v10;
	v11 =	vld [tilespmem:s25+$0x1BE0]  }
0x10f: {  	[tilespmem:s25+$0x1B80] =	vst v9;
	v9 =	vmul.f32 v14, v10;
	v14 =	vld [tilespmem:s25+$0x1BF0]  }
0x110: {  	[tilespmem:s25+$0x1B90] =	vst v8;
	v8 =	vmul.f32 v16, v10;
	v15 =	vld [tilespmem:s25+$0x1C00]  }
0x111: {  	[tilespmem:s25+$0x1BA0] =	vst v9;
	v9 =	vmul.f32 v12, v10;
	v12 =	vld [tilespmem:s25+$0x1C10]  }
0x112: {  	[tilespmem:s25+$0x1BB0] =	vst v8;
	v8 =	vmul.f32 v13, v10;
	v13 =	vld [tilespmem:s25+$0x1C20]  }
0x113: {  	[tilespmem:s25+$0x1BC0] =	vst v9;
	v9 =	vmul.f32 v11, v10;
	v11 =	vbroadcast v2, $0x8;
	v16 =	vld [tilespmem:s25+$0x1C30]  }
0x114: {  	[tilespmem:s25+$0x1BD0] =	vst v8;
	v8 =	vmul.f32 v14, v10;
	v10 =	vld [tilespmem:s25+$0x1C40]  }
0x115: {  	[tilespmem:s25+$0x1BE0] =	vst v9;
	v9 =	vmul.f32 v15, v11;
	v14 =	vld [tilespmem:s25+$0x1C50]  }
0x116: {  	[tilespmem:s25+$0x1BF0] =	vst v8;
	v8 =	vmul.f32 v12, v11;
	v12 =	vld [tilespmem:s25+$0x1C60]  }
0x117: {  	[tilespmem:s25+$0x1C00] =	vst v9;
	v9 =	vmul.f32 v13, v11;
	v13 =	vld [tilespmem:s25+$0x1C70]  }
0x118: {  	[tilespmem:s25+$0x1C10] =	vst v8;
	v8 =	vmul.f32 v16, v11;
	v15 =	vld [tilespmem:s25+$0x1C80]  }
0x119: {  	[tilespmem:s25+$0x1C20] =	vst v9;
	v9 =	vmul.f32 v10, v11;
	v10 =	vld [tilespmem:s25+$0x1C90]  }
0x11a: {  	[tilespmem:s25+$0x1C30] =	vst v8;
	v8 =	vmul.f32 v14, v11;
	v14 =	vld [tilespmem:s25+$0x1CA0]  }
0x11b: {  	[tilespmem:s25+$0x1C40] =	vst v9;
	v9 =	vmul.f32 v12, v11;
	v12 =	vbroadcast v2, $0x9;
	v16 =	vld [tilespmem:s25+$0x1CB0]  }
0x11c: {  	[tilespmem:s25+$0x1C50] =	vst v8;
	v8 =	vmul.f32 v13, v11;
	v11 =	vld [tilespmem:s25+$0x1CC0]  }
0x11d: {  	[tilespmem:s25+$0x1C60] =	vst v9;
	v9 =	vmul.f32 v15, v12;
	v13 =	vld [tilespmem:s25+$0x1CD0]  }
0x11e: {  	[tilespmem:s25+$0x1C70] =	vst v8;
	v8 =	vmul.f32 v10, v12;
	v10 =	vld [tilespmem:s25+$0x1CE0]  }
0x11f: {  	[tilespmem:s25+$0x1C80] =	vst v9;
	v9 =	vmul.f32 v14, v12;
	v14 =	vld [tilespmem:s25+$0x1CF0]  }
0x120: {  	[tilespmem:s25+$0x1C90] =	vst v8;
	v8 =	vmul.f32 v16, v12;
	v15 =	vld [tilespmem:s25+$0x1D00]  }
0x121: {  	[tilespmem:s25+$0x1CA0] =	vst v9;
	v9 =	vmul.f32 v11, v12;
	v11 =	vld [tilespmem:s25+$0x1D10]  }
0x122: {  	[tilespmem:s25+$0x1CB0] =	vst v8;
	v8 =	vmul.f32 v13, v12;
	v13 =	vld [tilespmem:s25+$0x1D20]  }
0x123: {  	[tilespmem:s25+$0x1CC0] =	vst v9;
	v9 =	vmul.f32 v10, v12;
	v10 =	vld [tilespmem:s25+$0x1D30]  }
0x124: {  	[tilespmem:s25+$0x1CD0] =	vst v8;
	v8 =	vmul.f32 v14, v12;
	v12 =	vld [tilespmem:s25+$0x1D40]  }
0x125: {  	[tilespmem:s25+$0x1CE0] =	vst v9;
	v9 =	vmul.f32 v15, v5;
	v14 =	vld [tilespmem:s25+$0x1D50]  }
0x126: {  	[tilespmem:s25+$0x1CF0] =	vst v8;
	v8 =	vmul.f32 v11, v5;
	v11 =	vld [tilespmem:s25+$0x1D60]  }
0x127: {  	v15 =	vld [tilespmem:s25+$0x1800];
	[tilespmem:s25+$0x1D00] =	vst v9;
	v9 =	vmul.f32 v13, v5  }
0x128: {  	v13 =	vld [tilespmem:s25+$0x1810];
	[tilespmem:s25+$0x1D10] =	vst v8;
	v8 =	vmul.f32 v10, v5  }
0x129: {  	v10 =	vld [tilespmem:s25+$0x1840];
	[tilespmem:s25+$0x1D20] =	vst v9;
	v9 =	vmul.f32 v12, v5  }
0x12a: {  	v12 =	vld [tilespmem:s25+$0x1850];
	[tilespmem:s25+$0x1D30] =	vst v8;
	v8 =	vmul.f32 v14, v5  }
0x12b: {  	[tilespmem:s25+$0x1D40] =	vst v9;
	v9 =	vmul.f32 v11, v5;
	v11 =	vbroadcast v2, $0xB;
	v14 =	vld [tilespmem:s25+$0x1DA0]  }
0x12c: {  	v5 =	vbroadcast v2, $0xF;
	v15 =	vmul.f32 v3, v15;
	[tilespmem:s25+$0x1D50] =	vst v8;
	v8 =	vld [tilespmem:s25+$0x1DB0]  }
0x12d: {  	v13 =	vmul.f32 v13, v3;
	[tilespmem:s25+$0x1D60] =	vst v9;
	v6 =	vmul.f32 v6, v11;
	v9 =	vld [tilespmem:s25+$0x1DC0]  }
0x12e: {  	v7 =	vmul.f32 v7, v11;
	[tilespmem:s25+$0x1800] =	vst v15;
	v10 =	vmul.f32 v10, v3;
	v15 =	vld [tilespmem:s25+$0x1DD0]  }
0x12f: {  	v4 =	vmul.f32 v4, v5;
	v12 =	vmul.f32 v12, v3;
	[tilespmem:s25+$0x1D80] =	vst v6;
	v3 =	vld [tilespmem:s25+$0x1DE0]  }
0x130: {  	[tilespmem:s25+$0x1D90] =	vst v7;
	v6 =	vmul.f32 v14, v11;
	v7 =	vld [tilespmem:s25+$0x1DF0]  }
0x131: {  	v8 =	vmul.f32 v8, v11;
	v14 =	vld [tilespmem:s25+$0x1E00];
	[tilespmem:s25+$0x1FD0] =	vst v4  }
0x132: {  	[tilespmem:s25+$0x1810] =	vst v13;
	v4 =	vmul.f32 v9, v11;
	v9 =	vld [tilespmem:s25+$0x1E10]  }
0x133: {  	[tilespmem:s25+$0x1840] =	vst v10;
	v10 =	vmul.f32 v15, v11;
	v13 =	vld [tilespmem:s25+$0x1E20]  }
0x134: {  	v15 =	vbroadcast v2, $0xC;
	[tilespmem:s25+$0x1DA0] =	vst v6;
	v6 =	vmul.f32 v3, v11;
	v16 =	vld [tilespmem:s25+$0x1E30]  }
0x135: {  	[tilespmem:s25+$0x1DD0] =	vst v10;
	v7 =	vmul.f32 v7, v11;
	v10 =	vld [tilespmem:s25+$0x1E40]  }
0x136: {  	[tilespmem:s25+$0x1DB0] =	vst v8;
	v3 =	vmul.f32 v14, v15;
	v8 =	vld [tilespmem:s25+$0x1E50]  }
0x137: {  	[tilespmem:s25+$0x1DC0] =	vst v4;
	v4 =	vmul.f32 v9, v15;
	v9 =	vld [tilespmem:s25+$0x1E60]  }
0x138: {  	[tilespmem:s25+$0x1E00] =	vst v3;
	v3 =	vmul.f32 v13, v15;
	v11 =	vld [tilespmem:s25+$0x1E70]  }
0x139: {  	[tilespmem:s25+$0x1E10] =	vst v4;
	v4 =	vld [tilespmem:s25+$0x1E80]  }
0x13a: {  	[tilespmem:s25+$0x1850] =	vst v12;
	v10 =	vmul.f32 v10, v15;
	v12 =	vld [tilespmem:s25+$0x1E90]  }
0x13b: {  	[tilespmem:s25+$0x1DE0] =	vst v6;
	v6 =	vmul.f32 v8, v15;
	v8 =	vld [tilespmem:s25+$0x1EA0]  }
0x13c: {  	[tilespmem:s25+$0x1E40] =	vst v10;
	v9 =	vmul.f32 v9, v15;
	v10 =	vbroadcast v2, $0xD;
	v13 =	vld [tilespmem:s25+$0x1EB0]  }
0x13d: {  	[tilespmem:s25+$0x1E50] =	vst v6;
	v6 =	vmul.f32 v11, v15;
	v11 =	vld [tilespmem:s25+$0x1EC0]  }
0x13e: {  	[tilespmem:s25+$0x1E60] =	vst v9;
	v4 =	vmul.f32 v4, v10;
	v9 =	vld [tilespmem:s25+$0x1ED0]  }
0x13f: {  	[tilespmem:s25+$0x1E70] =	vst v6;
	v6 =	vmul.f32 v12, v10;
	v12 =	vld [tilespmem:s25+$0x1EE0]  }
0x140: {  	[tilespmem:s25+$0x1E80] =	vst v4;
	v4 =	vmul.f32 v8, v10;
	v8 =	vld [tilespmem:s25+$0x1EF0]  }
0x141: {  	[tilespmem:s25+$0x1E90] =	vst v6;
	v6 =	vmul.f32 v13, v10;
	v13 =	vld [tilespmem:s25+$0x1F00]  }
0x142: {  	[tilespmem:s25+$0x1EA0] =	vst v4;
	v4 =	vmul.f32 v11, v10;
	v11 =	vld [tilespmem:s25+$0x1F10]  }
0x143: {  	[tilespmem:s25+$0x1EB0] =	vst v6;
	v6 =	vmul.f32 v9, v10;
	v9 =	vld [tilespmem:s25+$0x1F20]  }
0x144: {  	v2 =	vbroadcast v2, $0xE;
	[tilespmem:s25+$0x1DF0] =	vst v7;
	v7 =	vmul.f32 v12, v10;
	v12 =	vld [tilespmem:s25+$0x1F30]  }
0x145: {  	[tilespmem:s25+$0x1ED0] =	vst v6;
	v6 =	vmul.f32 v8, v10;
	v8 =	vld [tilespmem:s25+$0x1F40]  }
0x146: {  	[tilespmem:s25+$0x1EE0] =	vst v7;
	v7 =	vmul.f32 v13, v2;
	v10 =	vld [tilespmem:s25+$0x1F50]  }
0x147: {  	[tilespmem:s25+$0x1EF0] =	vst v6;
	v6 =	vmul.f32 v11, v2;
	v11 =	vld [tilespmem:s25+$0x1F60]  }
0x148: {  	[tilespmem:s25+$0x1F00] =	vst v7;
	v7 =	vmul.f32 v9, v2;
	v9 =	vld [tilespmem:s25+$0x1F70]  }
0x149: {  	[tilespmem:s25+$0x1F10] =	vst v6;
	v6 =	vmul.f32 v12, v2;
	v12 =	vld [tilespmem:s25+$0x1F80]  }
0x14a: {  	[tilespmem:s25+$0x1F20] =	vst v7;
	v7 =	vmul.f32 v8, v2;
	v8 =	vld [tilespmem:s25+$0x1F90]  }
0x14b: {  	[tilespmem:s25+$0x1F30] =	vst v6;
	v6 =	vmul.f32 v10, v2;
	v10 =	vld [tilespmem:s25+$0x1FA0]  }
0x14c: {  	[tilespmem:s25+$0x1F40] =	vst v7;
	v7 =	vmul.f32 v11, v2;
	v11 =	vld [tilespmem:s25+$0x1FB0]  }
0x14d: {  	[tilespmem:s25+$0x1EC0] =	vst v4;
	v2 =	vmul.f32 v9, v2;
	v4 =	vld [tilespmem:s25+$0x1FC0]  }
0x14e: {  	[tilespmem:s25+$0x1F60] =	vst v7;
	v7 =	vmul.f32 v12, v5;
	v9 =	vld [tilespmem:s25+$0x1FE0]  }
0x14f: {  	[tilespmem:s25+$0x1F70] =	vst v2;
	v2 =	vmul.f32 v8, v5;
	v8 =	vld [tilespmem:s25+$0x1FF0]  }
0x150: {  	[tilespmem:s25+$0x1F80] =	vst v7;
	v7 =	vmul.f32 v10, v5  }
0x151: {  	[tilespmem:s25+$0x1F90] =	vst v2;
	v2 =	vmul.f32 v11, v5  }
0x152: {  	v10 =	vmul.f32 v16, v15;
	[tilespmem:s25+$0x1FA0] =	vst v7  }
0x153: {  	[tilespmem:s25+$0x1FB0] =	vst v2;
	v2 =	vmul.f32 v4, v5  }
.Ltmp3:
0x154: {  	[tilespmem:s25+$0x1E30] =	vst v10;
	v4 =	vmul.f32 v8, v5;
	(pc) =	sbr.rel @p1 .LBB2_8-.Ltmp3, $4  }
0x155: {  	[tilespmem:s25+$0x1FC0] =	vst v2  }
0x156: {  	v2 =	vmul.f32 v9, v5;
	[tilespmem:s25+$0x1FF0] =	vst v4  }
0x157: {  	[tilespmem:s25+$0x1F50] =	vst v6  }
0x158: {  	[tilespmem:s25+$0x1FE0] =	vst v2  }
0x159: {  	s23 =	sadd.s32 $0x1, s23  }
0x15a: {  	p1 =	sne.s32 s23, $0x10  }
.Ltmp4:
0x15b: {  	[tilespmem:s25+$0x1E20] =	vst v3;
	s24 =	sadd.s32 $0x800, s24;
	(pc) =	sbr.rel @p1 .LBB2_7-.Ltmp4, $4  }
0x15c: {  	[spmem:s1] =	stream.indirect.scatter.add.f32 [tilespmem:s18], [sflag:$0x2], $0x80, s24, s17, $0xb8;
	[tilespmem:$0x1B880] =	vst v63  }
0x15d: {  	_ =	swait.ge [sflag:s14], $0x4000  }
0x15e: {  	[sflag:s14] =	ssyncset.done $0x0  }
0x15f: {  	[sflag:s14] =	ssyncadd.s32 $0xFFFFC000  }
0x160: {  	s22 =	sadd.s32 $0x1, s22  }
0x161: {  	p1 =	sne.s32 s22, $0xA  }
.Ltmp5:
0x162: {  	_ = 	snop;
	(pc) =	sbr.rel @p1 .LBB2_6-.Ltmp5, $1  }
0x163: {  	_ =	sdelay $0x3  }
0x164: {  	[bflag:$0x0] =	sbarrier.arrive $0xFFFF  }
0x165: {  	[tilespmem:s13], [sflag:$0x2] =	stream.linear.gather [spmem:s11], $0x2800, $0x38;
	[tilespmem:$0x1B880] =	vst v63  }
0x166: {  	_ =	swait.ge [sflag:s14], $0x2800  }
.Ltmp6:
0x167: {  	[sflag:s14] =	ssyncset.done $0x0;
	(pc) =	sbr.rel @!p0 .LBB2_13-.Ltmp6, $4  }
0x168: {  	[sflag:s14] =	ssyncadd.s32 $0xFFFFD800  }
0x169: {  	[hbm4b:s12+s3] =	stream.linear.scatter [tilespmem:s13], [sflag:$0x2], $0x2800, $0x38;
	[tilespmem:$0x1B880] =	vst v63  }
0x16a: {  	s21 =	sadd.s32 $0xFFFFFFFF, s8;
	_ =	swait.ge [sflag:s14], $0x2800  }
0x16b: {  	s22 =	smov.u32 s11;
	s23 =	smov.u32 s12;
	[sflag:s14] =	ssyncset.done $0x0  }
.LBB2_12:
0x16c: {  	[sflag:s14] =	ssyncadd.s32 $0xFFFFD800;
	s22 =	sadd.s32 $0x28000, s22;
	s23 =	sadd.s32 $0x5000, s23  }
0x16d: {  	[tilespmem:s13], [sflag:$0x2] =	stream.linear.gather [spmem:s22], $0x2800, $0x38;
	[tilespmem:$0x1B880] =	vst v63  }
0x16e: {  	p0 =	sne.s32 s21, $0x1;
	s21 =	sadd.s32 $0xFFFFFFFF, s21;
	_ =	swait.ge [sflag:s14], $0x2800  }
.Ltmp7:
0x16f: {  	[sflag:s14] =	ssyncset.done $0x0;
	(pc) =	sbr.rel @p0 .LBB2_12-.Ltmp7, $4  }
0x170: {  	[sflag:s14] =	ssyncadd.s32 $0xFFFFD800  }
0x171: {  	[hbm4b:s23+s3] =	stream.linear.scatter [tilespmem:s13], [sflag:$0x2], $0x2800, $0x38;
	[tilespmem:$0x1B880] =	vst v63  }
0x172: {  	_ =	swait.ge [sflag:s14], $0x2800  }
0x173: {  	[sflag:s14] =	ssyncset.done $0x0  }
.LBB2_13:
0x174: {  	s20 =	sadd.s32 $0x1, s20  }
0x175: {  	p0 =	sne.s32 s20, s10  }
.Ltmp8:
0x176: {  	_ = 	snop;
	(pc) =	sbr.rel @p0 .LBB2_1-.Ltmp8, $2  }
0x177: {  	_ =	sdelay $0x2  }
0x178: {  	[sflag:s14] =	ssyncadd.s32 $0xFFFFD800  }
0x179: {  	_ =	sfence.sel $0x180000  }
0x17a: {  	[bflag:$0x0] =	sbarrier.arrive $0xFFFF  }
0x17b: {  	p0 =	sne.s32 s2, $0x0;
	_ =	strace $0x9000004A  }
0x17c: {  	s0 =	sadd.s32 @!p0 $0x100000, s0;
	[bflag:$0x2] =	sbarrier.arrive $0xFFFF  }
0x17d: {  	[sflag:s0] =	ssyncadd.tile.s32 @!p0 $0x1;
	_ =	shalt  }
.Lfunc_end2:
_tile_overlayer_lowered:
.L_overlay_start_2:
0x17e: {  	(tag) =	ssettag $0x2  }
0x17f: {  	s0 =	rddreg [dreg:$0x0];
	s2 =	stileid.u32  }
0x180: {  	s1 =	rddreg [dreg:$0x1];
	p0 =	sne.s32 s2, $0x0  }
0x181: {  	s3 =	rddreg [dreg:$0x2];
	[bflag:$0x3] =	sbarrier.arrive $0xFFFF;
	s2 =	simm.s32 @!p0 $0x1C02  }
0x182: {  	[timem:s3], [sflag:s2] =	dma.local @!p0 [hbm:s0], s1  }
0x183: {  	s0 =	simm.s32 @!p0 $0x2  }
0x184: {  	_ =	swait.ge @!p0 [sflag:s0], s1  }
0x185: {  	s1 =	ssub.s32 @!p0 $0x0, s1;
	[sflag:s0] =	ssyncset.done @!p0 $0x0  }
0x186: {  	[sflag:s0] =	ssyncadd.s32 @!p0 s1  }
0x187: {  	[bflag:$0x3] =	sbarrier.arrive $0xFFFF  }
0x188: {  	_ =	shalt  }

// kernel: kernel.7.cloned.1.call-start
scs
__scs_entry_jumppad:
0x0: {  	(pc) =	sbr.rel $0x88, $3  }
0x1: {  	(tag) =	ssettag $0x0;
	lr =	simm.s32 $0x1  }
0x2: {  	[smem:$0x3F8D] =	sst lr;
	_ =	strace $0xD0000000  }
0x3: {  	_ = 	snop  }
0x4: {  	_ = 	snop  }
0x5: {  	_ = 	snop  }
0x6: {  	_ = 	snop  }
0x7: {  	_ = 	snop  }
__scs_overlays_trampoline_lowered:
0x8: {  	[smem:$0x3F9C] =	sst s0  }
0x9: {  	[smem:$0x3F9D] =	sst s1  }
0xa: {  	[smem:$0x3F9E] =	sst s2  }
0xb: {  	[smem:$0x3F9F] =	sst s3  }
0xc: {  	[smem:$0x3FA0] =	sst s4  }
0xd: {  	[smem:$0x3FA1] =	sst s5  }
0xe: {  	[smem:$0x3FA2] =	sst s6  }
0xf: {  	[smem:$0x3FA3] =	sst s7  }
0x10: {  	[smem:$0x3FA4] =	sst s8  }
0x11: {  	[smem:$0x3FA5] =	sst s9;
	s0 =	simm.s32 @!p0 $0x0  }
0x12: {  	s1 =	sld [smem:$0x3F8B];
	s0 =	simm.s32 @p0 $0x1  }
0x13: {  	[smem:$0x3FA6] =	sst s0;
	s0 =	simm.s32 @!p1 $0x0  }
0x14: {  	s2 =	sld [smem:$0x3F8A];
	s0 =	simm.s32 @p1 $0x1  }
0x15: {  	[smem:$0x3FA7] =	sst s0;
	s0 =	simm.s32 @!p2 $0x0  }
0x16: {  	s3 =	sld [smem:$0x3FDB];
	s0 =	simm.s32 @p2 $0x1  }
0x17: {  	s4 =	simm.s32 $0x1BF5;
	[smem:$0x3FA9] =	sst s0  }
0x18: {  	s0 =	sld [smem:$0x3F8C];
	_ =	swait.ge [sflag:s4], $0x0  }
0x19: {  	s7 =	sld [smem:$0x3F8D]  }
0x1a: {  	s8 =	sadd.s32 $0xFFFFE003, lr  }
0x1b: {  	s9 =	sadd.s32 $0xFFFFFEF7, lr;
	s5 =	simm.s32 $0xFFFFFFFF;
	p2 =	slt.u32 s8, $0xFFFFF086  }
0x1c: {  	p1 =	slt.u32 s9, $0xF7A;
	s5 =	simm.s32 @!p2 $0x0  }
0x1d: {  	s5 =	simm.s32 @p1 $0x1;
	p0 =	seq.s32 s7, s2  }
0x1e: {  	s7 =	smul.u32 @!p0 $0xF7A, s2;
	p2 =	seq.s32 @!p0 s5, $0x0  }
0x1f: {  	s9 =	smul.u32 $0xF7A, s1;
	s8 =	simm.s32 @!p0 $0x1BF5;
	p2 =	por !p2, p0  }
0x20: {  	[sflag:s8] =	ssyncset.s32 @!p0 $0xFFFFF086;
	s6 =	sadd.s32 @!p0 s3, s7;
	s7 =	simm.s32 @!p0 $0x108  }
0x21: {  	s3 =	sadd.s32 s3, s9;
	s6 =	sadd.s32 @!p0 $0x88, s6;
	s7 =	simm.s32 @p2 $0x1082  }
0x22: {  	[simem:s7], [sflag:s8] =	dma.local @!p0 [hbm:s6], $0xF7A  }
0x23: {  	s9 =	sor.u32 $0xD0000000, s2;
	s6 =	simm.s32 $0x108;
	_ =	swait.ge @!p0 [sflag:s8], $0x0  }
0x24: {  	s3 =	sadd.s32 $0x88, s3;
	s6 =	simm.s32 @!p1 $0x1082;
	[sflag:s4] =	ssyncset.s32 $0xFFFFF086  }
0x25: {  	[simem:s6], [sflag:s4] =	dma.local [hbm:s3], $0xF7A  }
0x26: {  	[smem:$0x3F8D] =	sst s1;
	(tag) =	ssettag s2;
	_ =	strace s9  }
0x27: {  	s1 =	sld [smem:$0x3F9D]  }
0x28: {  	s2 =	sld [smem:$0x3F9E]  }
0x29: {  	s4 =	sld [smem:$0x3FA0]  }
0x2a: {  	p0 =	seq.s32 s5, $0x0;
	s5 =	sld [smem:$0x3FA1]  }
0x2b: {  	s6 =	sld [smem:$0x3FA2]  }
0x2c: {  	s7 =	sld [smem:$0x3FA3]  }
0x2d: {  	s3 =	simm.s32 $0x108;
	s8 =	sld [smem:$0x3FA4]  }
0x2e: {  	s3 =	simm.s32 @!p0 $0x1082;
	s9 =	sld [smem:$0x3FA5]  }
0x2f: {  	lr =	sadd.s32 s0, s3;
	s0 =	sld [smem:$0x3F9C]  }
0x30: {  	s3 =	sld [smem:$0x3F9F]  }
0x31: {  	[smem:$0x3FA8] =	sst s10  }
0x32: {  	s10 =	sld [smem:$0x3FA6];
	_ =	sdelay $0x3  }
0x33: {  	p0 =	seq.s32 s10, $0x1;
	s10 =	sld [smem:$0x3FA8];
	_ =	sdelay $0x3  }
0x34: {  	[smem:$0x3FA8] =	sst s10  }
0x35: {  	s10 =	sld [smem:$0x3FA7];
	_ =	sdelay $0x3  }
0x36: {  	p1 =	seq.s32 s10, $0x1;
	s10 =	sld [smem:$0x3FA8];
	_ =	sdelay $0x3  }
0x37: {  	[smem:$0x3FA8] =	sst s10  }
0x38: {  	s10 =	sld [smem:$0x3FA9]  }
0x39: {  	_ = 	snop;
	(pc) =	sbr.ind lr, $3  }
0x3a: {  	_ = 	snop  }
0x3b: {  	_ = 	snop  }
0x3c: {  	p2 =	seq.s32 s10, $0x1;
	s10 =	sld [smem:$0x3FA8]  }
0x3d: {  	_ =	shalt  }
0x3e: {  	_ =	shalt  }
0x3f: {  	_ =	shalt  }
0x40: {  	_ =	shalt  }
0x41: {  	_ =	shalt  }
0x42: {  	_ =	shalt  }
0x43: {  	_ =	shalt  }
0x44: {  	_ =	shalt  }
0x45: {  	_ =	shalt  }
0x46: {  	_ =	shalt  }
0x47: {  	_ =	shalt  }
0x48: {  	_ =	shalt  }
0x49: {  	_ =	shalt  }
0x4a: {  	_ =	shalt  }
0x4b: {  	_ =	shalt  }
0x4c: {  	_ =	shalt  }
0x4d: {  	_ =	shalt  }
0x4e: {  	_ =	shalt  }
0x4f: {  	_ =	shalt  }
0x50: {  	_ =	shalt  }
0x51: {  	_ =	shalt  }
0x52: {  	_ =	shalt  }
0x53: {  	_ =	shalt  }
0x54: {  	_ =	shalt  }
0x55: {  	_ =	shalt  }
0x56: {  	_ =	shalt  }
0x57: {  	_ =	shalt  }
0x58: {  	_ =	shalt  }
0x59: {  	_ =	shalt  }
0x5a: {  	_ =	shalt  }
0x5b: {  	_ =	shalt  }
0x5c: {  	_ =	shalt  }
0x5d: {  	_ =	shalt  }
0x5e: {  	_ =	shalt  }
0x5f: {  	_ =	shalt  }
0x60: {  	_ =	shalt  }
0x61: {  	_ =	shalt  }
0x62: {  	_ =	shalt  }
0x63: {  	_ =	shalt  }
0x64: {  	_ =	shalt  }
0x65: {  	_ =	shalt  }
0x66: {  	_ =	shalt  }
0x67: {  	_ =	shalt  }
0x68: {  	_ =	shalt  }
0x69: {  	_ =	shalt  }
0x6a: {  	_ =	shalt  }
0x6b: {  	_ =	shalt  }
0x6c: {  	_ =	shalt  }
0x6d: {  	_ =	shalt  }
0x6e: {  	_ =	shalt  }
0x6f: {  	_ =	shalt  }
0x70: {  	_ =	shalt  }
0x71: {  	_ =	shalt  }
0x72: {  	_ =	shalt  }
0x73: {  	_ =	shalt  }
0x74: {  	_ =	shalt  }
0x75: {  	_ =	shalt  }
0x76: {  	_ =	shalt  }
0x77: {  	_ =	shalt  }
0x78: {  	_ =	shalt  }
0x79: {  	_ =	shalt  }
0x7a: {  	_ =	shalt  }
0x7b: {  	_ =	shalt  }
0x7c: {  	_ =	shalt  }
0x7d: {  	_ =	shalt  }
0x7e: {  	_ =	shalt  }
0x7f: {  	_ =	shalt  }
0x80: {  	_ =	shalt  }
0x81: {  	_ =	shalt  }
0x82: {  	_ =	shalt  }
0x83: {  	_ =	shalt  }
0x84: {  	_ =	shalt  }
0x85: {  	_ =	shalt  }
0x86: {  	_ =	shalt  }
0x87: {  	_ =	shalt  }
.Lfunc_end0:
.L_simem_size_0:
called_computation_lowered:
.L_overlay_start_0:
0x88: {  	s2 =	sld [smem:$0x3FD9]  }
0x89: {  	s3 =	sld [smem:$0x3FFE];
	_ =	sdelay $0x1  }
0x8a: {  	s1 =	srdreg.scid  }
0x8b: {  	s0 =	sand.u32 $0x1, s1  }
0x8c: {  	s16 =	sshll.u32 s0, $0xA;
	s2 =	sadd.s32 s3, s2  }
0x8d: {  	s2 =	sadd.s32 s2, s16  }
0x8e: {  	[smem:$0x3FB4] =	sst s2  }
0x8f: {  	_ = 	snop  }
0x90: {  	(tm) =	ssettm $0x1  }
0x91: {  	s17 =	sld [smem:$0x3FFB];
	_ =	sdelay $0x3  }
0x92: {  	_ =	strace s17  }
0x93: {  	s2 =	sld [smem:$0x3FFC];
	_ =	sdelay $0x3  }
0x94: {  	_ =	strace s2  }
0x95: {  	s2 =	sld [smem:$0x3FFD];
	_ =	sdelay $0x3  }
0x96: {  	_ =	strace s2  }
0x97: {  	_ =	strace $0x8FFFFFFF  }
0x98: {  	s18 =	sld [smem:$0x3FDB];
	_ =	sdelay $0x1  }
0x99: {  	s19 =	simm.s32 $_scs_section_size  }
0x9a: {  	s4 =	simm.s32 $_size__tile_overlayer_lowered;
	s5 =	simm.s32 $_tile_overlayer_lowered  }
0x9b: {  	s22 =	simm.s32 $0x1BFF;
	s21 =	sshll.u32 s5, $0x1;
	s2 =	sadd.s32 s19, s18  }
0x9c: {  	s6 =	simm.s32 $0x0;
	s20 =	sshll.u32 s4, $0x1;
	s4 =	sadd.s32 s21, s2  }
0x9d: {  	[timem:s6], [sflag:s22] =	dma.local [hbm:s4], s20  }
0x9e: {  	_ =	swait.ge [sflag:s22], s20  }
0x9f: {  	s3 =	ssub.s32 $0x0, s20;
	[sflag:s22] =	ssyncset.done $0x0  }
0xa0: {  	[sflag:s22] =	ssyncadd.s32 s3;
	_ =	sdelay $0x1  }
0xa1: {  	s23 =	simm.s32 $0x1B8B  }
0xa2: {  	_ =	swait.ge [sflag:s23], $0x1  }
0xa3: {  	[sflag:s23] =	ssyncset.done $0x0  }
0xa4: {  	s25 =	simm.s32 $0x1B8E;
	s24 =	sld [smem:$0x3FFE];
	[sflag:s23] =	ssyncadd.s32 $0xFFFFFFFF  }
0xa5: {  	s26 =	simm.s32 $execute0_lowered;
	[smem:$0x3FD2] =	sst s25  }
0xa6: {  	s4 =	sshll.u32 s26, $0x1;
	_ =	strace $0x80000046;
	[dreg:$0x1] =	wrdreg $0xFFFFFFFF  }
0xa7: {  	s28 =	simm.s32 $_size_execute0_lowered;
	s2 =	sadd.s32 s2, s4;
	[dreg:$0x0] =	wrdreg $0x0  }
0xa8: {  	s4 =	sshll.u32 s28, $0x1;
	[dreg:$0x2] =	wrdreg s2  }
0xa9: {  	[dreg:$0x3] =	wrdreg s4  }
0xaa: {  	[dreg:$0x4] =	wrdreg $0xC0  }
0xab: {  	_ =	task [dreg:s6], $0x5FFFF  }
0xac: {  	[dreg:$0x1] =	wrdreg $0xFFFFFFFF  }
0xad: {  	[dreg:$0x0] =	wrdreg $0x60  }
0xae: {  	[dreg:$0x2] =	wrdreg s24  }
0xaf: {  	[dreg:$0x3] =	wrdreg $0x80000  }
0xb0: {  	[dreg:$0x4] =	wrdreg $0x9  }
0xb1: {  	_ =	task.clear_ibuf [dreg:s6], $0x5FFFF;
	_ =	strace $0x90000046  }
0xb2: {  	s29 =	simm.s32 $0x9;
	_ =	strace $0x80000048  }
0xb3: {  	_ =	swait.ge [sflag:s29], $0x1  }
0xb4: {  	[sflag:s29] =	ssyncadd.s32 $0xFFFFFFFF  }
0xb5: {  	_ =	strace $0x90000048  }
0xb6: {  	_ =	sfence  }
0xb7: {  	s30 =	sld [smem:$0x0];
	_ =	sdelay $0x2  }
0xb8: {  	s31 =	sshll.u32 s1, $0xD;
	s1 =	sshrl.u32 s1, $0x2  }
0xb9: {  	s3 =	sand.u32 $0x4000, s31;
	s1 =	sadd.s32 s1, s30  }
0xba: {  	s0 =	sor.u32 s3, s0;
	s1 =	sshll.u32 s1, $0x11  }
0xbb: {  	s0 =	sor.u32 s1, s0  }
0xbc: {  	s0 =	sadd.s32 $0x8F2B, s0  }
0xbd: {  	[sflag:s0] =	ssyncadd.remote.s32 $0x1  }
0xbe: {  	_ =	sfence.sel $0xFFFF  }
0xbf: {  	[dreg:$0x0] =	wrdreg $0xFFFFFFFF;
	(pc) =	sbr.abs _section_cstart, $3  }
0xc0: {  	[dreg:$0x1] =	wrdreg $0xFFFFFFFF  }
0xc1: {  	_ =	task.clear_ibuf [dreg:s6], $0x2FFFF;
	_ =	strace $0x9FFFFFFF  }
0xc2: {  	(tm) =	ssettm $0x7FFFFFFF  }
0xc3: {  	_ =	shalt  }
tec
execute0_lowered:
.L_overlay_start_1:
0x0: {  	(tag) =	ssettag $0x1  }
0x1: {  	s8 =	rddreg [dreg:$0x0]  }
0x2: {  	s1 =	rddreg [dreg:$0x1];
	s2 =	srdreg.scid  }
0x3: {  	s0 =	rddreg [dreg:$0x2];
	s3 =	simm.s32 $0x0;
	s15 =	simm.s32 $0x800  }
0x4: {  	s16 =	simm.s32 $0x1000;
	s17 =	simm.s32 $0x80;
	s9 =	sand.u32 $0x1, s2  }
0x5: {  	s18 =	simm.s32 $0x1800;
	s2 =	stileid.u32;
	s7 =	smul.u32 $0x138800, s9  }
0x6: {  	s19 =	simm.s32 $0x1;
	s20 =	simm.s32 $0x0;
	s10 =	smul.u32 $0x2800, s2  }
0x7: {  	[smem:$0x7FF] =	sst s3;
	s4 =	sadd.s32 $0x3F800, s8;
	s11 =	smul.u32 $0x50000, s9  }
0x8: {  	s5 =	sadd.s32 $0x3800, s8;
	s6 =	sadd.s32 $0x17800, s8;
	s29 =	smul.u32 $0xA000, s2  }
0x9: {  	_ =	strace $0x80000047;
	s28 =	ssub.s32 $0x2, s9;
	s14 =	smul.u32 $0x5000, s2  }
0xa: {  	s13 =	ssub.s32 $0x8C, s2;
	s30 =	sshrl.u32 s28, $0x1;
	s10 =	sadd.s32 s10, s7  }
0xb: {  	s7 =	sadd.s32 $0x2B800, s8;
	s31 =	sshrl.u32 s29, $0x2;
	s9 =	sadd.s32 s14, s11  }
0xc: {  	s14 =	simm.s32 $0x2;
	s10 =	sshrl.u32 s10, $0x3;
	s11 =	sadd.s32 s31, s1  }
0xd: {  	s12 =	sadd.s32 s10, s8;
	s10 =	ssub.s32 s28, s30;
	s8 =	sshrl.u32 s13, $0x4  }
0xe: {  	v0 =	vimm.f32 $0.0e+00;
	s13 =	simm.s32 $0x5800;
	s10 =	smax.u32 s10, $0x1;
	s12 =	sadd.s32 $0x8DA00, s12  }
.LBB2_1:
0xf: {  	s21 =	simm.s32 $0x0;
	s22 =	simm.s32 $0x200  }
.LBB2_2:
0x10: {  	p0 =	sne.s32 s22, $0x9E00;
	[tilespmem:s21+$0x5870] =	vst v0  }
0x11: {  	[tilespmem:s21+$0x5800] =	vst v0  }
0x12: {  	[tilespmem:s21+$0x5810] =	vst v0  }
.Ltmp0:
0x13: {  	[tilespmem:s21+$0x5820] =	vst v0;
	(pc) =	sbr.rel @p0 .LBB2_2-.Ltmp0, $4  }
0x14: {  	[tilespmem:s21+$0x5830] =	vst v0  }
0x15: {  	[tilespmem:s21+$0x5840] =	vst v0  }
0x16: {  	[tilespmem:s21+$0x5850] =	vst v0  }
0x17: {  	[tilespmem:s21+$0x5860] =	vst v0;
	s21 =	sshra.s32 s22, $0x2;
	s22 =	sadd.s32 $0x200, s22  }
0x18: {  	[tilespmem:s21+$0x5870] =	vst v0  }
0x19: {  	[tilespmem:s21+$0x5800] =	vst v0  }
0x1a: {  	[tilespmem:s21+$0x5810] =	vst v0  }
0x1b: {  	[tilespmem:s21+$0x5820] =	vst v0  }
0x1c: {  	[tilespmem:s21+$0x5830] =	vst v0  }
0x1d: {  	[tilespmem:s21+$0x5840] =	vst v0;
	p0 =	sne.s32 s8, $0x1  }
.Ltmp1:
0x1e: {  	[tilespmem:s21+$0x5850] =	vst v0;
	(pc) =	sbr.rel @!p0 .LBB2_5-.Ltmp1, $4  }
0x1f: {  	[tilespmem:s21+$0x5860] =	vst v0  }
0x20: {  	[spmem:s11] =	stream.linear.scatter [tilespmem:s13], [sflag:$0x2], $0x2800, $0x38;
	[tilespmem:$0x1B880] =	vst v63  }
0x21: {  	_ =	swait.ge [sflag:s14], $0x2800  }
0x22: {  	s21 =	sadd.s32 $0xFFFFFFFF, s8;
	s22 =	smov.u32 s11;
	[sflag:s14] =	ssyncset.done $0x0  }
.LBB2_4:
0x23: {  	p1 =	sne.s32 s21, $0x1;
	[sflag:s14] =	ssyncadd.s32 $0xFFFFD800;
	s22 =	sadd.s32 $0x28000, s22  }
.Ltmp2:
0x24: {  	s21 =	sadd.s32 $0xFFFFFFFF, s21;
	(pc) =	sbr.rel @p1 .LBB2_4-.Ltmp2, $4  }
0x25: {  	_ = 	snop  }
0x26: {  	[spmem:s22] =	stream.linear.scatter [tilespmem:s13], [sflag:$0x2], $0x2800, $0x38;
	[tilespmem:$0x1B880] =	vst v63  }
0x27: {  	_ =	swait.ge [sflag:s14], $0x2800  }
0x28: {  	[sflag:s14] =	ssyncset.done $0x0  }
.LBB2_5:
0x29: {  	[sflag:s14] =	ssyncadd.s32 $0xFFFFD800  }
0x2a: {  	s21 =	simm.s32 $0x0;
	s22 =	simm.s32 $0x0;
	[bflag:$0x0] =	sbarrier.arrive $0xFFFF  }
.LBB2_6:
0x2b: {  	s23 =	sshll.u32 s22, $0xB  }
0x2c: {  	s23 =	sadd.s32 s23, s9  }
0x2d: {  	s23 =	sshrl.u32 s23, $0x3  }
0x2e: {  	s24 =	sadd.s32 s5, s23  }
0x2f: {  	[tilespmem:s21], [sflag:$0x2] =	stream.linear.gather [hbm4b:s24+s21], $0x800, $0x38;
	[tilespmem:$0x1B880] =	vst v63  }
0x30: {  	_ =	swait.ge [sflag:s14], $0x800  }
0x31: {  	[sflag:s14] =	ssyncset.done $0x0  }
0x32: {  	s31 =	sadd.s32 s6, s23;
	[sflag:s14] =	ssyncadd.s32 $0xFFFFF800  }
0x33: {  	[tilespmem:s15], [sflag:$0x2] =	stream.linear.gather [hbm4b:s31+s21], $0x800, $0x38;
	[tilespmem:$0x1B880] =	vst v63  }
0x34: {  	_ =	swait.ge [sflag:s14], $0x800  }
0x35: {  	[sflag:s14] =	ssyncset.done $0x0  }
0x36: {  	s23 =	sadd.s32 s7, s23;
	[sflag:s14] =	ssyncadd.s32 $0xFFFFF800  }
0x37: {  	[tilespmem:s16], [sflag:$0x2] =	stream.linear.gather [hbm4b:s23+s21], $0x800, $0x38;
	[tilespmem:$0x1B880] =	vst v63  }
0x38: {  	_ =	swait.ge [sflag:s14], $0x800  }
0x39: {  	[sflag:s14] =	ssyncset.done $0x0  }
0x3a: {  	s23 =	simm.s32 $0x0;
	[sflag:s14] =	ssyncadd.s32 $0xFFFFF800  }
.LBB2_7:
0x3b: {  	s24 =	sshll.u32 s23, $0x7  }
0x3c: {  	s25 =	sadd.s32 $0x1000, s24  }
0x3d: {  	v1 =	vmov s25  }
0x3e: {  	[tilespmem:s18], [sflag:$0x1] =	stream.indirect.gather [hbm4b:s4+s17], $0x80, s24, s17, $0xb8;
	[tilespmem:$0x1B880] =	vst v63  }
0x3f: {  	_ =	swait.ge [sflag:s19], $0x4000  }
0x40: {  	s31 =	simm.s32 $0x0;
	[sflag:s19] =	ssyncset.done $0x0  }
0x41: {  	s26 =	simm.s32 $0x0;
	s25 =	sand.u32 $0x3FFFFFF0, s31;
	[sflag:s19] =	ssyncadd.s32 $0xFFFFC000  }
0x42: {  	v2 =	vld.idx.msk [tilespmem:v1+s25+$0x0 ss:$0x1], $0xffff;
	s25 =	sand.u32 $0x3FFFF800, s26  }
0x43: {  	v8 =	vld [tilespmem:s25+$0x18C0]  }
0x44: {  	v4 =	vld [tilespmem:s25+$0x1820]  }
0x45: {  	v5 =	vld [tilespmem:s25+$0x1830]  }
0x46: {  	v11 =	vld [tilespmem:s25+$0x1860]  }
0x47: {  	v12 =	vld [tilespmem:s25+$0x1870];
	v3 =	vbroadcast v2, $0x0  }
0x48: {  	v13 =	vld [tilespmem:s25+$0x1880]  }
0x49: {  	v14 =	vld [tilespmem:s25+$0x1890];
	v4 =	vmul.f32 v4, v3  }
0x4a: {  	v15 =	vld [tilespmem:s25+$0x18A0];
	v5 =	vmul.f32 v5, v3  }
0x4b: {  	v10 =	vld [tilespmem:s25+$0x18B0];
	v21 =	vbroadcast v2, $0x1;
	v20 =	vmul.f32 v11, v3;
	[tilespmem:s25+$0x1820] =	vst v4  }
0x4c: {  	v9 =	vld [tilespmem:s25+$0x18D0];
	v12 =	vmul.f32 v12, v3;
	[tilespmem:s25+$0x1830] =	vst v5  }
0x4d: {  	v7 =	vld [tilespmem:s25+$0x1D70];
	v13 =	vmul.f32 v13, v21;
	[tilespmem:s25+$0x1860] =	vst v20  }
0x4e: {  	v23 =	vld [tilespmem:s25+$0x18F0];
	v14 =	vmul.f32 v14, v21;
	[tilespmem:s25+$0x1870] =	vst v12  }
0x4f: {  	v24 =	vld [tilespmem:s25+$0x1900];
	v15 =	vmul.f32 v15, v21;
	[tilespmem:s25+$0x1880] =	vst v13  }
0x50: {  	v25 =	vld [tilespmem:s25+$0x1910];
	v10 =	vmul.f32 v10, v21;
	[tilespmem:s25+$0x1890] =	vst v14  }
0x51: {  	v22 =	vld [tilespmem:s25+$0x18E0];
	v8 =	vmul.f32 v8, v21;
	[tilespmem:s25+$0x18A0] =	vst v15  }
0x52: {  	v26 =	vld [tilespmem:s25+$0x1920];
	v16 =	vbroadcast v2, $0x2;
	v9 =	vmul.f32 v9, v21;
	[tilespmem:s25+$0x18B0] =	vst v10  }
0x53: {  	v27 =	vld [tilespmem:s25+$0x1930];
	v11 =	vmul.f32 v23, v21;
	[tilespmem:s25+$0x18C0] =	vst v8  }
0x54: {  	v28 =	vld [tilespmem:s25+$0x1940];
	v6 =	vbroadcast v2, $0xA;
	v30 =	vmul.f32 v24, v16;
	[tilespmem:s25+$0x18D0] =	vst v9  }
0x55: {  	v29 =	vld [tilespmem:s25+$0x1950];
	v32 =	vmul.f32 v25, v16;
	[tilespmem:s25+$0x18F0] =	vst v11  }
0x56: {  	v31 =	vld [tilespmem:s25+$0x1960];
	v4 =	vmul.f32 v7, v6;
	[tilespmem:s25+$0x1900] =	vst v30  }
0x57: {  	v33 =	vld [tilespmem:s25+$0x1970];
	v12 =	vmul.f32 v22, v21;
	[tilespmem:s25+$0x1910] =	vst v32  }
0x58: {  	v34 =	vld [tilespmem:s25+$0x1980];
	v10 =	vmul.f32 v26, v16;
	[tilespmem:s25+$0x1D70] =	vst v4  }
0x59: {  	v35 =	vld [tilespmem:s25+$0x1990];
	v8 =	vmul.f32 v27, v16;
	[tilespmem:s25+$0x18E0] =	vst v12  }
0x5a: {  	v36 =	vld [tilespmem:s25+$0x19A0];
	v9 =	vmul.f32 v28, v16;
	[tilespmem:s25+$0x1920] =	vst v10  }
0x5b: {  	v37 =	vld [tilespmem:s25+$0x19B0];
	v39 =	vbroadcast v2, $0x3;
	v11 =	vmul.f32 v31, v16;
	[tilespmem:s25+$0x1930] =	vst v8  }
0x5c: {  	v38 =	vld [tilespmem:s25+$0x19C0];
	v13 =	vmul.f32 v33, v16;
	[tilespmem:s25+$0x1940] =	vst v9  }
0x5d: {  	v40 =	vld [tilespmem:s25+$0x19D0];
	v14 =	vmul.f32 v34, v39;
	[tilespmem:s25+$0x1960] =	vst v11  }
0x5e: {  	v41 =	vld [tilespmem:s25+$0x19E0];
	v12 =	vmul.f32 v29, v16;
	[tilespmem:s25+$0x1970] =	vst v13  }
0x5f: {  	v42 =	vld [tilespmem:s25+$0x19F0];
	v10 =	vmul.f32 v35, v39;
	[tilespmem:s25+$0x1980] =	vst v14  }
0x60: {  	v43 =	vld [tilespmem:s25+$0x1A00];
	v8 =	vmul.f32 v36, v39;
	[tilespmem:s25+$0x1950] =	vst v12  }
0x61: {  	v44 =	vld [tilespmem:s25+$0x1A10];
	v9 =	vmul.f32 v37, v39;
	[tilespmem:s25+$0x1990] =	vst v10  }
0x62: {  	v45 =	vld [tilespmem:s25+$0x1A20];
	v11 =	vmul.f32 v40, v39;
	[tilespmem:s25+$0x19A0] =	vst v8  }
0x63: {  	v46 =	vld [tilespmem:s25+$0x1A30];
	v13 =	vmul.f32 v41, v39;
	[tilespmem:s25+$0x19B0] =	vst v9  }
0x64: {  	v47 =	vld [tilespmem:s25+$0x1A40];
	v48 =	vbroadcast v2, $0x4;
	v14 =	vmul.f32 v42, v39;
	[tilespmem:s25+$0x19D0] =	vst v11  }
0x65: {  	v49 =	vld [tilespmem:s25+$0x1A50];
	v12 =	vmul.f32 v38, v39;
	[tilespmem:s25+$0x19E0] =	vst v13  }
0x66: {  	v50 =	vld [tilespmem:s25+$0x1A60];
	v10 =	vmul.f32 v43, v48;
	[tilespmem:s25+$0x19F0] =	vst v14  }
0x67: {  	v51 =	vld [tilespmem:s25+$0x1A70];
	v8 =	vmul.f32 v44, v48;
	[tilespmem:s25+$0x19C0] =	vst v12  }
0x68: {  	v52 =	vld [tilespmem:s25+$0x1A80];
	v9 =	vmul.f32 v45, v48;
	[tilespmem:s25+$0x1A00] =	vst v10  }
0x69: {  	v53 =	vld [tilespmem:s25+$0x1A90];
	v11 =	vmul.f32 v47, v48;
	[tilespmem:s25+$0x1A10] =	vst v8  }
0x6a: {  	v54 =	vld [tilespmem:s25+$0x1AA0];
	v13 =	vmul.f32 v49, v48;
	[tilespmem:s25+$0x1A20] =	vst v9  }
0x6b: {  	v55 =	vld [tilespmem:s25+$0x1AB0];
	v14 =	vmul.f32 v50, v48;
	[tilespmem:s25+$0x1A40] =	vst v11  }
0x6c: {  	v56 =	vld [tilespmem:s25+$0x1AC0];
	v57 =	vbroadcast v2, $0x5;
	v12 =	vmul.f32 v46, v48;
	[tilespmem:s25+$0x1A50] =	vst v13  }
0x6d: {  	v58 =	vld [tilespmem:s25+$0x1AD0];
	v10 =	vmul.f32 v51, v48;
	[tilespmem:s25+$0x1A60] =	vst v14  }
0x6e: {  	v59 =	vld [tilespmem:s25+$0x1AE0];
	v8 =	vmul.f32 v52, v57;
	[tilespmem:s25+$0x1A30] =	vst v12  }
0x6f: {  	v60 =	vld [tilespmem:s25+$0x1AF0];
	v9 =	vmul.f32 v53, v57;
	[tilespmem:s25+$0x1A70] =	vst v10  }
0x70: {  	v61 =	vld [tilespmem:s25+$0x1B00];
	v11 =	vmul.f32 v55, v57;
	[tilespmem:s25+$0x1A80] =	vst v8  }
0x71: {  	v62 =	vld [tilespmem:s25+$0x1B10];
	v13 =	vmul.f32 v56, v57;
	[tilespmem:s25+$0x1A90] =	vst v9  }
0x72: {  	v63 =	vld [tilespmem:s25+$0x1B20];
	v14 =	vmul.f32 v58, v57;
	[tilespmem:s25+$0x1AB0] =	vst v11  }
0x73: {  	v20 =	vld [tilespmem:s25+$0x1B30];
	v12 =	vmul.f32 v54, v57;
	[tilespmem:s25+$0x1AC0] =	vst v13  }
0x74: {  	v21 =	vld [tilespmem:s25+$0x1B40];
	v22 =	vbroadcast v2, $0x6;
	v10 =	vmul.f32 v59, v57;
	[tilespmem:s25+$0x1AD0] =	vst v14  }
0x75: {  	v23 =	vld [tilespmem:s25+$0x1B50];
	v8 =	vmul.f32 v60, v57;
	[tilespmem:s25+$0x1AA0] =	vst v12  }
0x76: {  	v24 =	vld [tilespmem:s25+$0x1B60];
	v9 =	vmul.f32 v61, v22;
	[tilespmem:s25+$0x1AE0] =	vst v10  }
0x77: {  	v25 =	vld [tilespmem:s25+$0x1B70];
	v11 =	vmul.f32 v63, v22;
	[tilespmem:s25+$0x1AF0] =	vst v8  }
0x78: {  	v5 =	vld [tilespmem:s25+$0x1D80];
	v13 =	vmul.f32 v20, v22;
	[tilespmem:s25+$0x1B00] =	vst v9  }
0x79: {  	v27 =	vld [tilespmem:s25+$0x1B90];
	v14 =	vmul.f32 v21, v22;
	[tilespmem:s25+$0x1B20] =	vst v11  }
0x7a: {  	v28 =	vld [tilespmem:s25+$0x1BA0];
	v12 =	vmul.f32 v62, v22;
	[tilespmem:s25+$0x1B30] =	vst v13  }
0x7b: {  	v29 =	vld [tilespmem:s25+$0x1BB0];
	v10 =	vmul.f32 v23, v22;
	[tilespmem:s25+$0x1B40] =	vst v14  }
0x7c: {  	v31 =	vbroadcast v2, $0x7;
	v53 =	vld [tilespmem:s25+$0x1D00];
	v8 =	vmul.f32 v24, v22;
	[tilespmem:s25+$0x1B10] =	vst v12  }
0x7d: {  	v58 =	vld [tilespmem:s25+$0x1D50];
	v9 =	vmul.f32 v25, v22;
	[tilespmem:s25+$0x1B50] =	vst v10  }
0x7e: {  	v26 =	vld [tilespmem:s25+$0x1B80];
	v11 =	vmul.f32 v27, v31;
	[tilespmem:s25+$0x1B60] =	vst v8  }
0x7f: {  	v30 =	vld [tilespmem:s25+$0x1BC0];
	v13 =	vmul.f32 v28, v31;
	[tilespmem:s25+$0x1B70] =	vst v9  }
0x80: {  	v32 =	vld [tilespmem:s25+$0x1BD0];
	v14 =	vmul.f32 v29, v31;
	[tilespmem:s25+$0x1B90] =	vst v11  }
0x81: {  	v33 =	vld [tilespmem:s25+$0x1BE0];
	v59 =	vmul.f32 v53, v6;
	[tilespmem:s25+$0x1BA0] =	vst v13  }
0x82: {  	v35 =	vld [tilespmem:s25+$0x1C00];
	v21 =	vmul.f32 v58, v6;
	[tilespmem:s25+$0x1BB0] =	vst v14  }
0x83: {  	v36 =	vld [tilespmem:s25+$0x1C10];
	v12 =	vmul.f32 v26, v31;
	[tilespmem:s25+$0x1D00] =	vst v59  }
0x84: {  	v37 =	vld [tilespmem:s25+$0x1C20];
	v10 =	vmul.f32 v30, v31;
	[tilespmem:s25+$0x1D50] =	vst v21  }
0x85: {  	v7 =	vld [tilespmem:s25+$0x1D90];
	v40 =	vbroadcast v2, $0x8;
	v8 =	vmul.f32 v32, v31;
	[tilespmem:s25+$0x1B80] =	vst v12  }
0x86: {  	v34 =	vld [tilespmem:s25+$0x1BF0];
	v9 =	vmul.f32 v33, v31;
	[tilespmem:s25+$0x1BC0] =	vst v10  }
0x87: {  	v57 =	vld [tilespmem:s25+$0x1D40];
	v11 =	vmul.f32 v35, v40;
	[tilespmem:s25+$0x1BD0] =	vst v8  }
0x88: {  	v61 =	vld [tilespmem:s25+$0x1800];
	v24 =	vbroadcast v2, $0xB;
	v13 =	vmul.f32 v36, v40;
	[tilespmem:s25+$0x1BE0] =	vst v9  }
0x89: {  	v4 =	vld [tilespmem:s25+$0x1FD0];
	v14 =	vmul.f32 v37, v40;
	[tilespmem:s25+$0x1C00] =	vst v11  }
0x8a: {  	v38 =	vld [tilespmem:s25+$0x1C30];
	v5 =	vmul.f32 v5, v24;
	[tilespmem:s25+$0x1C10] =	vst v13  }
0x8b: {  	v39 =	vld [tilespmem:s25+$0x1C40];
	v7 =	vmul.f32 v7, v24;
	[tilespmem:s25+$0x1C20] =	vst v14  }
0x8c: {  	v41 =	vld [tilespmem:s25+$0x1C50];
	v19 =	vmul.f32 v57, v6;
	[tilespmem:s25+$0x1D80] =	vst v5  }
0x8d: {  	v43 =	vld [tilespmem:s25+$0x1C70];
	v25 =	vmul.f32 v3, v61;
	[tilespmem:s25+$0x1D90] =	vst v7  }
0x8e: {  	v44 =	vld [tilespmem:s25+$0x1C80];
	v12 =	vmul.f32 v34, v31;
	[tilespmem:s25+$0x1D40] =	vst v19  }
0x8f: {  	v45 =	vld [tilespmem:s25+$0x1C90];
	v10 =	vmul.f32 v38, v40;
	[tilespmem:s25+$0x1800] =	vst v25  }
0x90: {  	v27 =	vld [tilespmem:s25+$0x1DD0];
	v8 =	vmul.f32 v39, v40;
	[tilespmem:s25+$0x1BF0] =	vst v12  }
0x91: {  	v49 =	vbroadcast v2, $0x9;
	v29 =	vld [tilespmem:s25+$0x1DF0];
	v9 =	vmul.f32 v41, v40;
	[tilespmem:s25+$0x1C30] =	vst v10  }
0x92: {  	v42 =	vld [tilespmem:s25+$0x1C60];
	v11 =	vmul.f32 v43, v40;
	[tilespmem:s25+$0x1C40] =	vst v8  }
0x93: {  	v46 =	vld [tilespmem:s25+$0x1CA0];
	v13 =	vmul.f32 v44, v49;
	[tilespmem:s25+$0x1C50] =	vst v9  }
0x94: {  	v47 =	vld [tilespmem:s25+$0x1CB0];
	v14 =	vmul.f32 v45, v49;
	[tilespmem:s25+$0x1C70] =	vst v11  }
0x95: {  	v48 =	vld [tilespmem:s25+$0x1CC0];
	v32 =	vmul.f32 v27, v24;
	[tilespmem:s25+$0x1C80] =	vst v13  }
0x96: {  	v51 =	vld [tilespmem:s25+$0x1CE0];
	v7 =	vmul.f32 v29, v24;
	[tilespmem:s25+$0x1C90] =	vst v14  }
0x97: {  	v52 =	vld [tilespmem:s25+$0x1CF0];
	v12 =	vmul.f32 v42, v40;
	[tilespmem:s25+$0x1DD0] =	vst v32  }
0x98: {  	v10 =	vmul.f32 v46, v49;
	[tilespmem:s25+$0x1DF0] =	vst v7  }
0x99: {  	v28 =	vld [tilespmem:s25+$0x1DE0];
	v8 =	vmul.f32 v47, v49;
	[tilespmem:s25+$0x1C60] =	vst v12  }
0x9a: {  	v30 =	vld [tilespmem:s25+$0x1E00];
	v9 =	vmul.f32 v48, v49;
	[tilespmem:s25+$0x1CA0] =	vst v10  }
0x9b: {  	v50 =	vld [tilespmem:s25+$0x1CD0];
	v5 =	vbroadcast v2, $0xF;
	v11 =	vmul.f32 v51, v49;
	[tilespmem:s25+$0x1CB0] =	vst v8  }
0x9c: {  	v54 =	vld [tilespmem:s25+$0x1D10];
	v13 =	vmul.f32 v52, v49;
	[tilespmem:s25+$0x1CC0] =	vst v9  }
0x9d: {  	v55 =	vld [tilespmem:s25+$0x1D20];
	v35 =	vbroadcast v2, $0xC;
	v4 =	vmul.f32 v4, v5;
	[tilespmem:s25+$0x1CE0] =	vst v11  }
0x9e: {  	v56 =	vld [tilespmem:s25+$0x1D30];
	v40 =	vmul.f32 v28, v24;
	[tilespmem:s25+$0x1CF0] =	vst v13  }
0x9f: {  	v60 =	vld [tilespmem:s25+$0x1D60];
	v16 =	vmul.f32 v30, v35;
	[tilespmem:s25+$0x1FD0] =	vst v4  }
0xa0: {  	v62 =	vld [tilespmem:s25+$0x1810];
	v12 =	vmul.f32 v50, v49;
	[tilespmem:s25+$0x1DE0] =	vst v40  }
0xa1: {  	v63 =	vld [tilespmem:s25+$0x1840];
	v10 =	vmul.f32 v54, v6;
	[tilespmem:s25+$0x1E00] =	vst v16  }
0xa2: {  	v20 =	vld [tilespmem:s25+$0x1850];
	v8 =	vmul.f32 v55, v6;
	[tilespmem:s25+$0x1CD0] =	vst v12  }
0xa3: {  	v33 =	vld [tilespmem:s25+$0x1E30];
	v9 =	vmul.f32 v56, v6;
	[tilespmem:s25+$0x1D10] =	vst v10  }
0xa4: {  	v61 =	vld [tilespmem:s25+$0x1FF0];
	v6 =	vmul.f32 v60, v6;
	[tilespmem:s25+$0x1D20] =	vst v8  }
0xa5: {  	v38 =	vld [tilespmem:s25+$0x1E70];
	v13 =	vmul.f32 v62, v3;
	[tilespmem:s25+$0x1D30] =	vst v9  }
0xa6: {  	v22 =	vld [tilespmem:s25+$0x1DA0];
	v4 =	vmul.f32 v63, v3;
	[tilespmem:s25+$0x1D60] =	vst v6  }
0xa7: {  	v23 =	vld [tilespmem:s25+$0x1DB0];
	v3 =	vmul.f32 v20, v3;
	[tilespmem:s25+$0x1810] =	vst v13  }
0xa8: {  	v26 =	vld [tilespmem:s25+$0x1DC0];
	v62 =	vmul.f32 v33, v35;
	[tilespmem:s25+$0x1840] =	vst v4  }
0xa9: {  	v31 =	vld [tilespmem:s25+$0x1E10];
	v63 =	vmul.f32 v61, v5;
	[tilespmem:s25+$0x1850] =	vst v3  }
0xaa: {  	v34 =	vld [tilespmem:s25+$0x1E40];
	v16 =	vmul.f32 v38, v35;
	[tilespmem:s25+$0x1E30] =	vst v62  }
0xab: {  	v41 =	vld [tilespmem:s25+$0x1EA0];
	v8 =	vmul.f32 v22, v24;
	[tilespmem:s25+$0x1FF0] =	vst v63  }
0xac: {  	v46 =	vld [tilespmem:s25+$0x1EE0];
	v9 =	vmul.f32 v23, v24;
	[tilespmem:s25+$0x1E70] =	vst v16  }
0xad: {  	v6 =	vmul.f32 v26, v24;
	v3 =	vld [tilespmem:s25+$0x1E90];
	[tilespmem:s25+$0x1DA0] =	vst v8  }
0xae: {  	v36 =	vld [tilespmem:s25+$0x1E50];
	v44 =	vbroadcast v2, $0xD;
	v10 =	vmul.f32 v31, v35;
	[tilespmem:s25+$0x1DB0] =	vst v9  }
0xaf: {  	v37 =	vld [tilespmem:s25+$0x1E60];
	v13 =	vmul.f32 v34, v35;
	[tilespmem:s25+$0x1DC0] =	vst v6  }
0xb0: {  	v39 =	vld [tilespmem:s25+$0x1E80];
	v12 =	vmul.f32 v41, v44;
	[tilespmem:s25+$0x1E10] =	vst v10  }
0xb1: {  	v42 =	vld [tilespmem:s25+$0x1EB0];
	v51 =	vmul.f32 v46, v44;
	[tilespmem:s25+$0x1E40] =	vst v13  }
0xb2: {  	v48 =	vld [tilespmem:s25+$0x1F10];
	[tilespmem:s25+$0x1EA0] =	vst v12;
	v3 =	vmul.f32 v3, v44  }
0xb3: {  	v49 =	vld [tilespmem:s25+$0x1F20];
	v9 =	vmul.f32 v36, v35;
	[tilespmem:s25+$0x1EE0] =	vst v51  }
0xb4: {  	v6 =	vmul.f32 v37, v35;
	[tilespmem:s25+$0x1E90] =	vst v3;
	v3 =	vld [tilespmem:s25+$0x1F00]  }
0xb5: {  	v2 =	vbroadcast v2, $0xE;
	v50 =	vld [tilespmem:s25+$0x1F30];
	v10 =	vmul.f32 v39, v44;
	[tilespmem:s25+$0x1E50] =	vst v9  }
0xb6: {  	v45 =	vld [tilespmem:s25+$0x1ED0];
	v13 =	vmul.f32 v42, v44;
	[tilespmem:s25+$0x1E60] =	vst v6  }
0xb7: {  	v47 =	vld [tilespmem:s25+$0x1EF0];
	v12 =	vmul.f32 v48, v2;
	[tilespmem:s25+$0x1E80] =	vst v10  }
0xb8: {  	v43 =	vld [tilespmem:s25+$0x1EC0];
	v11 =	vmul.f32 v49, v2;
	[tilespmem:s25+$0x1EB0] =	vst v13  }
0xb9: {  	v55 =	vld [tilespmem:s25+$0x1F80];
	[tilespmem:s25+$0x1F10] =	vst v12;
	v3 =	vmul.f32 v3, v2  }
0xba: {  	v57 =	vld [tilespmem:s25+$0x1FA0];
	v7 =	vmul.f32 v50, v2;
	[tilespmem:s25+$0x1F20] =	vst v11  }
0xbb: {  	v6 =	vmul.f32 v45, v44;
	[tilespmem:s25+$0x1F00] =	vst v3;
	v3 =	vld [tilespmem:s25+$0x1F70]  }
0xbc: {  	v52 =	vld [tilespmem:s25+$0x1F40];
	v10 =	vmul.f32 v47, v44;
	[tilespmem:s25+$0x1F30] =	vst v7  }
0xbd: {  	v56 =	vld [tilespmem:s25+$0x1F90];
	v9 =	vmul.f32 v43, v44;
	[tilespmem:s25+$0x1ED0] =	vst v6  }
0xbe: {  	v54 =	vld [tilespmem:s25+$0x1F60];
	v12 =	vmul.f32 v55, v5;
	[tilespmem:s25+$0x1EF0] =	vst v10  }
0xbf: {  	v58 =	vld [tilespmem:s25+$0x1FB0];
	v7 =	vmul.f32 v57, v5;
	[tilespmem:s25+$0x1EC0] =	vst v9  }
0xc0: {  	v53 =	vld [tilespmem:s25+$0x1F50];
	[tilespmem:s25+$0x1F80] =	vst v12;
	v3 =	vmul.f32 v3, v2  }
0xc1: {  	v59 =	vld [tilespmem:s25+$0x1FC0];
	v6 =	vmul.f32 v52, v2;
	[tilespmem:s25+$0x1FA0] =	vst v7  }
0xc2: {  	v60 =	vld [tilespmem:s25+$0x1FE0];
	[tilespmem:s25+$0x1F70] =	vst v3;
	v3 =	vmul.f32 v56, v5  }
0xc3: {  	v10 =	vmul.f32 v54, v2;
	[tilespmem:s25+$0x1F40] =	vst v6  }
0xc4: {  	v4 =	vld [tilespmem:s25+$0x1E20];
	[tilespmem:s25+$0x1F90] =	vst v3;
	v3 =	vmul.f32 v58, v5  }
0xc5: {  	[tilespmem:s25+$0x1F60] =	vst v10;
	v2 =	vmul.f32 v53, v2  }
0xc6: {  	[tilespmem:s25+$0x1FB0] =	vst v3;
	v3 =	vmul.f32 v59, v5  }
0xc7: {  	[tilespmem:s25+$0x1F50] =	vst v2;
	v5 =	vmul.f32 v60, v5  }
0xc8: {  	[tilespmem:s25+$0x1FC0] =	vst v3  }
0xc9: {  	s26 =	simm.s32 $0x1;
	v3 =	vmul.f32 v4, v35;
	[tilespmem:s25+$0x1FE0] =	vst v5  }
.LBB2_8:
0xca: {  	s28 =	sshll.u32 s26, $0x4  }
0xcb: {  	p1 =	sne.s32 s26, $0x7;
	[tilespmem:s25+$0x1E20] =	vst v3;
	s25 =	smov.u32 s26;
	s26 =	sadd.s32 $0x1, s26  }
0xcc: {  	s28 =	sand.u32 $0x3FFFFFF0, s28  }
0xcd: {  	v2 =	vld.idx.msk [tilespmem:v1+s28+$0x0 ss:$0x1], $0xffff  }
0xce: {  	s25 =	sshll.u32 s25, $0xB  }
0xcf: {  	s25 =	sand.u32 $0x3FFFF800, s25  }
0xd0: {  	v9 =	vld [tilespmem:s25+$0x18C0]  }
0xd1: {  	v10 =	vld [tilespmem:s25+$0x18D0]  }
0xd2: {  	v11 =	vld [tilespmem:s25+$0x18B0]  }
0xd3: {  	v3 =	vbroadcast v2, $0x0;
	v8 =	vbroadcast v2, $0x4;
	v4 =	vld [tilespmem:s25+$0x1820]  }
0xd4: {  	v6 =	vld [tilespmem:s25+$0x1830]  }
0xd5: {  	v7 =	vld [tilespmem:s25+$0x1D70]  }
0xd6: {  	v12 =	vld [tilespmem:s25+$0x1860]  }
0xd7: {  	v13 =	vld [tilespmem:s25+$0x1870]  }
0xd8: {  	v5 =	vbroadcast v2, $0xA;
	v4 =	vmul.f32 v4, v3;
	v14 =	vld [tilespmem:s25+$0x1880]  }
0xd9: {  	v6 =	vmul.f32 v6, v3;
	v15 =	vld [tilespmem:s25+$0x1890]  }
0xda: {  	[tilespmem:s25+$0x1820] =	vst v4;
	v16 =	vld [tilespmem:s25+$0x18A0];
	v4 =	vmul.f32 v7, v5  }
0xdb: {  	[tilespmem:s25+$0x1830] =	vst v6;
	v7 =	vmul.f32 v12, v3;
	v12 =	vbroadcast v2, $0x1;
	v6 =	vld [tilespmem:s25+$0x1D80]  }
0xdc: {  	v13 =	vmul.f32 v13, v3;
	[tilespmem:s25+$0x1D70] =	vst v4;
	v4 =	vld [tilespmem:s25+$0x1FD0]  }
0xdd: {  	[tilespmem:s25+$0x1860] =	vst v7;
	v14 =	vmul.f32 v14, v12;
	v7 =	vld [tilespmem:s25+$0x1D90]  }
0xde: {  	[tilespmem:s25+$0x1870] =	vst v13;
	v13 =	vmul.f32 v15, v12;
	v15 =	vld [tilespmem:s25+$0x18E0]  }
0xdf: {  	[tilespmem:s25+$0x1880] =	vst v14;
	v14 =	vmul.f32 v16, v12;
	v16 =	vld [tilespmem:s25+$0x18F0]  }
0xe0: {  	v11 =	vmul.f32 v11, v12;
	[tilespmem:s25+$0x1890] =	vst v13;
	v13 =	vld [tilespmem:s25+$0x1900]  }
0xe1: {  	v9 =	vmul.f32 v9, v12;
	[tilespmem:s25+$0x18A0] =	vst v14;
	v14 =	vld [tilespmem:s25+$0x1910]  }
0xe2: {  	v10 =	vmul.f32 v10, v12;
	[tilespmem:s25+$0x18B0] =	vst v11;
	v11 =	vld [tilespmem:s25+$0x1920]  }
0xe3: {  	[tilespmem:s25+$0x18C0] =	vst v9;
	v9 =	vmul.f32 v15, v12;
	v15 =	vbroadcast v2, $0x2;
	v17 =	vld [tilespmem:s25+$0x1930]  }
0xe4: {  	[tilespmem:s25+$0x18D0] =	vst v10;
	v10 =	vmul.f32 v16, v12;
	v12 =	vld [tilespmem:s25+$0x1940]  }
0xe5: {  	[tilespmem:s25+$0x18E0] =	vst v9;
	v9 =	vmul.f32 v13, v15;
	v13 =	vld [tilespmem:s25+$0x1950]  }
0xe6: {  	[tilespmem:s25+$0x18F0] =	vst v10;
	v10 =	vmul.f32 v14, v15;
	v14 =	vld [tilespmem:s25+$0x1960]  }
0xe7: {  	[tilespmem:s25+$0x1900] =	vst v9;
	v9 =	vmul.f32 v11, v15;
	v11 =	vld [tilespmem:s25+$0x1970]  }
0xe8: {  	[tilespmem:s25+$0x1910] =	vst v10;
	v10 =	vmul.f32 v17, v15;
	v16 =	vld [tilespmem:s25+$0x1980]  }
0xe9: {  	[tilespmem:s25+$0x1920] =	vst v9;
	v9 =	vmul.f32 v12, v15;
	v12 =	vld [tilespmem:s25+$0x1990]  }
0xea: {  	[tilespmem:s25+$0x1930] =	vst v10;
	v10 =	vmul.f32 v13, v15;
	v13 =	vld [tilespmem:s25+$0x19A0]  }
0xeb: {  	[tilespmem:s25+$0x1940] =	vst v9;
	v9 =	vmul.f32 v14, v15;
	v14 =	vbroadcast v2, $0x3;
	v17 =	vld [tilespmem:s25+$0x19B0]  }
0xec: {  	[tilespmem:s25+$0x1950] =	vst v10;
	v10 =	vmul.f32 v11, v15;
	v11 =	vld [tilespmem:s25+$0x19C0]  }
0xed: {  	[tilespmem:s25+$0x1960] =	vst v9;
	v9 =	vmul.f32 v16, v14;
	v15 =	vld [tilespmem:s25+$0x19D0]  }
0xee: {  	[tilespmem:s25+$0x1970] =	vst v10;
	v10 =	vmul.f32 v12, v14;
	v12 =	vld [tilespmem:s25+$0x19E0]  }
0xef: {  	[tilespmem:s25+$0x1980] =	vst v9;
	v9 =	vmul.f32 v13, v14;
	v13 =	vld [tilespmem:s25+$0x19F0]  }
0xf0: {  	[tilespmem:s25+$0x1990] =	vst v10;
	v10 =	vmul.f32 v17, v14;
	v16 =	vld [tilespmem:s25+$0x1A00]  }
0xf1: {  	[tilespmem:s25+$0x19A0] =	vst v9;
	v9 =	vmul.f32 v11, v14;
	v11 =	vld [tilespmem:s25+$0x1A10]  }
0xf2: {  	[tilespmem:s25+$0x19B0] =	vst v10;
	v10 =	vmul.f32 v15, v14;
	v15 =	vld [tilespmem:s25+$0x1A20]  }
0xf3: {  	[tilespmem:s25+$0x19C0] =	vst v9;
	v9 =	vmul.f32 v12, v14;
	v12 =	vld [tilespmem:s25+$0x1A30]  }
0xf4: {  	[tilespmem:s25+$0x19D0] =	vst v10;
	v10 =	vmul.f32 v13, v14;
	v13 =	vld [tilespmem:s25+$0x1A40]  }
0xf5: {  	[tilespmem:s25+$0x19E0] =	vst v9;
	v9 =	vmul.f32 v16, v8;
	v14 =	vld [tilespmem:s25+$0x1A50]  }
0xf6: {  	[tilespmem:s25+$0x19F0] =	vst v10;
	v10 =	vmul.f32 v11, v8;
	v11 =	vld [tilespmem:s25+$0x1A60]  }
0xf7: {  	[tilespmem:s25+$0x1A00] =	vst v9;
	v9 =	vmul.f32 v15, v8;
	v15 =	vld [tilespmem:s25+$0x1A70]  }
0xf8: {  	[tilespmem:s25+$0x1A10] =	vst v10;
	v10 =	vmul.f32 v12, v8;
	v12 =	vld [tilespmem:s25+$0x1A80]  }
0xf9: {  	[tilespmem:s25+$0x1A20] =	vst v9;
	v9 =	vmul.f32 v13, v8;
	v13 =	vld [tilespmem:s25+$0x1A90]  }
0xfa: {  	[tilespmem:s25+$0x1A30] =	vst v10;
	v10 =	vmul.f32 v14, v8;
	v14 =	vld [tilespmem:s25+$0x1AA0]  }
0xfb: {  	[tilespmem:s25+$0x1A40] =	vst v9;
	v9 =	vmul.f32 v11, v8;
	v11 =	vbroadcast v2, $0x5;
	v16 =	vld [tilespmem:s25+$0x1AB0]  }
0xfc: {  	[tilespmem:s25+$0x1A50] =	vst v10;
	v8 =	vmul.f32 v15, v8;
	v10 =	vld [tilespmem:s25+$0x1AC0]  }
0xfd: {  	[tilespmem:s25+$0x1A60] =	vst v9;
	v9 =	vmul.f32 v12, v11;
	v12 =	vld [tilespmem:s25+$0x1AD0]  }
0xfe: {  	[tilespmem:s25+$0x1A70] =	vst v8;
	v8 =	vmul.f32 v13, v11;
	v13 =	vld [tilespmem:s25+$0x1AE0]  }
0xff: {  	[tilespmem:s25+$0x1A80] =	vst v9;
	v9 =	vmul.f32 v14, v11;
	v14 =	vld [tilespmem:s25+$0x1AF0]  }
0x100: {  	[tilespmem:s25+$0x1A90] =	vst v8;
	v8 =	vmul.f32 v16, v11;
	v15 =	vld [tilespmem:s25+$0x1B00]  }
0x101: {  	[tilespmem:s25+$0x1AA0] =	vst v9;
	v9 =	vmul.f32 v10, v11;
	v10 =	vld [tilespmem:s25+$0x1B10]  }
0x102: {  	[tilespmem:s25+$0x1AB0] =	vst v8;
	v8 =	vmul.f32 v12, v11;
	v12 =	vld [tilespmem:s25+$0x1B20]  }
0x103: {  	[tilespmem:s25+$0x1AC0] =	vst v9;
	v9 =	vmul.f32 v13, v11;
	v13 =	vbroadcast v2, $0x6;
	v16 =	vld [tilespmem:s25+$0x1B30]  }
0x104: {  	[tilespmem:s25+$0x1AD0] =	vst v8;
	v8 =	vmul.f32 v14, v11;
	v11 =	vld [tilespmem:s25+$0x1B40]  }
0x105: {  	[tilespmem:s25+$0x1AE0] =	vst v9;
	v9 =	vmul.f32 v15, v13;
	v14 =	vld [tilespmem:s25+$0x1B50]  }
0x106: {  	[tilespmem:s25+$0x1AF0] =	vst v8;
	v8 =	vmul.f32 v10, v13;
	v10 =	vld [tilespmem:s25+$0x1B60]  }
0x107: {  	[tilespmem:s25+$0x1B00] =	vst v9;
	v9 =	vmul.f32 v12, v13;
	v12 =	vld [tilespmem:s25+$0x1B70]  }
0x108: {  	[tilespmem:s25+$0x1B10] =	vst v8;
	v8 =	vmul.f32 v16, v13;
	v15 =	vld [tilespmem:s25+$0x1B80]  }
0x109: {  	[tilespmem:s25+$0x1B20] =	vst v9;
	v9 =	vmul.f32 v11, v13;
	v11 =	vld [tilespmem:s25+$0x1B90]  }
0x10a: {  	[tilespmem:s25+$0x1B30] =	vst v8;
	v8 =	vmul.f32 v14, v13;
	v14 =	vld [tilespmem:s25+$0x1BA0]  }
0x10b: {  	[tilespmem:s25+$0x1B40] =	vst v9;
	v9 =	vmul.f32 v10, v13;
	v10 =	vbroadcast v2, $0x7;
	v16 =	vld [tilespmem:s25+$0x1BB0]  }
0x10c: {  	[tilespmem:s25+$0x1B50] =	vst v8;
	v8 =	vmul.f32 v12, v13;
	v12 =	vld [tilespmem:s25+$0x1BC0]  }
0x10d: {  	[tilespmem:s25+$0x1B60] =	vst v9;
	v9 =	vmul.f32 v15, v10;
	v13 =	vld [tilespmem:s25+$0x1BD0]  }
0x10e: {  	[tilespmem:s25+$0x1B70] =	vst v8;
	v8 =	vmul.f32 v11, v10;
	v11 =	vld [tilespmem:s25+$0x1BE0]  }
0x10f: {  	[tilespmem:s25+$0x1B80] =	vst v9;
	v9 =	vmul.f32 v14, v10;
	v14 =	vld [tilespmem:s25+$0x1BF0]  }
0x110: {  	[tilespmem:s25+$0x1B90] =	vst v8;
	v8 =	vmul.f32 v16, v10;
	v15 =	vld [tilespmem:s25+$0x1C00]  }
0x111: {  	[tilespmem:s25+$0x1BA0] =	vst v9;
	v9 =	vmul.f32 v12, v10;
	v12 =	vld [tilespmem:s25+$0x1C10]  }
0x112: {  	[tilespmem:s25+$0x1BB0] =	vst v8;
	v8 =	vmul.f32 v13, v10;
	v13 =	vld [tilespmem:s25+$0x1C20]  }
0x113: {  	[tilespmem:s25+$0x1BC0] =	vst v9;
	v9 =	vmul.f32 v11, v10;
	v11 =	vbroadcast v2, $0x8;
	v16 =	vld [tilespmem:s25+$0x1C30]  }
0x114: {  	[tilespmem:s25+$0x1BD0] =	vst v8;
	v8 =	vmul.f32 v14, v10;
	v10 =	vld [tilespmem:s25+$0x1C40]  }
0x115: {  	[tilespmem:s25+$0x1BE0] =	vst v9;
	v9 =	vmul.f32 v15, v11;
	v14 =	vld [tilespmem:s25+$0x1C50]  }
0x116: {  	[tilespmem:s25+$0x1BF0] =	vst v8;
	v8 =	vmul.f32 v12, v11;
	v12 =	vld [tilespmem:s25+$0x1C60]  }
0x117: {  	[tilespmem:s25+$0x1C00] =	vst v9;
	v9 =	vmul.f32 v13, v11;
	v13 =	vld [tilespmem:s25+$0x1C70]  }
0x118: {  	[tilespmem:s25+$0x1C10] =	vst v8;
	v8 =	vmul.f32 v16, v11;
	v15 =	vld [tilespmem:s25+$0x1C80]  }
0x119: {  	[tilespmem:s25+$0x1C20] =	vst v9;
	v9 =	vmul.f32 v10, v11;
	v10 =	vld [tilespmem:s25+$0x1C90]  }
0x11a: {  	[tilespmem:s25+$0x1C30] =	vst v8;
	v8 =	vmul.f32 v14, v11;
	v14 =	vld [tilespmem:s25+$0x1CA0]  }
0x11b: {  	[tilespmem:s25+$0x1C40] =	vst v9;
	v9 =	vmul.f32 v12, v11;
	v12 =	vbroadcast v2, $0x9;
	v16 =	vld [tilespmem:s25+$0x1CB0]  }
0x11c: {  	[tilespmem:s25+$0x1C50] =	vst v8;
	v8 =	vmul.f32 v13, v11;
	v11 =	vld [tilespmem:s25+$0x1CC0]  }
0x11d: {  	[tilespmem:s25+$0x1C60] =	vst v9;
	v9 =	vmul.f32 v15, v12;
	v13 =	vld [tilespmem:s25+$0x1CD0]  }
0x11e: {  	[tilespmem:s25+$0x1C70] =	vst v8;
	v8 =	vmul.f32 v10, v12;
	v10 =	vld [tilespmem:s25+$0x1CE0]  }
0x11f: {  	[tilespmem:s25+$0x1C80] =	vst v9;
	v9 =	vmul.f32 v14, v12;
	v14 =	vld [tilespmem:s25+$0x1CF0]  }
0x120: {  	[tilespmem:s25+$0x1C90] =	vst v8;
	v8 =	vmul.f32 v16, v12;
	v15 =	vld [tilespmem:s25+$0x1D00]  }
0x121: {  	[tilespmem:s25+$0x1CA0] =	vst v9;
	v9 =	vmul.f32 v11, v12;
	v11 =	vld [tilespmem:s25+$0x1D10]  }
0x122: {  	[tilespmem:s25+$0x1CB0] =	vst v8;
	v8 =	vmul.f32 v13, v12;
	v13 =	vld [tilespmem:s25+$0x1D20]  }
0x123: {  	[tilespmem:s25+$0x1CC0] =	vst v9;
	v9 =	vmul.f32 v10, v12;
	v10 =	vld [tilespmem:s25+$0x1D30]  }
0x124: {  	[tilespmem:s25+$0x1CD0] =	vst v8;
	v8 =	vmul.f32 v14, v12;
	v12 =	vld [tilespmem:s25+$0x1D40]  }
0x125: {  	[tilespmem:s25+$0x1CE0] =	vst v9;
	v9 =	vmul.f32 v15, v5;
	v14 =	vld [tilespmem:s25+$0x1D50]  }
0x126: {  	[tilespmem:s25+$0x1CF0] =	vst v8;
	v8 =	vmul.f32 v11, v5;
	v11 =	vld [tilespmem:s25+$0x1D60]  }
0x127: {  	v15 =	vld [tilespmem:s25+$0x1800];
	[tilespmem:s25+$0x1D00] =	vst v9;
	v9 =	vmul.f32 v13, v5  }
0x128: {  	v13 =	vld [tilespmem:s25+$0x1810];
	[tilespmem:s25+$0x1D10] =	vst v8;
	v8 =	vmul.f32 v10, v5  }
0x129: {  	v10 =	vld [tilespmem:s25+$0x1840];
	[tilespmem:s25+$0x1D20] =	vst v9;
	v9 =	vmul.f32 v12, v5  }
0x12a: {  	v12 =	vld [tilespmem:s25+$0x1850];
	[tilespmem:s25+$0x1D30] =	vst v8;
	v8 =	vmul.f32 v14, v5  }
0x12b: {  	[tilespmem:s25+$0x1D40] =	vst v9;
	v9 =	vmul.f32 v11, v5;
	v11 =	vbroadcast v2, $0xB;
	v14 =	vld [tilespmem:s25+$0x1DA0]  }
0x12c: {  	v5 =	vbroadcast v2, $0xF;
	v15 =	vmul.f32 v3, v15;
	[tilespmem:s25+$0x1D50] =	vst v8;
	v8 =	vld [tilespmem:s25+$0x1DB0]  }
0x12d: {  	v13 =	vmul.f32 v13, v3;
	[tilespmem:s25+$0x1D60] =	vst v9;
	v6 =	vmul.f32 v6, v11;
	v9 =	vld [tilespmem:s25+$0x1DC0]  }
0x12e: {  	v7 =	vmul.f32 v7, v11;
	[tilespmem:s25+$0x1800] =	vst v15;
	v10 =	vmul.f32 v10, v3;
	v15 =	vld [tilespmem:s25+$0x1DD0]  }
0x12f: {  	v4 =	vmul.f32 v4, v5;
	v12 =	vmul.f32 v12, v3;
	[tilespmem:s25+$0x1D80] =	vst v6;
	v3 =	vld [tilespmem:s25+$0x1DE0]  }
0x130: {  	[tilespmem:s25+$0x1D90] =	vst v7;
	v6 =	vmul.f32 v14, v11;
	v7 =	vld [tilespmem:s25+$0x1DF0]  }
0x131: {  	v8 =	vmul.f32 v8, v11;
	v14 =	vld [tilespmem:s25+$0x1E00];
	[tilespmem:s25+$0x1FD0] =	vst v4  }
0x132: {  	[tilespmem:s25+$0x1810] =	vst v13;
	v4 =	vmul.f32 v9, v11;
	v9 =	vld [tilespmem:s25+$0x1E10]  }
0x133: {  	[tilespmem:s25+$0x1840] =	vst v10;
	v10 =	vmul.f32 v15, v11;
	v13 =	vld [tilespmem:s25+$0x1E20]  }
0x134: {  	v15 =	vbroadcast v2, $0xC;
	[tilespmem:s25+$0x1DA0] =	vst v6;
	v6 =	vmul.f32 v3, v11;
	v16 =	vld [tilespmem:s25+$0x1E30]  }
0x135: {  	[tilespmem:s25+$0x1DD0] =	vst v10;
	v7 =	vmul.f32 v7, v11;
	v10 =	vld [tilespmem:s25+$0x1E40]  }
0x136: {  	[tilespmem:s25+$0x1DB0] =	vst v8;
	v3 =	vmul.f32 v14, v15;
	v8 =	vld [tilespmem:s25+$0x1E50]  }
0x137: {  	[tilespmem:s25+$0x1DC0] =	vst v4;
	v4 =	vmul.f32 v9, v15;
	v9 =	vld [tilespmem:s25+$0x1E60]  }
0x138: {  	[tilespmem:s25+$0x1E00] =	vst v3;
	v3 =	vmul.f32 v13, v15;
	v11 =	vld [tilespmem:s25+$0x1E70]  }
0x139: {  	[tilespmem:s25+$0x1E10] =	vst v4;
	v4 =	vld [tilespmem:s25+$0x1E80]  }
0x13a: {  	[tilespmem:s25+$0x1850] =	vst v12;
	v10 =	vmul.f32 v10, v15;
	v12 =	vld [tilespmem:s25+$0x1E90]  }
0x13b: {  	[tilespmem:s25+$0x1DE0] =	vst v6;
	v6 =	vmul.f32 v8, v15;
	v8 =	vld [tilespmem:s25+$0x1EA0]  }
0x13c: {  	[tilespmem:s25+$0x1E40] =	vst v10;
	v9 =	vmul.f32 v9, v15;
	v10 =	vbroadcast v2, $0xD;
	v13 =	vld [tilespmem:s25+$0x1EB0]  }
0x13d: {  	[tilespmem:s25+$0x1E50] =	vst v6;
	v6 =	vmul.f32 v11, v15;
	v11 =	vld [tilespmem:s25+$0x1EC0]  }
0x13e: {  	[tilespmem:s25+$0x1E60] =	vst v9;
	v4 =	vmul.f32 v4, v10;
	v9 =	vld [tilespmem:s25+$0x1ED0]  }
0x13f: {  	[tilespmem:s25+$0x1E70] =	vst v6;
	v6 =	vmul.f32 v12, v10;
	v12 =	vld [tilespmem:s25+$0x1EE0]  }
0x140: {  	[tilespmem:s25+$0x1E80] =	vst v4;
	v4 =	vmul.f32 v8, v10;
	v8 =	vld [tilespmem:s25+$0x1EF0]  }
0x141: {  	[tilespmem:s25+$0x1E90] =	vst v6;
	v6 =	vmul.f32 v13, v10;
	v13 =	vld [tilespmem:s25+$0x1F00]  }
0x142: {  	[tilespmem:s25+$0x1EA0] =	vst v4;
	v4 =	vmul.f32 v11, v10;
	v11 =	vld [tilespmem:s25+$0x1F10]  }
0x143: {  	[tilespmem:s25+$0x1EB0] =	vst v6;
	v6 =	vmul.f32 v9, v10;
	v9 =	vld [tilespmem:s25+$0x1F20]  }
0x144: {  	v2 =	vbroadcast v2, $0xE;
	[tilespmem:s25+$0x1DF0] =	vst v7;
	v7 =	vmul.f32 v12, v10;
	v12 =	vld [tilespmem:s25+$0x1F30]  }
0x145: {  	[tilespmem:s25+$0x1ED0] =	vst v6;
	v6 =	vmul.f32 v8, v10;
	v8 =	vld [tilespmem:s25+$0x1F40]  }
0x146: {  	[tilespmem:s25+$0x1EE0] =	vst v7;
	v7 =	vmul.f32 v13, v2;
	v10 =	vld [tilespmem:s25+$0x1F50]  }
0x147: {  	[tilespmem:s25+$0x1EF0] =	vst v6;
	v6 =	vmul.f32 v11, v2;
	v11 =	vld [tilespmem:s25+$0x1F60]  }
0x148: {  	[tilespmem:s25+$0x1F00] =	vst v7;
	v7 =	vmul.f32 v9, v2;
	v9 =	vld [tilespmem:s25+$0x1F70]  }
0x149: {  	[tilespmem:s25+$0x1F10] =	vst v6;
	v6 =	vmul.f32 v12, v2;
	v12 =	vld [tilespmem:s25+$0x1F80]  }
0x14a: {  	[tilespmem:s25+$0x1F20] =	vst v7;
	v7 =	vmul.f32 v8, v2;
	v8 =	vld [tilespmem:s25+$0x1F90]  }
0x14b: {  	[tilespmem:s25+$0x1F30] =	vst v6;
	v6 =	vmul.f32 v10, v2;
	v10 =	vld [tilespmem:s25+$0x1FA0]  }
0x14c: {  	[tilespmem:s25+$0x1F40] =	vst v7;
	v7 =	vmul.f32 v11, v2;
	v11 =	vld [tilespmem:s25+$0x1FB0]  }
0x14d: {  	[tilespmem:s25+$0x1EC0] =	vst v4;
	v2 =	vmul.f32 v9, v2;
	v4 =	vld [tilespmem:s25+$0x1FC0]  }
0x14e: {  	[tilespmem:s25+$0x1F60] =	vst v7;
	v7 =	vmul.f32 v12, v5;
	v9 =	vld [tilespmem:s25+$0x1FE0]  }
0x14f: {  	[tilespmem:s25+$0x1F70] =	vst v2;
	v2 =	vmul.f32 v8, v5;
	v8 =	vld [tilespmem:s25+$0x1FF0]  }
0x150: {  	[tilespmem:s25+$0x1F80] =	vst v7;
	v7 =	vmul.f32 v10, v5  }
0x151: {  	[tilespmem:s25+$0x1F90] =	vst v2;
	v2 =	vmul.f32 v11, v5  }
0x152: {  	v10 =	vmul.f32 v16, v15;
	[tilespmem:s25+$0x1FA0] =	vst v7  }
0x153: {  	[tilespmem:s25+$0x1FB0] =	vst v2;
	v2 =	vmul.f32 v4, v5  }
.Ltmp3:
0x154: {  	[tilespmem:s25+$0x1E30] =	vst v10;
	v4 =	vmul.f32 v8, v5;
	(pc) =	sbr.rel @p1 .LBB2_8-.Ltmp3, $4  }
0x155: {  	[tilespmem:s25+$0x1FC0] =	vst v2  }
0x156: {  	v2 =	vmul.f32 v9, v5;
	[tilespmem:s25+$0x1FF0] =	vst v4  }
0x157: {  	[tilespmem:s25+$0x1F50] =	vst v6  }
0x158: {  	[tilespmem:s25+$0x1FE0] =	vst v2  }
0x159: {  	s23 =	sadd.s32 $0x1, s23  }
0x15a: {  	p1 =	sne.s32 s23, $0x10  }
.Ltmp4:
0x15b: {  	[tilespmem:s25+$0x1E20] =	vst v3;
	s24 =	sadd.s32 $0x800, s24;
	(pc) =	sbr.rel @p1 .LBB2_7-.Ltmp4, $4  }
0x15c: {  	[spmem:s1] =	stream.indirect.scatter.add.f32 [tilespmem:s18], [sflag:$0x2], $0x80, s24, s17, $0xb8;
	[tilespmem:$0x1B880] =	vst v63  }
0x15d: {  	_ =	swait.ge [sflag:s14], $0x4000  }
0x15e: {  	[sflag:s14] =	ssyncset.done $0x0  }
0x15f: {  	[sflag:s14] =	ssyncadd.s32 $0xFFFFC000  }
0x160: {  	s22 =	sadd.s32 $0x1, s22  }
0x161: {  	p1 =	sne.s32 s22, $0xA  }
.Ltmp5:
0x162: {  	_ = 	snop;
	(pc) =	sbr.rel @p1 .LBB2_6-.Ltmp5, $1  }
0x163: {  	_ =	sdelay $0x3  }
0x164: {  	[bflag:$0x0] =	sbarrier.arrive $0xFFFF  }
0x165: {  	[tilespmem:s13], [sflag:$0x2] =	stream.linear.gather [spmem:s11], $0x2800, $0x38;
	[tilespmem:$0x1B880] =	vst v63  }
0x166: {  	_ =	swait.ge [sflag:s14], $0x2800  }
.Ltmp6:
0x167: {  	[sflag:s14] =	ssyncset.done $0x0;
	(pc) =	sbr.rel @!p0 .LBB2_13-.Ltmp6, $4  }
0x168: {  	[sflag:s14] =	ssyncadd.s32 $0xFFFFD800  }
0x169: {  	[hbm4b:s12+s3] =	stream.linear.scatter [tilespmem:s13], [sflag:$0x2], $0x2800, $0x38;
	[tilespmem:$0x1B880] =	vst v63  }
0x16a: {  	s21 =	sadd.s32 $0xFFFFFFFF, s8;
	_ =	swait.ge [sflag:s14], $0x2800  }
0x16b: {  	s22 =	smov.u32 s11;
	s23 =	smov.u32 s12;
	[sflag:s14] =	ssyncset.done $0x0  }
.LBB2_12:
0x16c: {  	[sflag:s14] =	ssyncadd.s32 $0xFFFFD800;
	s22 =	sadd.s32 $0x28000, s22;
	s23 =	sadd.s32 $0x5000, s23  }
0x16d: {  	[tilespmem:s13], [sflag:$0x2] =	stream.linear.gather [spmem:s22], $0x2800, $0x38;
	[tilespmem:$0x1B880] =	vst v63  }
0x16e: {  	p0 =	sne.s32 s21, $0x1;
	s21 =	sadd.s32 $0xFFFFFFFF, s21;
	_ =	swait.ge [sflag:s14], $0x2800  }
.Ltmp7:
0x16f: {  	[sflag:s14] =	ssyncset.done $0x0;
	(pc) =	sbr.rel @p0 .LBB2_12-.Ltmp7, $4  }
0x170: {  	[sflag:s14] =	ssyncadd.s32 $0xFFFFD800  }
0x171: {  	[hbm4b:s23+s3] =	stream.linear.scatter [tilespmem:s13], [sflag:$0x2], $0x2800, $0x38;
	[tilespmem:$0x1B880] =	vst v63  }
0x172: {  	_ =	swait.ge [sflag:s14], $0x2800  }
0x173: {  	[sflag:s14] =	ssyncset.done $0x0  }
.LBB2_13:
0x174: {  	s20 =	sadd.s32 $0x1, s20  }
0x175: {  	p0 =	sne.s32 s20, s10  }
.Ltmp8:
0x176: {  	_ = 	snop;
	(pc) =	sbr.rel @p0 .LBB2_1-.Ltmp8, $2  }
0x177: {  	_ =	sdelay $0x2  }
0x178: {  	[sflag:s14] =	ssyncadd.s32 $0xFFFFD800  }
0x179: {  	_ =	sfence.sel $0x180000  }
0x17a: {  	[bflag:$0x0] =	sbarrier.arrive $0xFFFF  }
0x17b: {  	p0 =	sne.s32 s2, $0x0;
	_ =	strace $0x90000047  }
0x17c: {  	s0 =	sadd.s32 @!p0 $0x100000, s0;
	[bflag:$0x2] =	sbarrier.arrive $0xFFFF  }
0x17d: {  	[sflag:s0] =	ssyncadd.tile.s32 @!p0 $0x1;
	_ =	shalt  }
.Lfunc_end2:
_tile_overlayer_lowered:
.L_overlay_start_2:
0x17e: {  	(tag) =	ssettag $0x2  }
0x17f: {  	s0 =	rddreg [dreg:$0x0];
	s2 =	stileid.u32  }
0x180: {  	s1 =	rddreg [dreg:$0x1];
	p0 =	sne.s32 s2, $0x0  }
0x181: {  	s3 =	rddreg [dreg:$0x2];
	[bflag:$0x3] =	sbarrier.arrive $0xFFFF;
	s2 =	simm.s32 @!p0 $0x1C02  }
0x182: {  	[timem:s3], [sflag:s2] =	dma.local @!p0 [hbm:s0], s1  }
0x183: {  	s0 =	simm.s32 @!p0 $0x2  }
0x184: {  	_ =	swait.ge @!p0 [sflag:s0], s1  }
0x185: {  	s1 =	ssub.s32 @!p0 $0x0, s1;
	[sflag:s0] =	ssyncset.done @!p0 $0x0  }
0x186: {  	[sflag:s0] =	ssyncadd.s32 @!p0 s1  }
0x187: {  	[bflag:$0x3] =	sbarrier.arrive $0xFFFF  }
0x188: {  	_ =	shalt  }

</sc_bundles>
